<compile_context>
chip_gen: v7x
topology: tpu7x:2x2x1
jax: 0.10.2.dev20260603
libtpu: 0.0.44.dev20260713+nightly
codegen_flags: <defaults>
</compile_context>

<pallas_src>
import functools
import jax
import jax.numpy as jnp
from jax import lax
from jax.experimental import pallas as pl
from jax.experimental.pallas import tpu as pltpu
from jax.experimental.pallas import tpu_sc as plsc

END_TOKEN = 2
NEG_INF = float("-inf")
POS_INF = float("inf")
BB, EE, VV, LL = 32, 8, 32768, 128
CHUNK = 16384
SAMP = 8192
GRP = 256
NLANE = 16


def _spl_f(x):
    return lax.broadcast_in_dim(x, (NLANE,), ())


def _spl_i(x):
    return lax.broadcast_in_dim(x, (NLANE,), ())


def _iota():
    return lax.broadcasted_iota(jnp.int32, (NLANE,), 0)


def _dg(x, i):
    dn = lax.GatherDimensionNumbers(offset_dims=(), collapsed_slice_dims=(0,),
                                    start_index_map=(0,))
    return lax.gather(x, lax.broadcast_in_dim(i, (NLANE, 1), (0,)), dn,
                      slice_sizes=(1,), mode=lax.GatherScatterMode.PROMISE_IN_BOUNDS)


def _bubble(cands, v, g):
    vals = list(cands[:8])
    idxs = list(cands[8:])
    for j in range(8):
        gt = v > vals[j]
        nv = jnp.where(gt, v, vals[j])
        ng = jnp.where(gt, g, idxs[j])
        v = jnp.where(gt, vals[j], v)
        g = jnp.where(gt, idxs[j], g)
        vals[j], idxs[j] = nv, ng
    return tuple(vals) + tuple(idxs)


def _sc_entry(cp_hbm, pr_hbm, ie_hbm, outs_hbm,
              vals_hbm, voc_hbm, beam_hbm, ended_hbm, outsnew_hbm,
              buf0, buf1, pv, iev, lmv, outs_v, outnew_v, smf, smi,
              cval_v, cidx_v, sem0, sem1, sem2):
    ncores = 2
    b = lax.axis_index("s") * ncores + lax.axis_index("c")
    row0 = b * (EE * VV)
    nchunk = (EE * VV) // CHUNK

    def _start(off, bufx, semx):
        pltpu.async_copy(cp_hbm.at[pl.ds(pl.multiple_of(off, 8), CHUNK)],
                         bufx, semx)

    def _wait(bufx, semx):
        pltpu.make_async_copy(cp_hbm.at[pl.ds(0, CHUNK)], bufx, semx).wait()

    def _nxt(g):
        return jnp.where(g + 1 >= nchunk, row0, row0 + (g + 1) * CHUNK)

    pv[...] = jnp.zeros((NLANE,), jnp.float32)
    iev[...] = jnp.zeros((NLANE,), jnp.int32)
    iot = _iota()

    def _start_s(e, bufx, semx):
        off = pl.multiple_of(row0 + e * VV, 8)
        pltpu.async_copy(cp_hbm.at[pl.ds(off, SAMP)],
                         bufx.at[pl.ds(0, SAMP)], semx)

    def _wait_s(bufx, semx):
        pltpu.make_async_copy(cp_hbm.at[pl.ds(0, SAMP)],
                              bufx.at[pl.ds(0, SAMP)], semx).wait()

    _start_s(0, buf0, sem0)
    cp_pr = pltpu.make_async_copy(pr_hbm.at[pl.ds(b * EE, EE)],
                                  pv.at[pl.ds(0, EE)], sem2)
    cp_ie = pltpu.make_async_copy(ie_hbm.at[pl.ds(b * EE, EE)],
                                  iev.at[pl.ds(0, EE)], sem2)
    cp_outs = pltpu.make_async_copy(
        outs_hbm.at[pl.ds(b * (LL * EE), LL * EE)], outs_v, sem2)
    cp_pr.start()
    cp_ie.start()
    cp_outs.start()

    def row_pair_a(ep, _):
        def samp_a(e, bufc, semc, bufn, semn):
            _start_s(jnp.minimum(e + 1, EE - 1), bufn, semn)
            _wait_s(bufc, semc)

            def grp_a(i, accs):
                base = i * GRP
                return tuple(
                    jnp.maximum(accs[k], bufc[pl.ds(base + k * NLANE, NLANE)])
                    for k in range(16))

            accs = tuple(jnp.full((NLANE,), NEG_INF, jnp.float32)
                         for _ in range(16))
            accs = lax.fori_loop(0, SAMP // GRP, grp_a, accs)
            m = list(accs)
            while len(m) > 1:
                m = [jnp.maximum(m[2 * i], m[2 * i + 1])
                     for i in range(len(m) // 2)]
            lmv[pl.ds(e * NLANE, NLANE)] = m[0]

        samp_a(ep * 2, buf0, sem0, buf1, sem1)
        samp_a(ep * 2 + 1, buf1, sem1, buf0, sem0)
        return 0

    lax.fori_loop(0, EE // 2, row_pair_a, 0)
    _wait_s(buf0, sem0)
    _start(row0, buf0, sem0)
    cp_pr.wait()
    cp_ie.wait()
    cp_outs.wait()
    pvv = pv[...]
    ievv = iev[...]

    cvs = []
    for e in range(8):
        idx_e = _spl_i(jnp.int32(e))
        p_spl = _dg(pvv, idx_e)
        end_spl = _dg(ievv, idx_e) > 0
        lane0 = iot == 0
        single = jnp.where(lane0, p_spl, NEG_INF)
        cvs.append(jnp.where(end_spl, single,
                             lmv[pl.ds(e * NLANE, NLANE)] + p_spl))
    tval = None
    for _ in range(8):
        m01 = jnp.maximum(jnp.maximum(cvs[0], cvs[1]),
                          jnp.maximum(cvs[2], cvs[3]))
        m23 = jnp.maximum(jnp.maximum(cvs[4], cvs[5]),
                          jnp.maximum(cvs[6], cvs[7]))
        mscal = lax.reduce_max(jnp.maximum(m01, m23), (0,))
        mspl = _spl_f(mscal)
        cvs = [jnp.where(cv == mspl, NEG_INF, cv) for cv in cvs]
        tval = mspl

    lane0 = iot == 0
    lt8 = iot < 8
    endvec = jnp.where((iev[...] > 0) & lt8, pv[...], NEG_INF)
    endidx = jnp.where(lt8, iot * VV + END_TOKEN, 0)
    cval_v[pl.ds(0, NLANE)] = endvec
    cidx_v[pl.ds(0, NLANE)] = endidx
    for j in range(1, 8):
        cval_v[pl.ds(j * NLANE, NLANE)] = jnp.full((NLANE,), NEG_INF,
                                                   jnp.float32)
        cidx_v[pl.ds(j * NLANE, NLANE)] = jnp.zeros((NLANE,), jnp.int32)

    def row_b(e, _):
        idx_e = _spl_i(e)
        p_spl = _dg(pvv, idx_e)
        end_spl = _dg(ievv, idx_e) > 0
        margin = (jnp.abs(tval) + jnp.abs(p_spl) + 1.0) * 1e-5
        trow = jnp.where(end_spl, POS_INF, (tval - p_spl) - margin)
        gb = _spl_i(e * VV) + iot

        def chunk_b(c, bufc, semc, bufn, semn, _unused):
            g = e * (VV // CHUNK) + c
            _start(_nxt(g), bufn, semn)
            _wait(bufc, semc)
            gchunk = gb + _spl_i(c * CHUNK)

            def grp_b(i, _):
                base = i * GRP
                xs = [bufc[pl.ds(base + k * NLANE, NLANE)]
                      for k in range(16)]
                m = list(xs)
                while len(m) > 1:
                    m = [jnp.maximum(m[2 * i2], m[2 * i2 + 1])
                         for i2 in range(len(m) // 2)]
                hit = jnp.any(m[0] >= trow)

                @pl.when(hit)
                def _slow():
                    cands = tuple(cval_v[pl.ds(j * NLANE, NLANE)]
                                  for j in range(8))
                    cands = cands + tuple(cidx_v[pl.ds(j * NLANE, NLANE)]
                                          for j in range(8))
                    gk = gchunk + _spl_i(base)
                    for k in range(16):
                        cands = _bubble(cands, xs[k] + p_spl,
                                        gk + _spl_i(k * NLANE))
                    for j in range(8):
                        cval_v[pl.ds(j * NLANE, NLANE)] = cands[j]
                        cidx_v[pl.ds(j * NLANE, NLANE)] = cands[8 + j]

                return 0

            return lax.fori_loop(0, CHUNK // GRP, grp_b, 0)

        chunk_b(0, buf0, sem0, buf1, sem1, 0)
        chunk_b(1, buf1, sem1, buf0, sem0, 0)
        return 0

    lax.fori_loop(0, EE, row_b, 0)
    _wait(buf0, sem0)
    cvals = [cval_v[pl.ds(j * NLANE, NLANE)] for j in range(8)]
    cidxs = [cidx_v[pl.ds(j * NLANE, NLANE)] for j in range(8)]

    BIG = jnp.int32(2**30)
    outv = jnp.zeros((NLANE,), jnp.float32)
    outg = jnp.zeros((NLANE,), jnp.int32)
    for k in range(8):
        m01 = jnp.maximum(jnp.maximum(cvals[0], cvals[1]),
                          jnp.maximum(cvals[2], cvals[3]))
        m23 = jnp.maximum(jnp.maximum(cvals[4], cvals[5]),
                          jnp.maximum(cvals[6], cvals[7]))
        mspl = _spl_f(lax.reduce_max(jnp.maximum(m01, m23), (0,)))
        eqs = [cv == mspl for cv in cvals]
        gs = [jnp.where(eqs[j], cidxs[j], BIG) for j in range(8)]
        g01 = jnp.minimum(jnp.minimum(gs[0], gs[1]), jnp.minimum(gs[2], gs[3]))
        g23 = jnp.minimum(jnp.minimum(gs[4], gs[5]), jnp.minimum(gs[6], gs[7]))
        gspl = _spl_i(lax.reduce_min(jnp.minimum(g01, g23), (0,)))
        sel = iot == k
        outv = jnp.where(sel, mspl, outv)
        outg = jnp.where(sel, gspl, outg)
        for j in range(8):
            rm = eqs[j] & (cidxs[j] == gspl)
            cvals[j] = jnp.where(rm, NEG_INF, cvals[j])

    voc = outg & jnp.int32(VV - 1)
    beam = lax.shift_right_logical(outg, 15)
    ended_g = _dg(ievv, beam)
    newend = jnp.where(voc == END_TOKEN, 1, ended_g)

    smf[...] = outv
    pltpu.sync_copy(smf.at[pl.ds(0, EE)], vals_hbm.at[pl.ds(b * EE, EE)])
    smi[...] = voc
    pltpu.sync_copy(smi.at[pl.ds(0, EE)], voc_hbm.at[pl.ds(b * EE, EE)])
    smi[...] = newend
    pltpu.sync_copy(smi.at[pl.ds(0, EE)], ended_hbm.at[pl.ds(b * EE, EE)])
    smi[...] = beam
    pltpu.sync_copy(smi.at[pl.ds(0, EE)], beam_hbm.at[pl.ds(b * EE, EE)])

    beam2 = _dg(beam, iot & 7)
    off0 = beam2 + jnp.where(iot >= 8, jnp.int32(EE), jnp.int32(0))

    def lp(i, _):
        x = outs_v[pl.ds(i * NLANE, NLANE)]
        outnew_v[pl.ds(i * NLANE, NLANE)] = _dg(x, off0)
        return 0

    lax.fori_loop(0, (LL * EE) // NLANE, lp, 0)
    outnew_v[pl.ds(LL * EE, NLANE)] = voc
    pltpu.sync_copy(outnew_v.at[pl.ds(0, (LL + 1) * EE)],
                    outsnew_hbm.at[pl.ds(b * (LL + 1) * EE, (LL + 1) * EE)])


def kernel(cur_proba, proba, outs, is_ended):
    _, _, V = cur_proba.shape
    L, B, E = outs.shape
    cp = cur_proba.reshape(-1)
    pr = proba.reshape(-1)
    ie = is_ended.astype(jnp.int32).reshape(-1)
    outs_t = outs.transpose(1, 0, 2).reshape(-1)

    mesh = plsc.VectorSubcoreMesh(core_axis_name="c", subcore_axis_name="s",
                                  num_cores=2, num_subcores=16)
    run = functools.partial(
        pl.kernel,
        mesh=mesh,
        compiler_params=pltpu.CompilerParams(needs_layout_passes=False),
        out_type=(
            jax.ShapeDtypeStruct((B * E,), jnp.float32),
            jax.ShapeDtypeStruct((B * E,), jnp.int32),
            jax.ShapeDtypeStruct((B * E,), jnp.int32),
            jax.ShapeDtypeStruct((B * E,), jnp.int32),
            jax.ShapeDtypeStruct((B * (L + 1) * E,), jnp.int32),
        ),
        scratch_types=[
            pltpu.VMEM((CHUNK,), jnp.float32),
            pltpu.VMEM((CHUNK,), jnp.float32),
            pltpu.VMEM((NLANE,), jnp.float32),
            pltpu.VMEM((NLANE,), jnp.int32),
            pltpu.VMEM((E * NLANE,), jnp.float32),
            pltpu.VMEM((L * E,), jnp.int32),
            pltpu.VMEM(((L + 1) * E + 8,), jnp.int32),
            pltpu.VMEM((NLANE,), jnp.float32),
            pltpu.VMEM((NLANE,), jnp.int32),
            pltpu.VMEM((8 * NLANE,), jnp.float32),
            pltpu.VMEM((8 * NLANE,), jnp.int32),
            pltpu.SemaphoreType.DMA,
            pltpu.SemaphoreType.DMA,
            pltpu.SemaphoreType.DMA,
        ],
    )(_sc_entry)

    vals, voc, beam, ended, outsnew = run(cp, pr, ie, outs_t)

    cur_input = voc.reshape(B * E, 1)
    proba_new = vals.reshape(B, E)
    outs_new = outsnew.reshape(B, L + 1, E).transpose(1, 0, 2)
    is_ended_new = ended.reshape(B, E).astype(bool)
    topk_beam = beam.reshape(B, E)
    return (cur_input, proba_new, outs_new, is_ended_new, topk_beam)

# --- scband reference (transcript-rebuilt; emitter-appended) ---
"""Pipeline reference for scband-greedy-decoder-2456721293395 (READ-ONLY COPY).

The authoritative reference and input builder live on the scoring server;
editing this copy changes nothing except your own understanding.
"""

import jax, jax.numpy as jnp
import numpy as np

START_TOKEN = 1
END_TOKEN = 2
B, E, V, L = 32, 8, 32768, 128

def setup_inputs(seed: int = 0) -> dict:
    key = jax.random.key(seed)
    k1, k2, k3 = jax.random.split(key, 3)
    cur_proba = jax.random.normal(k1, (B * E, 1, V), dtype=jnp.float32)
    proba = jax.random.normal(k2, (B, E), dtype=jnp.float32)
    outs = jax.random.randint(k3, (L, B, E), 0, V).astype(jnp.int64)
    is_ended = jnp.zeros((B, E), dtype=bool)
    return {"cur_proba": cur_proba, "proba": proba, "outs": outs, "is_ended": is_ended}

def reference(cur_proba, proba, outs, is_ended):
    # GreedyDecoder.forward(..., mode="beam_add"): one beam-search step.
    _, _, voc_size = cur_proba.shape
    length, batch_size, beam_size = outs.shape
    cp = cur_proba.reshape(batch_size, beam_size, voc_size)
    # cur_proba[is_ended] = -inf
    cp = jnp.where(is_ended[:, :, None], -jnp.inf, cp)
    # cur_proba[:, :, end_token][is_ended] = 0
    cp = cp.at[:, :, END_TOKEN].set(jnp.where(is_ended, 0.0, cp[:, :, END_TOKEN]))
    p = proba[:, :, None] + cp
    p = p.reshape(batch_size, beam_size * voc_size)
    proba_new, topk_beam_voc = jax.lax.top_k(p, beam_size)
    topk_voc = topk_beam_voc % voc_size
    topk_beam = topk_beam_voc // voc_size
    gather_idx = jnp.broadcast_to(topk_beam[None, :, :], (length, batch_size, beam_size))
    outs_g = jnp.take_along_axis(outs, gather_idx, axis=-1)
    is_ended_g = jnp.take_along_axis(is_ended, topk_beam, axis=-1)
    outs_new = jnp.concatenate([outs_g, topk_voc[None].astype(outs.dtype)], axis=0)
    is_ended_new = jnp.where(topk_voc == END_TOKEN, True, is_ended_g)
    cur_input = topk_voc.reshape(batch_size * beam_size, 1)
    return (cur_input, proba_new, outs_new, is_ended_new, topk_beam)

if __name__ == "__main__":
    import jax
    _d = setup_inputs()
    print(jax.jit(kernel)(*tuple(_d.values())))

</pallas_src>

<mosaic_0001>
#map = affine_map<(d0, d1) -> (0)>
module attributes {stable_mosaic.version = 14 : i64} {
  func.func @_sc_entry(%arg0: i32, %arg1: i32, %arg2: memref<8388608xf32, #tpu.memory_space<hbm>>, %arg3: memref<256xf32, #tpu.memory_space<hbm>>, %arg4: memref<256xi32, #tpu.memory_space<hbm>>, %arg5: memref<32768xi32, #tpu.memory_space<hbm>>, %arg6: memref<256xf32, #tpu.memory_space<hbm>>, %arg7: memref<256xi32, #tpu.memory_space<hbm>>, %arg8: memref<256xi32, #tpu.memory_space<hbm>>, %arg9: memref<256xi32, #tpu.memory_space<hbm>>, %arg10: memref<33024xi32, #tpu.memory_space<hbm>>, %arg11: memref<16384xf32, #tpu.memory_space<vmem>>, %arg12: memref<16384xf32, #tpu.memory_space<vmem>>, %arg13: memref<16xf32, #tpu.memory_space<vmem>>, %arg14: memref<16xi32, #tpu.memory_space<vmem>>, %arg15: memref<128xf32, #tpu.memory_space<vmem>>, %arg16: memref<1024xi32, #tpu.memory_space<vmem>>, %arg17: memref<1040xi32, #tpu.memory_space<vmem>>, %arg18: memref<16xf32, #tpu.memory_space<vmem>>, %arg19: memref<16xi32, #tpu.memory_space<vmem>>, %arg20: memref<128xf32, #tpu.memory_space<vmem>>, %arg21: memref<128xi32, #tpu.memory_space<vmem>>, %arg22: memref<!tpu.dma_semaphore, #tpu.memory_space<semaphore_mem>>, %arg23: memref<!tpu.dma_semaphore, #tpu.memory_space<semaphore_mem>>, %arg24: memref<!tpu.dma_semaphore, #tpu.memory_space<semaphore_mem>>) attributes {dimension_semantics = [#tpu.dimension_semantics<core_parallel>, #tpu.dimension_semantics<subcore_parallel>], iteration_bounds = array<i64: 2, 16>, scalar_prefetch = 0 : i64, scratch_operands = 14 : i64, tpu.core_type = #tpu.core_type<sc_vector_subcore>, window_params = [{transform_indices = #map}, {transform_indices = #map}, {transform_indices = #map}, {transform_indices = #map}, {transform_indices = #map}, {transform_indices = #map}, {transform_indices = #map}, {transform_indices = #map}, {transform_indices = #map}]} {
    %mul3A = arith.constant 2 : i32
    %mul3A_0 = arith.muli %arg1, %mul3A : i32
    %add3A = arith.addi %mul3A_0, %arg0 : i32
    %mul3A_1 = arith.constant 262144 : i32
    %mul3A_2 = arith.muli %add3A, %mul3A_1 : i32
    %broadcast_in_dim3A = arith.constant 0.000000e+00 : f32
    %broadcast_in_dim3A_3 = vector.broadcast %broadcast_in_dim3A : f32 to vector<16xf32>
    %swap3A = arith.constant 0 : index
    %swap3A_4 = tpu.vector_load %arg13[%swap3A] {strides = array<i32>} : memref<16xf32, #tpu.memory_space<vmem>>, vector<16xf32>,
    tpu.vector_store %arg13[%swap3A], %broadcast_in_dim3A_3 {strides = array<i32>} : memref<16xf32, #tpu.memory_space<vmem>>, vector<16xf32>,
    %broadcast_in_dim3A_5 = arith.constant 0 : i32
    %broadcast_in_dim3A_6 = vector.broadcast %broadcast_in_dim3A_5 : i32 to vector<16xi32>
    %swap3A_7 = arith.constant 0 : index
    %swap3A_8 = tpu.vector_load %arg14[%swap3A_7] {strides = array<i32>} : memref<16xi32, #tpu.memory_space<vmem>>, vector<16xi32>,
    tpu.vector_store %arg14[%swap3A_7], %broadcast_in_dim3A_6 {strides = array<i32>} : memref<16xi32, #tpu.memory_space<vmem>>, vector<16xi32>,
    %iota3A = tpu.iota {dimensions = array<i32: 0>} : vector<16xi32>
    %add3A_9 = arith.constant 0 : i32
    %add3A_10 = arith.addi %mul3A_2, %add3A_9 : i32
    %multiple_of3A = tpu.assume_multiple %add3A_10, 8 : i32
    %dma_start3A = arith.constant 0 : i32
    %dma_start3A_11 = tpu.memref_slice %arg11[%dma_start3A] : memref<16384xf32, #tpu.memory_space<vmem>> -> memref<8192xf32, #tpu.memory_space<vmem>>
    %dma_start3A_12 = tpu.memref_slice %arg2[%multiple_of3A] : memref<8388608xf32, #tpu.memory_space<hbm>> -> memref<8192xf32, #tpu.memory_space<hbm>>
    %dma_start3A_13 = arith.constant 0 : i32
    %dma_start3A_14 = tpu.memref_slice %arg11[%dma_start3A_13] : memref<16384xf32, #tpu.memory_space<vmem>> -> memref<8192xf32, #tpu.memory_space<vmem>>
    %dma_start3A_15 = tpu.memref_slice %arg2[%multiple_of3A] : memref<8388608xf32, #tpu.memory_space<hbm>> -> memref<8192xf32, #tpu.memory_space<hbm>>
    tpu.enqueue_dma source(%dma_start3A_15 : memref<8192xf32, #tpu.memory_space<hbm>>) target(%dma_start3A_14 : memref<8192xf32, #tpu.memory_space<vmem>>) target_semaphore(%arg22 : memref<!tpu.dma_semaphore, #tpu.memory_space<semaphore_mem>>)
    %mul3A_16 = arith.constant 8 : i32
    %mul3A_17 = arith.muli %add3A, %mul3A_16 : i32
    %mul3A_18 = arith.constant 8 : i32
    %mul3A_19 = arith.muli %add3A, %mul3A_18 : i32
    %mul3A_20 = arith.constant 1024 : i32
    %mul3A_21 = arith.muli %add3A, %mul3A_20 : i32
    %dma_start3A_22 = arith.constant 0 : i32
    %dma_start3A_23 = tpu.memref_slice %arg13[%dma_start3A_22] : memref<16xf32, #tpu.memory_space<vmem>> -> memref<8xf32, #tpu.memory_space<vmem>>
    %dma_start3A_24 = tpu.memref_slice %arg3[%mul3A_17] : memref<256xf32, #tpu.memory_space<hbm>> -> memref<8xf32, #tpu.memory_space<hbm>>
    %dma_start3A_25 = arith.constant 0 : i32
    %dma_start3A_26 = tpu.memref_slice %arg13[%dma_start3A_25] : memref<16xf32, #tpu.memory_space<vmem>> -> memref<8xf32, #tpu.memory_space<vmem>>
    %dma_start3A_27 = tpu.memref_slice %arg3[%mul3A_17] : memref<256xf32, #tpu.memory_space<hbm>> -> memref<8xf32, #tpu.memory_space<hbm>>
    tpu.enqueue_dma source(%dma_start3A_27 : memref<8xf32, #tpu.memory_space<hbm>>) target(%dma_start3A_26 : memref<8xf32, #tpu.memory_space<vmem>>) target_semaphore(%arg24 : memref<!tpu.dma_semaphore, #tpu.memory_space<semaphore_mem>>)
    %dma_start3A_28 = arith.constant 0 : i32
    %dma_start3A_29 = tpu.memref_slice %arg14[%dma_start3A_28] : memref<16xi32, #tpu.memory_space<vmem>> -> memref<8xi32, #tpu.memory_space<vmem>>
    %dma_start3A_30 = tpu.memref_slice %arg4[%mul3A_19] : memref<256xi32, #tpu.memory_space<hbm>> -> memref<8xi32, #tpu.memory_space<hbm>>
    %dma_start3A_31 = arith.constant 0 : i32
    %dma_start3A_32 = tpu.memref_slice %arg14[%dma_start3A_31] : memref<16xi32, #tpu.memory_space<vmem>> -> memref<8xi32, #tpu.memory_space<vmem>>
    %dma_start3A_33 = tpu.memref_slice %arg4[%mul3A_19] : memref<256xi32, #tpu.memory_space<hbm>> -> memref<8xi32, #tpu.memory_space<hbm>>
    tpu.enqueue_dma source(%dma_start3A_33 : memref<8xi32, #tpu.memory_space<hbm>>) target(%dma_start3A_32 : memref<8xi32, #tpu.memory_space<vmem>>) target_semaphore(%arg24 : memref<!tpu.dma_semaphore, #tpu.memory_space<semaphore_mem>>)
    %dma_start3A_34 = tpu.memref_slice %arg5[%mul3A_21] : memref<32768xi32, #tpu.memory_space<hbm>> -> memref<1024xi32, #tpu.memory_space<hbm>>
    %dma_start3A_35 = tpu.memref_slice %arg5[%mul3A_21] : memref<32768xi32, #tpu.memory_space<hbm>> -> memref<1024xi32, #tpu.memory_space<hbm>>
    tpu.enqueue_dma source(%dma_start3A_35 : memref<1024xi32, #tpu.memory_space<hbm>>) target(%arg16 : memref<1024xi32, #tpu.memory_space<vmem>>) target_semaphore(%arg24 : memref<!tpu.dma_semaphore, #tpu.memory_space<semaphore_mem>>)
    %scan3A = arith.constant 0 : i32
    %scan3A_36 = arith.constant 0 : i32
    %scan3A_37 = arith.constant 4 : i32
    %scan3A_38 = arith.addi %scan3A_36, %scan3A_37 : i32
    %scan3A_39 = arith.constant 1 : i32
    %scan3A_40 = scf.for %scan3A_1608 = %scan3A_36 to %scan3A_38 step %scan3A_39 iter_args(%scan3A_1609 = %scan3A) -> (i32)  : i32 {
      %mul3A_1610 = arith.constant 2 : i32
      %mul3A_1611 = arith.muli %scan3A_1608, %mul3A_1610 : i32
      %add3A_1612 = arith.constant 1 : i32
      %add3A_1613 = arith.addi %mul3A_1611, %add3A_1612 : i32
      %min3A_1614 = arith.constant 7 : i32
      %min3A_1615 = arith.minsi %add3A_1613, %min3A_1614 : i32
      %mul3A_1616 = arith.constant 32768 : i32
      %mul3A_1617 = arith.muli %min3A_1615, %mul3A_1616 : i32
      %add3A_1618 = arith.addi %mul3A_2, %mul3A_1617 : i32
      %multiple_of3A_1619 = tpu.assume_multiple %add3A_1618, 8 : i32
      %dma_start3A_1620 = arith.constant 0 : i32
      %dma_start3A_1621 = tpu.memref_slice %arg12[%dma_start3A_1620] : memref<16384xf32, #tpu.memory_space<vmem>> -> memref<8192xf32, #tpu.memory_space<vmem>>
      %dma_start3A_1622 = tpu.memref_slice %arg2[%multiple_of3A_1619] : memref<8388608xf32, #tpu.memory_space<hbm>> -> memref<8192xf32, #tpu.memory_space<hbm>>
      %dma_start3A_1623 = arith.constant 0 : i32
      %dma_start3A_1624 = tpu.memref_slice %arg12[%dma_start3A_1623] : memref<16384xf32, #tpu.memory_space<vmem>> -> memref<8192xf32, #tpu.memory_space<vmem>>
      %dma_start3A_1625 = tpu.memref_slice %arg2[%multiple_of3A_1619] : memref<8388608xf32, #tpu.memory_space<hbm>> -> memref<8192xf32, #tpu.memory_space<hbm>>
      tpu.enqueue_dma source(%dma_start3A_1625 : memref<8192xf32, #tpu.memory_space<hbm>>) target(%dma_start3A_1624 : memref<8192xf32, #tpu.memory_space<vmem>>) target_semaphore(%arg23 : memref<!tpu.dma_semaphore, #tpu.memory_space<semaphore_mem>>)
      %dma_wait3A_1626 = arith.constant 0 : i32
      %dma_wait3A_1627 = tpu.memref_slice %arg11[%dma_wait3A_1626] : memref<16384xf32, #tpu.memory_space<vmem>> -> memref<8192xf32, #tpu.memory_space<vmem>>
      %dma_wait3A_1628 = arith.constant 0 : i32
      %dma_wait3A_1629 = tpu.memref_slice %arg2[%dma_wait3A_1628] : memref<8388608xf32, #tpu.memory_space<hbm>> -> memref<8192xf32, #tpu.memory_space<hbm>>
      %dma_wait3A_1630 = arith.constant 0 : i32
      %dma_wait3A_1631 = tpu.memref_slice %arg11[%dma_wait3A_1630] : memref<16384xf32, #tpu.memory_space<vmem>> -> memref<8192xf32, #tpu.memory_space<vmem>>
      %dma_wait3A_1632 = arith.constant 0 : i32
      %dma_wait3A_1633 = tpu.memref_slice %arg2[%dma_wait3A_1632] : memref<8388608xf32, #tpu.memory_space<hbm>> -> memref<8192xf32, #tpu.memory_space<hbm>>
      tpu.wait_dma2 semaphore(%arg22 : memref<!tpu.dma_semaphore, #tpu.memory_space<semaphore_mem>>) src(%dma_wait3A_1633 : memref<8192xf32, #tpu.memory_space<hbm>>) dst(%dma_wait3A_1631 : memref<8192xf32, #tpu.memory_space<vmem>>)
      %broadcast_in_dim3A_1634 = arith.constant 0xFF800000 : f32
      %broadcast_in_dim3A_1635 = vector.broadcast %broadcast_in_dim3A_1634 : f32 to vector<16xf32>
      %broadcast_in_dim3A_1636 = arith.constant 0xFF800000 : f32
      %broadcast_in_dim3A_1637 = vector.broadcast %broadcast_in_dim3A_1636 : f32 to vector<16xf32>
      %broadcast_in_dim3A_1638 = arith.constant 0xFF800000 : f32
      %broadcast_in_dim3A_1639 = vector.broadcast %broadcast_in_dim3A_1638 : f32 to vector<16xf32>
      %broadcast_in_dim3A_1640 = arith.constant 0xFF800000 : f32
      %broadcast_in_dim3A_1641 = vector.broadcast %broadcast_in_dim3A_1640 : f32 to vector<16xf32>
      %broadcast_in_dim3A_1642 = arith.constant 0xFF800000 : f32
      %broadcast_in_dim3A_1643 = vector.broadcast %broadcast_in_dim3A_1642 : f32 to vector<16xf32>
      %broadcast_in_dim3A_1644 = arith.constant 0xFF800000 : f32
      %broadcast_in_dim3A_1645 = vector.broadcast %broadcast_in_dim3A_1644 : f32 to vector<16xf32>
      %broadcast_in_dim3A_1646 = arith.constant 0xFF800000 : f32
      %broadcast_in_dim3A_1647 = vector.broadcast %broadcast_in_dim3A_1646 : f32 to vector<16xf32>
      %broadcast_in_dim3A_1648 = arith.constant 0xFF800000 : f32
      %broadcast_in_dim3A_1649 = vector.broadcast %broadcast_in_dim3A_1648 : f32 to vector<16xf32>
      %broadcast_in_dim3A_1650 = arith.constant 0xFF800000 : f32
      %broadcast_in_dim3A_1651 = vector.broadcast %broadcast_in_dim3A_1650 : f32 to vector<16xf32>
      %broadcast_in_dim3A_1652 = arith.constant 0xFF800000 : f32
      %broadcast_in_dim3A_1653 = vector.broadcast %broadcast_in_dim3A_1652 : f32 to vector<16xf32>
      %broadcast_in_dim3A_1654 = arith.constant 0xFF800000 : f32
      %broadcast_in_dim3A_1655 = vector.broadcast %broadcast_in_dim3A_1654 : f32 to vector<16xf32>
      %broadcast_in_dim3A_1656 = arith.constant 0xFF800000 : f32
      %broadcast_in_dim3A_1657 = vector.broadcast %broadcast_in_dim3A_1656 : f32 to vector<16xf32>
      %broadcast_in_dim3A_1658 = arith.constant 0xFF800000 : f32
      %broadcast_in_dim3A_1659 = vector.broadcast %broadcast_in_dim3A_1658 : f32 to vector<16xf32>
      %broadcast_in_dim3A_1660 = arith.constant 0xFF800000 : f32
      %broadcast_in_dim3A_1661 = vector.broadcast %broadcast_in_dim3A_1660 : f32 to vector<16xf32>
      %broadcast_in_dim3A_1662 = arith.constant 0xFF800000 : f32
      %broadcast_in_dim3A_1663 = vector.broadcast %broadcast_in_dim3A_1662 : f32 to vector<16xf32>
      %broadcast_in_dim3A_1664 = arith.constant 0xFF800000 : f32
      %broadcast_in_dim3A_1665 = vector.broadcast %broadcast_in_dim3A_1664 : f32 to vector<16xf32>
      %scan3A_1666 = arith.constant 0 : i32
      %scan3A_1667 = arith.constant 32 : i32
      %scan3A_1668 = arith.addi %scan3A_1666, %scan3A_1667 : i32
      %scan3A_1669 = arith.constant 1 : i32
      %scan3A_1670:16 = scf.for %scan3A_1775 = %scan3A_1666 to %scan3A_1668 step %scan3A_1669 iter_args(%scan3A_1776 = %broadcast_in_dim3A_1635, %scan3A_1777 = %broadcast_in_dim3A_1637, %scan3A_1778 = %broadcast_in_dim3A_1639, %scan3A_1779 = %broadcast_in_dim3A_1641, %scan3A_1780 = %broadcast_in_dim3A_1643, %scan3A_1781 = %broadcast_in_dim3A_1645, %scan3A_1782 = %broadcast_in_dim3A_1647, %scan3A_1783 = %broadcast_in_dim3A_1649, %scan3A_1784 = %broadcast_in_dim3A_1651, %scan3A_1785 = %broadcast_in_dim3A_1653, %scan3A_1786 = %broadcast_in_dim3A_1655, %scan3A_1787 = %broadcast_in_dim3A_1657, %scan3A_1788 = %broadcast_in_dim3A_1659, %scan3A_1789 = %broadcast_in_dim3A_1661, %scan3A_1790 = %broadcast_in_dim3A_1663, %scan3A_1791 = %broadcast_in_dim3A_1665) -> (vector<16xf32>, vector<16xf32>, vector<16xf32>, vector<16xf32>, vector<16xf32>, vector<16xf32>, vector<16xf32>, vector<16xf32>, vector<16xf32>, vector<16xf32>, vector<16xf32>, vector<16xf32>, vector<16xf32>, vector<16xf32>, vector<16xf32>, vector<16xf32>)  : i32 {
        %mul3A_1792 = arith.constant 256 : i32
        %mul3A_1793 = arith.muli %scan3A_1775, %mul3A_1792 : i32
        %add3A_1794 = arith.constant 0 : i32
        %add3A_1795 = arith.addi %mul3A_1793, %add3A_1794 : i32
        %get3A_1796 = arith.index_cast %add3A_1795 : i32 to index
        %get3A_1797 = tpu.vector_load %arg11[%get3A_1796] {strides = array<i32>} : memref<16384xf32, #tpu.memory_space<vmem>>, vector<16xf32>,
        %max3A_1798 = arith.maximumf %scan3A_1776, %get3A_1797 : vector<16xf32>
        %add3A_1799 = arith.constant 16 : i32
        %add3A_1800 = arith.addi %mul3A_1793, %add3A_1799 : i32
        %get3A_1801 = arith.index_cast %add3A_1800 : i32 to index
        %get3A_1802 = tpu.vector_load %arg11[%get3A_1801] {strides = array<i32>} : memref<16384xf32, #tpu.memory_space<vmem>>, vector<16xf32>,
        %max3A_1803 = arith.maximumf %scan3A_1777, %get3A_1802 : vector<16xf32>
        %add3A_1804 = arith.constant 32 : i32
        %add3A_1805 = arith.addi %mul3A_1793, %add3A_1804 : i32
        %get3A_1806 = arith.index_cast %add3A_1805 : i32 to index
        %get3A_1807 = tpu.vector_load %arg11[%get3A_1806] {strides = array<i32>} : memref<16384xf32, #tpu.memory_space<vmem>>, vector<16xf32>,
        %max3A_1808 = arith.maximumf %scan3A_1778, %get3A_1807 : vector<16xf32>
        %add3A_1809 = arith.constant 48 : i32
        %add3A_1810 = arith.addi %mul3A_1793, %add3A_1809 : i32
        %get3A_1811 = arith.index_cast %add3A_1810 : i32 to index
        %get3A_1812 = tpu.vector_load %arg11[%get3A_1811] {strides = array<i32>} : memref<16384xf32, #tpu.memory_space<vmem>>, vector<16xf32>,
        %max3A_1813 = arith.maximumf %scan3A_1779, %get3A_1812 : vector<16xf32>
        %add3A_1814 = arith.constant 64 : i32
        %add3A_1815 = arith.addi %mul3A_1793, %add3A_1814 : i32
        %get3A_1816 = arith.index_cast %add3A_1815 : i32 to index
        %get3A_1817 = tpu.vector_load %arg11[%get3A_1816] {strides = array<i32>} : memref<16384xf32, #tpu.memory_space<vmem>>, vector<16xf32>,
        %max3A_1818 = arith.maximumf %scan3A_1780, %get3A_1817 : vector<16xf32>
        %add3A_1819 = arith.constant 80 : i32
        %add3A_1820 = arith.addi %mul3A_1793, %add3A_1819 : i32
        %get3A_1821 = arith.index_cast %add3A_1820 : i32 to index
        %get3A_1822 = tpu.vector_load %arg11[%get3A_1821] {strides = array<i32>} : memref<16384xf32, #tpu.memory_space<vmem>>, vector<16xf32>,
        %max3A_1823 = arith.maximumf %scan3A_1781, %get3A_1822 : vector<16xf32>
        %add3A_1824 = arith.constant 96 : i32
        %add3A_1825 = arith.addi %mul3A_1793, %add3A_1824 : i32
        %get3A_1826 = arith.index_cast %add3A_1825 : i32 to index
        %get3A_1827 = tpu.vector_load %arg11[%get3A_1826] {strides = array<i32>} : memref<16384xf32, #tpu.memory_space<vmem>>, vector<16xf32>,
        %max3A_1828 = arith.maximumf %scan3A_1782, %get3A_1827 : vector<16xf32>
        %add3A_1829 = arith.constant 112 : i32
        %add3A_1830 = arith.addi %mul3A_1793, %add3A_1829 : i32
        %get3A_1831 = arith.index_cast %add3A_1830 : i32 to index
        %get3A_1832 = tpu.vector_load %arg11[%get3A_1831] {strides = array<i32>} : memref<16384xf32, #tpu.memory_space<vmem>>, vector<16xf32>,
        %max3A_1833 = arith.maximumf %scan3A_1783, %get3A_1832 : vector<16xf32>
        %add3A_1834 = arith.constant 128 : i32
        %add3A_1835 = arith.addi %mul3A_1793, %add3A_1834 : i32
        %get3A_1836 = arith.index_cast %add3A_1835 : i32 to index
        %get3A_1837 = tpu.vector_load %arg11[%get3A_1836] {strides = array<i32>} : memref<16384xf32, #tpu.memory_space<vmem>>, vector<16xf32>,
        %max3A_1838 = arith.maximumf %scan3A_1784, %get3A_1837 : vector<16xf32>
        %add3A_1839 = arith.constant 144 : i32
        %add3A_1840 = arith.addi %mul3A_1793, %add3A_1839 : i32
        %get3A_1841 = arith.index_cast %add3A_1840 : i32 to index
        %get3A_1842 = tpu.vector_load %arg11[%get3A_1841] {strides = array<i32>} : memref<16384xf32, #tpu.memory_space<vmem>>, vector<16xf32>,
        %max3A_1843 = arith.maximumf %scan3A_1785, %get3A_1842 : vector<16xf32>
        %add3A_1844 = arith.constant 160 : i32
        %add3A_1845 = arith.addi %mul3A_1793, %add3A_1844 : i32
        %get3A_1846 = arith.index_cast %add3A_1845 : i32 to index
        %get3A_1847 = tpu.vector_load %arg11[%get3A_1846] {strides = array<i32>} : memref<16384xf32, #tpu.memory_space<vmem>>, vector<16xf32>,
        %max3A_1848 = arith.maximumf %scan3A_1786, %get3A_1847 : vector<16xf32>
        %add3A_1849 = arith.constant 176 : i32
        %add3A_1850 = arith.addi %mul3A_1793, %add3A_1849 : i32
        %get3A_1851 = arith.index_cast %add3A_1850 : i32 to index
        %get3A_1852 = tpu.vector_load %arg11[%get3A_1851] {strides = array<i32>} : memref<16384xf32, #tpu.memory_space<vmem>>, vector<16xf32>,
        %max3A_1853 = arith.maximumf %scan3A_1787, %get3A_1852 : vector<16xf32>
        %add3A_1854 = arith.constant 192 : i32
        %add3A_1855 = arith.addi %mul3A_1793, %add3A_1854 : i32
        %get3A_1856 = arith.index_cast %add3A_1855 : i32 to index
        %get3A_1857 = tpu.vector_load %arg11[%get3A_1856] {strides = array<i32>} : memref<16384xf32, #tpu.memory_space<vmem>>, vector<16xf32>,
        %max3A_1858 = arith.maximumf %scan3A_1788, %get3A_1857 : vector<16xf32>
        %add3A_1859 = arith.constant 208 : i32
        %add3A_1860 = arith.addi %mul3A_1793, %add3A_1859 : i32
        %get3A_1861 = arith.index_cast %add3A_1860 : i32 to index
        %get3A_1862 = tpu.vector_load %arg11[%get3A_1861] {strides = array<i32>} : memref<16384xf32, #tpu.memory_space<vmem>>, vector<16xf32>,
        %max3A_1863 = arith.maximumf %scan3A_1789, %get3A_1862 : vector<16xf32>
        %add3A_1864 = arith.constant 224 : i32
        %add3A_1865 = arith.addi %mul3A_1793, %add3A_1864 : i32
        %get3A_1866 = arith.index_cast %add3A_1865 : i32 to index
        %get3A_1867 = tpu.vector_load %arg11[%get3A_1866] {strides = array<i32>} : memref<16384xf32, #tpu.memory_space<vmem>>, vector<16xf32>,
        %max3A_1868 = arith.maximumf %scan3A_1790, %get3A_1867 : vector<16xf32>
        %add3A_1869 = arith.constant 240 : i32
        %add3A_1870 = arith.addi %mul3A_1793, %add3A_1869 : i32
        %get3A_1871 = arith.index_cast %add3A_1870 : i32 to index
        %get3A_1872 = tpu.vector_load %arg11[%get3A_1871] {strides = array<i32>} : memref<16384xf32, #tpu.memory_space<vmem>>, vector<16xf32>,
        %max3A_1873 = arith.maximumf %scan3A_1791, %get3A_1872 : vector<16xf32>
        scf.yield %max3A_1798, %max3A_1803, %max3A_1808, %max3A_1813, %max3A_1818, %max3A_1823, %max3A_1828, %max3A_1833, %max3A_1838, %max3A_1843, %max3A_1848, %max3A_1853, %max3A_1858, %max3A_1863, %max3A_1868, %max3A_1873 : vector<16xf32>, vector<16xf32>, vector<16xf32>, vector<16xf32>, vector<16xf32>, vector<16xf32>, vector<16xf32>, vector<16xf32>, vector<16xf32>, vector<16xf32>, vector<16xf32>, vector<16xf32>, vector<16xf32>, vector<16xf32>, vector<16xf32>, vector<16xf32>
      }
      %scan3A_1671 = arith.constant 32 : i32
      %max3A_1672 = arith.maximumf %scan3A_1670#0, %scan3A_1670#1 : vector<16xf32>
      %max3A_1673 = arith.maximumf %scan3A_1670#2, %scan3A_1670#3 : vector<16xf32>
      %max3A_1674 = arith.maximumf %scan3A_1670#4, %scan3A_1670#5 : vector<16xf32>
      %max3A_1675 = arith.maximumf %scan3A_1670#6, %scan3A_1670#7 : vector<16xf32>
      %max3A_1676 = arith.maximumf %scan3A_1670#8, %scan3A_1670#9 : vector<16xf32>
      %max3A_1677 = arith.maximumf %scan3A_1670#10, %scan3A_1670#11 : vector<16xf32>
      %max3A_1678 = arith.maximumf %scan3A_1670#12, %scan3A_1670#13 : vector<16xf32>
      %max3A_1679 = arith.maximumf %scan3A_1670#14, %scan3A_1670#15 : vector<16xf32>
      %max3A_1680 = arith.maximumf %max3A_1672, %max3A_1673 : vector<16xf32>
      %max3A_1681 = arith.maximumf %max3A_1674, %max3A_1675 : vector<16xf32>
      %max3A_1682 = arith.maximumf %max3A_1676, %max3A_1677 : vector<16xf32>
      %max3A_1683 = arith.maximumf %max3A_1678, %max3A_1679 : vector<16xf32>
      %max3A_1684 = arith.maximumf %max3A_1680, %max3A_1681 : vector<16xf32>
      %max3A_1685 = arith.maximumf %max3A_1682, %max3A_1683 : vector<16xf32>
      %max3A_1686 = arith.maximumf %max3A_1684, %max3A_1685 : vector<16xf32>
      %mul3A_1687 = arith.constant 16 : i32
      %mul3A_1688 = arith.muli %mul3A_1611, %mul3A_1687 : i32
      %swap3A_1689 = arith.index_cast %mul3A_1688 : i32 to index
      %swap3A_1690 = tpu.vector_load %arg15[%swap3A_1689] {strides = array<i32>} : memref<128xf32, #tpu.memory_space<vmem>>, vector<16xf32>,
      tpu.vector_store %arg15[%swap3A_1689], %max3A_1686 {strides = array<i32>} : memref<128xf32, #tpu.memory_space<vmem>>, vector<16xf32>,
      %mul3A_1691 = arith.constant 2 : i32
      %mul3A_1692 = arith.muli %scan3A_1608, %mul3A_1691 : i32
      %add3A_1693 = arith.constant 1 : i32
      %add3A_1694 = arith.addi %mul3A_1692, %add3A_1693 : i32
      %add3A_1695 = arith.constant 1 : i32
      %add3A_1696 = arith.addi %add3A_1694, %add3A_1695 : i32
      %min3A_1697 = arith.constant 7 : i32
      %min3A_1698 = arith.minsi %add3A_1696, %min3A_1697 : i32
      %mul3A_1699 = arith.constant 32768 : i32
      %mul3A_1700 = arith.muli %min3A_1698, %mul3A_1699 : i32
      %add3A_1701 = arith.addi %mul3A_2, %mul3A_1700 : i32
      %multiple_of3A_1702 = tpu.assume_multiple %add3A_1701, 8 : i32
      %dma_start3A_1703 = arith.constant 0 : i32
      %dma_start3A_1704 = tpu.memref_slice %arg11[%dma_start3A_1703] : memref<16384xf32, #tpu.memory_space<vmem>> -> memref<8192xf32, #tpu.memory_space<vmem>>
      %dma_start3A_1705 = tpu.memref_slice %arg2[%multiple_of3A_1702] : memref<8388608xf32, #tpu.memory_space<hbm>> -> memref<8192xf32, #tpu.memory_space<hbm>>
      %dma_start3A_1706 = arith.constant 0 : i32
      %dma_start3A_1707 = tpu.memref_slice %arg11[%dma_start3A_1706] : memref<16384xf32, #tpu.memory_space<vmem>> -> memref<8192xf32, #tpu.memory_space<vmem>>
      %dma_start3A_1708 = tpu.memref_slice %arg2[%multiple_of3A_1702] : memref<8388608xf32, #tpu.memory_space<hbm>> -> memref<8192xf32, #tpu.memory_space<hbm>>
      tpu.enqueue_dma source(%dma_start3A_1708 : memref<8192xf32, #tpu.memory_space<hbm>>) target(%dma_start3A_1707 : memref<8192xf32, #tpu.memory_space<vmem>>) target_semaphore(%arg22 : memref<!tpu.dma_semaphore, #tpu.memory_space<semaphore_mem>>)
      %dma_wait3A_1709 = arith.constant 0 : i32
      %dma_wait3A_1710 = tpu.memref_slice %arg12[%dma_wait3A_1709] : memref<16384xf32, #tpu.memory_space<vmem>> -> memref<8192xf32, #tpu.memory_space<vmem>>
      %dma_wait3A_1711 = arith.constant 0 : i32
      %dma_wait3A_1712 = tpu.memref_slice %arg2[%dma_wait3A_1711] : memref<8388608xf32, #tpu.memory_space<hbm>> -> memref<8192xf32, #tpu.memory_space<hbm>>
      %dma_wait3A_1713 = arith.constant 0 : i32
      %dma_wait3A_1714 = tpu.memref_slice %arg12[%dma_wait3A_1713] : memref<16384xf32, #tpu.memory_space<vmem>> -> memref<8192xf32, #tpu.memory_space<vmem>>
      %dma_wait3A_1715 = arith.constant 0 : i32
      %dma_wait3A_1716 = tpu.memref_slice %arg2[%dma_wait3A_1715] : memref<8388608xf32, #tpu.memory_space<hbm>> -> memref<8192xf32, #tpu.memory_space<hbm>>
      tpu.wait_dma2 semaphore(%arg23 : memref<!tpu.dma_semaphore, #tpu.memory_space<semaphore_mem>>) src(%dma_wait3A_1716 : memref<8192xf32, #tpu.memory_space<hbm>>) dst(%dma_wait3A_1714 : memref<8192xf32, #tpu.memory_space<vmem>>)
      %broadcast_in_dim3A_1717 = arith.constant 0xFF800000 : f32
      %broadcast_in_dim3A_1718 = vector.broadcast %broadcast_in_dim3A_1717 : f32 to vector<16xf32>
      %broadcast_in_dim3A_1719 = arith.constant 0xFF800000 : f32
      %broadcast_in_dim3A_1720 = vector.broadcast %broadcast_in_dim3A_1719 : f32 to vector<16xf32>
      %broadcast_in_dim3A_1721 = arith.constant 0xFF800000 : f32
      %broadcast_in_dim3A_1722 = vector.broadcast %broadcast_in_dim3A_1721 : f32 to vector<16xf32>
      %broadcast_in_dim3A_1723 = arith.constant 0xFF800000 : f32
      %broadcast_in_dim3A_1724 = vector.broadcast %broadcast_in_dim3A_1723 : f32 to vector<16xf32>
      %broadcast_in_dim3A_1725 = arith.constant 0xFF800000 : f32
      %broadcast_in_dim3A_1726 = vector.broadcast %broadcast_in_dim3A_1725 : f32 to vector<16xf32>
      %broadcast_in_dim3A_1727 = arith.constant 0xFF800000 : f32
      %broadcast_in_dim3A_1728 = vector.broadcast %broadcast_in_dim3A_1727 : f32 to vector<16xf32>
      %broadcast_in_dim3A_1729 = arith.constant 0xFF800000 : f32
      %broadcast_in_dim3A_1730 = vector.broadcast %broadcast_in_dim3A_1729 : f32 to vector<16xf32>
      %broadcast_in_dim3A_1731 = arith.constant 0xFF800000 : f32
      %broadcast_in_dim3A_1732 = vector.broadcast %broadcast_in_dim3A_1731 : f32 to vector<16xf32>
      %broadcast_in_dim3A_1733 = arith.constant 0xFF800000 : f32
      %broadcast_in_dim3A_1734 = vector.broadcast %broadcast_in_dim3A_1733 : f32 to vector<16xf32>
      %broadcast_in_dim3A_1735 = arith.constant 0xFF800000 : f32
      %broadcast_in_dim3A_1736 = vector.broadcast %broadcast_in_dim3A_1735 : f32 to vector<16xf32>
      %broadcast_in_dim3A_1737 = arith.constant 0xFF800000 : f32
      %broadcast_in_dim3A_1738 = vector.broadcast %broadcast_in_dim3A_1737 : f32 to vector<16xf32>
      %broadcast_in_dim3A_1739 = arith.constant 0xFF800000 : f32
      %broadcast_in_dim3A_1740 = vector.broadcast %broadcast_in_dim3A_1739 : f32 to vector<16xf32>
      %broadcast_in_dim3A_1741 = arith.constant 0xFF800000 : f32
      %broadcast_in_dim3A_1742 = vector.broadcast %broadcast_in_dim3A_1741 : f32 to vector<16xf32>
      %broadcast_in_dim3A_1743 = arith.constant 0xFF800000 : f32
      %broadcast_in_dim3A_1744 = vector.broadcast %broadcast_in_dim3A_1743 : f32 to vector<16xf32>
      %broadcast_in_dim3A_1745 = arith.constant 0xFF800000 : f32
      %broadcast_in_dim3A_1746 = vector.broadcast %broadcast_in_dim3A_1745 : f32 to vector<16xf32>
      %broadcast_in_dim3A_1747 = arith.constant 0xFF800000 : f32
      %broadcast_in_dim3A_1748 = vector.broadcast %broadcast_in_dim3A_1747 : f32 to vector<16xf32>
      %scan3A_1749 = arith.constant 0 : i32
      %scan3A_1750 = arith.constant 32 : i32
      %scan3A_1751 = arith.addi %scan3A_1749, %scan3A_1750 : i32
      %scan3A_1752 = arith.constant 1 : i32
      %scan3A_1753:16 = scf.for %scan3A_1775 = %scan3A_1749 to %scan3A_1751 step %scan3A_1752 iter_args(%scan3A_1776 = %broadcast_in_dim3A_1718, %scan3A_1777 = %broadcast_in_dim3A_1720, %scan3A_1778 = %broadcast_in_dim3A_1722, %scan3A_1779 = %broadcast_in_dim3A_1724, %scan3A_1780 = %broadcast_in_dim3A_1726, %scan3A_1781 = %broadcast_in_dim3A_1728, %scan3A_1782 = %broadcast_in_dim3A_1730, %scan3A_1783 = %broadcast_in_dim3A_1732, %scan3A_1784 = %broadcast_in_dim3A_1734, %scan3A_1785 = %broadcast_in_dim3A_1736, %scan3A_1786 = %broadcast_in_dim3A_1738, %scan3A_1787 = %broadcast_in_dim3A_1740, %scan3A_1788 = %broadcast_in_dim3A_1742, %scan3A_1789 = %broadcast_in_dim3A_1744, %scan3A_1790 = %broadcast_in_dim3A_1746, %scan3A_1791 = %broadcast_in_dim3A_1748) -> (vector<16xf32>, vector<16xf32>, vector<16xf32>, vector<16xf32>, vector<16xf32>, vector<16xf32>, vector<16xf32>, vector<16xf32>, vector<16xf32>, vector<16xf32>, vector<16xf32>, vector<16xf32>, vector<16xf32>, vector<16xf32>, vector<16xf32>, vector<16xf32>)  : i32 {
        %mul3A_1792 = arith.constant 256 : i32
        %mul3A_1793 = arith.muli %scan3A_1775, %mul3A_1792 : i32
        %add3A_1794 = arith.constant 0 : i32
        %add3A_1795 = arith.addi %mul3A_1793, %add3A_1794 : i32
        %get3A_1796 = arith.index_cast %add3A_1795 : i32 to index
        %get3A_1797 = tpu.vector_load %arg12[%get3A_1796] {strides = array<i32>} : memref<16384xf32, #tpu.memory_space<vmem>>, vector<16xf32>,
        %max3A_1798 = arith.maximumf %scan3A_1776, %get3A_1797 : vector<16xf32>
        %add3A_1799 = arith.constant 16 : i32
        %add3A_1800 = arith.addi %mul3A_1793, %add3A_1799 : i32
        %get3A_1801 = arith.index_cast %add3A_1800 : i32 to index
        %get3A_1802 = tpu.vector_load %arg12[%get3A_1801] {strides = array<i32>} : memref<16384xf32, #tpu.memory_space<vmem>>, vector<16xf32>,
        %max3A_1803 = arith.maximumf %scan3A_1777, %get3A_1802 : vector<16xf32>
        %add3A_1804 = arith.constant 32 : i32
        %add3A_1805 = arith.addi %mul3A_1793, %add3A_1804 : i32
        %get3A_1806 = arith.index_cast %add3A_1805 : i32 to index
        %get3A_1807 = tpu.vector_load %arg12[%get3A_1806] {strides = array<i32>} : memref<16384xf32, #tpu.memory_space<vmem>>, vector<16xf32>,
        %max3A_1808 = arith.maximumf %scan3A_1778, %get3A_1807 : vector<16xf32>
        %add3A_1809 = arith.constant 48 : i32
        %add3A_1810 = arith.addi %mul3A_1793, %add3A_1809 : i32
        %get3A_1811 = arith.index_cast %add3A_1810 : i32 to index
        %get3A_1812 = tpu.vector_load %arg12[%get3A_1811] {strides = array<i32>} : memref<16384xf32, #tpu.memory_space<vmem>>, vector<16xf32>,
        %max3A_1813 = arith.maximumf %scan3A_1779, %get3A_1812 : vector<16xf32>
        %add3A_1814 = arith.constant 64 : i32
        %add3A_1815 = arith.addi %mul3A_1793, %add3A_1814 : i32
        %get3A_1816 = arith.index_cast %add3A_1815 : i32 to index
        %get3A_1817 = tpu.vector_load %arg12[%get3A_1816] {strides = array<i32>} : memref<16384xf32, #tpu.memory_space<vmem>>, vector<16xf32>,
        %max3A_1818 = arith.maximumf %scan3A_1780, %get3A_1817 : vector<16xf32>
        %add3A_1819 = arith.constant 80 : i32
        %add3A_1820 = arith.addi %mul3A_1793, %add3A_1819 : i32
        %get3A_1821 = arith.index_cast %add3A_1820 : i32 to index
        %get3A_1822 = tpu.vector_load %arg12[%get3A_1821] {strides = array<i32>} : memref<16384xf32, #tpu.memory_space<vmem>>, vector<16xf32>,
        %max3A_1823 = arith.maximumf %scan3A_1781, %get3A_1822 : vector<16xf32>
        %add3A_1824 = arith.constant 96 : i32
        %add3A_1825 = arith.addi %mul3A_1793, %add3A_1824 : i32
        %get3A_1826 = arith.index_cast %add3A_1825 : i32 to index
        %get3A_1827 = tpu.vector_load %arg12[%get3A_1826] {strides = array<i32>} : memref<16384xf32, #tpu.memory_space<vmem>>, vector<16xf32>,
        %max3A_1828 = arith.maximumf %scan3A_1782, %get3A_1827 : vector<16xf32>
        %add3A_1829 = arith.constant 112 : i32
        %add3A_1830 = arith.addi %mul3A_1793, %add3A_1829 : i32
        %get3A_1831 = arith.index_cast %add3A_1830 : i32 to index
        %get3A_1832 = tpu.vector_load %arg12[%get3A_1831] {strides = array<i32>} : memref<16384xf32, #tpu.memory_space<vmem>>, vector<16xf32>,
        %max3A_1833 = arith.maximumf %scan3A_1783, %get3A_1832 : vector<16xf32>
        %add3A_1834 = arith.constant 128 : i32
        %add3A_1835 = arith.addi %mul3A_1793, %add3A_1834 : i32
        %get3A_1836 = arith.index_cast %add3A_1835 : i32 to index
        %get3A_1837 = tpu.vector_load %arg12[%get3A_1836] {strides = array<i32>} : memref<16384xf32, #tpu.memory_space<vmem>>, vector<16xf32>,
        %max3A_1838 = arith.maximumf %scan3A_1784, %get3A_1837 : vector<16xf32>
        %add3A_1839 = arith.constant 144 : i32
        %add3A_1840 = arith.addi %mul3A_1793, %add3A_1839 : i32
        %get3A_1841 = arith.index_cast %add3A_1840 : i32 to index
        %get3A_1842 = tpu.vector_load %arg12[%get3A_1841] {strides = array<i32>} : memref<16384xf32, #tpu.memory_space<vmem>>, vector<16xf32>,
        %max3A_1843 = arith.maximumf %scan3A_1785, %get3A_1842 : vector<16xf32>
        %add3A_1844 = arith.constant 160 : i32
        %add3A_1845 = arith.addi %mul3A_1793, %add3A_1844 : i32
        %get3A_1846 = arith.index_cast %add3A_1845 : i32 to index
        %get3A_1847 = tpu.vector_load %arg12[%get3A_1846] {strides = array<i32>} : memref<16384xf32, #tpu.memory_space<vmem>>, vector<16xf32>,
        %max3A_1848 = arith.maximumf %scan3A_1786, %get3A_1847 : vector<16xf32>
        %add3A_1849 = arith.constant 176 : i32
        %add3A_1850 = arith.addi %mul3A_1793, %add3A_1849 : i32
        %get3A_1851 = arith.index_cast %add3A_1850 : i32 to index
        %get3A_1852 = tpu.vector_load %arg12[%get3A_1851] {strides = array<i32>} : memref<16384xf32, #tpu.memory_space<vmem>>, vector<16xf32>,
        %max3A_1853 = arith.maximumf %scan3A_1787, %get3A_1852 : vector<16xf32>
        %add3A_1854 = arith.constant 192 : i32
        %add3A_1855 = arith.addi %mul3A_1793, %add3A_1854 : i32
        %get3A_1856 = arith.index_cast %add3A_1855 : i32 to index
        %get3A_1857 = tpu.vector_load %arg12[%get3A_1856] {strides = array<i32>} : memref<16384xf32, #tpu.memory_space<vmem>>, vector<16xf32>,
        %max3A_1858 = arith.maximumf %scan3A_1788, %get3A_1857 : vector<16xf32>
        %add3A_1859 = arith.constant 208 : i32
        %add3A_1860 = arith.addi %mul3A_1793, %add3A_1859 : i32
        %get3A_1861 = arith.index_cast %add3A_1860 : i32 to index
        %get3A_1862 = tpu.vector_load %arg12[%get3A_1861] {strides = array<i32>} : memref<16384xf32, #tpu.memory_space<vmem>>, vector<16xf32>,
        %max3A_1863 = arith.maximumf %scan3A_1789, %get3A_1862 : vector<16xf32>
        %add3A_1864 = arith.constant 224 : i32
        %add3A_1865 = arith.addi %mul3A_1793, %add3A_1864 : i32
        %get3A_1866 = arith.index_cast %add3A_1865 : i32 to index
        %get3A_1867 = tpu.vector_load %arg12[%get3A_1866] {strides = array<i32>} : memref<16384xf32, #tpu.memory_space<vmem>>, vector<16xf32>,
        %max3A_1868 = arith.maximumf %scan3A_1790, %get3A_1867 : vector<16xf32>
        %add3A_1869 = arith.constant 240 : i32
        %add3A_1870 = arith.addi %mul3A_1793, %add3A_1869 : i32
        %get3A_1871 = arith.index_cast %add3A_1870 : i32 to index
        %get3A_1872 = tpu.vector_load %arg12[%get3A_1871] {strides = array<i32>} : memref<16384xf32, #tpu.memory_space<vmem>>, vector<16xf32>,
        %max3A_1873 = arith.maximumf %scan3A_1791, %get3A_1872 : vector<16xf32>
        scf.yield %max3A_1798, %max3A_1803, %max3A_1808, %max3A_1813, %max3A_1818, %max3A_1823, %max3A_1828, %max3A_1833, %max3A_1838, %max3A_1843, %max3A_1848, %max3A_1853, %max3A_1858, %max3A_1863, %max3A_1868, %max3A_1873 : vector<16xf32>, vector<16xf32>, vector<16xf32>, vector<16xf32>, vector<16xf32>, vector<16xf32>, vector<16xf32>, vector<16xf32>, vector<16xf32>, vector<16xf32>, vector<16xf32>, vector<16xf32>, vector<16xf32>, vector<16xf32>, vector<16xf32>, vector<16xf32>
      }
      %scan3A_1754 = arith.constant 32 : i32
      %max3A_1755 = arith.maximumf %scan3A_1753#0, %scan3A_1753#1 : vector<16xf32>
      %max3A_1756 = arith.maximumf %scan3A_1753#2, %scan3A_1753#3 : vector<16xf32>
      %max3A_1757 = arith.maximumf %scan3A_1753#4, %scan3A_1753#5 : vector<16xf32>
      %max3A_1758 = arith.maximumf %scan3A_1753#6, %scan3A_1753#7 : vector<16xf32>
      %max3A_1759 = arith.maximumf %scan3A_1753#8, %scan3A_1753#9 : vector<16xf32>
      %max3A_1760 = arith.maximumf %scan3A_1753#10, %scan3A_1753#11 : vector<16xf32>
      %max3A_1761 = arith.maximumf %scan3A_1753#12, %scan3A_1753#13 : vector<16xf32>
      %max3A_1762 = arith.maximumf %scan3A_1753#14, %scan3A_1753#15 : vector<16xf32>
      %max3A_1763 = arith.maximumf %max3A_1755, %max3A_1756 : vector<16xf32>
      %max3A_1764 = arith.maximumf %max3A_1757, %max3A_1758 : vector<16xf32>
      %max3A_1765 = arith.maximumf %max3A_1759, %max3A_1760 : vector<16xf32>
      %max3A_1766 = arith.maximumf %max3A_1761, %max3A_1762 : vector<16xf32>
      %max3A_1767 = arith.maximumf %max3A_1763, %max3A_1764 : vector<16xf32>
      %max3A_1768 = arith.maximumf %max3A_1765, %max3A_1766 : vector<16xf32>
      %max3A_1769 = arith.maximumf %max3A_1767, %max3A_1768 : vector<16xf32>
      %mul3A_1770 = arith.constant 16 : i32
      %mul3A_1771 = arith.muli %add3A_1694, %mul3A_1770 : i32
      %swap3A_1772 = arith.index_cast %mul3A_1771 : i32 to index
      %swap3A_1773 = tpu.vector_load %arg15[%swap3A_1772] {strides = array<i32>} : memref<128xf32, #tpu.memory_space<vmem>>, vector<16xf32>,
      tpu.vector_store %arg15[%swap3A_1772], %max3A_1769 {strides = array<i32>} : memref<128xf32, #tpu.memory_space<vmem>>, vector<16xf32>,
      %scan3A_1774 = arith.constant 0 : i32
      scf.yield %scan3A_1774 : i32
    }
    %scan3A_41 = arith.constant 4 : i32
    %dma_wait3A = arith.constant 0 : i32
    %dma_wait3A_42 = tpu.memref_slice %arg11[%dma_wait3A] : memref<16384xf32, #tpu.memory_space<vmem>> -> memref<8192xf32, #tpu.memory_space<vmem>>
    %dma_wait3A_43 = arith.constant 0 : i32
    %dma_wait3A_44 = tpu.memref_slice %arg2[%dma_wait3A_43] : memref<8388608xf32, #tpu.memory_space<hbm>> -> memref<8192xf32, #tpu.memory_space<hbm>>
    %dma_wait3A_45 = arith.constant 0 : i32
    %dma_wait3A_46 = tpu.memref_slice %arg11[%dma_wait3A_45] : memref<16384xf32, #tpu.memory_space<vmem>> -> memref<8192xf32, #tpu.memory_space<vmem>>
    %dma_wait3A_47 = arith.constant 0 : i32
    %dma_wait3A_48 = tpu.memref_slice %arg2[%dma_wait3A_47] : memref<8388608xf32, #tpu.memory_space<hbm>> -> memref<8192xf32, #tpu.memory_space<hbm>>
    tpu.wait_dma2 semaphore(%arg22 : memref<!tpu.dma_semaphore, #tpu.memory_space<semaphore_mem>>) src(%dma_wait3A_48 : memref<8192xf32, #tpu.memory_space<hbm>>) dst(%dma_wait3A_46 : memref<8192xf32, #tpu.memory_space<vmem>>)
    %multiple_of3A_49 = tpu.assume_multiple %mul3A_2, 8 : i32
    %dma_start3A_50 = tpu.memref_slice %arg2[%multiple_of3A_49] : memref<8388608xf32, #tpu.memory_space<hbm>> -> memref<16384xf32, #tpu.memory_space<hbm>>
    %dma_start3A_51 = tpu.memref_slice %arg2[%multiple_of3A_49] : memref<8388608xf32, #tpu.memory_space<hbm>> -> memref<16384xf32, #tpu.memory_space<hbm>>
    tpu.enqueue_dma source(%dma_start3A_51 : memref<16384xf32, #tpu.memory_space<hbm>>) target(%arg11 : memref<16384xf32, #tpu.memory_space<vmem>>) target_semaphore(%arg22 : memref<!tpu.dma_semaphore, #tpu.memory_space<semaphore_mem>>)
    %dma_wait3A_52 = arith.constant 0 : i32
    %dma_wait3A_53 = tpu.memref_slice %arg13[%dma_wait3A_52] : memref<16xf32, #tpu.memory_space<vmem>> -> memref<8xf32, #tpu.memory_space<vmem>>
    %dma_wait3A_54 = tpu.memref_slice %arg3[%mul3A_17] : memref<256xf32, #tpu.memory_space<hbm>> -> memref<8xf32, #tpu.memory_space<hbm>>
    %dma_wait3A_55 = arith.constant 0 : i32
    %dma_wait3A_56 = tpu.memref_slice %arg13[%dma_wait3A_55] : memref<16xf32, #tpu.memory_space<vmem>> -> memref<8xf32, #tpu.memory_space<vmem>>
    %dma_wait3A_57 = tpu.memref_slice %arg3[%mul3A_17] : memref<256xf32, #tpu.memory_space<hbm>> -> memref<8xf32, #tpu.memory_space<hbm>>
    tpu.wait_dma2 semaphore(%arg24 : memref<!tpu.dma_semaphore, #tpu.memory_space<semaphore_mem>>) src(%dma_wait3A_57 : memref<8xf32, #tpu.memory_space<hbm>>) dst(%dma_wait3A_56 : memref<8xf32, #tpu.memory_space<vmem>>)
    %dma_wait3A_58 = arith.constant 0 : i32
    %dma_wait3A_59 = tpu.memref_slice %arg14[%dma_wait3A_58] : memref<16xi32, #tpu.memory_space<vmem>> -> memref<8xi32, #tpu.memory_space<vmem>>
    %dma_wait3A_60 = tpu.memref_slice %arg4[%mul3A_19] : memref<256xi32, #tpu.memory_space<hbm>> -> memref<8xi32, #tpu.memory_space<hbm>>
    %dma_wait3A_61 = arith.constant 0 : i32
    %dma_wait3A_62 = tpu.memref_slice %arg14[%dma_wait3A_61] : memref<16xi32, #tpu.memory_space<vmem>> -> memref<8xi32, #tpu.memory_space<vmem>>
    %dma_wait3A_63 = tpu.memref_slice %arg4[%mul3A_19] : memref<256xi32, #tpu.memory_space<hbm>> -> memref<8xi32, #tpu.memory_space<hbm>>
    tpu.wait_dma2 semaphore(%arg24 : memref<!tpu.dma_semaphore, #tpu.memory_space<semaphore_mem>>) src(%dma_wait3A_63 : memref<8xi32, #tpu.memory_space<hbm>>) dst(%dma_wait3A_62 : memref<8xi32, #tpu.memory_space<vmem>>)
    %dma_wait3A_64 = tpu.memref_slice %arg5[%mul3A_21] : memref<32768xi32, #tpu.memory_space<hbm>> -> memref<1024xi32, #tpu.memory_space<hbm>>
    %dma_wait3A_65 = tpu.memref_slice %arg5[%mul3A_21] : memref<32768xi32, #tpu.memory_space<hbm>> -> memref<1024xi32, #tpu.memory_space<hbm>>
    tpu.wait_dma2 semaphore(%arg24 : memref<!tpu.dma_semaphore, #tpu.memory_space<semaphore_mem>>) src(%dma_wait3A_65 : memref<1024xi32, #tpu.memory_space<hbm>>) dst(%arg16 : memref<1024xi32, #tpu.memory_space<vmem>>)
    %get3A = arith.constant 0 : index
    %get3A_66 = tpu.vector_load %arg13[%get3A] {strides = array<i32>} : memref<16xf32, #tpu.memory_space<vmem>>, vector<16xf32>,
    %get3A_67 = arith.constant 0 : index
    %get3A_68 = tpu.vector_load %arg14[%get3A_67] {strides = array<i32>} : memref<16xi32, #tpu.memory_space<vmem>>, vector<16xi32>,
    %broadcast_in_dim3A_69 = arith.constant 0 : i32
    %broadcast_in_dim3A_70 = vector.broadcast %broadcast_in_dim3A_69 : i32 to vector<16xi32>
    %broadcast_in_dim3A_71 = vector.shape_cast %broadcast_in_dim3A_70 : vector<16xi32> to vector<16x1xi32>
    %gather3A = vector.shape_cast %broadcast_in_dim3A_71 : vector<16x1xi32> to vector<16xi32>
    %gather3A_72 = tpu.dynamic_gather %get3A_66[%gather3A] in [0] : vector<16xf32>, vector<16xi32> -> vector<16xf32>
    %broadcast_in_dim3A_73 = vector.shape_cast %broadcast_in_dim3A_70 : vector<16xi32> to vector<16x1xi32>
    %gather3A_74 = vector.shape_cast %broadcast_in_dim3A_73 : vector<16x1xi32> to vector<16xi32>
    %gather3A_75 = tpu.dynamic_gather %get3A_68[%gather3A_74] in [0] : vector<16xi32>, vector<16xi32> -> vector<16xi32>
    %gt3A = arith.constant 0 : i32
    %gt3A_76 = vector.broadcast %gt3A : i32 to vector<16xi32>
    %gt3A_77 = arith.cmpi sgt, %gather3A_75, %gt3A_76 : vector<16xi32>
    %eq3A = arith.constant 0 : i32
    %eq3A_78 = vector.broadcast %eq3A : i32 to vector<16xi32>
    %eq3A_79 = arith.cmpi eq, %iota3A, %eq3A_78 : vector<16xi32>
    %jit3A = arith.constant 0xFF800000 : f32
    %broadcast_in_dim3A_80 = vector.broadcast %jit3A : f32 to vector<16xf32>
    %select_n3A = arith.select %eq3A_79, %gather3A_72, %broadcast_in_dim3A_80 : vector<16xi1>, vector<16xf32>
    %get3A_81 = arith.constant 0 : index
    %get3A_82 = tpu.vector_load %arg15[%get3A_81] {strides = array<i32>} : memref<128xf32, #tpu.memory_space<vmem>>, vector<16xf32>,
    %add3A_83 = arith.addf %get3A_82, %gather3A_72 : vector<16xf32>
    %select_n3A_84 = arith.select %gt3A_77, %select_n3A, %add3A_83 : vector<16xi1>, vector<16xf32>
    %broadcast_in_dim3A_85 = arith.constant 1 : i32
    %broadcast_in_dim3A_86 = vector.broadcast %broadcast_in_dim3A_85 : i32 to vector<16xi32>
    %broadcast_in_dim3A_87 = vector.shape_cast %broadcast_in_dim3A_86 : vector<16xi32> to vector<16x1xi32>
    %gather3A_88 = vector.shape_cast %broadcast_in_dim3A_87 : vector<16x1xi32> to vector<16xi32>
    %gather3A_89 = tpu.dynamic_gather %get3A_66[%gather3A_88] in [0] : vector<16xf32>, vector<16xi32> -> vector<16xf32>
    %broadcast_in_dim3A_90 = vector.shape_cast %broadcast_in_dim3A_86 : vector<16xi32> to vector<16x1xi32>
    %gather3A_91 = vector.shape_cast %broadcast_in_dim3A_90 : vector<16x1xi32> to vector<16xi32>
    %gather3A_92 = tpu.dynamic_gather %get3A_68[%gather3A_91] in [0] : vector<16xi32>, vector<16xi32> -> vector<16xi32>
    %gt3A_93 = arith.constant 0 : i32
    %gt3A_94 = vector.broadcast %gt3A_93 : i32 to vector<16xi32>
    %gt3A_95 = arith.cmpi sgt, %gather3A_92, %gt3A_94 : vector<16xi32>
    %eq3A_96 = arith.constant 0 : i32
    %eq3A_97 = vector.broadcast %eq3A_96 : i32 to vector<16xi32>
    %eq3A_98 = arith.cmpi eq, %iota3A, %eq3A_97 : vector<16xi32>
    %jit3A_99 = arith.constant 0xFF800000 : f32
    %broadcast_in_dim3A_100 = vector.broadcast %jit3A_99 : f32 to vector<16xf32>
    %select_n3A_101 = arith.select %eq3A_98, %gather3A_89, %broadcast_in_dim3A_100 : vector<16xi1>, vector<16xf32>
    %get3A_102 = arith.constant 16 : index
    %get3A_103 = tpu.vector_load %arg15[%get3A_102] {strides = array<i32>} : memref<128xf32, #tpu.memory_space<vmem>>, vector<16xf32>,
    %add3A_104 = arith.addf %get3A_103, %gather3A_89 : vector<16xf32>
    %select_n3A_105 = arith.select %gt3A_95, %select_n3A_101, %add3A_104 : vector<16xi1>, vector<16xf32>
    %broadcast_in_dim3A_106 = arith.constant 2 : i32
    %broadcast_in_dim3A_107 = vector.broadcast %broadcast_in_dim3A_106 : i32 to vector<16xi32>
    %broadcast_in_dim3A_108 = vector.shape_cast %broadcast_in_dim3A_107 : vector<16xi32> to vector<16x1xi32>
    %gather3A_109 = vector.shape_cast %broadcast_in_dim3A_108 : vector<16x1xi32> to vector<16xi32>
    %gather3A_110 = tpu.dynamic_gather %get3A_66[%gather3A_109] in [0] : vector<16xf32>, vector<16xi32> -> vector<16xf32>
    %broadcast_in_dim3A_111 = vector.shape_cast %broadcast_in_dim3A_107 : vector<16xi32> to vector<16x1xi32>
    %gather3A_112 = vector.shape_cast %broadcast_in_dim3A_111 : vector<16x1xi32> to vector<16xi32>
    %gather3A_113 = tpu.dynamic_gather %get3A_68[%gather3A_112] in [0] : vector<16xi32>, vector<16xi32> -> vector<16xi32>
    %gt3A_114 = arith.constant 0 : i32
    %gt3A_115 = vector.broadcast %gt3A_114 : i32 to vector<16xi32>
    %gt3A_116 = arith.cmpi sgt, %gather3A_113, %gt3A_115 : vector<16xi32>
    %eq3A_117 = arith.constant 0 : i32
    %eq3A_118 = vector.broadcast %eq3A_117 : i32 to vector<16xi32>
    %eq3A_119 = arith.cmpi eq, %iota3A, %eq3A_118 : vector<16xi32>
    %jit3A_120 = arith.constant 0xFF800000 : f32
    %broadcast_in_dim3A_121 = vector.broadcast %jit3A_120 : f32 to vector<16xf32>
    %select_n3A_122 = arith.select %eq3A_119, %gather3A_110, %broadcast_in_dim3A_121 : vector<16xi1>, vector<16xf32>
    %get3A_123 = arith.constant 32 : index
    %get3A_124 = tpu.vector_load %arg15[%get3A_123] {strides = array<i32>} : memref<128xf32, #tpu.memory_space<vmem>>, vector<16xf32>,
    %add3A_125 = arith.addf %get3A_124, %gather3A_110 : vector<16xf32>
    %select_n3A_126 = arith.select %gt3A_116, %select_n3A_122, %add3A_125 : vector<16xi1>, vector<16xf32>
    %broadcast_in_dim3A_127 = arith.constant 3 : i32
    %broadcast_in_dim3A_128 = vector.broadcast %broadcast_in_dim3A_127 : i32 to vector<16xi32>
    %broadcast_in_dim3A_129 = vector.shape_cast %broadcast_in_dim3A_128 : vector<16xi32> to vector<16x1xi32>
    %gather3A_130 = vector.shape_cast %broadcast_in_dim3A_129 : vector<16x1xi32> to vector<16xi32>
    %gather3A_131 = tpu.dynamic_gather %get3A_66[%gather3A_130] in [0] : vector<16xf32>, vector<16xi32> -> vector<16xf32>
    %broadcast_in_dim3A_132 = vector.shape_cast %broadcast_in_dim3A_128 : vector<16xi32> to vector<16x1xi32>
    %gather3A_133 = vector.shape_cast %broadcast_in_dim3A_132 : vector<16x1xi32> to vector<16xi32>
    %gather3A_134 = tpu.dynamic_gather %get3A_68[%gather3A_133] in [0] : vector<16xi32>, vector<16xi32> -> vector<16xi32>
    %gt3A_135 = arith.constant 0 : i32
    %gt3A_136 = vector.broadcast %gt3A_135 : i32 to vector<16xi32>
    %gt3A_137 = arith.cmpi sgt, %gather3A_134, %gt3A_136 : vector<16xi32>
    %eq3A_138 = arith.constant 0 : i32
    %eq3A_139 = vector.broadcast %eq3A_138 : i32 to vector<16xi32>
    %eq3A_140 = arith.cmpi eq, %iota3A, %eq3A_139 : vector<16xi32>
    %jit3A_141 = arith.constant 0xFF800000 : f32
    %broadcast_in_dim3A_142 = vector.broadcast %jit3A_141 : f32 to vector<16xf32>
    %select_n3A_143 = arith.select %eq3A_140, %gather3A_131, %broadcast_in_dim3A_142 : vector<16xi1>, vector<16xf32>
    %get3A_144 = arith.constant 48 : index
    %get3A_145 = tpu.vector_load %arg15[%get3A_144] {strides = array<i32>} : memref<128xf32, #tpu.memory_space<vmem>>, vector<16xf32>,
    %add3A_146 = arith.addf %get3A_145, %gather3A_131 : vector<16xf32>
    %select_n3A_147 = arith.select %gt3A_137, %select_n3A_143, %add3A_146 : vector<16xi1>, vector<16xf32>
    %broadcast_in_dim3A_148 = arith.constant 4 : i32
    %broadcast_in_dim3A_149 = vector.broadcast %broadcast_in_dim3A_148 : i32 to vector<16xi32>
    %broadcast_in_dim3A_150 = vector.shape_cast %broadcast_in_dim3A_149 : vector<16xi32> to vector<16x1xi32>
    %gather3A_151 = vector.shape_cast %broadcast_in_dim3A_150 : vector<16x1xi32> to vector<16xi32>
    %gather3A_152 = tpu.dynamic_gather %get3A_66[%gather3A_151] in [0] : vector<16xf32>, vector<16xi32> -> vector<16xf32>
    %broadcast_in_dim3A_153 = vector.shape_cast %broadcast_in_dim3A_149 : vector<16xi32> to vector<16x1xi32>
    %gather3A_154 = vector.shape_cast %broadcast_in_dim3A_153 : vector<16x1xi32> to vector<16xi32>
    %gather3A_155 = tpu.dynamic_gather %get3A_68[%gather3A_154] in [0] : vector<16xi32>, vector<16xi32> -> vector<16xi32>
    %gt3A_156 = arith.constant 0 : i32
    %gt3A_157 = vector.broadcast %gt3A_156 : i32 to vector<16xi32>
    %gt3A_158 = arith.cmpi sgt, %gather3A_155, %gt3A_157 : vector<16xi32>
    %eq3A_159 = arith.constant 0 : i32
    %eq3A_160 = vector.broadcast %eq3A_159 : i32 to vector<16xi32>
    %eq3A_161 = arith.cmpi eq, %iota3A, %eq3A_160 : vector<16xi32>
    %jit3A_162 = arith.constant 0xFF800000 : f32
    %broadcast_in_dim3A_163 = vector.broadcast %jit3A_162 : f32 to vector<16xf32>
    %select_n3A_164 = arith.select %eq3A_161, %gather3A_152, %broadcast_in_dim3A_163 : vector<16xi1>, vector<16xf32>
    %get3A_165 = arith.constant 64 : index
    %get3A_166 = tpu.vector_load %arg15[%get3A_165] {strides = array<i32>} : memref<128xf32, #tpu.memory_space<vmem>>, vector<16xf32>,
    %add3A_167 = arith.addf %get3A_166, %gather3A_152 : vector<16xf32>
    %select_n3A_168 = arith.select %gt3A_158, %select_n3A_164, %add3A_167 : vector<16xi1>, vector<16xf32>
    %broadcast_in_dim3A_169 = arith.constant 5 : i32
    %broadcast_in_dim3A_170 = vector.broadcast %broadcast_in_dim3A_169 : i32 to vector<16xi32>
    %broadcast_in_dim3A_171 = vector.shape_cast %broadcast_in_dim3A_170 : vector<16xi32> to vector<16x1xi32>
    %gather3A_172 = vector.shape_cast %broadcast_in_dim3A_171 : vector<16x1xi32> to vector<16xi32>
    %gather3A_173 = tpu.dynamic_gather %get3A_66[%gather3A_172] in [0] : vector<16xf32>, vector<16xi32> -> vector<16xf32>
    %broadcast_in_dim3A_174 = vector.shape_cast %broadcast_in_dim3A_170 : vector<16xi32> to vector<16x1xi32>
    %gather3A_175 = vector.shape_cast %broadcast_in_dim3A_174 : vector<16x1xi32> to vector<16xi32>
    %gather3A_176 = tpu.dynamic_gather %get3A_68[%gather3A_175] in [0] : vector<16xi32>, vector<16xi32> -> vector<16xi32>
    %gt3A_177 = arith.constant 0 : i32
    %gt3A_178 = vector.broadcast %gt3A_177 : i32 to vector<16xi32>
    %gt3A_179 = arith.cmpi sgt, %gather3A_176, %gt3A_178 : vector<16xi32>
    %eq3A_180 = arith.constant 0 : i32
    %eq3A_181 = vector.broadcast %eq3A_180 : i32 to vector<16xi32>
    %eq3A_182 = arith.cmpi eq, %iota3A, %eq3A_181 : vector<16xi32>
    %jit3A_183 = arith.constant 0xFF800000 : f32
    %broadcast_in_dim3A_184 = vector.broadcast %jit3A_183 : f32 to vector<16xf32>
    %select_n3A_185 = arith.select %eq3A_182, %gather3A_173, %broadcast_in_dim3A_184 : vector<16xi1>, vector<16xf32>
    %get3A_186 = arith.constant 80 : index
    %get3A_187 = tpu.vector_load %arg15[%get3A_186] {strides = array<i32>} : memref<128xf32, #tpu.memory_space<vmem>>, vector<16xf32>,
    %add3A_188 = arith.addf %get3A_187, %gather3A_173 : vector<16xf32>
    %select_n3A_189 = arith.select %gt3A_179, %select_n3A_185, %add3A_188 : vector<16xi1>, vector<16xf32>
    %broadcast_in_dim3A_190 = arith.constant 6 : i32
    %broadcast_in_dim3A_191 = vector.broadcast %broadcast_in_dim3A_190 : i32 to vector<16xi32>
    %broadcast_in_dim3A_192 = vector.shape_cast %broadcast_in_dim3A_191 : vector<16xi32> to vector<16x1xi32>
    %gather3A_193 = vector.shape_cast %broadcast_in_dim3A_192 : vector<16x1xi32> to vector<16xi32>
    %gather3A_194 = tpu.dynamic_gather %get3A_66[%gather3A_193] in [0] : vector<16xf32>, vector<16xi32> -> vector<16xf32>
    %broadcast_in_dim3A_195 = vector.shape_cast %broadcast_in_dim3A_191 : vector<16xi32> to vector<16x1xi32>
    %gather3A_196 = vector.shape_cast %broadcast_in_dim3A_195 : vector<16x1xi32> to vector<16xi32>
    %gather3A_197 = tpu.dynamic_gather %get3A_68[%gather3A_196] in [0] : vector<16xi32>, vector<16xi32> -> vector<16xi32>
    %gt3A_198 = arith.constant 0 : i32
    %gt3A_199 = vector.broadcast %gt3A_198 : i32 to vector<16xi32>
    %gt3A_200 = arith.cmpi sgt, %gather3A_197, %gt3A_199 : vector<16xi32>
    %eq3A_201 = arith.constant 0 : i32
    %eq3A_202 = vector.broadcast %eq3A_201 : i32 to vector<16xi32>
    %eq3A_203 = arith.cmpi eq, %iota3A, %eq3A_202 : vector<16xi32>
    %jit3A_204 = arith.constant 0xFF800000 : f32
    %broadcast_in_dim3A_205 = vector.broadcast %jit3A_204 : f32 to vector<16xf32>
    %select_n3A_206 = arith.select %eq3A_203, %gather3A_194, %broadcast_in_dim3A_205 : vector<16xi1>, vector<16xf32>
    %get3A_207 = arith.constant 96 : index
    %get3A_208 = tpu.vector_load %arg15[%get3A_207] {strides = array<i32>} : memref<128xf32, #tpu.memory_space<vmem>>, vector<16xf32>,
    %add3A_209 = arith.addf %get3A_208, %gather3A_194 : vector<16xf32>
    %select_n3A_210 = arith.select %gt3A_200, %select_n3A_206, %add3A_209 : vector<16xi1>, vector<16xf32>
    %broadcast_in_dim3A_211 = arith.constant 7 : i32
    %broadcast_in_dim3A_212 = vector.broadcast %broadcast_in_dim3A_211 : i32 to vector<16xi32>
    %broadcast_in_dim3A_213 = vector.shape_cast %broadcast_in_dim3A_212 : vector<16xi32> to vector<16x1xi32>
    %gather3A_214 = vector.shape_cast %broadcast_in_dim3A_213 : vector<16x1xi32> to vector<16xi32>
    %gather3A_215 = tpu.dynamic_gather %get3A_66[%gather3A_214] in [0] : vector<16xf32>, vector<16xi32> -> vector<16xf32>
    %broadcast_in_dim3A_216 = vector.shape_cast %broadcast_in_dim3A_212 : vector<16xi32> to vector<16x1xi32>
    %gather3A_217 = vector.shape_cast %broadcast_in_dim3A_216 : vector<16x1xi32> to vector<16xi32>
    %gather3A_218 = tpu.dynamic_gather %get3A_68[%gather3A_217] in [0] : vector<16xi32>, vector<16xi32> -> vector<16xi32>
    %gt3A_219 = arith.constant 0 : i32
    %gt3A_220 = vector.broadcast %gt3A_219 : i32 to vector<16xi32>
    %gt3A_221 = arith.cmpi sgt, %gather3A_218, %gt3A_220 : vector<16xi32>
    %eq3A_222 = arith.constant 0 : i32
    %eq3A_223 = vector.broadcast %eq3A_222 : i32 to vector<16xi32>
    %eq3A_224 = arith.cmpi eq, %iota3A, %eq3A_223 : vector<16xi32>
    %jit3A_225 = arith.constant 0xFF800000 : f32
    %broadcast_in_dim3A_226 = vector.broadcast %jit3A_225 : f32 to vector<16xf32>
    %select_n3A_227 = arith.select %eq3A_224, %gather3A_215, %broadcast_in_dim3A_226 : vector<16xi1>, vector<16xf32>
    %get3A_228 = arith.constant 112 : index
    %get3A_229 = tpu.vector_load %arg15[%get3A_228] {strides = array<i32>} : memref<128xf32, #tpu.memory_space<vmem>>, vector<16xf32>,
    %add3A_230 = arith.addf %get3A_229, %gather3A_215 : vector<16xf32>
    %select_n3A_231 = arith.select %gt3A_221, %select_n3A_227, %add3A_230 : vector<16xi1>, vector<16xf32>
    %max3A = arith.maximumf %select_n3A_84, %select_n3A_105 : vector<16xf32>
    %max3A_232 = arith.maximumf %select_n3A_126, %select_n3A_147 : vector<16xf32>
    %max3A_233 = arith.maximumf %max3A, %max3A_232 : vector<16xf32>
    %max3A_234 = arith.maximumf %select_n3A_168, %select_n3A_189 : vector<16xf32>
    %max3A_235 = arith.maximumf %select_n3A_210, %select_n3A_231 : vector<16xf32>
    %max3A_236 = arith.maximumf %max3A_234, %max3A_235 : vector<16xf32>
    %max3A_237 = arith.maximumf %max3A_233, %max3A_236 : vector<16xf32>
    %reduce_max3A = arith.constant true
    %reduce_max3A_238 = vector.broadcast %reduce_max3A : i1 to vector<16xi1>
    %reduce_max3A_239 = tpu.scan <max>, %max3A_237 masked %reduce_max3A_238 : vector<16xf32>, vector<16xi1> -> vector<16xf32>
    %reduce_max3A_240 = vector.extract %reduce_max3A_239[15] : f32 from vector<16xf32>
    %broadcast_in_dim3A_241 = vector.broadcast %reduce_max3A_240 : f32 to vector<16xf32>
    %eq3A_242 = arith.cmpf oeq, %select_n3A_84, %broadcast_in_dim3A_241 : vector<16xf32>
    %jit3A_243 = arith.constant 0xFF800000 : f32
    %broadcast_in_dim3A_244 = vector.broadcast %jit3A_243 : f32 to vector<16xf32>
    %select_n3A_245 = arith.select %eq3A_242, %broadcast_in_dim3A_244, %select_n3A_84 : vector<16xi1>, vector<16xf32>
    %eq3A_246 = arith.cmpf oeq, %select_n3A_105, %broadcast_in_dim3A_241 : vector<16xf32>
    %jit3A_247 = arith.constant 0xFF800000 : f32
    %broadcast_in_dim3A_248 = vector.broadcast %jit3A_247 : f32 to vector<16xf32>
    %select_n3A_249 = arith.select %eq3A_246, %broadcast_in_dim3A_248, %select_n3A_105 : vector<16xi1>, vector<16xf32>
    %eq3A_250 = arith.cmpf oeq, %select_n3A_126, %broadcast_in_dim3A_241 : vector<16xf32>
    %jit3A_251 = arith.constant 0xFF800000 : f32
    %broadcast_in_dim3A_252 = vector.broadcast %jit3A_251 : f32 to vector<16xf32>
    %select_n3A_253 = arith.select %eq3A_250, %broadcast_in_dim3A_252, %select_n3A_126 : vector<16xi1>, vector<16xf32>
    %eq3A_254 = arith.cmpf oeq, %select_n3A_147, %broadcast_in_dim3A_241 : vector<16xf32>
    %jit3A_255 = arith.constant 0xFF800000 : f32
    %broadcast_in_dim3A_256 = vector.broadcast %jit3A_255 : f32 to vector<16xf32>
    %select_n3A_257 = arith.select %eq3A_254, %broadcast_in_dim3A_256, %select_n3A_147 : vector<16xi1>, vector<16xf32>
    %eq3A_258 = arith.cmpf oeq, %select_n3A_168, %broadcast_in_dim3A_241 : vector<16xf32>
    %jit3A_259 = arith.constant 0xFF800000 : f32
    %broadcast_in_dim3A_260 = vector.broadcast %jit3A_259 : f32 to vector<16xf32>
    %select_n3A_261 = arith.select %eq3A_258, %broadcast_in_dim3A_260, %select_n3A_168 : vector<16xi1>, vector<16xf32>
    %eq3A_262 = arith.cmpf oeq, %select_n3A_189, %broadcast_in_dim3A_241 : vector<16xf32>
    %jit3A_263 = arith.constant 0xFF800000 : f32
    %broadcast_in_dim3A_264 = vector.broadcast %jit3A_263 : f32 to vector<16xf32>
    %select_n3A_265 = arith.select %eq3A_262, %broadcast_in_dim3A_264, %select_n3A_189 : vector<16xi1>, vector<16xf32>
    %eq3A_266 = arith.cmpf oeq, %select_n3A_210, %broadcast_in_dim3A_241 : vector<16xf32>
    %jit3A_267 = arith.constant 0xFF800000 : f32
    %broadcast_in_dim3A_268 = vector.broadcast %jit3A_267 : f32 to vector<16xf32>
    %select_n3A_269 = arith.select %eq3A_266, %broadcast_in_dim3A_268, %select_n3A_210 : vector<16xi1>, vector<16xf32>
    %eq3A_270 = arith.cmpf oeq, %select_n3A_231, %broadcast_in_dim3A_241 : vector<16xf32>
    %jit3A_271 = arith.constant 0xFF800000 : f32
    %broadcast_in_dim3A_272 = vector.broadcast %jit3A_271 : f32 to vector<16xf32>
    %select_n3A_273 = arith.select %eq3A_270, %broadcast_in_dim3A_272, %select_n3A_231 : vector<16xi1>, vector<16xf32>
    %max3A_274 = arith.maximumf %select_n3A_245, %select_n3A_249 : vector<16xf32>
    %max3A_275 = arith.maximumf %select_n3A_253, %select_n3A_257 : vector<16xf32>
    %max3A_276 = arith.maximumf %max3A_274, %max3A_275 : vector<16xf32>
    %max3A_277 = arith.maximumf %select_n3A_261, %select_n3A_265 : vector<16xf32>
    %max3A_278 = arith.maximumf %select_n3A_269, %select_n3A_273 : vector<16xf32>
    %max3A_279 = arith.maximumf %max3A_277, %max3A_278 : vector<16xf32>
    %max3A_280 = arith.maximumf %max3A_276, %max3A_279 : vector<16xf32>
    %reduce_max3A_281 = arith.constant true
    %reduce_max3A_282 = vector.broadcast %reduce_max3A_281 : i1 to vector<16xi1>
    %reduce_max3A_283 = tpu.scan <max>, %max3A_280 masked %reduce_max3A_282 : vector<16xf32>, vector<16xi1> -> vector<16xf32>
    %reduce_max3A_284 = vector.extract %reduce_max3A_283[15] : f32 from vector<16xf32>
    %broadcast_in_dim3A_285 = vector.broadcast %reduce_max3A_284 : f32 to vector<16xf32>
    %eq3A_286 = arith.cmpf oeq, %select_n3A_245, %broadcast_in_dim3A_285 : vector<16xf32>
    %jit3A_287 = arith.constant 0xFF800000 : f32
    %broadcast_in_dim3A_288 = vector.broadcast %jit3A_287 : f32 to vector<16xf32>
    %select_n3A_289 = arith.select %eq3A_286, %broadcast_in_dim3A_288, %select_n3A_245 : vector<16xi1>, vector<16xf32>
    %eq3A_290 = arith.cmpf oeq, %select_n3A_249, %broadcast_in_dim3A_285 : vector<16xf32>
    %jit3A_291 = arith.constant 0xFF800000 : f32
    %broadcast_in_dim3A_292 = vector.broadcast %jit3A_291 : f32 to vector<16xf32>
    %select_n3A_293 = arith.select %eq3A_290, %broadcast_in_dim3A_292, %select_n3A_249 : vector<16xi1>, vector<16xf32>
    %eq3A_294 = arith.cmpf oeq, %select_n3A_253, %broadcast_in_dim3A_285 : vector<16xf32>
    %jit3A_295 = arith.constant 0xFF800000 : f32
    %broadcast_in_dim3A_296 = vector.broadcast %jit3A_295 : f32 to vector<16xf32>
    %select_n3A_297 = arith.select %eq3A_294, %broadcast_in_dim3A_296, %select_n3A_253 : vector<16xi1>, vector<16xf32>
    %eq3A_298 = arith.cmpf oeq, %select_n3A_257, %broadcast_in_dim3A_285 : vector<16xf32>
    %jit3A_299 = arith.constant 0xFF800000 : f32
    %broadcast_in_dim3A_300 = vector.broadcast %jit3A_299 : f32 to vector<16xf32>
    %select_n3A_301 = arith.select %eq3A_298, %broadcast_in_dim3A_300, %select_n3A_257 : vector<16xi1>, vector<16xf32>
    %eq3A_302 = arith.cmpf oeq, %select_n3A_261, %broadcast_in_dim3A_285 : vector<16xf32>
    %jit3A_303 = arith.constant 0xFF800000 : f32
    %broadcast_in_dim3A_304 = vector.broadcast %jit3A_303 : f32 to vector<16xf32>
    %select_n3A_305 = arith.select %eq3A_302, %broadcast_in_dim3A_304, %select_n3A_261 : vector<16xi1>, vector<16xf32>
    %eq3A_306 = arith.cmpf oeq, %select_n3A_265, %broadcast_in_dim3A_285 : vector<16xf32>
    %jit3A_307 = arith.constant 0xFF800000 : f32
    %broadcast_in_dim3A_308 = vector.broadcast %jit3A_307 : f32 to vector<16xf32>
    %select_n3A_309 = arith.select %eq3A_306, %broadcast_in_dim3A_308, %select_n3A_265 : vector<16xi1>, vector<16xf32>
    %eq3A_310 = arith.cmpf oeq, %select_n3A_269, %broadcast_in_dim3A_285 : vector<16xf32>
    %jit3A_311 = arith.constant 0xFF800000 : f32
    %broadcast_in_dim3A_312 = vector.broadcast %jit3A_311 : f32 to vector<16xf32>
    %select_n3A_313 = arith.select %eq3A_310, %broadcast_in_dim3A_312, %select_n3A_269 : vector<16xi1>, vector<16xf32>
    %eq3A_314 = arith.cmpf oeq, %select_n3A_273, %broadcast_in_dim3A_285 : vector<16xf32>
    %jit3A_315 = arith.constant 0xFF800000 : f32
    %broadcast_in_dim3A_316 = vector.broadcast %jit3A_315 : f32 to vector<16xf32>
    %select_n3A_317 = arith.select %eq3A_314, %broadcast_in_dim3A_316, %select_n3A_273 : vector<16xi1>, vector<16xf32>
    %max3A_318 = arith.maximumf %select_n3A_289, %select_n3A_293 : vector<16xf32>
    %max3A_319 = arith.maximumf %select_n3A_297, %select_n3A_301 : vector<16xf32>
    %max3A_320 = arith.maximumf %max3A_318, %max3A_319 : vector<16xf32>
    %max3A_321 = arith.maximumf %select_n3A_305, %select_n3A_309 : vector<16xf32>
    %max3A_322 = arith.maximumf %select_n3A_313, %select_n3A_317 : vector<16xf32>
    %max3A_323 = arith.maximumf %max3A_321, %max3A_322 : vector<16xf32>
    %max3A_324 = arith.maximumf %max3A_320, %max3A_323 : vector<16xf32>
    %reduce_max3A_325 = arith.constant true
    %reduce_max3A_326 = vector.broadcast %reduce_max3A_325 : i1 to vector<16xi1>
    %reduce_max3A_327 = tpu.scan <max>, %max3A_324 masked %reduce_max3A_326 : vector<16xf32>, vector<16xi1> -> vector<16xf32>
    %reduce_max3A_328 = vector.extract %reduce_max3A_327[15] : f32 from vector<16xf32>
    %broadcast_in_dim3A_329 = vector.broadcast %reduce_max3A_328 : f32 to vector<16xf32>
    %eq3A_330 = arith.cmpf oeq, %select_n3A_289, %broadcast_in_dim3A_329 : vector<16xf32>
    %jit3A_331 = arith.constant 0xFF800000 : f32
    %broadcast_in_dim3A_332 = vector.broadcast %jit3A_331 : f32 to vector<16xf32>
    %select_n3A_333 = arith.select %eq3A_330, %broadcast_in_dim3A_332, %select_n3A_289 : vector<16xi1>, vector<16xf32>
    %eq3A_334 = arith.cmpf oeq, %select_n3A_293, %broadcast_in_dim3A_329 : vector<16xf32>
    %jit3A_335 = arith.constant 0xFF800000 : f32
    %broadcast_in_dim3A_336 = vector.broadcast %jit3A_335 : f32 to vector<16xf32>
    %select_n3A_337 = arith.select %eq3A_334, %broadcast_in_dim3A_336, %select_n3A_293 : vector<16xi1>, vector<16xf32>
    %eq3A_338 = arith.cmpf oeq, %select_n3A_297, %broadcast_in_dim3A_329 : vector<16xf32>
    %jit3A_339 = arith.constant 0xFF800000 : f32
    %broadcast_in_dim3A_340 = vector.broadcast %jit3A_339 : f32 to vector<16xf32>
    %select_n3A_341 = arith.select %eq3A_338, %broadcast_in_dim3A_340, %select_n3A_297 : vector<16xi1>, vector<16xf32>
    %eq3A_342 = arith.cmpf oeq, %select_n3A_301, %broadcast_in_dim3A_329 : vector<16xf32>
    %jit3A_343 = arith.constant 0xFF800000 : f32
    %broadcast_in_dim3A_344 = vector.broadcast %jit3A_343 : f32 to vector<16xf32>
    %select_n3A_345 = arith.select %eq3A_342, %broadcast_in_dim3A_344, %select_n3A_301 : vector<16xi1>, vector<16xf32>
    %eq3A_346 = arith.cmpf oeq, %select_n3A_305, %broadcast_in_dim3A_329 : vector<16xf32>
    %jit3A_347 = arith.constant 0xFF800000 : f32
    %broadcast_in_dim3A_348 = vector.broadcast %jit3A_347 : f32 to vector<16xf32>
    %select_n3A_349 = arith.select %eq3A_346, %broadcast_in_dim3A_348, %select_n3A_305 : vector<16xi1>, vector<16xf32>
    %eq3A_350 = arith.cmpf oeq, %select_n3A_309, %broadcast_in_dim3A_329 : vector<16xf32>
    %jit3A_351 = arith.constant 0xFF800000 : f32
    %broadcast_in_dim3A_352 = vector.broadcast %jit3A_351 : f32 to vector<16xf32>
    %select_n3A_353 = arith.select %eq3A_350, %broadcast_in_dim3A_352, %select_n3A_309 : vector<16xi1>, vector<16xf32>
    %eq3A_354 = arith.cmpf oeq, %select_n3A_313, %broadcast_in_dim3A_329 : vector<16xf32>
    %jit3A_355 = arith.constant 0xFF800000 : f32
    %broadcast_in_dim3A_356 = vector.broadcast %jit3A_355 : f32 to vector<16xf32>
    %select_n3A_357 = arith.select %eq3A_354, %broadcast_in_dim3A_356, %select_n3A_313 : vector<16xi1>, vector<16xf32>
    %eq3A_358 = arith.cmpf oeq, %select_n3A_317, %broadcast_in_dim3A_329 : vector<16xf32>
    %jit3A_359 = arith.constant 0xFF800000 : f32
    %broadcast_in_dim3A_360 = vector.broadcast %jit3A_359 : f32 to vector<16xf32>
    %select_n3A_361 = arith.select %eq3A_358, %broadcast_in_dim3A_360, %select_n3A_317 : vector<16xi1>, vector<16xf32>
    %max3A_362 = arith.maximumf %select_n3A_333, %select_n3A_337 : vector<16xf32>
    %max3A_363 = arith.maximumf %select_n3A_341, %select_n3A_345 : vector<16xf32>
    %max3A_364 = arith.maximumf %max3A_362, %max3A_363 : vector<16xf32>
    %max3A_365 = arith.maximumf %select_n3A_349, %select_n3A_353 : vector<16xf32>
    %max3A_366 = arith.maximumf %select_n3A_357, %select_n3A_361 : vector<16xf32>
    %max3A_367 = arith.maximumf %max3A_365, %max3A_366 : vector<16xf32>
    %max3A_368 = arith.maximumf %max3A_364, %max3A_367 : vector<16xf32>
    %reduce_max3A_369 = arith.constant true
    %reduce_max3A_370 = vector.broadcast %reduce_max3A_369 : i1 to vector<16xi1>
    %reduce_max3A_371 = tpu.scan <max>, %max3A_368 masked %reduce_max3A_370 : vector<16xf32>, vector<16xi1> -> vector<16xf32>
    %reduce_max3A_372 = vector.extract %reduce_max3A_371[15] : f32 from vector<16xf32>
    %broadcast_in_dim3A_373 = vector.broadcast %reduce_max3A_372 : f32 to vector<16xf32>
    %eq3A_374 = arith.cmpf oeq, %select_n3A_333, %broadcast_in_dim3A_373 : vector<16xf32>
    %jit3A_375 = arith.constant 0xFF800000 : f32
    %broadcast_in_dim3A_376 = vector.broadcast %jit3A_375 : f32 to vector<16xf32>
    %select_n3A_377 = arith.select %eq3A_374, %broadcast_in_dim3A_376, %select_n3A_333 : vector<16xi1>, vector<16xf32>
    %eq3A_378 = arith.cmpf oeq, %select_n3A_337, %broadcast_in_dim3A_373 : vector<16xf32>
    %jit3A_379 = arith.constant 0xFF800000 : f32
    %broadcast_in_dim3A_380 = vector.broadcast %jit3A_379 : f32 to vector<16xf32>
    %select_n3A_381 = arith.select %eq3A_378, %broadcast_in_dim3A_380, %select_n3A_337 : vector<16xi1>, vector<16xf32>
    %eq3A_382 = arith.cmpf oeq, %select_n3A_341, %broadcast_in_dim3A_373 : vector<16xf32>
    %jit3A_383 = arith.constant 0xFF800000 : f32
    %broadcast_in_dim3A_384 = vector.broadcast %jit3A_383 : f32 to vector<16xf32>
    %select_n3A_385 = arith.select %eq3A_382, %broadcast_in_dim3A_384, %select_n3A_341 : vector<16xi1>, vector<16xf32>
    %eq3A_386 = arith.cmpf oeq, %select_n3A_345, %broadcast_in_dim3A_373 : vector<16xf32>
    %jit3A_387 = arith.constant 0xFF800000 : f32
    %broadcast_in_dim3A_388 = vector.broadcast %jit3A_387 : f32 to vector<16xf32>
    %select_n3A_389 = arith.select %eq3A_386, %broadcast_in_dim3A_388, %select_n3A_345 : vector<16xi1>, vector<16xf32>
    %eq3A_390 = arith.cmpf oeq, %select_n3A_349, %broadcast_in_dim3A_373 : vector<16xf32>
    %jit3A_391 = arith.constant 0xFF800000 : f32
    %broadcast_in_dim3A_392 = vector.broadcast %jit3A_391 : f32 to vector<16xf32>
    %select_n3A_393 = arith.select %eq3A_390, %broadcast_in_dim3A_392, %select_n3A_349 : vector<16xi1>, vector<16xf32>
    %eq3A_394 = arith.cmpf oeq, %select_n3A_353, %broadcast_in_dim3A_373 : vector<16xf32>
    %jit3A_395 = arith.constant 0xFF800000 : f32
    %broadcast_in_dim3A_396 = vector.broadcast %jit3A_395 : f32 to vector<16xf32>
    %select_n3A_397 = arith.select %eq3A_394, %broadcast_in_dim3A_396, %select_n3A_353 : vector<16xi1>, vector<16xf32>
    %eq3A_398 = arith.cmpf oeq, %select_n3A_357, %broadcast_in_dim3A_373 : vector<16xf32>
    %jit3A_399 = arith.constant 0xFF800000 : f32
    %broadcast_in_dim3A_400 = vector.broadcast %jit3A_399 : f32 to vector<16xf32>
    %select_n3A_401 = arith.select %eq3A_398, %broadcast_in_dim3A_400, %select_n3A_357 : vector<16xi1>, vector<16xf32>
    %eq3A_402 = arith.cmpf oeq, %select_n3A_361, %broadcast_in_dim3A_373 : vector<16xf32>
    %jit3A_403 = arith.constant 0xFF800000 : f32
    %broadcast_in_dim3A_404 = vector.broadcast %jit3A_403 : f32 to vector<16xf32>
    %select_n3A_405 = arith.select %eq3A_402, %broadcast_in_dim3A_404, %select_n3A_361 : vector<16xi1>, vector<16xf32>
    %max3A_406 = arith.maximumf %select_n3A_377, %select_n3A_381 : vector<16xf32>
    %max3A_407 = arith.maximumf %select_n3A_385, %select_n3A_389 : vector<16xf32>
    %max3A_408 = arith.maximumf %max3A_406, %max3A_407 : vector<16xf32>
    %max3A_409 = arith.maximumf %select_n3A_393, %select_n3A_397 : vector<16xf32>
    %max3A_410 = arith.maximumf %select_n3A_401, %select_n3A_405 : vector<16xf32>
    %max3A_411 = arith.maximumf %max3A_409, %max3A_410 : vector<16xf32>
    %max3A_412 = arith.maximumf %max3A_408, %max3A_411 : vector<16xf32>
    %reduce_max3A_413 = arith.constant true
    %reduce_max3A_414 = vector.broadcast %reduce_max3A_413 : i1 to vector<16xi1>
    %reduce_max3A_415 = tpu.scan <max>, %max3A_412 masked %reduce_max3A_414 : vector<16xf32>, vector<16xi1> -> vector<16xf32>
    %reduce_max3A_416 = vector.extract %reduce_max3A_415[15] : f32 from vector<16xf32>
    %broadcast_in_dim3A_417 = vector.broadcast %reduce_max3A_416 : f32 to vector<16xf32>
    %eq3A_418 = arith.cmpf oeq, %select_n3A_377, %broadcast_in_dim3A_417 : vector<16xf32>
    %jit3A_419 = arith.constant 0xFF800000 : f32
    %broadcast_in_dim3A_420 = vector.broadcast %jit3A_419 : f32 to vector<16xf32>
    %select_n3A_421 = arith.select %eq3A_418, %broadcast_in_dim3A_420, %select_n3A_377 : vector<16xi1>, vector<16xf32>
    %eq3A_422 = arith.cmpf oeq, %select_n3A_381, %broadcast_in_dim3A_417 : vector<16xf32>
    %jit3A_423 = arith.constant 0xFF800000 : f32
    %broadcast_in_dim3A_424 = vector.broadcast %jit3A_423 : f32 to vector<16xf32>
    %select_n3A_425 = arith.select %eq3A_422, %broadcast_in_dim3A_424, %select_n3A_381 : vector<16xi1>, vector<16xf32>
    %eq3A_426 = arith.cmpf oeq, %select_n3A_385, %broadcast_in_dim3A_417 : vector<16xf32>
    %jit3A_427 = arith.constant 0xFF800000 : f32
    %broadcast_in_dim3A_428 = vector.broadcast %jit3A_427 : f32 to vector<16xf32>
    %select_n3A_429 = arith.select %eq3A_426, %broadcast_in_dim3A_428, %select_n3A_385 : vector<16xi1>, vector<16xf32>
    %eq3A_430 = arith.cmpf oeq, %select_n3A_389, %broadcast_in_dim3A_417 : vector<16xf32>
    %jit3A_431 = arith.constant 0xFF800000 : f32
    %broadcast_in_dim3A_432 = vector.broadcast %jit3A_431 : f32 to vector<16xf32>
    %select_n3A_433 = arith.select %eq3A_430, %broadcast_in_dim3A_432, %select_n3A_389 : vector<16xi1>, vector<16xf32>
    %eq3A_434 = arith.cmpf oeq, %select_n3A_393, %broadcast_in_dim3A_417 : vector<16xf32>
    %jit3A_435 = arith.constant 0xFF800000 : f32
    %broadcast_in_dim3A_436 = vector.broadcast %jit3A_435 : f32 to vector<16xf32>
    %select_n3A_437 = arith.select %eq3A_434, %broadcast_in_dim3A_436, %select_n3A_393 : vector<16xi1>, vector<16xf32>
    %eq3A_438 = arith.cmpf oeq, %select_n3A_397, %broadcast_in_dim3A_417 : vector<16xf32>
    %jit3A_439 = arith.constant 0xFF800000 : f32
    %broadcast_in_dim3A_440 = vector.broadcast %jit3A_439 : f32 to vector<16xf32>
    %select_n3A_441 = arith.select %eq3A_438, %broadcast_in_dim3A_440, %select_n3A_397 : vector<16xi1>, vector<16xf32>
    %eq3A_442 = arith.cmpf oeq, %select_n3A_401, %broadcast_in_dim3A_417 : vector<16xf32>
    %jit3A_443 = arith.constant 0xFF800000 : f32
    %broadcast_in_dim3A_444 = vector.broadcast %jit3A_443 : f32 to vector<16xf32>
    %select_n3A_445 = arith.select %eq3A_442, %broadcast_in_dim3A_444, %select_n3A_401 : vector<16xi1>, vector<16xf32>
    %eq3A_446 = arith.cmpf oeq, %select_n3A_405, %broadcast_in_dim3A_417 : vector<16xf32>
    %jit3A_447 = arith.constant 0xFF800000 : f32
    %broadcast_in_dim3A_448 = vector.broadcast %jit3A_447 : f32 to vector<16xf32>
    %select_n3A_449 = arith.select %eq3A_446, %broadcast_in_dim3A_448, %select_n3A_405 : vector<16xi1>, vector<16xf32>
    %max3A_450 = arith.maximumf %select_n3A_421, %select_n3A_425 : vector<16xf32>
    %max3A_451 = arith.maximumf %select_n3A_429, %select_n3A_433 : vector<16xf32>
    %max3A_452 = arith.maximumf %max3A_450, %max3A_451 : vector<16xf32>
    %max3A_453 = arith.maximumf %select_n3A_437, %select_n3A_441 : vector<16xf32>
    %max3A_454 = arith.maximumf %select_n3A_445, %select_n3A_449 : vector<16xf32>
    %max3A_455 = arith.maximumf %max3A_453, %max3A_454 : vector<16xf32>
    %max3A_456 = arith.maximumf %max3A_452, %max3A_455 : vector<16xf32>
    %reduce_max3A_457 = arith.constant true
    %reduce_max3A_458 = vector.broadcast %reduce_max3A_457 : i1 to vector<16xi1>
    %reduce_max3A_459 = tpu.scan <max>, %max3A_456 masked %reduce_max3A_458 : vector<16xf32>, vector<16xi1> -> vector<16xf32>
    %reduce_max3A_460 = vector.extract %reduce_max3A_459[15] : f32 from vector<16xf32>
    %broadcast_in_dim3A_461 = vector.broadcast %reduce_max3A_460 : f32 to vector<16xf32>
    %eq3A_462 = arith.cmpf oeq, %select_n3A_421, %broadcast_in_dim3A_461 : vector<16xf32>
    %jit3A_463 = arith.constant 0xFF800000 : f32
    %broadcast_in_dim3A_464 = vector.broadcast %jit3A_463 : f32 to vector<16xf32>
    %select_n3A_465 = arith.select %eq3A_462, %broadcast_in_dim3A_464, %select_n3A_421 : vector<16xi1>, vector<16xf32>
    %eq3A_466 = arith.cmpf oeq, %select_n3A_425, %broadcast_in_dim3A_461 : vector<16xf32>
    %jit3A_467 = arith.constant 0xFF800000 : f32
    %broadcast_in_dim3A_468 = vector.broadcast %jit3A_467 : f32 to vector<16xf32>
    %select_n3A_469 = arith.select %eq3A_466, %broadcast_in_dim3A_468, %select_n3A_425 : vector<16xi1>, vector<16xf32>
    %eq3A_470 = arith.cmpf oeq, %select_n3A_429, %broadcast_in_dim3A_461 : vector<16xf32>
    %jit3A_471 = arith.constant 0xFF800000 : f32
    %broadcast_in_dim3A_472 = vector.broadcast %jit3A_471 : f32 to vector<16xf32>
    %select_n3A_473 = arith.select %eq3A_470, %broadcast_in_dim3A_472, %select_n3A_429 : vector<16xi1>, vector<16xf32>
    %eq3A_474 = arith.cmpf oeq, %select_n3A_433, %broadcast_in_dim3A_461 : vector<16xf32>
    %jit3A_475 = arith.constant 0xFF800000 : f32
    %broadcast_in_dim3A_476 = vector.broadcast %jit3A_475 : f32 to vector<16xf32>
    %select_n3A_477 = arith.select %eq3A_474, %broadcast_in_dim3A_476, %select_n3A_433 : vector<16xi1>, vector<16xf32>
    %eq3A_478 = arith.cmpf oeq, %select_n3A_437, %broadcast_in_dim3A_461 : vector<16xf32>
    %jit3A_479 = arith.constant 0xFF800000 : f32
    %broadcast_in_dim3A_480 = vector.broadcast %jit3A_479 : f32 to vector<16xf32>
    %select_n3A_481 = arith.select %eq3A_478, %broadcast_in_dim3A_480, %select_n3A_437 : vector<16xi1>, vector<16xf32>
    %eq3A_482 = arith.cmpf oeq, %select_n3A_441, %broadcast_in_dim3A_461 : vector<16xf32>
    %jit3A_483 = arith.constant 0xFF800000 : f32
    %broadcast_in_dim3A_484 = vector.broadcast %jit3A_483 : f32 to vector<16xf32>
    %select_n3A_485 = arith.select %eq3A_482, %broadcast_in_dim3A_484, %select_n3A_441 : vector<16xi1>, vector<16xf32>
    %eq3A_486 = arith.cmpf oeq, %select_n3A_445, %broadcast_in_dim3A_461 : vector<16xf32>
    %jit3A_487 = arith.constant 0xFF800000 : f32
    %broadcast_in_dim3A_488 = vector.broadcast %jit3A_487 : f32 to vector<16xf32>
    %select_n3A_489 = arith.select %eq3A_486, %broadcast_in_dim3A_488, %select_n3A_445 : vector<16xi1>, vector<16xf32>
    %eq3A_490 = arith.cmpf oeq, %select_n3A_449, %broadcast_in_dim3A_461 : vector<16xf32>
    %jit3A_491 = arith.constant 0xFF800000 : f32
    %broadcast_in_dim3A_492 = vector.broadcast %jit3A_491 : f32 to vector<16xf32>
    %select_n3A_493 = arith.select %eq3A_490, %broadcast_in_dim3A_492, %select_n3A_449 : vector<16xi1>, vector<16xf32>
    %max3A_494 = arith.maximumf %select_n3A_465, %select_n3A_469 : vector<16xf32>
    %max3A_495 = arith.maximumf %select_n3A_473, %select_n3A_477 : vector<16xf32>
    %max3A_496 = arith.maximumf %max3A_494, %max3A_495 : vector<16xf32>
    %max3A_497 = arith.maximumf %select_n3A_481, %select_n3A_485 : vector<16xf32>
    %max3A_498 = arith.maximumf %select_n3A_489, %select_n3A_493 : vector<16xf32>
    %max3A_499 = arith.maximumf %max3A_497, %max3A_498 : vector<16xf32>
    %max3A_500 = arith.maximumf %max3A_496, %max3A_499 : vector<16xf32>
    %reduce_max3A_501 = arith.constant true
    %reduce_max3A_502 = vector.broadcast %reduce_max3A_501 : i1 to vector<16xi1>
    %reduce_max3A_503 = tpu.scan <max>, %max3A_500 masked %reduce_max3A_502 : vector<16xf32>, vector<16xi1> -> vector<16xf32>
    %reduce_max3A_504 = vector.extract %reduce_max3A_503[15] : f32 from vector<16xf32>
    %broadcast_in_dim3A_505 = vector.broadcast %reduce_max3A_504 : f32 to vector<16xf32>
    %eq3A_506 = arith.cmpf oeq, %select_n3A_465, %broadcast_in_dim3A_505 : vector<16xf32>
    %jit3A_507 = arith.constant 0xFF800000 : f32
    %broadcast_in_dim3A_508 = vector.broadcast %jit3A_507 : f32 to vector<16xf32>
    %select_n3A_509 = arith.select %eq3A_506, %broadcast_in_dim3A_508, %select_n3A_465 : vector<16xi1>, vector<16xf32>
    %eq3A_510 = arith.cmpf oeq, %select_n3A_469, %broadcast_in_dim3A_505 : vector<16xf32>
    %jit3A_511 = arith.constant 0xFF800000 : f32
    %broadcast_in_dim3A_512 = vector.broadcast %jit3A_511 : f32 to vector<16xf32>
    %select_n3A_513 = arith.select %eq3A_510, %broadcast_in_dim3A_512, %select_n3A_469 : vector<16xi1>, vector<16xf32>
    %eq3A_514 = arith.cmpf oeq, %select_n3A_473, %broadcast_in_dim3A_505 : vector<16xf32>
    %jit3A_515 = arith.constant 0xFF800000 : f32
    %broadcast_in_dim3A_516 = vector.broadcast %jit3A_515 : f32 to vector<16xf32>
    %select_n3A_517 = arith.select %eq3A_514, %broadcast_in_dim3A_516, %select_n3A_473 : vector<16xi1>, vector<16xf32>
    %eq3A_518 = arith.cmpf oeq, %select_n3A_477, %broadcast_in_dim3A_505 : vector<16xf32>
    %jit3A_519 = arith.constant 0xFF800000 : f32
    %broadcast_in_dim3A_520 = vector.broadcast %jit3A_519 : f32 to vector<16xf32>
    %select_n3A_521 = arith.select %eq3A_518, %broadcast_in_dim3A_520, %select_n3A_477 : vector<16xi1>, vector<16xf32>
    %eq3A_522 = arith.cmpf oeq, %select_n3A_481, %broadcast_in_dim3A_505 : vector<16xf32>
    %jit3A_523 = arith.constant 0xFF800000 : f32
    %broadcast_in_dim3A_524 = vector.broadcast %jit3A_523 : f32 to vector<16xf32>
    %select_n3A_525 = arith.select %eq3A_522, %broadcast_in_dim3A_524, %select_n3A_481 : vector<16xi1>, vector<16xf32>
    %eq3A_526 = arith.cmpf oeq, %select_n3A_485, %broadcast_in_dim3A_505 : vector<16xf32>
    %jit3A_527 = arith.constant 0xFF800000 : f32
    %broadcast_in_dim3A_528 = vector.broadcast %jit3A_527 : f32 to vector<16xf32>
    %select_n3A_529 = arith.select %eq3A_526, %broadcast_in_dim3A_528, %select_n3A_485 : vector<16xi1>, vector<16xf32>
    %eq3A_530 = arith.cmpf oeq, %select_n3A_489, %broadcast_in_dim3A_505 : vector<16xf32>
    %jit3A_531 = arith.constant 0xFF800000 : f32
    %broadcast_in_dim3A_532 = vector.broadcast %jit3A_531 : f32 to vector<16xf32>
    %select_n3A_533 = arith.select %eq3A_530, %broadcast_in_dim3A_532, %select_n3A_489 : vector<16xi1>, vector<16xf32>
    %eq3A_534 = arith.cmpf oeq, %select_n3A_493, %broadcast_in_dim3A_505 : vector<16xf32>
    %jit3A_535 = arith.constant 0xFF800000 : f32
    %broadcast_in_dim3A_536 = vector.broadcast %jit3A_535 : f32 to vector<16xf32>
    %select_n3A_537 = arith.select %eq3A_534, %broadcast_in_dim3A_536, %select_n3A_493 : vector<16xi1>, vector<16xf32>
    %max3A_538 = arith.maximumf %select_n3A_509, %select_n3A_513 : vector<16xf32>
    %max3A_539 = arith.maximumf %select_n3A_517, %select_n3A_521 : vector<16xf32>
    %max3A_540 = arith.maximumf %max3A_538, %max3A_539 : vector<16xf32>
    %max3A_541 = arith.maximumf %select_n3A_525, %select_n3A_529 : vector<16xf32>
    %max3A_542 = arith.maximumf %select_n3A_533, %select_n3A_537 : vector<16xf32>
    %max3A_543 = arith.maximumf %max3A_541, %max3A_542 : vector<16xf32>
    %max3A_544 = arith.maximumf %max3A_540, %max3A_543 : vector<16xf32>
    %reduce_max3A_545 = arith.constant true
    %reduce_max3A_546 = vector.broadcast %reduce_max3A_545 : i1 to vector<16xi1>
    %reduce_max3A_547 = tpu.scan <max>, %max3A_544 masked %reduce_max3A_546 : vector<16xf32>, vector<16xi1> -> vector<16xf32>
    %reduce_max3A_548 = vector.extract %reduce_max3A_547[15] : f32 from vector<16xf32>
    %broadcast_in_dim3A_549 = vector.broadcast %reduce_max3A_548 : f32 to vector<16xf32>
    %eq3A_550 = arith.cmpf oeq, %select_n3A_509, %broadcast_in_dim3A_549 : vector<16xf32>
    %jit3A_551 = arith.constant 0xFF800000 : f32
    %broadcast_in_dim3A_552 = vector.broadcast %jit3A_551 : f32 to vector<16xf32>
    %select_n3A_553 = arith.select %eq3A_550, %broadcast_in_dim3A_552, %select_n3A_509 : vector<16xi1>, vector<16xf32>
    %eq3A_554 = arith.cmpf oeq, %select_n3A_513, %broadcast_in_dim3A_549 : vector<16xf32>
    %jit3A_555 = arith.constant 0xFF800000 : f32
    %broadcast_in_dim3A_556 = vector.broadcast %jit3A_555 : f32 to vector<16xf32>
    %select_n3A_557 = arith.select %eq3A_554, %broadcast_in_dim3A_556, %select_n3A_513 : vector<16xi1>, vector<16xf32>
    %eq3A_558 = arith.cmpf oeq, %select_n3A_517, %broadcast_in_dim3A_549 : vector<16xf32>
    %jit3A_559 = arith.constant 0xFF800000 : f32
    %broadcast_in_dim3A_560 = vector.broadcast %jit3A_559 : f32 to vector<16xf32>
    %select_n3A_561 = arith.select %eq3A_558, %broadcast_in_dim3A_560, %select_n3A_517 : vector<16xi1>, vector<16xf32>
    %eq3A_562 = arith.cmpf oeq, %select_n3A_521, %broadcast_in_dim3A_549 : vector<16xf32>
    %jit3A_563 = arith.constant 0xFF800000 : f32
    %broadcast_in_dim3A_564 = vector.broadcast %jit3A_563 : f32 to vector<16xf32>
    %select_n3A_565 = arith.select %eq3A_562, %broadcast_in_dim3A_564, %select_n3A_521 : vector<16xi1>, vector<16xf32>
    %eq3A_566 = arith.cmpf oeq, %select_n3A_525, %broadcast_in_dim3A_549 : vector<16xf32>
    %jit3A_567 = arith.constant 0xFF800000 : f32
    %broadcast_in_dim3A_568 = vector.broadcast %jit3A_567 : f32 to vector<16xf32>
    %select_n3A_569 = arith.select %eq3A_566, %broadcast_in_dim3A_568, %select_n3A_525 : vector<16xi1>, vector<16xf32>
    %eq3A_570 = arith.cmpf oeq, %select_n3A_529, %broadcast_in_dim3A_549 : vector<16xf32>
    %jit3A_571 = arith.constant 0xFF800000 : f32
    %broadcast_in_dim3A_572 = vector.broadcast %jit3A_571 : f32 to vector<16xf32>
    %select_n3A_573 = arith.select %eq3A_570, %broadcast_in_dim3A_572, %select_n3A_529 : vector<16xi1>, vector<16xf32>
    %eq3A_574 = arith.cmpf oeq, %select_n3A_533, %broadcast_in_dim3A_549 : vector<16xf32>
    %jit3A_575 = arith.constant 0xFF800000 : f32
    %broadcast_in_dim3A_576 = vector.broadcast %jit3A_575 : f32 to vector<16xf32>
    %select_n3A_577 = arith.select %eq3A_574, %broadcast_in_dim3A_576, %select_n3A_533 : vector<16xi1>, vector<16xf32>
    %eq3A_578 = arith.cmpf oeq, %select_n3A_537, %broadcast_in_dim3A_549 : vector<16xf32>
    %jit3A_579 = arith.constant 0xFF800000 : f32
    %broadcast_in_dim3A_580 = vector.broadcast %jit3A_579 : f32 to vector<16xf32>
    %select_n3A_581 = arith.select %eq3A_578, %broadcast_in_dim3A_580, %select_n3A_537 : vector<16xi1>, vector<16xf32>
    %eq3A_582 = arith.constant 0 : i32
    %eq3A_583 = vector.broadcast %eq3A_582 : i32 to vector<16xi32>
    %eq3A_584 = arith.cmpi eq, %iota3A, %eq3A_583 : vector<16xi32>
    %lt3A = arith.constant 8 : i32
    %lt3A_585 = vector.broadcast %lt3A : i32 to vector<16xi32>
    %lt3A_586 = arith.cmpi slt, %iota3A, %lt3A_585 : vector<16xi32>
    %get3A_587 = arith.constant 0 : index
    %get3A_588 = tpu.vector_load %arg14[%get3A_587] {strides = array<i32>} : memref<16xi32, #tpu.memory_space<vmem>>, vector<16xi32>,
    %gt3A_589 = arith.constant 0 : i32
    %gt3A_590 = vector.broadcast %gt3A_589 : i32 to vector<16xi32>
    %gt3A_591 = arith.cmpi sgt, %get3A_588, %gt3A_590 : vector<16xi32>
    %and3A = arith.andi %gt3A_591, %lt3A_586 : vector<16xi1>
    %get3A_592 = arith.constant 0 : index
    %get3A_593 = tpu.vector_load %arg13[%get3A_592] {strides = array<i32>} : memref<16xf32, #tpu.memory_space<vmem>>, vector<16xf32>,
    %jit3A_594 = arith.constant 0xFF800000 : f32
    %broadcast_in_dim3A_595 = vector.broadcast %jit3A_594 : f32 to vector<16xf32>
    %select_n3A_596 = arith.select %and3A, %get3A_593, %broadcast_in_dim3A_595 : vector<16xi1>, vector<16xf32>
    %mul3A_597 = arith.constant 32768 : i32
    %mul3A_598 = vector.broadcast %mul3A_597 : i32 to vector<16xi32>
    %mul3A_599 = arith.muli %iota3A, %mul3A_598 : vector<16xi32>
    %add3A_600 = arith.constant 2 : i32
    %add3A_601 = vector.broadcast %add3A_600 : i32 to vector<16xi32>
    %add3A_602 = arith.addi %mul3A_599, %add3A_601 : vector<16xi32>
    %jit3A_603 = arith.constant 0 : i32
    %broadcast_in_dim3A_604 = vector.broadcast %jit3A_603 : i32 to vector<16xi32>
    %select_n3A_605 = arith.select %lt3A_586, %add3A_602, %broadcast_in_dim3A_604 : vector<16xi1>, vector<16xi32>
    %swap3A_606 = arith.constant 0 : index
    %swap3A_607 = tpu.vector_load %arg20[%swap3A_606] {strides = array<i32>} : memref<128xf32, #tpu.memory_space<vmem>>, vector<16xf32>,
    tpu.vector_store %arg20[%swap3A_606], %select_n3A_596 {strides = array<i32>} : memref<128xf32, #tpu.memory_space<vmem>>, vector<16xf32>,
    %swap3A_608 = arith.constant 0 : index
    %swap3A_609 = tpu.vector_load %arg21[%swap3A_608] {strides = array<i32>} : memref<128xi32, #tpu.memory_space<vmem>>, vector<16xi32>,
    tpu.vector_store %arg21[%swap3A_608], %select_n3A_605 {strides = array<i32>} : memref<128xi32, #tpu.memory_space<vmem>>, vector<16xi32>,
    %broadcast_in_dim3A_610 = arith.constant 0xFF800000 : f32
    %broadcast_in_dim3A_611 = vector.broadcast %broadcast_in_dim3A_610 : f32 to vector<16xf32>
    %swap3A_612 = arith.constant 16 : index
    %swap3A_613 = tpu.vector_load %arg20[%swap3A_612] {strides = array<i32>} : memref<128xf32, #tpu.memory_space<vmem>>, vector<16xf32>,
    tpu.vector_store %arg20[%swap3A_612], %broadcast_in_dim3A_611 {strides = array<i32>} : memref<128xf32, #tpu.memory_space<vmem>>, vector<16xf32>,
    %broadcast_in_dim3A_614 = arith.constant 0 : i32
    %broadcast_in_dim3A_615 = vector.broadcast %broadcast_in_dim3A_614 : i32 to vector<16xi32>
    %swap3A_616 = arith.constant 16 : index
    %swap3A_617 = tpu.vector_load %arg21[%swap3A_616] {strides = array<i32>} : memref<128xi32, #tpu.memory_space<vmem>>, vector<16xi32>,
    tpu.vector_store %arg21[%swap3A_616], %broadcast_in_dim3A_615 {strides = array<i32>} : memref<128xi32, #tpu.memory_space<vmem>>, vector<16xi32>,
    %broadcast_in_dim3A_618 = arith.constant 0xFF800000 : f32
    %broadcast_in_dim3A_619 = vector.broadcast %broadcast_in_dim3A_618 : f32 to vector<16xf32>
    %swap3A_620 = arith.constant 32 : index
    %swap3A_621 = tpu.vector_load %arg20[%swap3A_620] {strides = array<i32>} : memref<128xf32, #tpu.memory_space<vmem>>, vector<16xf32>,
    tpu.vector_store %arg20[%swap3A_620], %broadcast_in_dim3A_619 {strides = array<i32>} : memref<128xf32, #tpu.memory_space<vmem>>, vector<16xf32>,
    %broadcast_in_dim3A_622 = arith.constant 0 : i32
    %broadcast_in_dim3A_623 = vector.broadcast %broadcast_in_dim3A_622 : i32 to vector<16xi32>
    %swap3A_624 = arith.constant 32 : index
    %swap3A_625 = tpu.vector_load %arg21[%swap3A_624] {strides = array<i32>} : memref<128xi32, #tpu.memory_space<vmem>>, vector<16xi32>,
    tpu.vector_store %arg21[%swap3A_624], %broadcast_in_dim3A_623 {strides = array<i32>} : memref<128xi32, #tpu.memory_space<vmem>>, vector<16xi32>,
    %broadcast_in_dim3A_626 = arith.constant 0xFF800000 : f32
    %broadcast_in_dim3A_627 = vector.broadcast %broadcast_in_dim3A_626 : f32 to vector<16xf32>
    %swap3A_628 = arith.constant 48 : index
    %swap3A_629 = tpu.vector_load %arg20[%swap3A_628] {strides = array<i32>} : memref<128xf32, #tpu.memory_space<vmem>>, vector<16xf32>,
    tpu.vector_store %arg20[%swap3A_628], %broadcast_in_dim3A_627 {strides = array<i32>} : memref<128xf32, #tpu.memory_space<vmem>>, vector<16xf32>,
    %broadcast_in_dim3A_630 = arith.constant 0 : i32
    %broadcast_in_dim3A_631 = vector.broadcast %broadcast_in_dim3A_630 : i32 to vector<16xi32>
    %swap3A_632 = arith.constant 48 : index
    %swap3A_633 = tpu.vector_load %arg21[%swap3A_632] {strides = array<i32>} : memref<128xi32, #tpu.memory_space<vmem>>, vector<16xi32>,
    tpu.vector_store %arg21[%swap3A_632], %broadcast_in_dim3A_631 {strides = array<i32>} : memref<128xi32, #tpu.memory_space<vmem>>, vector<16xi32>,
    %broadcast_in_dim3A_634 = arith.constant 0xFF800000 : f32
    %broadcast_in_dim3A_635 = vector.broadcast %broadcast_in_dim3A_634 : f32 to vector<16xf32>
    %swap3A_636 = arith.constant 64 : index
    %swap3A_637 = tpu.vector_load %arg20[%swap3A_636] {strides = array<i32>} : memref<128xf32, #tpu.memory_space<vmem>>, vector<16xf32>,
    tpu.vector_store %arg20[%swap3A_636], %broadcast_in_dim3A_635 {strides = array<i32>} : memref<128xf32, #tpu.memory_space<vmem>>, vector<16xf32>,
    %broadcast_in_dim3A_638 = arith.constant 0 : i32
    %broadcast_in_dim3A_639 = vector.broadcast %broadcast_in_dim3A_638 : i32 to vector<16xi32>
    %swap3A_640 = arith.constant 64 : index
    %swap3A_641 = tpu.vector_load %arg21[%swap3A_640] {strides = array<i32>} : memref<128xi32, #tpu.memory_space<vmem>>, vector<16xi32>,
    tpu.vector_store %arg21[%swap3A_640], %broadcast_in_dim3A_639 {strides = array<i32>} : memref<128xi32, #tpu.memory_space<vmem>>, vector<16xi32>,
    %broadcast_in_dim3A_642 = arith.constant 0xFF800000 : f32
    %broadcast_in_dim3A_643 = vector.broadcast %broadcast_in_dim3A_642 : f32 to vector<16xf32>
    %swap3A_644 = arith.constant 80 : index
    %swap3A_645 = tpu.vector_load %arg20[%swap3A_644] {strides = array<i32>} : memref<128xf32, #tpu.memory_space<vmem>>, vector<16xf32>,
    tpu.vector_store %arg20[%swap3A_644], %broadcast_in_dim3A_643 {strides = array<i32>} : memref<128xf32, #tpu.memory_space<vmem>>, vector<16xf32>,
    %broadcast_in_dim3A_646 = arith.constant 0 : i32
    %broadcast_in_dim3A_647 = vector.broadcast %broadcast_in_dim3A_646 : i32 to vector<16xi32>
    %swap3A_648 = arith.constant 80 : index
    %swap3A_649 = tpu.vector_load %arg21[%swap3A_648] {strides = array<i32>} : memref<128xi32, #tpu.memory_space<vmem>>, vector<16xi32>,
    tpu.vector_store %arg21[%swap3A_648], %broadcast_in_dim3A_647 {strides = array<i32>} : memref<128xi32, #tpu.memory_space<vmem>>, vector<16xi32>,
    %broadcast_in_dim3A_650 = arith.constant 0xFF800000 : f32
    %broadcast_in_dim3A_651 = vector.broadcast %broadcast_in_dim3A_650 : f32 to vector<16xf32>
    %swap3A_652 = arith.constant 96 : index
    %swap3A_653 = tpu.vector_load %arg20[%swap3A_652] {strides = array<i32>} : memref<128xf32, #tpu.memory_space<vmem>>, vector<16xf32>,
    tpu.vector_store %arg20[%swap3A_652], %broadcast_in_dim3A_651 {strides = array<i32>} : memref<128xf32, #tpu.memory_space<vmem>>, vector<16xf32>,
    %broadcast_in_dim3A_654 = arith.constant 0 : i32
    %broadcast_in_dim3A_655 = vector.broadcast %broadcast_in_dim3A_654 : i32 to vector<16xi32>
    %swap3A_656 = arith.constant 96 : index
    %swap3A_657 = tpu.vector_load %arg21[%swap3A_656] {strides = array<i32>} : memref<128xi32, #tpu.memory_space<vmem>>, vector<16xi32>,
    tpu.vector_store %arg21[%swap3A_656], %broadcast_in_dim3A_655 {strides = array<i32>} : memref<128xi32, #tpu.memory_space<vmem>>, vector<16xi32>,
    %broadcast_in_dim3A_658 = arith.constant 0xFF800000 : f32
    %broadcast_in_dim3A_659 = vector.broadcast %broadcast_in_dim3A_658 : f32 to vector<16xf32>
    %swap3A_660 = arith.constant 112 : index
    %swap3A_661 = tpu.vector_load %arg20[%swap3A_660] {strides = array<i32>} : memref<128xf32, #tpu.memory_space<vmem>>, vector<16xf32>,
    tpu.vector_store %arg20[%swap3A_660], %broadcast_in_dim3A_659 {strides = array<i32>} : memref<128xf32, #tpu.memory_space<vmem>>, vector<16xf32>,
    %broadcast_in_dim3A_662 = arith.constant 0 : i32
    %broadcast_in_dim3A_663 = vector.broadcast %broadcast_in_dim3A_662 : i32 to vector<16xi32>
    %swap3A_664 = arith.constant 112 : index
    %swap3A_665 = tpu.vector_load %arg21[%swap3A_664] {strides = array<i32>} : memref<128xi32, #tpu.memory_space<vmem>>, vector<16xi32>,
    tpu.vector_store %arg21[%swap3A_664], %broadcast_in_dim3A_663 {strides = array<i32>} : memref<128xi32, #tpu.memory_space<vmem>>, vector<16xi32>,
    %scan3A_666 = arith.constant 0 : i32
    %scan3A_667 = arith.constant 0 : i32
    %scan3A_668 = arith.constant 8 : i32
    %scan3A_669 = arith.addi %scan3A_667, %scan3A_668 : i32
    %scan3A_670 = arith.constant 1 : i32
    %scan3A_671 = scf.for %scan3A_1608 = %scan3A_667 to %scan3A_669 step %scan3A_670 iter_args(%scan3A_1609 = %scan3A_666) -> (i32)  : i32 {
      %broadcast_in_dim3A_1610 = vector.broadcast %scan3A_1608 : i32 to vector<16xi32>
      %broadcast_in_dim3A_1611 = vector.shape_cast %broadcast_in_dim3A_1610 : vector<16xi32> to vector<16x1xi32>
      %gather3A_1612 = vector.shape_cast %broadcast_in_dim3A_1611 : vector<16x1xi32> to vector<16xi32>
      %gather3A_1613 = tpu.dynamic_gather %get3A_66[%gather3A_1612] in [0] : vector<16xf32>, vector<16xi32> -> vector<16xf32>
      %broadcast_in_dim3A_1614 = vector.shape_cast %broadcast_in_dim3A_1610 : vector<16xi32> to vector<16x1xi32>
      %gather3A_1615 = vector.shape_cast %broadcast_in_dim3A_1614 : vector<16x1xi32> to vector<16xi32>
      %gather3A_1616 = tpu.dynamic_gather %get3A_68[%gather3A_1615] in [0] : vector<16xi32>, vector<16xi32> -> vector<16xi32>
      %gt3A_1617 = arith.constant 0 : i32
      %gt3A_1618 = vector.broadcast %gt3A_1617 : i32 to vector<16xi32>
      %gt3A_1619 = arith.cmpi sgt, %gather3A_1616, %gt3A_1618 : vector<16xi32>
      %abs3A = math.absf %broadcast_in_dim3A_549 : vector<16xf32>
      %abs3A_1620 = math.absf %gather3A_1613 : vector<16xf32>
      %add3A_1621 = arith.addf %abs3A, %abs3A_1620 : vector<16xf32>
      %add3A_1622 = arith.constant 1.000000e+00 : f32
      %add3A_1623 = vector.broadcast %add3A_1622 : f32 to vector<16xf32>
      %add3A_1624 = arith.addf %add3A_1621, %add3A_1623 : vector<16xf32>
      %mul3A_1625 = arith.constant 9.99999974E-6 : f32
      %mul3A_1626 = vector.broadcast %mul3A_1625 : f32 to vector<16xf32>
      %mul3A_1627 = arith.mulf %add3A_1624, %mul3A_1626 : vector<16xf32>
      %sub3A = arith.subf %broadcast_in_dim3A_549, %gather3A_1613 : vector<16xf32>
      %sub3A_1628 = arith.subf %sub3A, %mul3A_1627 : vector<16xf32>
      %jit3A_1629 = arith.constant 0x7F800000 : f32
      %broadcast_in_dim3A_1630 = vector.broadcast %jit3A_1629 : f32 to vector<16xf32>
      %select_n3A_1631 = arith.select %gt3A_1619, %broadcast_in_dim3A_1630, %sub3A_1628 : vector<16xi1>, vector<16xf32>
      %mul3A_1632 = arith.constant 32768 : i32
      %mul3A_1633 = arith.muli %scan3A_1608, %mul3A_1632 : i32
      %broadcast_in_dim3A_1634 = vector.broadcast %mul3A_1633 : i32 to vector<16xi32>
      %add3A_1635 = arith.addi %broadcast_in_dim3A_1634, %iota3A : vector<16xi32>
      %mul3A_1636 = arith.constant 2 : i32
      %mul3A_1637 = arith.muli %scan3A_1608, %mul3A_1636 : i32
      %add3A_1638 = arith.constant 0 : i32
      %add3A_1639 = arith.addi %mul3A_1637, %add3A_1638 : i32
      %add3A_1640 = arith.constant 1 : i32
      %add3A_1641 = arith.addi %add3A_1639, %add3A_1640 : i32
      %ge3A_1642 = arith.constant 16 : i32
      %ge3A_1643 = arith.cmpi sge, %add3A_1641, %ge3A_1642 : i32
      %add3A_1644 = arith.constant 1 : i32
      %add3A_1645 = arith.addi %add3A_1639, %add3A_1644 : i32
      %mul3A_1646 = arith.constant 16384 : i32
      %mul3A_1647 = arith.muli %add3A_1645, %mul3A_1646 : i32
      %add3A_1648 = arith.addi %mul3A_2, %mul3A_1647 : i32
      %select_n3A_1649 = arith.select %ge3A_1643, %mul3A_2, %add3A_1648 : i32
      %multiple_of3A_1650 = tpu.assume_multiple %select_n3A_1649, 8 : i32
      %dma_start3A_1651 = tpu.memref_slice %arg2[%multiple_of3A_1650] : memref<8388608xf32, #tpu.memory_space<hbm>> -> memref<16384xf32, #tpu.memory_space<hbm>>
      %dma_start3A_1652 = tpu.memref_slice %arg2[%multiple_of3A_1650] : memref<8388608xf32, #tpu.memory_space<hbm>> -> memref<16384xf32, #tpu.memory_space<hbm>>
      tpu.enqueue_dma source(%dma_start3A_1652 : memref<16384xf32, #tpu.memory_space<hbm>>) target(%arg12 : memref<16384xf32, #tpu.memory_space<vmem>>) target_semaphore(%arg23 : memref<!tpu.dma_semaphore, #tpu.memory_space<semaphore_mem>>)
      %dma_wait3A_1653 = arith.constant 0 : i32
      %dma_wait3A_1654 = tpu.memref_slice %arg2[%dma_wait3A_1653] : memref<8388608xf32, #tpu.memory_space<hbm>> -> memref<16384xf32, #tpu.memory_space<hbm>>
      %dma_wait3A_1655 = arith.constant 0 : i32
      %dma_wait3A_1656 = tpu.memref_slice %arg2[%dma_wait3A_1655] : memref<8388608xf32, #tpu.memory_space<hbm>> -> memref<16384xf32, #tpu.memory_space<hbm>>
      tpu.wait_dma2 semaphore(%arg22 : memref<!tpu.dma_semaphore, #tpu.memory_space<semaphore_mem>>) src(%dma_wait3A_1656 : memref<16384xf32, #tpu.memory_space<hbm>>) dst(%arg11 : memref<16384xf32, #tpu.memory_space<vmem>>)
      %broadcast_in_dim3A_1657 = arith.constant 0 : i32
      %broadcast_in_dim3A_1658 = vector.broadcast %broadcast_in_dim3A_1657 : i32 to vector<16xi32>
      %add3A_1659 = arith.addi %add3A_1635, %broadcast_in_dim3A_1658 : vector<16xi32>
      %scan3A_1660 = arith.constant 0 : i32
      %scan3A_1661 = arith.constant 0 : i32
      %scan3A_1662 = arith.constant 64 : i32
      %scan3A_1663 = arith.addi %scan3A_1661, %scan3A_1662 : i32
      %scan3A_1664 = arith.constant 1 : i32
      %scan3A_1665 = scf.for %scan3A_1699 = %scan3A_1661 to %scan3A_1663 step %scan3A_1664 iter_args(%scan3A_1700 = %scan3A_1660) -> (i32)  : i32 {
        %mul3A_1701 = arith.constant 256 : i32
        %mul3A_1702 = arith.muli %scan3A_1699, %mul3A_1701 : i32
        %add3A_1703 = arith.constant 0 : i32
        %add3A_1704 = arith.addi %mul3A_1702, %add3A_1703 : i32
        %get3A_1705 = arith.index_cast %add3A_1704 : i32 to index
        %get3A_1706 = tpu.vector_load %arg11[%get3A_1705] {strides = array<i32>} : memref<16384xf32, #tpu.memory_space<vmem>>, vector<16xf32>,
        %add3A_1707 = arith.constant 16 : i32
        %add3A_1708 = arith.addi %mul3A_1702, %add3A_1707 : i32
        %get3A_1709 = arith.index_cast %add3A_1708 : i32 to index
        %get3A_1710 = tpu.vector_load %arg11[%get3A_1709] {strides = array<i32>} : memref<16384xf32, #tpu.memory_space<vmem>>, vector<16xf32>,
        %add3A_1711 = arith.constant 32 : i32
        %add3A_1712 = arith.addi %mul3A_1702, %add3A_1711 : i32
        %get3A_1713 = arith.index_cast %add3A_1712 : i32 to index
        %get3A_1714 = tpu.vector_load %arg11[%get3A_1713] {strides = array<i32>} : memref<16384xf32, #tpu.memory_space<vmem>>, vector<16xf32>,
        %add3A_1715 = arith.constant 48 : i32
        %add3A_1716 = arith.addi %mul3A_1702, %add3A_1715 : i32
        %get3A_1717 = arith.index_cast %add3A_1716 : i32 to index
        %get3A_1718 = tpu.vector_load %arg11[%get3A_1717] {strides = array<i32>} : memref<16384xf32, #tpu.memory_space<vmem>>, vector<16xf32>,
        %add3A_1719 = arith.constant 64 : i32
        %add3A_1720 = arith.addi %mul3A_1702, %add3A_1719 : i32
        %get3A_1721 = arith.index_cast %add3A_1720 : i32 to index
        %get3A_1722 = tpu.vector_load %arg11[%get3A_1721] {strides = array<i32>} : memref<16384xf32, #tpu.memory_space<vmem>>, vector<16xf32>,
        %add3A_1723 = arith.constant 80 : i32
        %add3A_1724 = arith.addi %mul3A_1702, %add3A_1723 : i32
        %get3A_1725 = arith.index_cast %add3A_1724 : i32 to index
        %get3A_1726 = tpu.vector_load %arg11[%get3A_1725] {strides = array<i32>} : memref<16384xf32, #tpu.memory_space<vmem>>, vector<16xf32>,
        %add3A_1727 = arith.constant 96 : i32
        %add3A_1728 = arith.addi %mul3A_1702, %add3A_1727 : i32
        %get3A_1729 = arith.index_cast %add3A_1728 : i32 to index
        %get3A_1730 = tpu.vector_load %arg11[%get3A_1729] {strides = array<i32>} : memref<16384xf32, #tpu.memory_space<vmem>>, vector<16xf32>,
        %add3A_1731 = arith.constant 112 : i32
        %add3A_1732 = arith.addi %mul3A_1702, %add3A_1731 : i32
        %get3A_1733 = arith.index_cast %add3A_1732 : i32 to index
        %get3A_1734 = tpu.vector_load %arg11[%get3A_1733] {strides = array<i32>} : memref<16384xf32, #tpu.memory_space<vmem>>, vector<16xf32>,
        %add3A_1735 = arith.constant 128 : i32
        %add3A_1736 = arith.addi %mul3A_1702, %add3A_1735 : i32
        %get3A_1737 = arith.index_cast %add3A_1736 : i32 to index
        %get3A_1738 = tpu.vector_load %arg11[%get3A_1737] {strides = array<i32>} : memref<16384xf32, #tpu.memory_space<vmem>>, vector<16xf32>,
        %add3A_1739 = arith.constant 144 : i32
        %add3A_1740 = arith.addi %mul3A_1702, %add3A_1739 : i32
        %get3A_1741 = arith.index_cast %add3A_1740 : i32 to index
        %get3A_1742 = tpu.vector_load %arg11[%get3A_1741] {strides = array<i32>} : memref<16384xf32, #tpu.memory_space<vmem>>, vector<16xf32>,
        %add3A_1743 = arith.constant 160 : i32
        %add3A_1744 = arith.addi %mul3A_1702, %add3A_1743 : i32
        %get3A_1745 = arith.index_cast %add3A_1744 : i32 to index
        %get3A_1746 = tpu.vector_load %arg11[%get3A_1745] {strides = array<i32>} : memref<16384xf32, #tpu.memory_space<vmem>>, vector<16xf32>,
        %add3A_1747 = arith.constant 176 : i32
        %add3A_1748 = arith.addi %mul3A_1702, %add3A_1747 : i32
        %get3A_1749 = arith.index_cast %add3A_1748 : i32 to index
        %get3A_1750 = tpu.vector_load %arg11[%get3A_1749] {strides = array<i32>} : memref<16384xf32, #tpu.memory_space<vmem>>, vector<16xf32>,
        %add3A_1751 = arith.constant 192 : i32
        %add3A_1752 = arith.addi %mul3A_1702, %add3A_1751 : i32
        %get3A_1753 = arith.index_cast %add3A_1752 : i32 to index
        %get3A_1754 = tpu.vector_load %arg11[%get3A_1753] {strides = array<i32>} : memref<16384xf32, #tpu.memory_space<vmem>>, vector<16xf32>,
        %add3A_1755 = arith.constant 208 : i32
        %add3A_1756 = arith.addi %mul3A_1702, %add3A_1755 : i32
        %get3A_1757 = arith.index_cast %add3A_1756 : i32 to index
        %get3A_1758 = tpu.vector_load %arg11[%get3A_1757] {strides = array<i32>} : memref<16384xf32, #tpu.memory_space<vmem>>, vector<16xf32>,
        %add3A_1759 = arith.constant 224 : i32
        %add3A_1760 = arith.addi %mul3A_1702, %add3A_1759 : i32
        %get3A_1761 = arith.index_cast %add3A_1760 : i32 to index
        %get3A_1762 = tpu.vector_load %arg11[%get3A_1761] {strides = array<i32>} : memref<16384xf32, #tpu.memory_space<vmem>>, vector<16xf32>,
        %add3A_1763 = arith.constant 240 : i32
        %add3A_1764 = arith.addi %mul3A_1702, %add3A_1763 : i32
        %get3A_1765 = arith.index_cast %add3A_1764 : i32 to index
        %get3A_1766 = tpu.vector_load %arg11[%get3A_1765] {strides = array<i32>} : memref<16384xf32, #tpu.memory_space<vmem>>, vector<16xf32>,
        %max3A_1767 = arith.maximumf %get3A_1706, %get3A_1710 : vector<16xf32>
        %max3A_1768 = arith.maximumf %get3A_1714, %get3A_1718 : vector<16xf32>
        %max3A_1769 = arith.maximumf %get3A_1722, %get3A_1726 : vector<16xf32>
        %max3A_1770 = arith.maximumf %get3A_1730, %get3A_1734 : vector<16xf32>
        %max3A_1771 = arith.maximumf %get3A_1738, %get3A_1742 : vector<16xf32>
        %max3A_1772 = arith.maximumf %get3A_1746, %get3A_1750 : vector<16xf32>
        %max3A_1773 = arith.maximumf %get3A_1754, %get3A_1758 : vector<16xf32>
        %max3A_1774 = arith.maximumf %get3A_1762, %get3A_1766 : vector<16xf32>
        %max3A_1775 = arith.maximumf %max3A_1767, %max3A_1768 : vector<16xf32>
        %max3A_1776 = arith.maximumf %max3A_1769, %max3A_1770 : vector<16xf32>
        %max3A_1777 = arith.maximumf %max3A_1771, %max3A_1772 : vector<16xf32>
        %max3A_1778 = arith.maximumf %max3A_1773, %max3A_1774 : vector<16xf32>
        %max3A_1779 = arith.maximumf %max3A_1775, %max3A_1776 : vector<16xf32>
        %max3A_1780 = arith.maximumf %max3A_1777, %max3A_1778 : vector<16xf32>
        %max3A_1781 = arith.maximumf %max3A_1779, %max3A_1780 : vector<16xf32>
        %ge3A_1782 = arith.cmpf oge, %max3A_1781, %select_n3A_1631 : vector<16xf32>
        %reduce_or3A = arith.constant 1.000000e+00 : f32
        %reduce_or3A_1783 = arith.constant 0.000000e+00 : f32
        %reduce_or3A_1784 = vector.broadcast %reduce_or3A : f32 to vector<16xf32>
        %reduce_or3A_1785 = vector.broadcast %reduce_or3A_1783 : f32 to vector<16xf32>
        %reduce_or3A_1786 = arith.select %ge3A_1782, %reduce_or3A_1784, %reduce_or3A_1785 : vector<16xi1>, vector<16xf32>
        %reduce_or3A_1787 = arith.constant true
        %reduce_or3A_1788 = vector.broadcast %reduce_or3A_1787 : i1 to vector<16xi1>
        %reduce_or3A_1789 = tpu.scan <max>, %reduce_or3A_1786 masked %reduce_or3A_1788 : vector<16xf32>, vector<16xi1> -> vector<16xf32>
        %reduce_or3A_1790 = vector.extract %reduce_or3A_1789[15] : f32 from vector<16xf32>
        %reduce_or3A_1791 = arith.constant 0.000000e+00 : f32
        %reduce_or3A_1792 = arith.cmpf ogt, %reduce_or3A_1790, %reduce_or3A_1791 : f32
        %convert_element_type3A = arith.extui %reduce_or3A_1792 : i1 to i32
        %cond3A = arith.constant 0 : i32
        %cond3A_1793 = arith.cmpi ne, %convert_element_type3A, %cond3A : i32
        scf.if %cond3A_1793 {
          %get3A_1795 = arith.constant 0 : index
          %get3A_1796 = tpu.vector_load %arg20[%get3A_1795] {strides = array<i32>} : memref<128xf32, #tpu.memory_space<vmem>>, vector<16xf32>,
          %get3A_1797 = arith.constant 16 : index
          %get3A_1798 = tpu.vector_load %arg20[%get3A_1797] {strides = array<i32>} : memref<128xf32, #tpu.memory_space<vmem>>, vector<16xf32>,
          %get3A_1799 = arith.constant 32 : index
          %get3A_1800 = tpu.vector_load %arg20[%get3A_1799] {strides = array<i32>} : memref<128xf32, #tpu.memory_space<vmem>>, vector<16xf32>,
          %get3A_1801 = arith.constant 48 : index
          %get3A_1802 = tpu.vector_load %arg20[%get3A_1801] {strides = array<i32>} : memref<128xf32, #tpu.memory_space<vmem>>, vector<16xf32>,
          %get3A_1803 = arith.constant 64 : index
          %get3A_1804 = tpu.vector_load %arg20[%get3A_1803] {strides = array<i32>} : memref<128xf32, #tpu.memory_space<vmem>>, vector<16xf32>,
          %get3A_1805 = arith.constant 80 : index
          %get3A_1806 = tpu.vector_load %arg20[%get3A_1805] {strides = array<i32>} : memref<128xf32, #tpu.memory_space<vmem>>, vector<16xf32>,
          %get3A_1807 = arith.constant 96 : index
          %get3A_1808 = tpu.vector_load %arg20[%get3A_1807] {strides = array<i32>} : memref<128xf32, #tpu.memory_space<vmem>>, vector<16xf32>,
          %get3A_1809 = arith.constant 112 : index
          %get3A_1810 = tpu.vector_load %arg20[%get3A_1809] {strides = array<i32>} : memref<128xf32, #tpu.memory_space<vmem>>, vector<16xf32>,
          %get3A_1811 = arith.constant 0 : index
          %get3A_1812 = tpu.vector_load %arg21[%get3A_1811] {strides = array<i32>} : memref<128xi32, #tpu.memory_space<vmem>>, vector<16xi32>,
          %get3A_1813 = arith.constant 16 : index
          %get3A_1814 = tpu.vector_load %arg21[%get3A_1813] {strides = array<i32>} : memref<128xi32, #tpu.memory_space<vmem>>, vector<16xi32>,
          %get3A_1815 = arith.constant 32 : index
          %get3A_1816 = tpu.vector_load %arg21[%get3A_1815] {strides = array<i32>} : memref<128xi32, #tpu.memory_space<vmem>>, vector<16xi32>,
          %get3A_1817 = arith.constant 48 : index
          %get3A_1818 = tpu.vector_load %arg21[%get3A_1817] {strides = array<i32>} : memref<128xi32, #tpu.memory_space<vmem>>, vector<16xi32>,
          %get3A_1819 = arith.constant 64 : index
          %get3A_1820 = tpu.vector_load %arg21[%get3A_1819] {strides = array<i32>} : memref<128xi32, #tpu.memory_space<vmem>>, vector<16xi32>,
          %get3A_1821 = arith.constant 80 : index
          %get3A_1822 = tpu.vector_load %arg21[%get3A_1821] {strides = array<i32>} : memref<128xi32, #tpu.memory_space<vmem>>, vector<16xi32>,
          %get3A_1823 = arith.constant 96 : index
          %get3A_1824 = tpu.vector_load %arg21[%get3A_1823] {strides = array<i32>} : memref<128xi32, #tpu.memory_space<vmem>>, vector<16xi32>,
          %get3A_1825 = arith.constant 112 : index
          %get3A_1826 = tpu.vector_load %arg21[%get3A_1825] {strides = array<i32>} : memref<128xi32, #tpu.memory_space<vmem>>, vector<16xi32>,
          %broadcast_in_dim3A_1827 = vector.broadcast %mul3A_1702 : i32 to vector<16xi32>
          %add3A_1828 = arith.addi %add3A_1659, %broadcast_in_dim3A_1827 : vector<16xi32>
          %add3A_1829 = arith.addf %get3A_1706, %gather3A_1613 : vector<16xf32>
          %broadcast_in_dim3A_1830 = arith.constant 0 : i32
          %broadcast_in_dim3A_1831 = vector.broadcast %broadcast_in_dim3A_1830 : i32 to vector<16xi32>
          %add3A_1832 = arith.addi %add3A_1828, %broadcast_in_dim3A_1831 : vector<16xi32>
          %gt3A_1833 = arith.cmpf ogt, %add3A_1829, %get3A_1796 : vector<16xf32>
          %select_n3A_1834 = arith.select %gt3A_1833, %add3A_1829, %get3A_1796 : vector<16xi1>, vector<16xf32>
          %select_n3A_1835 = arith.select %gt3A_1833, %add3A_1832, %get3A_1812 : vector<16xi1>, vector<16xi32>
          %select_n3A_1836 = arith.select %gt3A_1833, %get3A_1796, %add3A_1829 : vector<16xi1>, vector<16xf32>
          %select_n3A_1837 = arith.select %gt3A_1833, %get3A_1812, %add3A_1832 : vector<16xi1>, vector<16xi32>
          %gt3A_1838 = arith.cmpf ogt, %select_n3A_1836, %get3A_1798 : vector<16xf32>
          %select_n3A_1839 = arith.select %gt3A_1838, %select_n3A_1836, %get3A_1798 : vector<16xi1>, vector<16xf32>
          %select_n3A_1840 = arith.select %gt3A_1838, %select_n3A_1837, %get3A_1814 : vector<16xi1>, vector<16xi32>
          %select_n3A_1841 = arith.select %gt3A_1838, %get3A_1798, %select_n3A_1836 : vector<16xi1>, vector<16xf32>
          %select_n3A_1842 = arith.select %gt3A_1838, %get3A_1814, %select_n3A_1837 : vector<16xi1>, vector<16xi32>
          %gt3A_1843 = arith.cmpf ogt, %select_n3A_1841, %get3A_1800 : vector<16xf32>
          %select_n3A_1844 = arith.select %gt3A_1843, %select_n3A_1841, %get3A_1800 : vector<16xi1>, vector<16xf32>
          %select_n3A_1845 = arith.select %gt3A_1843, %select_n3A_1842, %get3A_1816 : vector<16xi1>, vector<16xi32>
          %select_n3A_1846 = arith.select %gt3A_1843, %get3A_1800, %select_n3A_1841 : vector<16xi1>, vector<16xf32>
          %select_n3A_1847 = arith.select %gt3A_1843, %get3A_1816, %select_n3A_1842 : vector<16xi1>, vector<16xi32>
          %gt3A_1848 = arith.cmpf ogt, %select_n3A_1846, %get3A_1802 : vector<16xf32>
          %select_n3A_1849 = arith.select %gt3A_1848, %select_n3A_1846, %get3A_1802 : vector<16xi1>, vector<16xf32>
          %select_n3A_1850 = arith.select %gt3A_1848, %select_n3A_1847, %get3A_1818 : vector<16xi1>, vector<16xi32>
          %select_n3A_1851 = arith.select %gt3A_1848, %get3A_1802, %select_n3A_1846 : vector<16xi1>, vector<16xf32>
          %select_n3A_1852 = arith.select %gt3A_1848, %get3A_1818, %select_n3A_1847 : vector<16xi1>, vector<16xi32>
          %gt3A_1853 = arith.cmpf ogt, %select_n3A_1851, %get3A_1804 : vector<16xf32>
          %select_n3A_1854 = arith.select %gt3A_1853, %select_n3A_1851, %get3A_1804 : vector<16xi1>, vector<16xf32>
          %select_n3A_1855 = arith.select %gt3A_1853, %select_n3A_1852, %get3A_1820 : vector<16xi1>, vector<16xi32>
          %select_n3A_1856 = arith.select %gt3A_1853, %get3A_1804, %select_n3A_1851 : vector<16xi1>, vector<16xf32>
          %select_n3A_1857 = arith.select %gt3A_1853, %get3A_1820, %select_n3A_1852 : vector<16xi1>, vector<16xi32>
          %gt3A_1858 = arith.cmpf ogt, %select_n3A_1856, %get3A_1806 : vector<16xf32>
          %select_n3A_1859 = arith.select %gt3A_1858, %select_n3A_1856, %get3A_1806 : vector<16xi1>, vector<16xf32>
          %select_n3A_1860 = arith.select %gt3A_1858, %select_n3A_1857, %get3A_1822 : vector<16xi1>, vector<16xi32>
          %select_n3A_1861 = arith.select %gt3A_1858, %get3A_1806, %select_n3A_1856 : vector<16xi1>, vector<16xf32>
          %select_n3A_1862 = arith.select %gt3A_1858, %get3A_1822, %select_n3A_1857 : vector<16xi1>, vector<16xi32>
          %gt3A_1863 = arith.cmpf ogt, %select_n3A_1861, %get3A_1808 : vector<16xf32>
          %select_n3A_1864 = arith.select %gt3A_1863, %select_n3A_1861, %get3A_1808 : vector<16xi1>, vector<16xf32>
          %select_n3A_1865 = arith.select %gt3A_1863, %select_n3A_1862, %get3A_1824 : vector<16xi1>, vector<16xi32>
          %select_n3A_1866 = arith.select %gt3A_1863, %get3A_1808, %select_n3A_1861 : vector<16xi1>, vector<16xf32>
          %select_n3A_1867 = arith.select %gt3A_1863, %get3A_1824, %select_n3A_1862 : vector<16xi1>, vector<16xi32>
          %gt3A_1868 = arith.cmpf ogt, %select_n3A_1866, %get3A_1810 : vector<16xf32>
          %select_n3A_1869 = arith.select %gt3A_1868, %select_n3A_1866, %get3A_1810 : vector<16xi1>, vector<16xf32>
          %select_n3A_1870 = arith.select %gt3A_1868, %select_n3A_1867, %get3A_1826 : vector<16xi1>, vector<16xi32>
          %select_n3A_1871 = arith.select %gt3A_1868, %get3A_1810, %select_n3A_1866 : vector<16xi1>, vector<16xf32>
          %select_n3A_1872 = arith.select %gt3A_1868, %get3A_1826, %select_n3A_1867 : vector<16xi1>, vector<16xi32>
          %add3A_1873 = arith.addf %get3A_1710, %gather3A_1613 : vector<16xf32>
          %broadcast_in_dim3A_1874 = arith.constant 16 : i32
          %broadcast_in_dim3A_1875 = vector.broadcast %broadcast_in_dim3A_1874 : i32 to vector<16xi32>
          %add3A_1876 = arith.addi %add3A_1828, %broadcast_in_dim3A_1875 : vector<16xi32>
          %gt3A_1877 = arith.cmpf ogt, %add3A_1873, %select_n3A_1834 : vector<16xf32>
          %select_n3A_1878 = arith.select %gt3A_1877, %add3A_1873, %select_n3A_1834 : vector<16xi1>, vector<16xf32>
          %select_n3A_1879 = arith.select %gt3A_1877, %add3A_1876, %select_n3A_1835 : vector<16xi1>, vector<16xi32>
          %select_n3A_1880 = arith.select %gt3A_1877, %select_n3A_1834, %add3A_1873 : vector<16xi1>, vector<16xf32>
          %select_n3A_1881 = arith.select %gt3A_1877, %select_n3A_1835, %add3A_1876 : vector<16xi1>, vector<16xi32>
          %gt3A_1882 = arith.cmpf ogt, %select_n3A_1880, %select_n3A_1839 : vector<16xf32>
          %select_n3A_1883 = arith.select %gt3A_1882, %select_n3A_1880, %select_n3A_1839 : vector<16xi1>, vector<16xf32>
          %select_n3A_1884 = arith.select %gt3A_1882, %select_n3A_1881, %select_n3A_1840 : vector<16xi1>, vector<16xi32>
          %select_n3A_1885 = arith.select %gt3A_1882, %select_n3A_1839, %select_n3A_1880 : vector<16xi1>, vector<16xf32>
          %select_n3A_1886 = arith.select %gt3A_1882, %select_n3A_1840, %select_n3A_1881 : vector<16xi1>, vector<16xi32>
          %gt3A_1887 = arith.cmpf ogt, %select_n3A_1885, %select_n3A_1844 : vector<16xf32>
          %select_n3A_1888 = arith.select %gt3A_1887, %select_n3A_1885, %select_n3A_1844 : vector<16xi1>, vector<16xf32>
          %select_n3A_1889 = arith.select %gt3A_1887, %select_n3A_1886, %select_n3A_1845 : vector<16xi1>, vector<16xi32>
          %select_n3A_1890 = arith.select %gt3A_1887, %select_n3A_1844, %select_n3A_1885 : vector<16xi1>, vector<16xf32>
          %select_n3A_1891 = arith.select %gt3A_1887, %select_n3A_1845, %select_n3A_1886 : vector<16xi1>, vector<16xi32>
          %gt3A_1892 = arith.cmpf ogt, %select_n3A_1890, %select_n3A_1849 : vector<16xf32>
          %select_n3A_1893 = arith.select %gt3A_1892, %select_n3A_1890, %select_n3A_1849 : vector<16xi1>, vector<16xf32>
          %select_n3A_1894 = arith.select %gt3A_1892, %select_n3A_1891, %select_n3A_1850 : vector<16xi1>, vector<16xi32>
          %select_n3A_1895 = arith.select %gt3A_1892, %select_n3A_1849, %select_n3A_1890 : vector<16xi1>, vector<16xf32>
          %select_n3A_1896 = arith.select %gt3A_1892, %select_n3A_1850, %select_n3A_1891 : vector<16xi1>, vector<16xi32>
          %gt3A_1897 = arith.cmpf ogt, %select_n3A_1895, %select_n3A_1854 : vector<16xf32>
          %select_n3A_1898 = arith.select %gt3A_1897, %select_n3A_1895, %select_n3A_1854 : vector<16xi1>, vector<16xf32>
          %select_n3A_1899 = arith.select %gt3A_1897, %select_n3A_1896, %select_n3A_1855 : vector<16xi1>, vector<16xi32>
          %select_n3A_1900 = arith.select %gt3A_1897, %select_n3A_1854, %select_n3A_1895 : vector<16xi1>, vector<16xf32>
          %select_n3A_1901 = arith.select %gt3A_1897, %select_n3A_1855, %select_n3A_1896 : vector<16xi1>, vector<16xi32>
          %gt3A_1902 = arith.cmpf ogt, %select_n3A_1900, %select_n3A_1859 : vector<16xf32>
          %select_n3A_1903 = arith.select %gt3A_1902, %select_n3A_1900, %select_n3A_1859 : vector<16xi1>, vector<16xf32>
          %select_n3A_1904 = arith.select %gt3A_1902, %select_n3A_1901, %select_n3A_1860 : vector<16xi1>, vector<16xi32>
          %select_n3A_1905 = arith.select %gt3A_1902, %select_n3A_1859, %select_n3A_1900 : vector<16xi1>, vector<16xf32>
          %select_n3A_1906 = arith.select %gt3A_1902, %select_n3A_1860, %select_n3A_1901 : vector<16xi1>, vector<16xi32>
          %gt3A_1907 = arith.cmpf ogt, %select_n3A_1905, %select_n3A_1864 : vector<16xf32>
          %select_n3A_1908 = arith.select %gt3A_1907, %select_n3A_1905, %select_n3A_1864 : vector<16xi1>, vector<16xf32>
          %select_n3A_1909 = arith.select %gt3A_1907, %select_n3A_1906, %select_n3A_1865 : vector<16xi1>, vector<16xi32>
          %select_n3A_1910 = arith.select %gt3A_1907, %select_n3A_1864, %select_n3A_1905 : vector<16xi1>, vector<16xf32>
          %select_n3A_1911 = arith.select %gt3A_1907, %select_n3A_1865, %select_n3A_1906 : vector<16xi1>, vector<16xi32>
          %gt3A_1912 = arith.cmpf ogt, %select_n3A_1910, %select_n3A_1869 : vector<16xf32>
          %select_n3A_1913 = arith.select %gt3A_1912, %select_n3A_1910, %select_n3A_1869 : vector<16xi1>, vector<16xf32>
          %select_n3A_1914 = arith.select %gt3A_1912, %select_n3A_1911, %select_n3A_1870 : vector<16xi1>, vector<16xi32>
          %select_n3A_1915 = arith.select %gt3A_1912, %select_n3A_1869, %select_n3A_1910 : vector<16xi1>, vector<16xf32>
          %select_n3A_1916 = arith.select %gt3A_1912, %select_n3A_1870, %select_n3A_1911 : vector<16xi1>, vector<16xi32>
          %add3A_1917 = arith.addf %get3A_1714, %gather3A_1613 : vector<16xf32>
          %broadcast_in_dim3A_1918 = arith.constant 32 : i32
          %broadcast_in_dim3A_1919 = vector.broadcast %broadcast_in_dim3A_1918 : i32 to vector<16xi32>
          %add3A_1920 = arith.addi %add3A_1828, %broadcast_in_dim3A_1919 : vector<16xi32>
          %gt3A_1921 = arith.cmpf ogt, %add3A_1917, %select_n3A_1878 : vector<16xf32>
          %select_n3A_1922 = arith.select %gt3A_1921, %add3A_1917, %select_n3A_1878 : vector<16xi1>, vector<16xf32>
          %select_n3A_1923 = arith.select %gt3A_1921, %add3A_1920, %select_n3A_1879 : vector<16xi1>, vector<16xi32>
          %select_n3A_1924 = arith.select %gt3A_1921, %select_n3A_1878, %add3A_1917 : vector<16xi1>, vector<16xf32>
          %select_n3A_1925 = arith.select %gt3A_1921, %select_n3A_1879, %add3A_1920 : vector<16xi1>, vector<16xi32>
          %gt3A_1926 = arith.cmpf ogt, %select_n3A_1924, %select_n3A_1883 : vector<16xf32>
          %select_n3A_1927 = arith.select %gt3A_1926, %select_n3A_1924, %select_n3A_1883 : vector<16xi1>, vector<16xf32>
          %select_n3A_1928 = arith.select %gt3A_1926, %select_n3A_1925, %select_n3A_1884 : vector<16xi1>, vector<16xi32>
          %select_n3A_1929 = arith.select %gt3A_1926, %select_n3A_1883, %select_n3A_1924 : vector<16xi1>, vector<16xf32>
          %select_n3A_1930 = arith.select %gt3A_1926, %select_n3A_1884, %select_n3A_1925 : vector<16xi1>, vector<16xi32>
          %gt3A_1931 = arith.cmpf ogt, %select_n3A_1929, %select_n3A_1888 : vector<16xf32>
          %select_n3A_1932 = arith.select %gt3A_1931, %select_n3A_1929, %select_n3A_1888 : vector<16xi1>, vector<16xf32>
          %select_n3A_1933 = arith.select %gt3A_1931, %select_n3A_1930, %select_n3A_1889 : vector<16xi1>, vector<16xi32>
          %select_n3A_1934 = arith.select %gt3A_1931, %select_n3A_1888, %select_n3A_1929 : vector<16xi1>, vector<16xf32>
          %select_n3A_1935 = arith.select %gt3A_1931, %select_n3A_1889, %select_n3A_1930 : vector<16xi1>, vector<16xi32>
          %gt3A_1936 = arith.cmpf ogt, %select_n3A_1934, %select_n3A_1893 : vector<16xf32>
          %select_n3A_1937 = arith.select %gt3A_1936, %select_n3A_1934, %select_n3A_1893 : vector<16xi1>, vector<16xf32>
          %select_n3A_1938 = arith.select %gt3A_1936, %select_n3A_1935, %select_n3A_1894 : vector<16xi1>, vector<16xi32>
          %select_n3A_1939 = arith.select %gt3A_1936, %select_n3A_1893, %select_n3A_1934 : vector<16xi1>, vector<16xf32>
          %select_n3A_1940 = arith.select %gt3A_1936, %select_n3A_1894, %select_n3A_1935 : vector<16xi1>, vector<16xi32>
          %gt3A_1941 = arith.cmpf ogt, %select_n3A_1939, %select_n3A_1898 : vector<16xf32>
          %select_n3A_1942 = arith.select %gt3A_1941, %select_n3A_1939, %select_n3A_1898 : vector<16xi1>, vector<16xf32>
          %select_n3A_1943 = arith.select %gt3A_1941, %select_n3A_1940, %select_n3A_1899 : vector<16xi1>, vector<16xi32>
          %select_n3A_1944 = arith.select %gt3A_1941, %select_n3A_1898, %select_n3A_1939 : vector<16xi1>, vector<16xf32>
          %select_n3A_1945 = arith.select %gt3A_1941, %select_n3A_1899, %select_n3A_1940 : vector<16xi1>, vector<16xi32>
          %gt3A_1946 = arith.cmpf ogt, %select_n3A_1944, %select_n3A_1903 : vector<16xf32>
          %select_n3A_1947 = arith.select %gt3A_1946, %select_n3A_1944, %select_n3A_1903 : vector<16xi1>, vector<16xf32>
          %select_n3A_1948 = arith.select %gt3A_1946, %select_n3A_1945, %select_n3A_1904 : vector<16xi1>, vector<16xi32>
          %select_n3A_1949 = arith.select %gt3A_1946, %select_n3A_1903, %select_n3A_1944 : vector<16xi1>, vector<16xf32>
          %select_n3A_1950 = arith.select %gt3A_1946, %select_n3A_1904, %select_n3A_1945 : vector<16xi1>, vector<16xi32>
          %gt3A_1951 = arith.cmpf ogt, %select_n3A_1949, %select_n3A_1908 : vector<16xf32>
          %select_n3A_1952 = arith.select %gt3A_1951, %select_n3A_1949, %select_n3A_1908 : vector<16xi1>, vector<16xf32>
          %select_n3A_1953 = arith.select %gt3A_1951, %select_n3A_1950, %select_n3A_1909 : vector<16xi1>, vector<16xi32>
          %select_n3A_1954 = arith.select %gt3A_1951, %select_n3A_1908, %select_n3A_1949 : vector<16xi1>, vector<16xf32>
          %select_n3A_1955 = arith.select %gt3A_1951, %select_n3A_1909, %select_n3A_1950 : vector<16xi1>, vector<16xi32>
          %gt3A_1956 = arith.cmpf ogt, %select_n3A_1954, %select_n3A_1913 : vector<16xf32>
          %select_n3A_1957 = arith.select %gt3A_1956, %select_n3A_1954, %select_n3A_1913 : vector<16xi1>, vector<16xf32>
          %select_n3A_1958 = arith.select %gt3A_1956, %select_n3A_1955, %select_n3A_1914 : vector<16xi1>, vector<16xi32>
          %select_n3A_1959 = arith.select %gt3A_1956, %select_n3A_1913, %select_n3A_1954 : vector<16xi1>, vector<16xf32>
          %select_n3A_1960 = arith.select %gt3A_1956, %select_n3A_1914, %select_n3A_1955 : vector<16xi1>, vector<16xi32>
          %add3A_1961 = arith.addf %get3A_1718, %gather3A_1613 : vector<16xf32>
          %broadcast_in_dim3A_1962 = arith.constant 48 : i32
          %broadcast_in_dim3A_1963 = vector.broadcast %broadcast_in_dim3A_1962 : i32 to vector<16xi32>
          %add3A_1964 = arith.addi %add3A_1828, %broadcast_in_dim3A_1963 : vector<16xi32>
          %gt3A_1965 = arith.cmpf ogt, %add3A_1961, %select_n3A_1922 : vector<16xf32>
          %select_n3A_1966 = arith.select %gt3A_1965, %add3A_1961, %select_n3A_1922 : vector<16xi1>, vector<16xf32>
          %select_n3A_1967 = arith.select %gt3A_1965, %add3A_1964, %select_n3A_1923 : vector<16xi1>, vector<16xi32>
          %select_n3A_1968 = arith.select %gt3A_1965, %select_n3A_1922, %add3A_1961 : vector<16xi1>, vector<16xf32>
          %select_n3A_1969 = arith.select %gt3A_1965, %select_n3A_1923, %add3A_1964 : vector<16xi1>, vector<16xi32>
          %gt3A_1970 = arith.cmpf ogt, %select_n3A_1968, %select_n3A_1927 : vector<16xf32>
          %select_n3A_1971 = arith.select %gt3A_1970, %select_n3A_1968, %select_n3A_1927 : vector<16xi1>, vector<16xf32>
          %select_n3A_1972 = arith.select %gt3A_1970, %select_n3A_1969, %select_n3A_1928 : vector<16xi1>, vector<16xi32>
          %select_n3A_1973 = arith.select %gt3A_1970, %select_n3A_1927, %select_n3A_1968 : vector<16xi1>, vector<16xf32>
          %select_n3A_1974 = arith.select %gt3A_1970, %select_n3A_1928, %select_n3A_1969 : vector<16xi1>, vector<16xi32>
          %gt3A_1975 = arith.cmpf ogt, %select_n3A_1973, %select_n3A_1932 : vector<16xf32>
          %select_n3A_1976 = arith.select %gt3A_1975, %select_n3A_1973, %select_n3A_1932 : vector<16xi1>, vector<16xf32>
          %select_n3A_1977 = arith.select %gt3A_1975, %select_n3A_1974, %select_n3A_1933 : vector<16xi1>, vector<16xi32>
          %select_n3A_1978 = arith.select %gt3A_1975, %select_n3A_1932, %select_n3A_1973 : vector<16xi1>, vector<16xf32>
          %select_n3A_1979 = arith.select %gt3A_1975, %select_n3A_1933, %select_n3A_1974 : vector<16xi1>, vector<16xi32>
          %gt3A_1980 = arith.cmpf ogt, %select_n3A_1978, %select_n3A_1937 : vector<16xf32>
          %select_n3A_1981 = arith.select %gt3A_1980, %select_n3A_1978, %select_n3A_1937 : vector<16xi1>, vector<16xf32>
          %select_n3A_1982 = arith.select %gt3A_1980, %select_n3A_1979, %select_n3A_1938 : vector<16xi1>, vector<16xi32>
          %select_n3A_1983 = arith.select %gt3A_1980, %select_n3A_1937, %select_n3A_1978 : vector<16xi1>, vector<16xf32>
          %select_n3A_1984 = arith.select %gt3A_1980, %select_n3A_1938, %select_n3A_1979 : vector<16xi1>, vector<16xi32>
          %gt3A_1985 = arith.cmpf ogt, %select_n3A_1983, %select_n3A_1942 : vector<16xf32>
          %select_n3A_1986 = arith.select %gt3A_1985, %select_n3A_1983, %select_n3A_1942 : vector<16xi1>, vector<16xf32>
          %select_n3A_1987 = arith.select %gt3A_1985, %select_n3A_1984, %select_n3A_1943 : vector<16xi1>, vector<16xi32>
          %select_n3A_1988 = arith.select %gt3A_1985, %select_n3A_1942, %select_n3A_1983 : vector<16xi1>, vector<16xf32>
          %select_n3A_1989 = arith.select %gt3A_1985, %select_n3A_1943, %select_n3A_1984 : vector<16xi1>, vector<16xi32>
          %gt3A_1990 = arith.cmpf ogt, %select_n3A_1988, %select_n3A_1947 : vector<16xf32>
          %select_n3A_1991 = arith.select %gt3A_1990, %select_n3A_1988, %select_n3A_1947 : vector<16xi1>, vector<16xf32>
          %select_n3A_1992 = arith.select %gt3A_1990, %select_n3A_1989, %select_n3A_1948 : vector<16xi1>, vector<16xi32>
          %select_n3A_1993 = arith.select %gt3A_1990, %select_n3A_1947, %select_n3A_1988 : vector<16xi1>, vector<16xf32>
          %select_n3A_1994 = arith.select %gt3A_1990, %select_n3A_1948, %select_n3A_1989 : vector<16xi1>, vector<16xi32>
          %gt3A_1995 = arith.cmpf ogt, %select_n3A_1993, %select_n3A_1952 : vector<16xf32>
          %select_n3A_1996 = arith.select %gt3A_1995, %select_n3A_1993, %select_n3A_1952 : vector<16xi1>, vector<16xf32>
          %select_n3A_1997 = arith.select %gt3A_1995, %select_n3A_1994, %select_n3A_1953 : vector<16xi1>, vector<16xi32>
          %select_n3A_1998 = arith.select %gt3A_1995, %select_n3A_1952, %select_n3A_1993 : vector<16xi1>, vector<16xf32>
          %select_n3A_1999 = arith.select %gt3A_1995, %select_n3A_1953, %select_n3A_1994 : vector<16xi1>, vector<16xi32>
          %gt3A_2000 = arith.cmpf ogt, %select_n3A_1998, %select_n3A_1957 : vector<16xf32>
          %select_n3A_2001 = arith.select %gt3A_2000, %select_n3A_1998, %select_n3A_1957 : vector<16xi1>, vector<16xf32>
          %select_n3A_2002 = arith.select %gt3A_2000, %select_n3A_1999, %select_n3A_1958 : vector<16xi1>, vector<16xi32>
          %select_n3A_2003 = arith.select %gt3A_2000, %select_n3A_1957, %select_n3A_1998 : vector<16xi1>, vector<16xf32>
          %select_n3A_2004 = arith.select %gt3A_2000, %select_n3A_1958, %select_n3A_1999 : vector<16xi1>, vector<16xi32>
          %add3A_2005 = arith.addf %get3A_1722, %gather3A_1613 : vector<16xf32>
          %broadcast_in_dim3A_2006 = arith.constant 64 : i32
          %broadcast_in_dim3A_2007 = vector.broadcast %broadcast_in_dim3A_2006 : i32 to vector<16xi32>
          %add3A_2008 = arith.addi %add3A_1828, %broadcast_in_dim3A_2007 : vector<16xi32>
          %gt3A_2009 = arith.cmpf ogt, %add3A_2005, %select_n3A_1966 : vector<16xf32>
          %select_n3A_2010 = arith.select %gt3A_2009, %add3A_2005, %select_n3A_1966 : vector<16xi1>, vector<16xf32>
          %select_n3A_2011 = arith.select %gt3A_2009, %add3A_2008, %select_n3A_1967 : vector<16xi1>, vector<16xi32>
          %select_n3A_2012 = arith.select %gt3A_2009, %select_n3A_1966, %add3A_2005 : vector<16xi1>, vector<16xf32>
          %select_n3A_2013 = arith.select %gt3A_2009, %select_n3A_1967, %add3A_2008 : vector<16xi1>, vector<16xi32>
          %gt3A_2014 = arith.cmpf ogt, %select_n3A_2012, %select_n3A_1971 : vector<16xf32>
          %select_n3A_2015 = arith.select %gt3A_2014, %select_n3A_2012, %select_n3A_1971 : vector<16xi1>, vector<16xf32>
          %select_n3A_2016 = arith.select %gt3A_2014, %select_n3A_2013, %select_n3A_1972 : vector<16xi1>, vector<16xi32>
          %select_n3A_2017 = arith.select %gt3A_2014, %select_n3A_1971, %select_n3A_2012 : vector<16xi1>, vector<16xf32>
          %select_n3A_2018 = arith.select %gt3A_2014, %select_n3A_1972, %select_n3A_2013 : vector<16xi1>, vector<16xi32>
          %gt3A_2019 = arith.cmpf ogt, %select_n3A_2017, %select_n3A_1976 : vector<16xf32>
          %select_n3A_2020 = arith.select %gt3A_2019, %select_n3A_2017, %select_n3A_1976 : vector<16xi1>, vector<16xf32>
          %select_n3A_2021 = arith.select %gt3A_2019, %select_n3A_2018, %select_n3A_1977 : vector<16xi1>, vector<16xi32>
          %select_n3A_2022 = arith.select %gt3A_2019, %select_n3A_1976, %select_n3A_2017 : vector<16xi1>, vector<16xf32>
          %select_n3A_2023 = arith.select %gt3A_2019, %select_n3A_1977, %select_n3A_2018 : vector<16xi1>, vector<16xi32>
          %gt3A_2024 = arith.cmpf ogt, %select_n3A_2022, %select_n3A_1981 : vector<16xf32>
          %select_n3A_2025 = arith.select %gt3A_2024, %select_n3A_2022, %select_n3A_1981 : vector<16xi1>, vector<16xf32>
          %select_n3A_2026 = arith.select %gt3A_2024, %select_n3A_2023, %select_n3A_1982 : vector<16xi1>, vector<16xi32>
          %select_n3A_2027 = arith.select %gt3A_2024, %select_n3A_1981, %select_n3A_2022 : vector<16xi1>, vector<16xf32>
          %select_n3A_2028 = arith.select %gt3A_2024, %select_n3A_1982, %select_n3A_2023 : vector<16xi1>, vector<16xi32>
          %gt3A_2029 = arith.cmpf ogt, %select_n3A_2027, %select_n3A_1986 : vector<16xf32>
          %select_n3A_2030 = arith.select %gt3A_2029, %select_n3A_2027, %select_n3A_1986 : vector<16xi1>, vector<16xf32>
          %select_n3A_2031 = arith.select %gt3A_2029, %select_n3A_2028, %select_n3A_1987 : vector<16xi1>, vector<16xi32>
          %select_n3A_2032 = arith.select %gt3A_2029, %select_n3A_1986, %select_n3A_2027 : vector<16xi1>, vector<16xf32>
          %select_n3A_2033 = arith.select %gt3A_2029, %select_n3A_1987, %select_n3A_2028 : vector<16xi1>, vector<16xi32>
          %gt3A_2034 = arith.cmpf ogt, %select_n3A_2032, %select_n3A_1991 : vector<16xf32>
          %select_n3A_2035 = arith.select %gt3A_2034, %select_n3A_2032, %select_n3A_1991 : vector<16xi1>, vector<16xf32>
          %select_n3A_2036 = arith.select %gt3A_2034, %select_n3A_2033, %select_n3A_1992 : vector<16xi1>, vector<16xi32>
          %select_n3A_2037 = arith.select %gt3A_2034, %select_n3A_1991, %select_n3A_2032 : vector<16xi1>, vector<16xf32>
          %select_n3A_2038 = arith.select %gt3A_2034, %select_n3A_1992, %select_n3A_2033 : vector<16xi1>, vector<16xi32>
          %gt3A_2039 = arith.cmpf ogt, %select_n3A_2037, %select_n3A_1996 : vector<16xf32>
          %select_n3A_2040 = arith.select %gt3A_2039, %select_n3A_2037, %select_n3A_1996 : vector<16xi1>, vector<16xf32>
          %select_n3A_2041 = arith.select %gt3A_2039, %select_n3A_2038, %select_n3A_1997 : vector<16xi1>, vector<16xi32>
          %select_n3A_2042 = arith.select %gt3A_2039, %select_n3A_1996, %select_n3A_2037 : vector<16xi1>, vector<16xf32>
          %select_n3A_2043 = arith.select %gt3A_2039, %select_n3A_1997, %select_n3A_2038 : vector<16xi1>, vector<16xi32>
          %gt3A_2044 = arith.cmpf ogt, %select_n3A_2042, %select_n3A_2001 : vector<16xf32>
          %select_n3A_2045 = arith.select %gt3A_2044, %select_n3A_2042, %select_n3A_2001 : vector<16xi1>, vector<16xf32>
          %select_n3A_2046 = arith.select %gt3A_2044, %select_n3A_2043, %select_n3A_2002 : vector<16xi1>, vector<16xi32>
          %select_n3A_2047 = arith.select %gt3A_2044, %select_n3A_2001, %select_n3A_2042 : vector<16xi1>, vector<16xf32>
          %select_n3A_2048 = arith.select %gt3A_2044, %select_n3A_2002, %select_n3A_2043 : vector<16xi1>, vector<16xi32>
          %add3A_2049 = arith.addf %get3A_1726, %gather3A_1613 : vector<16xf32>
          %broadcast_in_dim3A_2050 = arith.constant 80 : i32
          %broadcast_in_dim3A_2051 = vector.broadcast %broadcast_in_dim3A_2050 : i32 to vector<16xi32>
          %add3A_2052 = arith.addi %add3A_1828, %broadcast_in_dim3A_2051 : vector<16xi32>
          %gt3A_2053 = arith.cmpf ogt, %add3A_2049, %select_n3A_2010 : vector<16xf32>
          %select_n3A_2054 = arith.select %gt3A_2053, %add3A_2049, %select_n3A_2010 : vector<16xi1>, vector<16xf32>
          %select_n3A_2055 = arith.select %gt3A_2053, %add3A_2052, %select_n3A_2011 : vector<16xi1>, vector<16xi32>
          %select_n3A_2056 = arith.select %gt3A_2053, %select_n3A_2010, %add3A_2049 : vector<16xi1>, vector<16xf32>
          %select_n3A_2057 = arith.select %gt3A_2053, %select_n3A_2011, %add3A_2052 : vector<16xi1>, vector<16xi32>
          %gt3A_2058 = arith.cmpf ogt, %select_n3A_2056, %select_n3A_2015 : vector<16xf32>
          %select_n3A_2059 = arith.select %gt3A_2058, %select_n3A_2056, %select_n3A_2015 : vector<16xi1>, vector<16xf32>
          %select_n3A_2060 = arith.select %gt3A_2058, %select_n3A_2057, %select_n3A_2016 : vector<16xi1>, vector<16xi32>
          %select_n3A_2061 = arith.select %gt3A_2058, %select_n3A_2015, %select_n3A_2056 : vector<16xi1>, vector<16xf32>
          %select_n3A_2062 = arith.select %gt3A_2058, %select_n3A_2016, %select_n3A_2057 : vector<16xi1>, vector<16xi32>
          %gt3A_2063 = arith.cmpf ogt, %select_n3A_2061, %select_n3A_2020 : vector<16xf32>
          %select_n3A_2064 = arith.select %gt3A_2063, %select_n3A_2061, %select_n3A_2020 : vector<16xi1>, vector<16xf32>
          %select_n3A_2065 = arith.select %gt3A_2063, %select_n3A_2062, %select_n3A_2021 : vector<16xi1>, vector<16xi32>
          %select_n3A_2066 = arith.select %gt3A_2063, %select_n3A_2020, %select_n3A_2061 : vector<16xi1>, vector<16xf32>
          %select_n3A_2067 = arith.select %gt3A_2063, %select_n3A_2021, %select_n3A_2062 : vector<16xi1>, vector<16xi32>
          %gt3A_2068 = arith.cmpf ogt, %select_n3A_2066, %select_n3A_2025 : vector<16xf32>
          %select_n3A_2069 = arith.select %gt3A_2068, %select_n3A_2066, %select_n3A_2025 : vector<16xi1>, vector<16xf32>
          %select_n3A_2070 = arith.select %gt3A_2068, %select_n3A_2067, %select_n3A_2026 : vector<16xi1>, vector<16xi32>
          %select_n3A_2071 = arith.select %gt3A_2068, %select_n3A_2025, %select_n3A_2066 : vector<16xi1>, vector<16xf32>
          %select_n3A_2072 = arith.select %gt3A_2068, %select_n3A_2026, %select_n3A_2067 : vector<16xi1>, vector<16xi32>
          %gt3A_2073 = arith.cmpf ogt, %select_n3A_2071, %select_n3A_2030 : vector<16xf32>
          %select_n3A_2074 = arith.select %gt3A_2073, %select_n3A_2071, %select_n3A_2030 : vector<16xi1>, vector<16xf32>
          %select_n3A_2075 = arith.select %gt3A_2073, %select_n3A_2072, %select_n3A_2031 : vector<16xi1>, vector<16xi32>
          %select_n3A_2076 = arith.select %gt3A_2073, %select_n3A_2030, %select_n3A_2071 : vector<16xi1>, vector<16xf32>
          %select_n3A_2077 = arith.select %gt3A_2073, %select_n3A_2031, %select_n3A_2072 : vector<16xi1>, vector<16xi32>
          %gt3A_2078 = arith.cmpf ogt, %select_n3A_2076, %select_n3A_2035 : vector<16xf32>
          %select_n3A_2079 = arith.select %gt3A_2078, %select_n3A_2076, %select_n3A_2035 : vector<16xi1>, vector<16xf32>
          %select_n3A_2080 = arith.select %gt3A_2078, %select_n3A_2077, %select_n3A_2036 : vector<16xi1>, vector<16xi32>
          %select_n3A_2081 = arith.select %gt3A_2078, %select_n3A_2035, %select_n3A_2076 : vector<16xi1>, vector<16xf32>
          %select_n3A_2082 = arith.select %gt3A_2078, %select_n3A_2036, %select_n3A_2077 : vector<16xi1>, vector<16xi32>
          %gt3A_2083 = arith.cmpf ogt, %select_n3A_2081, %select_n3A_2040 : vector<16xf32>
          %select_n3A_2084 = arith.select %gt3A_2083, %select_n3A_2081, %select_n3A_2040 : vector<16xi1>, vector<16xf32>
          %select_n3A_2085 = arith.select %gt3A_2083, %select_n3A_2082, %select_n3A_2041 : vector<16xi1>, vector<16xi32>
          %select_n3A_2086 = arith.select %gt3A_2083, %select_n3A_2040, %select_n3A_2081 : vector<16xi1>, vector<16xf32>
          %select_n3A_2087 = arith.select %gt3A_2083, %select_n3A_2041, %select_n3A_2082 : vector<16xi1>, vector<16xi32>
          %gt3A_2088 = arith.cmpf ogt, %select_n3A_2086, %select_n3A_2045 : vector<16xf32>
          %select_n3A_2089 = arith.select %gt3A_2088, %select_n3A_2086, %select_n3A_2045 : vector<16xi1>, vector<16xf32>
          %select_n3A_2090 = arith.select %gt3A_2088, %select_n3A_2087, %select_n3A_2046 : vector<16xi1>, vector<16xi32>
          %select_n3A_2091 = arith.select %gt3A_2088, %select_n3A_2045, %select_n3A_2086 : vector<16xi1>, vector<16xf32>
          %select_n3A_2092 = arith.select %gt3A_2088, %select_n3A_2046, %select_n3A_2087 : vector<16xi1>, vector<16xi32>
          %add3A_2093 = arith.addf %get3A_1730, %gather3A_1613 : vector<16xf32>
          %broadcast_in_dim3A_2094 = arith.constant 96 : i32
          %broadcast_in_dim3A_2095 = vector.broadcast %broadcast_in_dim3A_2094 : i32 to vector<16xi32>
          %add3A_2096 = arith.addi %add3A_1828, %broadcast_in_dim3A_2095 : vector<16xi32>
          %gt3A_2097 = arith.cmpf ogt, %add3A_2093, %select_n3A_2054 : vector<16xf32>
          %select_n3A_2098 = arith.select %gt3A_2097, %add3A_2093, %select_n3A_2054 : vector<16xi1>, vector<16xf32>
          %select_n3A_2099 = arith.select %gt3A_2097, %add3A_2096, %select_n3A_2055 : vector<16xi1>, vector<16xi32>
          %select_n3A_2100 = arith.select %gt3A_2097, %select_n3A_2054, %add3A_2093 : vector<16xi1>, vector<16xf32>
          %select_n3A_2101 = arith.select %gt3A_2097, %select_n3A_2055, %add3A_2096 : vector<16xi1>, vector<16xi32>
          %gt3A_2102 = arith.cmpf ogt, %select_n3A_2100, %select_n3A_2059 : vector<16xf32>
          %select_n3A_2103 = arith.select %gt3A_2102, %select_n3A_2100, %select_n3A_2059 : vector<16xi1>, vector<16xf32>
          %select_n3A_2104 = arith.select %gt3A_2102, %select_n3A_2101, %select_n3A_2060 : vector<16xi1>, vector<16xi32>
          %select_n3A_2105 = arith.select %gt3A_2102, %select_n3A_2059, %select_n3A_2100 : vector<16xi1>, vector<16xf32>
          %select_n3A_2106 = arith.select %gt3A_2102, %select_n3A_2060, %select_n3A_2101 : vector<16xi1>, vector<16xi32>
          %gt3A_2107 = arith.cmpf ogt, %select_n3A_2105, %select_n3A_2064 : vector<16xf32>
          %select_n3A_2108 = arith.select %gt3A_2107, %select_n3A_2105, %select_n3A_2064 : vector<16xi1>, vector<16xf32>
          %select_n3A_2109 = arith.select %gt3A_2107, %select_n3A_2106, %select_n3A_2065 : vector<16xi1>, vector<16xi32>
          %select_n3A_2110 = arith.select %gt3A_2107, %select_n3A_2064, %select_n3A_2105 : vector<16xi1>, vector<16xf32>
          %select_n3A_2111 = arith.select %gt3A_2107, %select_n3A_2065, %select_n3A_2106 : vector<16xi1>, vector<16xi32>
          %gt3A_2112 = arith.cmpf ogt, %select_n3A_2110, %select_n3A_2069 : vector<16xf32>
          %select_n3A_2113 = arith.select %gt3A_2112, %select_n3A_2110, %select_n3A_2069 : vector<16xi1>, vector<16xf32>
          %select_n3A_2114 = arith.select %gt3A_2112, %select_n3A_2111, %select_n3A_2070 : vector<16xi1>, vector<16xi32>
          %select_n3A_2115 = arith.select %gt3A_2112, %select_n3A_2069, %select_n3A_2110 : vector<16xi1>, vector<16xf32>
          %select_n3A_2116 = arith.select %gt3A_2112, %select_n3A_2070, %select_n3A_2111 : vector<16xi1>, vector<16xi32>
          %gt3A_2117 = arith.cmpf ogt, %select_n3A_2115, %select_n3A_2074 : vector<16xf32>
          %select_n3A_2118 = arith.select %gt3A_2117, %select_n3A_2115, %select_n3A_2074 : vector<16xi1>, vector<16xf32>
          %select_n3A_2119 = arith.select %gt3A_2117, %select_n3A_2116, %select_n3A_2075 : vector<16xi1>, vector<16xi32>
          %select_n3A_2120 = arith.select %gt3A_2117, %select_n3A_2074, %select_n3A_2115 : vector<16xi1>, vector<16xf32>
          %select_n3A_2121 = arith.select %gt3A_2117, %select_n3A_2075, %select_n3A_2116 : vector<16xi1>, vector<16xi32>
          %gt3A_2122 = arith.cmpf ogt, %select_n3A_2120, %select_n3A_2079 : vector<16xf32>
          %select_n3A_2123 = arith.select %gt3A_2122, %select_n3A_2120, %select_n3A_2079 : vector<16xi1>, vector<16xf32>
          %select_n3A_2124 = arith.select %gt3A_2122, %select_n3A_2121, %select_n3A_2080 : vector<16xi1>, vector<16xi32>
          %select_n3A_2125 = arith.select %gt3A_2122, %select_n3A_2079, %select_n3A_2120 : vector<16xi1>, vector<16xf32>
          %select_n3A_2126 = arith.select %gt3A_2122, %select_n3A_2080, %select_n3A_2121 : vector<16xi1>, vector<16xi32>
          %gt3A_2127 = arith.cmpf ogt, %select_n3A_2125, %select_n3A_2084 : vector<16xf32>
          %select_n3A_2128 = arith.select %gt3A_2127, %select_n3A_2125, %select_n3A_2084 : vector<16xi1>, vector<16xf32>
          %select_n3A_2129 = arith.select %gt3A_2127, %select_n3A_2126, %select_n3A_2085 : vector<16xi1>, vector<16xi32>
          %select_n3A_2130 = arith.select %gt3A_2127, %select_n3A_2084, %select_n3A_2125 : vector<16xi1>, vector<16xf32>
          %select_n3A_2131 = arith.select %gt3A_2127, %select_n3A_2085, %select_n3A_2126 : vector<16xi1>, vector<16xi32>
          %gt3A_2132 = arith.cmpf ogt, %select_n3A_2130, %select_n3A_2089 : vector<16xf32>
          %select_n3A_2133 = arith.select %gt3A_2132, %select_n3A_2130, %select_n3A_2089 : vector<16xi1>, vector<16xf32>
          %select_n3A_2134 = arith.select %gt3A_2132, %select_n3A_2131, %select_n3A_2090 : vector<16xi1>, vector<16xi32>
          %select_n3A_2135 = arith.select %gt3A_2132, %select_n3A_2089, %select_n3A_2130 : vector<16xi1>, vector<16xf32>
          %select_n3A_2136 = arith.select %gt3A_2132, %select_n3A_2090, %select_n3A_2131 : vector<16xi1>, vector<16xi32>
          %add3A_2137 = arith.addf %get3A_1734, %gather3A_1613 : vector<16xf32>
          %broadcast_in_dim3A_2138 = arith.constant 112 : i32
          %broadcast_in_dim3A_2139 = vector.broadcast %broadcast_in_dim3A_2138 : i32 to vector<16xi32>
          %add3A_2140 = arith.addi %add3A_1828, %broadcast_in_dim3A_2139 : vector<16xi32>
          %gt3A_2141 = arith.cmpf ogt, %add3A_2137, %select_n3A_2098 : vector<16xf32>
          %select_n3A_2142 = arith.select %gt3A_2141, %add3A_2137, %select_n3A_2098 : vector<16xi1>, vector<16xf32>
          %select_n3A_2143 = arith.select %gt3A_2141, %add3A_2140, %select_n3A_2099 : vector<16xi1>, vector<16xi32>
          %select_n3A_2144 = arith.select %gt3A_2141, %select_n3A_2098, %add3A_2137 : vector<16xi1>, vector<16xf32>
          %select_n3A_2145 = arith.select %gt3A_2141, %select_n3A_2099, %add3A_2140 : vector<16xi1>, vector<16xi32>
          %gt3A_2146 = arith.cmpf ogt, %select_n3A_2144, %select_n3A_2103 : vector<16xf32>
          %select_n3A_2147 = arith.select %gt3A_2146, %select_n3A_2144, %select_n3A_2103 : vector<16xi1>, vector<16xf32>
          %select_n3A_2148 = arith.select %gt3A_2146, %select_n3A_2145, %select_n3A_2104 : vector<16xi1>, vector<16xi32>
          %select_n3A_2149 = arith.select %gt3A_2146, %select_n3A_2103, %select_n3A_2144 : vector<16xi1>, vector<16xf32>
          %select_n3A_2150 = arith.select %gt3A_2146, %select_n3A_2104, %select_n3A_2145 : vector<16xi1>, vector<16xi32>
          %gt3A_2151 = arith.cmpf ogt, %select_n3A_2149, %select_n3A_2108 : vector<16xf32>
          %select_n3A_2152 = arith.select %gt3A_2151, %select_n3A_2149, %select_n3A_2108 : vector<16xi1>, vector<16xf32>
          %select_n3A_2153 = arith.select %gt3A_2151, %select_n3A_2150, %select_n3A_2109 : vector<16xi1>, vector<16xi32>
          %select_n3A_2154 = arith.select %gt3A_2151, %select_n3A_2108, %select_n3A_2149 : vector<16xi1>, vector<16xf32>
          %select_n3A_2155 = arith.select %gt3A_2151, %select_n3A_2109, %select_n3A_2150 : vector<16xi1>, vector<16xi32>
          %gt3A_2156 = arith.cmpf ogt, %select_n3A_2154, %select_n3A_2113 : vector<16xf32>
          %select_n3A_2157 = arith.select %gt3A_2156, %select_n3A_2154, %select_n3A_2113 : vector<16xi1>, vector<16xf32>
          %select_n3A_2158 = arith.select %gt3A_2156, %select_n3A_2155, %select_n3A_2114 : vector<16xi1>, vector<16xi32>
          %select_n3A_2159 = arith.select %gt3A_2156, %select_n3A_2113, %select_n3A_2154 : vector<16xi1>, vector<16xf32>
          %select_n3A_2160 = arith.select %gt3A_2156, %select_n3A_2114, %select_n3A_2155 : vector<16xi1>, vector<16xi32>
          %gt3A_2161 = arith.cmpf ogt, %select_n3A_2159, %select_n3A_2118 : vector<16xf32>
          %select_n3A_2162 = arith.select %gt3A_2161, %select_n3A_2159, %select_n3A_2118 : vector<16xi1>, vector<16xf32>
          %select_n3A_2163 = arith.select %gt3A_2161, %select_n3A_2160, %select_n3A_2119 : vector<16xi1>, vector<16xi32>
          %select_n3A_2164 = arith.select %gt3A_2161, %select_n3A_2118, %select_n3A_2159 : vector<16xi1>, vector<16xf32>
          %select_n3A_2165 = arith.select %gt3A_2161, %select_n3A_2119, %select_n3A_2160 : vector<16xi1>, vector<16xi32>
          %gt3A_2166 = arith.cmpf ogt, %select_n3A_2164, %select_n3A_2123 : vector<16xf32>
          %select_n3A_2167 = arith.select %gt3A_2166, %select_n3A_2164, %select_n3A_2123 : vector<16xi1>, vector<16xf32>
          %select_n3A_2168 = arith.select %gt3A_2166, %select_n3A_2165, %select_n3A_2124 : vector<16xi1>, vector<16xi32>
          %select_n3A_2169 = arith.select %gt3A_2166, %select_n3A_2123, %select_n3A_2164 : vector<16xi1>, vector<16xf32>
          %select_n3A_2170 = arith.select %gt3A_2166, %select_n3A_2124, %select_n3A_2165 : vector<16xi1>, vector<16xi32>
          %gt3A_2171 = arith.cmpf ogt, %select_n3A_2169, %select_n3A_2128 : vector<16xf32>
          %select_n3A_2172 = arith.select %gt3A_2171, %select_n3A_2169, %select_n3A_2128 : vector<16xi1>, vector<16xf32>
          %select_n3A_2173 = arith.select %gt3A_2171, %select_n3A_2170, %select_n3A_2129 : vector<16xi1>, vector<16xi32>
          %select_n3A_2174 = arith.select %gt3A_2171, %select_n3A_2128, %select_n3A_2169 : vector<16xi1>, vector<16xf32>
          %select_n3A_2175 = arith.select %gt3A_2171, %select_n3A_2129, %select_n3A_2170 : vector<16xi1>, vector<16xi32>
          %gt3A_2176 = arith.cmpf ogt, %select_n3A_2174, %select_n3A_2133 : vector<16xf32>
          %select_n3A_2177 = arith.select %gt3A_2176, %select_n3A_2174, %select_n3A_2133 : vector<16xi1>, vector<16xf32>
          %select_n3A_2178 = arith.select %gt3A_2176, %select_n3A_2175, %select_n3A_2134 : vector<16xi1>, vector<16xi32>
          %select_n3A_2179 = arith.select %gt3A_2176, %select_n3A_2133, %select_n3A_2174 : vector<16xi1>, vector<16xf32>
          %select_n3A_2180 = arith.select %gt3A_2176, %select_n3A_2134, %select_n3A_2175 : vector<16xi1>, vector<16xi32>
          %add3A_2181 = arith.addf %get3A_1738, %gather3A_1613 : vector<16xf32>
          %broadcast_in_dim3A_2182 = arith.constant 128 : i32
          %broadcast_in_dim3A_2183 = vector.broadcast %broadcast_in_dim3A_2182 : i32 to vector<16xi32>
          %add3A_2184 = arith.addi %add3A_1828, %broadcast_in_dim3A_2183 : vector<16xi32>
          %gt3A_2185 = arith.cmpf ogt, %add3A_2181, %select_n3A_2142 : vector<16xf32>
          %select_n3A_2186 = arith.select %gt3A_2185, %add3A_2181, %select_n3A_2142 : vector<16xi1>, vector<16xf32>
          %select_n3A_2187 = arith.select %gt3A_2185, %add3A_2184, %select_n3A_2143 : vector<16xi1>, vector<16xi32>
          %select_n3A_2188 = arith.select %gt3A_2185, %select_n3A_2142, %add3A_2181 : vector<16xi1>, vector<16xf32>
          %select_n3A_2189 = arith.select %gt3A_2185, %select_n3A_2143, %add3A_2184 : vector<16xi1>, vector<16xi32>
          %gt3A_2190 = arith.cmpf ogt, %select_n3A_2188, %select_n3A_2147 : vector<16xf32>
          %select_n3A_2191 = arith.select %gt3A_2190, %select_n3A_2188, %select_n3A_2147 : vector<16xi1>, vector<16xf32>
          %select_n3A_2192 = arith.select %gt3A_2190, %select_n3A_2189, %select_n3A_2148 : vector<16xi1>, vector<16xi32>
          %select_n3A_2193 = arith.select %gt3A_2190, %select_n3A_2147, %select_n3A_2188 : vector<16xi1>, vector<16xf32>
          %select_n3A_2194 = arith.select %gt3A_2190, %select_n3A_2148, %select_n3A_2189 : vector<16xi1>, vector<16xi32>
          %gt3A_2195 = arith.cmpf ogt, %select_n3A_2193, %select_n3A_2152 : vector<16xf32>
          %select_n3A_2196 = arith.select %gt3A_2195, %select_n3A_2193, %select_n3A_2152 : vector<16xi1>, vector<16xf32>
          %select_n3A_2197 = arith.select %gt3A_2195, %select_n3A_2194, %select_n3A_2153 : vector<16xi1>, vector<16xi32>
          %select_n3A_2198 = arith.select %gt3A_2195, %select_n3A_2152, %select_n3A_2193 : vector<16xi1>, vector<16xf32>
          %select_n3A_2199 = arith.select %gt3A_2195, %select_n3A_2153, %select_n3A_2194 : vector<16xi1>, vector<16xi32>
          %gt3A_2200 = arith.cmpf ogt, %select_n3A_2198, %select_n3A_2157 : vector<16xf32>
          %select_n3A_2201 = arith.select %gt3A_2200, %select_n3A_2198, %select_n3A_2157 : vector<16xi1>, vector<16xf32>
          %select_n3A_2202 = arith.select %gt3A_2200, %select_n3A_2199, %select_n3A_2158 : vector<16xi1>, vector<16xi32>
          %select_n3A_2203 = arith.select %gt3A_2200, %select_n3A_2157, %select_n3A_2198 : vector<16xi1>, vector<16xf32>
          %select_n3A_2204 = arith.select %gt3A_2200, %select_n3A_2158, %select_n3A_2199 : vector<16xi1>, vector<16xi32>
          %gt3A_2205 = arith.cmpf ogt, %select_n3A_2203, %select_n3A_2162 : vector<16xf32>
          %select_n3A_2206 = arith.select %gt3A_2205, %select_n3A_2203, %select_n3A_2162 : vector<16xi1>, vector<16xf32>
          %select_n3A_2207 = arith.select %gt3A_2205, %select_n3A_2204, %select_n3A_2163 : vector<16xi1>, vector<16xi32>
          %select_n3A_2208 = arith.select %gt3A_2205, %select_n3A_2162, %select_n3A_2203 : vector<16xi1>, vector<16xf32>
          %select_n3A_2209 = arith.select %gt3A_2205, %select_n3A_2163, %select_n3A_2204 : vector<16xi1>, vector<16xi32>
          %gt3A_2210 = arith.cmpf ogt, %select_n3A_2208, %select_n3A_2167 : vector<16xf32>
          %select_n3A_2211 = arith.select %gt3A_2210, %select_n3A_2208, %select_n3A_2167 : vector<16xi1>, vector<16xf32>
          %select_n3A_2212 = arith.select %gt3A_2210, %select_n3A_2209, %select_n3A_2168 : vector<16xi1>, vector<16xi32>
          %select_n3A_2213 = arith.select %gt3A_2210, %select_n3A_2167, %select_n3A_2208 : vector<16xi1>, vector<16xf32>
          %select_n3A_2214 = arith.select %gt3A_2210, %select_n3A_2168, %select_n3A_2209 : vector<16xi1>, vector<16xi32>
          %gt3A_2215 = arith.cmpf ogt, %select_n3A_2213, %select_n3A_2172 : vector<16xf32>
          %select_n3A_2216 = arith.select %gt3A_2215, %select_n3A_2213, %select_n3A_2172 : vector<16xi1>, vector<16xf32>
          %select_n3A_2217 = arith.select %gt3A_2215, %select_n3A_2214, %select_n3A_2173 : vector<16xi1>, vector<16xi32>
          %select_n3A_2218 = arith.select %gt3A_2215, %select_n3A_2172, %select_n3A_2213 : vector<16xi1>, vector<16xf32>
          %select_n3A_2219 = arith.select %gt3A_2215, %select_n3A_2173, %select_n3A_2214 : vector<16xi1>, vector<16xi32>
          %gt3A_2220 = arith.cmpf ogt, %select_n3A_2218, %select_n3A_2177 : vector<16xf32>
          %select_n3A_2221 = arith.select %gt3A_2220, %select_n3A_2218, %select_n3A_2177 : vector<16xi1>, vector<16xf32>
          %select_n3A_2222 = arith.select %gt3A_2220, %select_n3A_2219, %select_n3A_2178 : vector<16xi1>, vector<16xi32>
          %select_n3A_2223 = arith.select %gt3A_2220, %select_n3A_2177, %select_n3A_2218 : vector<16xi1>, vector<16xf32>
          %select_n3A_2224 = arith.select %gt3A_2220, %select_n3A_2178, %select_n3A_2219 : vector<16xi1>, vector<16xi32>
          %add3A_2225 = arith.addf %get3A_1742, %gather3A_1613 : vector<16xf32>
          %broadcast_in_dim3A_2226 = arith.constant 144 : i32
          %broadcast_in_dim3A_2227 = vector.broadcast %broadcast_in_dim3A_2226 : i32 to vector<16xi32>
          %add3A_2228 = arith.addi %add3A_1828, %broadcast_in_dim3A_2227 : vector<16xi32>
          %gt3A_2229 = arith.cmpf ogt, %add3A_2225, %select_n3A_2186 : vector<16xf32>
          %select_n3A_2230 = arith.select %gt3A_2229, %add3A_2225, %select_n3A_2186 : vector<16xi1>, vector<16xf32>
          %select_n3A_2231 = arith.select %gt3A_2229, %add3A_2228, %select_n3A_2187 : vector<16xi1>, vector<16xi32>
          %select_n3A_2232 = arith.select %gt3A_2229, %select_n3A_2186, %add3A_2225 : vector<16xi1>, vector<16xf32>
          %select_n3A_2233 = arith.select %gt3A_2229, %select_n3A_2187, %add3A_2228 : vector<16xi1>, vector<16xi32>
          %gt3A_2234 = arith.cmpf ogt, %select_n3A_2232, %select_n3A_2191 : vector<16xf32>
          %select_n3A_2235 = arith.select %gt3A_2234, %select_n3A_2232, %select_n3A_2191 : vector<16xi1>, vector<16xf32>
          %select_n3A_2236 = arith.select %gt3A_2234, %select_n3A_2233, %select_n3A_2192 : vector<16xi1>, vector<16xi32>
          %select_n3A_2237 = arith.select %gt3A_2234, %select_n3A_2191, %select_n3A_2232 : vector<16xi1>, vector<16xf32>
          %select_n3A_2238 = arith.select %gt3A_2234, %select_n3A_2192, %select_n3A_2233 : vector<16xi1>, vector<16xi32>
          %gt3A_2239 = arith.cmpf ogt, %select_n3A_2237, %select_n3A_2196 : vector<16xf32>
          %select_n3A_2240 = arith.select %gt3A_2239, %select_n3A_2237, %select_n3A_2196 : vector<16xi1>, vector<16xf32>
          %select_n3A_2241 = arith.select %gt3A_2239, %select_n3A_2238, %select_n3A_2197 : vector<16xi1>, vector<16xi32>
          %select_n3A_2242 = arith.select %gt3A_2239, %select_n3A_2196, %select_n3A_2237 : vector<16xi1>, vector<16xf32>
          %select_n3A_2243 = arith.select %gt3A_2239, %select_n3A_2197, %select_n3A_2238 : vector<16xi1>, vector<16xi32>
          %gt3A_2244 = arith.cmpf ogt, %select_n3A_2242, %select_n3A_2201 : vector<16xf32>
          %select_n3A_2245 = arith.select %gt3A_2244, %select_n3A_2242, %select_n3A_2201 : vector<16xi1>, vector<16xf32>
          %select_n3A_2246 = arith.select %gt3A_2244, %select_n3A_2243, %select_n3A_2202 : vector<16xi1>, vector<16xi32>
          %select_n3A_2247 = arith.select %gt3A_2244, %select_n3A_2201, %select_n3A_2242 : vector<16xi1>, vector<16xf32>
          %select_n3A_2248 = arith.select %gt3A_2244, %select_n3A_2202, %select_n3A_2243 : vector<16xi1>, vector<16xi32>
          %gt3A_2249 = arith.cmpf ogt, %select_n3A_2247, %select_n3A_2206 : vector<16xf32>
          %select_n3A_2250 = arith.select %gt3A_2249, %select_n3A_2247, %select_n3A_2206 : vector<16xi1>, vector<16xf32>
          %select_n3A_2251 = arith.select %gt3A_2249, %select_n3A_2248, %select_n3A_2207 : vector<16xi1>, vector<16xi32>
          %select_n3A_2252 = arith.select %gt3A_2249, %select_n3A_2206, %select_n3A_2247 : vector<16xi1>, vector<16xf32>
          %select_n3A_2253 = arith.select %gt3A_2249, %select_n3A_2207, %select_n3A_2248 : vector<16xi1>, vector<16xi32>
          %gt3A_2254 = arith.cmpf ogt, %select_n3A_2252, %select_n3A_2211 : vector<16xf32>
          %select_n3A_2255 = arith.select %gt3A_2254, %select_n3A_2252, %select_n3A_2211 : vector<16xi1>, vector<16xf32>
          %select_n3A_2256 = arith.select %gt3A_2254, %select_n3A_2253, %select_n3A_2212 : vector<16xi1>, vector<16xi32>
          %select_n3A_2257 = arith.select %gt3A_2254, %select_n3A_2211, %select_n3A_2252 : vector<16xi1>, vector<16xf32>
          %select_n3A_2258 = arith.select %gt3A_2254, %select_n3A_2212, %select_n3A_2253 : vector<16xi1>, vector<16xi32>
          %gt3A_2259 = arith.cmpf ogt, %select_n3A_2257, %select_n3A_2216 : vector<16xf32>
          %select_n3A_2260 = arith.select %gt3A_2259, %select_n3A_2257, %select_n3A_2216 : vector<16xi1>, vector<16xf32>
          %select_n3A_2261 = arith.select %gt3A_2259, %select_n3A_2258, %select_n3A_2217 : vector<16xi1>, vector<16xi32>
          %select_n3A_2262 = arith.select %gt3A_2259, %select_n3A_2216, %select_n3A_2257 : vector<16xi1>, vector<16xf32>
          %select_n3A_2263 = arith.select %gt3A_2259, %select_n3A_2217, %select_n3A_2258 : vector<16xi1>, vector<16xi32>
          %gt3A_2264 = arith.cmpf ogt, %select_n3A_2262, %select_n3A_2221 : vector<16xf32>
          %select_n3A_2265 = arith.select %gt3A_2264, %select_n3A_2262, %select_n3A_2221 : vector<16xi1>, vector<16xf32>
          %select_n3A_2266 = arith.select %gt3A_2264, %select_n3A_2263, %select_n3A_2222 : vector<16xi1>, vector<16xi32>
          %select_n3A_2267 = arith.select %gt3A_2264, %select_n3A_2221, %select_n3A_2262 : vector<16xi1>, vector<16xf32>
          %select_n3A_2268 = arith.select %gt3A_2264, %select_n3A_2222, %select_n3A_2263 : vector<16xi1>, vector<16xi32>
          %add3A_2269 = arith.addf %get3A_1746, %gather3A_1613 : vector<16xf32>
          %broadcast_in_dim3A_2270 = arith.constant 160 : i32
          %broadcast_in_dim3A_2271 = vector.broadcast %broadcast_in_dim3A_2270 : i32 to vector<16xi32>
          %add3A_2272 = arith.addi %add3A_1828, %broadcast_in_dim3A_2271 : vector<16xi32>
          %gt3A_2273 = arith.cmpf ogt, %add3A_2269, %select_n3A_2230 : vector<16xf32>
          %select_n3A_2274 = arith.select %gt3A_2273, %add3A_2269, %select_n3A_2230 : vector<16xi1>, vector<16xf32>
          %select_n3A_2275 = arith.select %gt3A_2273, %add3A_2272, %select_n3A_2231 : vector<16xi1>, vector<16xi32>
          %select_n3A_2276 = arith.select %gt3A_2273, %select_n3A_2230, %add3A_2269 : vector<16xi1>, vector<16xf32>
          %select_n3A_2277 = arith.select %gt3A_2273, %select_n3A_2231, %add3A_2272 : vector<16xi1>, vector<16xi32>
          %gt3A_2278 = arith.cmpf ogt, %select_n3A_2276, %select_n3A_2235 : vector<16xf32>
          %select_n3A_2279 = arith.select %gt3A_2278, %select_n3A_2276, %select_n3A_2235 : vector<16xi1>, vector<16xf32>
          %select_n3A_2280 = arith.select %gt3A_2278, %select_n3A_2277, %select_n3A_2236 : vector<16xi1>, vector<16xi32>
          %select_n3A_2281 = arith.select %gt3A_2278, %select_n3A_2235, %select_n3A_2276 : vector<16xi1>, vector<16xf32>
          %select_n3A_2282 = arith.select %gt3A_2278, %select_n3A_2236, %select_n3A_2277 : vector<16xi1>, vector<16xi32>
          %gt3A_2283 = arith.cmpf ogt, %select_n3A_2281, %select_n3A_2240 : vector<16xf32>
          %select_n3A_2284 = arith.select %gt3A_2283, %select_n3A_2281, %select_n3A_2240 : vector<16xi1>, vector<16xf32>
          %select_n3A_2285 = arith.select %gt3A_2283, %select_n3A_2282, %select_n3A_2241 : vector<16xi1>, vector<16xi32>
          %select_n3A_2286 = arith.select %gt3A_2283, %select_n3A_2240, %select_n3A_2281 : vector<16xi1>, vector<16xf32>
          %select_n3A_2287 = arith.select %gt3A_2283, %select_n3A_2241, %select_n3A_2282 : vector<16xi1>, vector<16xi32>
          %gt3A_2288 = arith.cmpf ogt, %select_n3A_2286, %select_n3A_2245 : vector<16xf32>
          %select_n3A_2289 = arith.select %gt3A_2288, %select_n3A_2286, %select_n3A_2245 : vector<16xi1>, vector<16xf32>
          %select_n3A_2290 = arith.select %gt3A_2288, %select_n3A_2287, %select_n3A_2246 : vector<16xi1>, vector<16xi32>
          %select_n3A_2291 = arith.select %gt3A_2288, %select_n3A_2245, %select_n3A_2286 : vector<16xi1>, vector<16xf32>
          %select_n3A_2292 = arith.select %gt3A_2288, %select_n3A_2246, %select_n3A_2287 : vector<16xi1>, vector<16xi32>
          %gt3A_2293 = arith.cmpf ogt, %select_n3A_2291, %select_n3A_2250 : vector<16xf32>
          %select_n3A_2294 = arith.select %gt3A_2293, %select_n3A_2291, %select_n3A_2250 : vector<16xi1>, vector<16xf32>
          %select_n3A_2295 = arith.select %gt3A_2293, %select_n3A_2292, %select_n3A_2251 : vector<16xi1>, vector<16xi32>
          %select_n3A_2296 = arith.select %gt3A_2293, %select_n3A_2250, %select_n3A_2291 : vector<16xi1>, vector<16xf32>
          %select_n3A_2297 = arith.select %gt3A_2293, %select_n3A_2251, %select_n3A_2292 : vector<16xi1>, vector<16xi32>
          %gt3A_2298 = arith.cmpf ogt, %select_n3A_2296, %select_n3A_2255 : vector<16xf32>
          %select_n3A_2299 = arith.select %gt3A_2298, %select_n3A_2296, %select_n3A_2255 : vector<16xi1>, vector<16xf32>
          %select_n3A_2300 = arith.select %gt3A_2298, %select_n3A_2297, %select_n3A_2256 : vector<16xi1>, vector<16xi32>
          %select_n3A_2301 = arith.select %gt3A_2298, %select_n3A_2255, %select_n3A_2296 : vector<16xi1>, vector<16xf32>
          %select_n3A_2302 = arith.select %gt3A_2298, %select_n3A_2256, %select_n3A_2297 : vector<16xi1>, vector<16xi32>
          %gt3A_2303 = arith.cmpf ogt, %select_n3A_2301, %select_n3A_2260 : vector<16xf32>
          %select_n3A_2304 = arith.select %gt3A_2303, %select_n3A_2301, %select_n3A_2260 : vector<16xi1>, vector<16xf32>
          %select_n3A_2305 = arith.select %gt3A_2303, %select_n3A_2302, %select_n3A_2261 : vector<16xi1>, vector<16xi32>
          %select_n3A_2306 = arith.select %gt3A_2303, %select_n3A_2260, %select_n3A_2301 : vector<16xi1>, vector<16xf32>
          %select_n3A_2307 = arith.select %gt3A_2303, %select_n3A_2261, %select_n3A_2302 : vector<16xi1>, vector<16xi32>
          %gt3A_2308 = arith.cmpf ogt, %select_n3A_2306, %select_n3A_2265 : vector<16xf32>
          %select_n3A_2309 = arith.select %gt3A_2308, %select_n3A_2306, %select_n3A_2265 : vector<16xi1>, vector<16xf32>
          %select_n3A_2310 = arith.select %gt3A_2308, %select_n3A_2307, %select_n3A_2266 : vector<16xi1>, vector<16xi32>
          %select_n3A_2311 = arith.select %gt3A_2308, %select_n3A_2265, %select_n3A_2306 : vector<16xi1>, vector<16xf32>
          %select_n3A_2312 = arith.select %gt3A_2308, %select_n3A_2266, %select_n3A_2307 : vector<16xi1>, vector<16xi32>
          %add3A_2313 = arith.addf %get3A_1750, %gather3A_1613 : vector<16xf32>
          %broadcast_in_dim3A_2314 = arith.constant 176 : i32
          %broadcast_in_dim3A_2315 = vector.broadcast %broadcast_in_dim3A_2314 : i32 to vector<16xi32>
          %add3A_2316 = arith.addi %add3A_1828, %broadcast_in_dim3A_2315 : vector<16xi32>
          %gt3A_2317 = arith.cmpf ogt, %add3A_2313, %select_n3A_2274 : vector<16xf32>
          %select_n3A_2318 = arith.select %gt3A_2317, %add3A_2313, %select_n3A_2274 : vector<16xi1>, vector<16xf32>
          %select_n3A_2319 = arith.select %gt3A_2317, %add3A_2316, %select_n3A_2275 : vector<16xi1>, vector<16xi32>
          %select_n3A_2320 = arith.select %gt3A_2317, %select_n3A_2274, %add3A_2313 : vector<16xi1>, vector<16xf32>
          %select_n3A_2321 = arith.select %gt3A_2317, %select_n3A_2275, %add3A_2316 : vector<16xi1>, vector<16xi32>
          %gt3A_2322 = arith.cmpf ogt, %select_n3A_2320, %select_n3A_2279 : vector<16xf32>
          %select_n3A_2323 = arith.select %gt3A_2322, %select_n3A_2320, %select_n3A_2279 : vector<16xi1>, vector<16xf32>
          %select_n3A_2324 = arith.select %gt3A_2322, %select_n3A_2321, %select_n3A_2280 : vector<16xi1>, vector<16xi32>
          %select_n3A_2325 = arith.select %gt3A_2322, %select_n3A_2279, %select_n3A_2320 : vector<16xi1>, vector<16xf32>
          %select_n3A_2326 = arith.select %gt3A_2322, %select_n3A_2280, %select_n3A_2321 : vector<16xi1>, vector<16xi32>
          %gt3A_2327 = arith.cmpf ogt, %select_n3A_2325, %select_n3A_2284 : vector<16xf32>
          %select_n3A_2328 = arith.select %gt3A_2327, %select_n3A_2325, %select_n3A_2284 : vector<16xi1>, vector<16xf32>
          %select_n3A_2329 = arith.select %gt3A_2327, %select_n3A_2326, %select_n3A_2285 : vector<16xi1>, vector<16xi32>
          %select_n3A_2330 = arith.select %gt3A_2327, %select_n3A_2284, %select_n3A_2325 : vector<16xi1>, vector<16xf32>
          %select_n3A_2331 = arith.select %gt3A_2327, %select_n3A_2285, %select_n3A_2326 : vector<16xi1>, vector<16xi32>
          %gt3A_2332 = arith.cmpf ogt, %select_n3A_2330, %select_n3A_2289 : vector<16xf32>
          %select_n3A_2333 = arith.select %gt3A_2332, %select_n3A_2330, %select_n3A_2289 : vector<16xi1>, vector<16xf32>
          %select_n3A_2334 = arith.select %gt3A_2332, %select_n3A_2331, %select_n3A_2290 : vector<16xi1>, vector<16xi32>
          %select_n3A_2335 = arith.select %gt3A_2332, %select_n3A_2289, %select_n3A_2330 : vector<16xi1>, vector<16xf32>
          %select_n3A_2336 = arith.select %gt3A_2332, %select_n3A_2290, %select_n3A_2331 : vector<16xi1>, vector<16xi32>
          %gt3A_2337 = arith.cmpf ogt, %select_n3A_2335, %select_n3A_2294 : vector<16xf32>
          %select_n3A_2338 = arith.select %gt3A_2337, %select_n3A_2335, %select_n3A_2294 : vector<16xi1>, vector<16xf32>
          %select_n3A_2339 = arith.select %gt3A_2337, %select_n3A_2336, %select_n3A_2295 : vector<16xi1>, vector<16xi32>
          %select_n3A_2340 = arith.select %gt3A_2337, %select_n3A_2294, %select_n3A_2335 : vector<16xi1>, vector<16xf32>
          %select_n3A_2341 = arith.select %gt3A_2337, %select_n3A_2295, %select_n3A_2336 : vector<16xi1>, vector<16xi32>
          %gt3A_2342 = arith.cmpf ogt, %select_n3A_2340, %select_n3A_2299 : vector<16xf32>
          %select_n3A_2343 = arith.select %gt3A_2342, %select_n3A_2340, %select_n3A_2299 : vector<16xi1>, vector<16xf32>
          %select_n3A_2344 = arith.select %gt3A_2342, %select_n3A_2341, %select_n3A_2300 : vector<16xi1>, vector<16xi32>
          %select_n3A_2345 = arith.select %gt3A_2342, %select_n3A_2299, %select_n3A_2340 : vector<16xi1>, vector<16xf32>
          %select_n3A_2346 = arith.select %gt3A_2342, %select_n3A_2300, %select_n3A_2341 : vector<16xi1>, vector<16xi32>
          %gt3A_2347 = arith.cmpf ogt, %select_n3A_2345, %select_n3A_2304 : vector<16xf32>
          %select_n3A_2348 = arith.select %gt3A_2347, %select_n3A_2345, %select_n3A_2304 : vector<16xi1>, vector<16xf32>
          %select_n3A_2349 = arith.select %gt3A_2347, %select_n3A_2346, %select_n3A_2305 : vector<16xi1>, vector<16xi32>
          %select_n3A_2350 = arith.select %gt3A_2347, %select_n3A_2304, %select_n3A_2345 : vector<16xi1>, vector<16xf32>
          %select_n3A_2351 = arith.select %gt3A_2347, %select_n3A_2305, %select_n3A_2346 : vector<16xi1>, vector<16xi32>
          %gt3A_2352 = arith.cmpf ogt, %select_n3A_2350, %select_n3A_2309 : vector<16xf32>
          %select_n3A_2353 = arith.select %gt3A_2352, %select_n3A_2350, %select_n3A_2309 : vector<16xi1>, vector<16xf32>
          %select_n3A_2354 = arith.select %gt3A_2352, %select_n3A_2351, %select_n3A_2310 : vector<16xi1>, vector<16xi32>
          %select_n3A_2355 = arith.select %gt3A_2352, %select_n3A_2309, %select_n3A_2350 : vector<16xi1>, vector<16xf32>
          %select_n3A_2356 = arith.select %gt3A_2352, %select_n3A_2310, %select_n3A_2351 : vector<16xi1>, vector<16xi32>
          %add3A_2357 = arith.addf %get3A_1754, %gather3A_1613 : vector<16xf32>
          %broadcast_in_dim3A_2358 = arith.constant 192 : i32
          %broadcast_in_dim3A_2359 = vector.broadcast %broadcast_in_dim3A_2358 : i32 to vector<16xi32>
          %add3A_2360 = arith.addi %add3A_1828, %broadcast_in_dim3A_2359 : vector<16xi32>
          %gt3A_2361 = arith.cmpf ogt, %add3A_2357, %select_n3A_2318 : vector<16xf32>
          %select_n3A_2362 = arith.select %gt3A_2361, %add3A_2357, %select_n3A_2318 : vector<16xi1>, vector<16xf32>
          %select_n3A_2363 = arith.select %gt3A_2361, %add3A_2360, %select_n3A_2319 : vector<16xi1>, vector<16xi32>
          %select_n3A_2364 = arith.select %gt3A_2361, %select_n3A_2318, %add3A_2357 : vector<16xi1>, vector<16xf32>
          %select_n3A_2365 = arith.select %gt3A_2361, %select_n3A_2319, %add3A_2360 : vector<16xi1>, vector<16xi32>
          %gt3A_2366 = arith.cmpf ogt, %select_n3A_2364, %select_n3A_2323 : vector<16xf32>
          %select_n3A_2367 = arith.select %gt3A_2366, %select_n3A_2364, %select_n3A_2323 : vector<16xi1>, vector<16xf32>
          %select_n3A_2368 = arith.select %gt3A_2366, %select_n3A_2365, %select_n3A_2324 : vector<16xi1>, vector<16xi32>
          %select_n3A_2369 = arith.select %gt3A_2366, %select_n3A_2323, %select_n3A_2364 : vector<16xi1>, vector<16xf32>
          %select_n3A_2370 = arith.select %gt3A_2366, %select_n3A_2324, %select_n3A_2365 : vector<16xi1>, vector<16xi32>
          %gt3A_2371 = arith.cmpf ogt, %select_n3A_2369, %select_n3A_2328 : vector<16xf32>
          %select_n3A_2372 = arith.select %gt3A_2371, %select_n3A_2369, %select_n3A_2328 : vector<16xi1>, vector<16xf32>
          %select_n3A_2373 = arith.select %gt3A_2371, %select_n3A_2370, %select_n3A_2329 : vector<16xi1>, vector<16xi32>
          %select_n3A_2374 = arith.select %gt3A_2371, %select_n3A_2328, %select_n3A_2369 : vector<16xi1>, vector<16xf32>
          %select_n3A_2375 = arith.select %gt3A_2371, %select_n3A_2329, %select_n3A_2370 : vector<16xi1>, vector<16xi32>
          %gt3A_2376 = arith.cmpf ogt, %select_n3A_2374, %select_n3A_2333 : vector<16xf32>
          %select_n3A_2377 = arith.select %gt3A_2376, %select_n3A_2374, %select_n3A_2333 : vector<16xi1>, vector<16xf32>
          %select_n3A_2378 = arith.select %gt3A_2376, %select_n3A_2375, %select_n3A_2334 : vector<16xi1>, vector<16xi32>
          %select_n3A_2379 = arith.select %gt3A_2376, %select_n3A_2333, %select_n3A_2374 : vector<16xi1>, vector<16xf32>
          %select_n3A_2380 = arith.select %gt3A_2376, %select_n3A_2334, %select_n3A_2375 : vector<16xi1>, vector<16xi32>
          %gt3A_2381 = arith.cmpf ogt, %select_n3A_2379, %select_n3A_2338 : vector<16xf32>
          %select_n3A_2382 = arith.select %gt3A_2381, %select_n3A_2379, %select_n3A_2338 : vector<16xi1>, vector<16xf32>
          %select_n3A_2383 = arith.select %gt3A_2381, %select_n3A_2380, %select_n3A_2339 : vector<16xi1>, vector<16xi32>
          %select_n3A_2384 = arith.select %gt3A_2381, %select_n3A_2338, %select_n3A_2379 : vector<16xi1>, vector<16xf32>
          %select_n3A_2385 = arith.select %gt3A_2381, %select_n3A_2339, %select_n3A_2380 : vector<16xi1>, vector<16xi32>
          %gt3A_2386 = arith.cmpf ogt, %select_n3A_2384, %select_n3A_2343 : vector<16xf32>
          %select_n3A_2387 = arith.select %gt3A_2386, %select_n3A_2384, %select_n3A_2343 : vector<16xi1>, vector<16xf32>
          %select_n3A_2388 = arith.select %gt3A_2386, %select_n3A_2385, %select_n3A_2344 : vector<16xi1>, vector<16xi32>
          %select_n3A_2389 = arith.select %gt3A_2386, %select_n3A_2343, %select_n3A_2384 : vector<16xi1>, vector<16xf32>
          %select_n3A_2390 = arith.select %gt3A_2386, %select_n3A_2344, %select_n3A_2385 : vector<16xi1>, vector<16xi32>
          %gt3A_2391 = arith.cmpf ogt, %select_n3A_2389, %select_n3A_2348 : vector<16xf32>
          %select_n3A_2392 = arith.select %gt3A_2391, %select_n3A_2389, %select_n3A_2348 : vector<16xi1>, vector<16xf32>
          %select_n3A_2393 = arith.select %gt3A_2391, %select_n3A_2390, %select_n3A_2349 : vector<16xi1>, vector<16xi32>
          %select_n3A_2394 = arith.select %gt3A_2391, %select_n3A_2348, %select_n3A_2389 : vector<16xi1>, vector<16xf32>
          %select_n3A_2395 = arith.select %gt3A_2391, %select_n3A_2349, %select_n3A_2390 : vector<16xi1>, vector<16xi32>
          %gt3A_2396 = arith.cmpf ogt, %select_n3A_2394, %select_n3A_2353 : vector<16xf32>
          %select_n3A_2397 = arith.select %gt3A_2396, %select_n3A_2394, %select_n3A_2353 : vector<16xi1>, vector<16xf32>
          %select_n3A_2398 = arith.select %gt3A_2396, %select_n3A_2395, %select_n3A_2354 : vector<16xi1>, vector<16xi32>
          %select_n3A_2399 = arith.select %gt3A_2396, %select_n3A_2353, %select_n3A_2394 : vector<16xi1>, vector<16xf32>
          %select_n3A_2400 = arith.select %gt3A_2396, %select_n3A_2354, %select_n3A_2395 : vector<16xi1>, vector<16xi32>
          %add3A_2401 = arith.addf %get3A_1758, %gather3A_1613 : vector<16xf32>
          %broadcast_in_dim3A_2402 = arith.constant 208 : i32
          %broadcast_in_dim3A_2403 = vector.broadcast %broadcast_in_dim3A_2402 : i32 to vector<16xi32>
          %add3A_2404 = arith.addi %add3A_1828, %broadcast_in_dim3A_2403 : vector<16xi32>
          %gt3A_2405 = arith.cmpf ogt, %add3A_2401, %select_n3A_2362 : vector<16xf32>
          %select_n3A_2406 = arith.select %gt3A_2405, %add3A_2401, %select_n3A_2362 : vector<16xi1>, vector<16xf32>
          %select_n3A_2407 = arith.select %gt3A_2405, %add3A_2404, %select_n3A_2363 : vector<16xi1>, vector<16xi32>
          %select_n3A_2408 = arith.select %gt3A_2405, %select_n3A_2362, %add3A_2401 : vector<16xi1>, vector<16xf32>
          %select_n3A_2409 = arith.select %gt3A_2405, %select_n3A_2363, %add3A_2404 : vector<16xi1>, vector<16xi32>
          %gt3A_2410 = arith.cmpf ogt, %select_n3A_2408, %select_n3A_2367 : vector<16xf32>
          %select_n3A_2411 = arith.select %gt3A_2410, %select_n3A_2408, %select_n3A_2367 : vector<16xi1>, vector<16xf32>
          %select_n3A_2412 = arith.select %gt3A_2410, %select_n3A_2409, %select_n3A_2368 : vector<16xi1>, vector<16xi32>
          %select_n3A_2413 = arith.select %gt3A_2410, %select_n3A_2367, %select_n3A_2408 : vector<16xi1>, vector<16xf32>
          %select_n3A_2414 = arith.select %gt3A_2410, %select_n3A_2368, %select_n3A_2409 : vector<16xi1>, vector<16xi32>
          %gt3A_2415 = arith.cmpf ogt, %select_n3A_2413, %select_n3A_2372 : vector<16xf32>
          %select_n3A_2416 = arith.select %gt3A_2415, %select_n3A_2413, %select_n3A_2372 : vector<16xi1>, vector<16xf32>
          %select_n3A_2417 = arith.select %gt3A_2415, %select_n3A_2414, %select_n3A_2373 : vector<16xi1>, vector<16xi32>
          %select_n3A_2418 = arith.select %gt3A_2415, %select_n3A_2372, %select_n3A_2413 : vector<16xi1>, vector<16xf32>
          %select_n3A_2419 = arith.select %gt3A_2415, %select_n3A_2373, %select_n3A_2414 : vector<16xi1>, vector<16xi32>
          %gt3A_2420 = arith.cmpf ogt, %select_n3A_2418, %select_n3A_2377 : vector<16xf32>
          %select_n3A_2421 = arith.select %gt3A_2420, %select_n3A_2418, %select_n3A_2377 : vector<16xi1>, vector<16xf32>
          %select_n3A_2422 = arith.select %gt3A_2420, %select_n3A_2419, %select_n3A_2378 : vector<16xi1>, vector<16xi32>
          %select_n3A_2423 = arith.select %gt3A_2420, %select_n3A_2377, %select_n3A_2418 : vector<16xi1>, vector<16xf32>
          %select_n3A_2424 = arith.select %gt3A_2420, %select_n3A_2378, %select_n3A_2419 : vector<16xi1>, vector<16xi32>
          %gt3A_2425 = arith.cmpf ogt, %select_n3A_2423, %select_n3A_2382 : vector<16xf32>
          %select_n3A_2426 = arith.select %gt3A_2425, %select_n3A_2423, %select_n3A_2382 : vector<16xi1>, vector<16xf32>
          %select_n3A_2427 = arith.select %gt3A_2425, %select_n3A_2424, %select_n3A_2383 : vector<16xi1>, vector<16xi32>
          %select_n3A_2428 = arith.select %gt3A_2425, %select_n3A_2382, %select_n3A_2423 : vector<16xi1>, vector<16xf32>
          %select_n3A_2429 = arith.select %gt3A_2425, %select_n3A_2383, %select_n3A_2424 : vector<16xi1>, vector<16xi32>
          %gt3A_2430 = arith.cmpf ogt, %select_n3A_2428, %select_n3A_2387 : vector<16xf32>
          %select_n3A_2431 = arith.select %gt3A_2430, %select_n3A_2428, %select_n3A_2387 : vector<16xi1>, vector<16xf32>
          %select_n3A_2432 = arith.select %gt3A_2430, %select_n3A_2429, %select_n3A_2388 : vector<16xi1>, vector<16xi32>
          %select_n3A_2433 = arith.select %gt3A_2430, %select_n3A_2387, %select_n3A_2428 : vector<16xi1>, vector<16xf32>
          %select_n3A_2434 = arith.select %gt3A_2430, %select_n3A_2388, %select_n3A_2429 : vector<16xi1>, vector<16xi32>
          %gt3A_2435 = arith.cmpf ogt, %select_n3A_2433, %select_n3A_2392 : vector<16xf32>
          %select_n3A_2436 = arith.select %gt3A_2435, %select_n3A_2433, %select_n3A_2392 : vector<16xi1>, vector<16xf32>
          %select_n3A_2437 = arith.select %gt3A_2435, %select_n3A_2434, %select_n3A_2393 : vector<16xi1>, vector<16xi32>
          %select_n3A_2438 = arith.select %gt3A_2435, %select_n3A_2392, %select_n3A_2433 : vector<16xi1>, vector<16xf32>
          %select_n3A_2439 = arith.select %gt3A_2435, %select_n3A_2393, %select_n3A_2434 : vector<16xi1>, vector<16xi32>
          %gt3A_2440 = arith.cmpf ogt, %select_n3A_2438, %select_n3A_2397 : vector<16xf32>
          %select_n3A_2441 = arith.select %gt3A_2440, %select_n3A_2438, %select_n3A_2397 : vector<16xi1>, vector<16xf32>
          %select_n3A_2442 = arith.select %gt3A_2440, %select_n3A_2439, %select_n3A_2398 : vector<16xi1>, vector<16xi32>
          %select_n3A_2443 = arith.select %gt3A_2440, %select_n3A_2397, %select_n3A_2438 : vector<16xi1>, vector<16xf32>
          %select_n3A_2444 = arith.select %gt3A_2440, %select_n3A_2398, %select_n3A_2439 : vector<16xi1>, vector<16xi32>
          %add3A_2445 = arith.addf %get3A_1762, %gather3A_1613 : vector<16xf32>
          %broadcast_in_dim3A_2446 = arith.constant 224 : i32
          %broadcast_in_dim3A_2447 = vector.broadcast %broadcast_in_dim3A_2446 : i32 to vector<16xi32>
          %add3A_2448 = arith.addi %add3A_1828, %broadcast_in_dim3A_2447 : vector<16xi32>
          %gt3A_2449 = arith.cmpf ogt, %add3A_2445, %select_n3A_2406 : vector<16xf32>
          %select_n3A_2450 = arith.select %gt3A_2449, %add3A_2445, %select_n3A_2406 : vector<16xi1>, vector<16xf32>
          %select_n3A_2451 = arith.select %gt3A_2449, %add3A_2448, %select_n3A_2407 : vector<16xi1>, vector<16xi32>
          %select_n3A_2452 = arith.select %gt3A_2449, %select_n3A_2406, %add3A_2445 : vector<16xi1>, vector<16xf32>
          %select_n3A_2453 = arith.select %gt3A_2449, %select_n3A_2407, %add3A_2448 : vector<16xi1>, vector<16xi32>
          %gt3A_2454 = arith.cmpf ogt, %select_n3A_2452, %select_n3A_2411 : vector<16xf32>
          %select_n3A_2455 = arith.select %gt3A_2454, %select_n3A_2452, %select_n3A_2411 : vector<16xi1>, vector<16xf32>
          %select_n3A_2456 = arith.select %gt3A_2454, %select_n3A_2453, %select_n3A_2412 : vector<16xi1>, vector<16xi32>
          %select_n3A_2457 = arith.select %gt3A_2454, %select_n3A_2411, %select_n3A_2452 : vector<16xi1>, vector<16xf32>
          %select_n3A_2458 = arith.select %gt3A_2454, %select_n3A_2412, %select_n3A_2453 : vector<16xi1>, vector<16xi32>
          %gt3A_2459 = arith.cmpf ogt, %select_n3A_2457, %select_n3A_2416 : vector<16xf32>
          %select_n3A_2460 = arith.select %gt3A_2459, %select_n3A_2457, %select_n3A_2416 : vector<16xi1>, vector<16xf32>
          %select_n3A_2461 = arith.select %gt3A_2459, %select_n3A_2458, %select_n3A_2417 : vector<16xi1>, vector<16xi32>
          %select_n3A_2462 = arith.select %gt3A_2459, %select_n3A_2416, %select_n3A_2457 : vector<16xi1>, vector<16xf32>
          %select_n3A_2463 = arith.select %gt3A_2459, %select_n3A_2417, %select_n3A_2458 : vector<16xi1>, vector<16xi32>
          %gt3A_2464 = arith.cmpf ogt, %select_n3A_2462, %select_n3A_2421 : vector<16xf32>
          %select_n3A_2465 = arith.select %gt3A_2464, %select_n3A_2462, %select_n3A_2421 : vector<16xi1>, vector<16xf32>
          %select_n3A_2466 = arith.select %gt3A_2464, %select_n3A_2463, %select_n3A_2422 : vector<16xi1>, vector<16xi32>
          %select_n3A_2467 = arith.select %gt3A_2464, %select_n3A_2421, %select_n3A_2462 : vector<16xi1>, vector<16xf32>
          %select_n3A_2468 = arith.select %gt3A_2464, %select_n3A_2422, %select_n3A_2463 : vector<16xi1>, vector<16xi32>
          %gt3A_2469 = arith.cmpf ogt, %select_n3A_2467, %select_n3A_2426 : vector<16xf32>
          %select_n3A_2470 = arith.select %gt3A_2469, %select_n3A_2467, %select_n3A_2426 : vector<16xi1>, vector<16xf32>
          %select_n3A_2471 = arith.select %gt3A_2469, %select_n3A_2468, %select_n3A_2427 : vector<16xi1>, vector<16xi32>
          %select_n3A_2472 = arith.select %gt3A_2469, %select_n3A_2426, %select_n3A_2467 : vector<16xi1>, vector<16xf32>
          %select_n3A_2473 = arith.select %gt3A_2469, %select_n3A_2427, %select_n3A_2468 : vector<16xi1>, vector<16xi32>
          %gt3A_2474 = arith.cmpf ogt, %select_n3A_2472, %select_n3A_2431 : vector<16xf32>
          %select_n3A_2475 = arith.select %gt3A_2474, %select_n3A_2472, %select_n3A_2431 : vector<16xi1>, vector<16xf32>
          %select_n3A_2476 = arith.select %gt3A_2474, %select_n3A_2473, %select_n3A_2432 : vector<16xi1>, vector<16xi32>
          %select_n3A_2477 = arith.select %gt3A_2474, %select_n3A_2431, %select_n3A_2472 : vector<16xi1>, vector<16xf32>
          %select_n3A_2478 = arith.select %gt3A_2474, %select_n3A_2432, %select_n3A_2473 : vector<16xi1>, vector<16xi32>
          %gt3A_2479 = arith.cmpf ogt, %select_n3A_2477, %select_n3A_2436 : vector<16xf32>
          %select_n3A_2480 = arith.select %gt3A_2479, %select_n3A_2477, %select_n3A_2436 : vector<16xi1>, vector<16xf32>
          %select_n3A_2481 = arith.select %gt3A_2479, %select_n3A_2478, %select_n3A_2437 : vector<16xi1>, vector<16xi32>
          %select_n3A_2482 = arith.select %gt3A_2479, %select_n3A_2436, %select_n3A_2477 : vector<16xi1>, vector<16xf32>
          %select_n3A_2483 = arith.select %gt3A_2479, %select_n3A_2437, %select_n3A_2478 : vector<16xi1>, vector<16xi32>
          %gt3A_2484 = arith.cmpf ogt, %select_n3A_2482, %select_n3A_2441 : vector<16xf32>
          %select_n3A_2485 = arith.select %gt3A_2484, %select_n3A_2482, %select_n3A_2441 : vector<16xi1>, vector<16xf32>
          %select_n3A_2486 = arith.select %gt3A_2484, %select_n3A_2483, %select_n3A_2442 : vector<16xi1>, vector<16xi32>
          %select_n3A_2487 = arith.select %gt3A_2484, %select_n3A_2441, %select_n3A_2482 : vector<16xi1>, vector<16xf32>
          %select_n3A_2488 = arith.select %gt3A_2484, %select_n3A_2442, %select_n3A_2483 : vector<16xi1>, vector<16xi32>
          %add3A_2489 = arith.addf %get3A_1766, %gather3A_1613 : vector<16xf32>
          %broadcast_in_dim3A_2490 = arith.constant 240 : i32
          %broadcast_in_dim3A_2491 = vector.broadcast %broadcast_in_dim3A_2490 : i32 to vector<16xi32>
          %add3A_2492 = arith.addi %add3A_1828, %broadcast_in_dim3A_2491 : vector<16xi32>
          %gt3A_2493 = arith.cmpf ogt, %add3A_2489, %select_n3A_2450 : vector<16xf32>
          %select_n3A_2494 = arith.select %gt3A_2493, %add3A_2489, %select_n3A_2450 : vector<16xi1>, vector<16xf32>
          %select_n3A_2495 = arith.select %gt3A_2493, %add3A_2492, %select_n3A_2451 : vector<16xi1>, vector<16xi32>
          %select_n3A_2496 = arith.select %gt3A_2493, %select_n3A_2450, %add3A_2489 : vector<16xi1>, vector<16xf32>
          %select_n3A_2497 = arith.select %gt3A_2493, %select_n3A_2451, %add3A_2492 : vector<16xi1>, vector<16xi32>
          %gt3A_2498 = arith.cmpf ogt, %select_n3A_2496, %select_n3A_2455 : vector<16xf32>
          %select_n3A_2499 = arith.select %gt3A_2498, %select_n3A_2496, %select_n3A_2455 : vector<16xi1>, vector<16xf32>
          %select_n3A_2500 = arith.select %gt3A_2498, %select_n3A_2497, %select_n3A_2456 : vector<16xi1>, vector<16xi32>
          %select_n3A_2501 = arith.select %gt3A_2498, %select_n3A_2455, %select_n3A_2496 : vector<16xi1>, vector<16xf32>
          %select_n3A_2502 = arith.select %gt3A_2498, %select_n3A_2456, %select_n3A_2497 : vector<16xi1>, vector<16xi32>
          %gt3A_2503 = arith.cmpf ogt, %select_n3A_2501, %select_n3A_2460 : vector<16xf32>
          %select_n3A_2504 = arith.select %gt3A_2503, %select_n3A_2501, %select_n3A_2460 : vector<16xi1>, vector<16xf32>
          %select_n3A_2505 = arith.select %gt3A_2503, %select_n3A_2502, %select_n3A_2461 : vector<16xi1>, vector<16xi32>
          %select_n3A_2506 = arith.select %gt3A_2503, %select_n3A_2460, %select_n3A_2501 : vector<16xi1>, vector<16xf32>
          %select_n3A_2507 = arith.select %gt3A_2503, %select_n3A_2461, %select_n3A_2502 : vector<16xi1>, vector<16xi32>
          %gt3A_2508 = arith.cmpf ogt, %select_n3A_2506, %select_n3A_2465 : vector<16xf32>
          %select_n3A_2509 = arith.select %gt3A_2508, %select_n3A_2506, %select_n3A_2465 : vector<16xi1>, vector<16xf32>
          %select_n3A_2510 = arith.select %gt3A_2508, %select_n3A_2507, %select_n3A_2466 : vector<16xi1>, vector<16xi32>
          %select_n3A_2511 = arith.select %gt3A_2508, %select_n3A_2465, %select_n3A_2506 : vector<16xi1>, vector<16xf32>
          %select_n3A_2512 = arith.select %gt3A_2508, %select_n3A_2466, %select_n3A_2507 : vector<16xi1>, vector<16xi32>
          %gt3A_2513 = arith.cmpf ogt, %select_n3A_2511, %select_n3A_2470 : vector<16xf32>
          %select_n3A_2514 = arith.select %gt3A_2513, %select_n3A_2511, %select_n3A_2470 : vector<16xi1>, vector<16xf32>
          %select_n3A_2515 = arith.select %gt3A_2513, %select_n3A_2512, %select_n3A_2471 : vector<16xi1>, vector<16xi32>
          %select_n3A_2516 = arith.select %gt3A_2513, %select_n3A_2470, %select_n3A_2511 : vector<16xi1>, vector<16xf32>
          %select_n3A_2517 = arith.select %gt3A_2513, %select_n3A_2471, %select_n3A_2512 : vector<16xi1>, vector<16xi32>
          %gt3A_2518 = arith.cmpf ogt, %select_n3A_2516, %select_n3A_2475 : vector<16xf32>
          %select_n3A_2519 = arith.select %gt3A_2518, %select_n3A_2516, %select_n3A_2475 : vector<16xi1>, vector<16xf32>
          %select_n3A_2520 = arith.select %gt3A_2518, %select_n3A_2517, %select_n3A_2476 : vector<16xi1>, vector<16xi32>
          %select_n3A_2521 = arith.select %gt3A_2518, %select_n3A_2475, %select_n3A_2516 : vector<16xi1>, vector<16xf32>
          %select_n3A_2522 = arith.select %gt3A_2518, %select_n3A_2476, %select_n3A_2517 : vector<16xi1>, vector<16xi32>
          %gt3A_2523 = arith.cmpf ogt, %select_n3A_2521, %select_n3A_2480 : vector<16xf32>
          %select_n3A_2524 = arith.select %gt3A_2523, %select_n3A_2521, %select_n3A_2480 : vector<16xi1>, vector<16xf32>
          %select_n3A_2525 = arith.select %gt3A_2523, %select_n3A_2522, %select_n3A_2481 : vector<16xi1>, vector<16xi32>
          %select_n3A_2526 = arith.select %gt3A_2523, %select_n3A_2480, %select_n3A_2521 : vector<16xi1>, vector<16xf32>
          %select_n3A_2527 = arith.select %gt3A_2523, %select_n3A_2481, %select_n3A_2522 : vector<16xi1>, vector<16xi32>
          %gt3A_2528 = arith.cmpf ogt, %select_n3A_2526, %select_n3A_2485 : vector<16xf32>
          %select_n3A_2529 = arith.select %gt3A_2528, %select_n3A_2526, %select_n3A_2485 : vector<16xi1>, vector<16xf32>
          %select_n3A_2530 = arith.select %gt3A_2528, %select_n3A_2527, %select_n3A_2486 : vector<16xi1>, vector<16xi32>
          %select_n3A_2531 = arith.select %gt3A_2528, %select_n3A_2485, %select_n3A_2526 : vector<16xi1>, vector<16xf32>
          %select_n3A_2532 = arith.select %gt3A_2528, %select_n3A_2486, %select_n3A_2527 : vector<16xi1>, vector<16xi32>
          %swap3A_2533 = arith.constant 0 : index
          %swap3A_2534 = tpu.vector_load %arg20[%swap3A_2533] {strides = array<i32>} : memref<128xf32, #tpu.memory_space<vmem>>, vector<16xf32>,
          tpu.vector_store %arg20[%swap3A_2533], %select_n3A_2494 {strides = array<i32>} : memref<128xf32, #tpu.memory_space<vmem>>, vector<16xf32>,
          %swap3A_2535 = arith.constant 0 : index
          %swap3A_2536 = tpu.vector_load %arg21[%swap3A_2535] {strides = array<i32>} : memref<128xi32, #tpu.memory_space<vmem>>, vector<16xi32>,
          tpu.vector_store %arg21[%swap3A_2535], %select_n3A_2495 {strides = array<i32>} : memref<128xi32, #tpu.memory_space<vmem>>, vector<16xi32>,
          %swap3A_2537 = arith.constant 16 : index
          %swap3A_2538 = tpu.vector_load %arg20[%swap3A_2537] {strides = array<i32>} : memref<128xf32, #tpu.memory_space<vmem>>, vector<16xf32>,
          tpu.vector_store %arg20[%swap3A_2537], %select_n3A_2499 {strides = array<i32>} : memref<128xf32, #tpu.memory_space<vmem>>, vector<16xf32>,
          %swap3A_2539 = arith.constant 16 : index
          %swap3A_2540 = tpu.vector_load %arg21[%swap3A_2539] {strides = array<i32>} : memref<128xi32, #tpu.memory_space<vmem>>, vector<16xi32>,
          tpu.vector_store %arg21[%swap3A_2539], %select_n3A_2500 {strides = array<i32>} : memref<128xi32, #tpu.memory_space<vmem>>, vector<16xi32>,
          %swap3A_2541 = arith.constant 32 : index
          %swap3A_2542 = tpu.vector_load %arg20[%swap3A_2541] {strides = array<i32>} : memref<128xf32, #tpu.memory_space<vmem>>, vector<16xf32>,
          tpu.vector_store %arg20[%swap3A_2541], %select_n3A_2504 {strides = array<i32>} : memref<128xf32, #tpu.memory_space<vmem>>, vector<16xf32>,
          %swap3A_2543 = arith.constant 32 : index
          %swap3A_2544 = tpu.vector_load %arg21[%swap3A_2543] {strides = array<i32>} : memref<128xi32, #tpu.memory_space<vmem>>, vector<16xi32>,
          tpu.vector_store %arg21[%swap3A_2543], %select_n3A_2505 {strides = array<i32>} : memref<128xi32, #tpu.memory_space<vmem>>, vector<16xi32>,
          %swap3A_2545 = arith.constant 48 : index
          %swap3A_2546 = tpu.vector_load %arg20[%swap3A_2545] {strides = array<i32>} : memref<128xf32, #tpu.memory_space<vmem>>, vector<16xf32>,
          tpu.vector_store %arg20[%swap3A_2545], %select_n3A_2509 {strides = array<i32>} : memref<128xf32, #tpu.memory_space<vmem>>, vector<16xf32>,
          %swap3A_2547 = arith.constant 48 : index
          %swap3A_2548 = tpu.vector_load %arg21[%swap3A_2547] {strides = array<i32>} : memref<128xi32, #tpu.memory_space<vmem>>, vector<16xi32>,
          tpu.vector_store %arg21[%swap3A_2547], %select_n3A_2510 {strides = array<i32>} : memref<128xi32, #tpu.memory_space<vmem>>, vector<16xi32>,
          %swap3A_2549 = arith.constant 64 : index
          %swap3A_2550 = tpu.vector_load %arg20[%swap3A_2549] {strides = array<i32>} : memref<128xf32, #tpu.memory_space<vmem>>, vector<16xf32>,
          tpu.vector_store %arg20[%swap3A_2549], %select_n3A_2514 {strides = array<i32>} : memref<128xf32, #tpu.memory_space<vmem>>, vector<16xf32>,
          %swap3A_2551 = arith.constant 64 : index
          %swap3A_2552 = tpu.vector_load %arg21[%swap3A_2551] {strides = array<i32>} : memref<128xi32, #tpu.memory_space<vmem>>, vector<16xi32>,
          tpu.vector_store %arg21[%swap3A_2551], %select_n3A_2515 {strides = array<i32>} : memref<128xi32, #tpu.memory_space<vmem>>, vector<16xi32>,
          %swap3A_2553 = arith.constant 80 : index
          %swap3A_2554 = tpu.vector_load %arg20[%swap3A_2553] {strides = array<i32>} : memref<128xf32, #tpu.memory_space<vmem>>, vector<16xf32>,
          tpu.vector_store %arg20[%swap3A_2553], %select_n3A_2519 {strides = array<i32>} : memref<128xf32, #tpu.memory_space<vmem>>, vector<16xf32>,
          %swap3A_2555 = arith.constant 80 : index
          %swap3A_2556 = tpu.vector_load %arg21[%swap3A_2555] {strides = array<i32>} : memref<128xi32, #tpu.memory_space<vmem>>, vector<16xi32>,
          tpu.vector_store %arg21[%swap3A_2555], %select_n3A_2520 {strides = array<i32>} : memref<128xi32, #tpu.memory_space<vmem>>, vector<16xi32>,
          %swap3A_2557 = arith.constant 96 : index
          %swap3A_2558 = tpu.vector_load %arg20[%swap3A_2557] {strides = array<i32>} : memref<128xf32, #tpu.memory_space<vmem>>, vector<16xf32>,
          tpu.vector_store %arg20[%swap3A_2557], %select_n3A_2524 {strides = array<i32>} : memref<128xf32, #tpu.memory_space<vmem>>, vector<16xf32>,
          %swap3A_2559 = arith.constant 96 : index
          %swap3A_2560 = tpu.vector_load %arg21[%swap3A_2559] {strides = array<i32>} : memref<128xi32, #tpu.memory_space<vmem>>, vector<16xi32>,
          tpu.vector_store %arg21[%swap3A_2559], %select_n3A_2525 {strides = array<i32>} : memref<128xi32, #tpu.memory_space<vmem>>, vector<16xi32>,
          %swap3A_2561 = arith.constant 112 : index
          %swap3A_2562 = tpu.vector_load %arg20[%swap3A_2561] {strides = array<i32>} : memref<128xf32, #tpu.memory_space<vmem>>, vector<16xf32>,
          tpu.vector_store %arg20[%swap3A_2561], %select_n3A_2529 {strides = array<i32>} : memref<128xf32, #tpu.memory_space<vmem>>, vector<16xf32>,
          %swap3A_2563 = arith.constant 112 : index
          %swap3A_2564 = tpu.vector_load %arg21[%swap3A_2563] {strides = array<i32>} : memref<128xi32, #tpu.memory_space<vmem>>, vector<16xi32>,
          tpu.vector_store %arg21[%swap3A_2563], %select_n3A_2530 {strides = array<i32>} : memref<128xi32, #tpu.memory_space<vmem>>, vector<16xi32>,
        } else {
        }
        %scan3A_1794 = arith.constant 0 : i32
        scf.yield %scan3A_1794 : i32
      }
      %scan3A_1666 = arith.constant 64 : i32
      %mul3A_1667 = arith.constant 2 : i32
      %mul3A_1668 = arith.muli %scan3A_1608, %mul3A_1667 : i32
      %add3A_1669 = arith.constant 1 : i32
      %add3A_1670 = arith.addi %mul3A_1668, %add3A_1669 : i32
      %add3A_1671 = arith.constant 1 : i32
      %add3A_1672 = arith.addi %add3A_1670, %add3A_1671 : i32
      %ge3A_1673 = arith.constant 16 : i32
      %ge3A_1674 = arith.cmpi sge, %add3A_1672, %ge3A_1673 : i32
      %add3A_1675 = arith.constant 1 : i32
      %add3A_1676 = arith.addi %add3A_1670, %add3A_1675 : i32
      %mul3A_1677 = arith.constant 16384 : i32
      %mul3A_1678 = arith.muli %add3A_1676, %mul3A_1677 : i32
      %add3A_1679 = arith.addi %mul3A_2, %mul3A_1678 : i32
      %select_n3A_1680 = arith.select %ge3A_1674, %mul3A_2, %add3A_1679 : i32
      %multiple_of3A_1681 = tpu.assume_multiple %select_n3A_1680, 8 : i32
      %dma_start3A_1682 = tpu.memref_slice %arg2[%multiple_of3A_1681] : memref<8388608xf32, #tpu.memory_space<hbm>> -> memref<16384xf32, #tpu.memory_space<hbm>>
      %dma_start3A_1683 = tpu.memref_slice %arg2[%multiple_of3A_1681] : memref<8388608xf32, #tpu.memory_space<hbm>> -> memref<16384xf32, #tpu.memory_space<hbm>>
      tpu.enqueue_dma source(%dma_start3A_1683 : memref<16384xf32, #tpu.memory_space<hbm>>) target(%arg11 : memref<16384xf32, #tpu.memory_space<vmem>>) target_semaphore(%arg22 : memref<!tpu.dma_semaphore, #tpu.memory_space<semaphore_mem>>)
      %dma_wait3A_1684 = arith.constant 0 : i32
      %dma_wait3A_1685 = tpu.memref_slice %arg2[%dma_wait3A_1684] : memref<8388608xf32, #tpu.memory_space<hbm>> -> memref<16384xf32, #tpu.memory_space<hbm>>
      %dma_wait3A_1686 = arith.constant 0 : i32
      %dma_wait3A_1687 = tpu.memref_slice %arg2[%dma_wait3A_1686] : memref<8388608xf32, #tpu.memory_space<hbm>> -> memref<16384xf32, #tpu.memory_space<hbm>>
      tpu.wait_dma2 semaphore(%arg23 : memref<!tpu.dma_semaphore, #tpu.memory_space<semaphore_mem>>) src(%dma_wait3A_1687 : memref<16384xf32, #tpu.memory_space<hbm>>) dst(%arg12 : memref<16384xf32, #tpu.memory_space<vmem>>)
      %broadcast_in_dim3A_1688 = arith.constant 16384 : i32
      %broadcast_in_dim3A_1689 = vector.broadcast %broadcast_in_dim3A_1688 : i32 to vector<16xi32>
      %add3A_1690 = arith.addi %add3A_1635, %broadcast_in_dim3A_1689 : vector<16xi32>
      %scan3A_1691 = arith.constant 0 : i32
      %scan3A_1692 = arith.constant 0 : i32
      %scan3A_1693 = arith.constant 64 : i32
      %scan3A_1694 = arith.addi %scan3A_1692, %scan3A_1693 : i32
      %scan3A_1695 = arith.constant 1 : i32
      %scan3A_1696 = scf.for %scan3A_1699 = %scan3A_1692 to %scan3A_1694 step %scan3A_1695 iter_args(%scan3A_1700 = %scan3A_1691) -> (i32)  : i32 {
        %mul3A_1701 = arith.constant 256 : i32
        %mul3A_1702 = arith.muli %scan3A_1699, %mul3A_1701 : i32
        %add3A_1703 = arith.constant 0 : i32
        %add3A_1704 = arith.addi %mul3A_1702, %add3A_1703 : i32
        %get3A_1705 = arith.index_cast %add3A_1704 : i32 to index
        %get3A_1706 = tpu.vector_load %arg12[%get3A_1705] {strides = array<i32>} : memref<16384xf32, #tpu.memory_space<vmem>>, vector<16xf32>,
        %add3A_1707 = arith.constant 16 : i32
        %add3A_1708 = arith.addi %mul3A_1702, %add3A_1707 : i32
        %get3A_1709 = arith.index_cast %add3A_1708 : i32 to index
        %get3A_1710 = tpu.vector_load %arg12[%get3A_1709] {strides = array<i32>} : memref<16384xf32, #tpu.memory_space<vmem>>, vector<16xf32>,
        %add3A_1711 = arith.constant 32 : i32
        %add3A_1712 = arith.addi %mul3A_1702, %add3A_1711 : i32
        %get3A_1713 = arith.index_cast %add3A_1712 : i32 to index
        %get3A_1714 = tpu.vector_load %arg12[%get3A_1713] {strides = array<i32>} : memref<16384xf32, #tpu.memory_space<vmem>>, vector<16xf32>,
        %add3A_1715 = arith.constant 48 : i32
        %add3A_1716 = arith.addi %mul3A_1702, %add3A_1715 : i32
        %get3A_1717 = arith.index_cast %add3A_1716 : i32 to index
        %get3A_1718 = tpu.vector_load %arg12[%get3A_1717] {strides = array<i32>} : memref<16384xf32, #tpu.memory_space<vmem>>, vector<16xf32>,
        %add3A_1719 = arith.constant 64 : i32
        %add3A_1720 = arith.addi %mul3A_1702, %add3A_1719 : i32
        %get3A_1721 = arith.index_cast %add3A_1720 : i32 to index
        %get3A_1722 = tpu.vector_load %arg12[%get3A_1721] {strides = array<i32>} : memref<16384xf32, #tpu.memory_space<vmem>>, vector<16xf32>,
        %add3A_1723 = arith.constant 80 : i32
        %add3A_1724 = arith.addi %mul3A_1702, %add3A_1723 : i32
        %get3A_1725 = arith.index_cast %add3A_1724 : i32 to index
        %get3A_1726 = tpu.vector_load %arg12[%get3A_1725] {strides = array<i32>} : memref<16384xf32, #tpu.memory_space<vmem>>, vector<16xf32>,
        %add3A_1727 = arith.constant 96 : i32
        %add3A_1728 = arith.addi %mul3A_1702, %add3A_1727 : i32
        %get3A_1729 = arith.index_cast %add3A_1728 : i32 to index
        %get3A_1730 = tpu.vector_load %arg12[%get3A_1729] {strides = array<i32>} : memref<16384xf32, #tpu.memory_space<vmem>>, vector<16xf32>,
        %add3A_1731 = arith.constant 112 : i32
        %add3A_1732 = arith.addi %mul3A_1702, %add3A_1731 : i32
        %get3A_1733 = arith.index_cast %add3A_1732 : i32 to index
        %get3A_1734 = tpu.vector_load %arg12[%get3A_1733] {strides = array<i32>} : memref<16384xf32, #tpu.memory_space<vmem>>, vector<16xf32>,
        %add3A_1735 = arith.constant 128 : i32
        %add3A_1736 = arith.addi %mul3A_1702, %add3A_1735 : i32
        %get3A_1737 = arith.index_cast %add3A_1736 : i32 to index
        %get3A_1738 = tpu.vector_load %arg12[%get3A_1737] {strides = array<i32>} : memref<16384xf32, #tpu.memory_space<vmem>>, vector<16xf32>,
        %add3A_1739 = arith.constant 144 : i32
        %add3A_1740 = arith.addi %mul3A_1702, %add3A_1739 : i32
        %get3A_1741 = arith.index_cast %add3A_1740 : i32 to index
        %get3A_1742 = tpu.vector_load %arg12[%get3A_1741] {strides = array<i32>} : memref<16384xf32, #tpu.memory_space<vmem>>, vector<16xf32>,
        %add3A_1743 = arith.constant 160 : i32
        %add3A_1744 = arith.addi %mul3A_1702, %add3A_1743 : i32
        %get3A_1745 = arith.index_cast %add3A_1744 : i32 to index
        %get3A_1746 = tpu.vector_load %arg12[%get3A_1745] {strides = array<i32>} : memref<16384xf32, #tpu.memory_space<vmem>>, vector<16xf32>,
        %add3A_1747 = arith.constant 176 : i32
        %add3A_1748 = arith.addi %mul3A_1702, %add3A_1747 : i32
        %get3A_1749 = arith.index_cast %add3A_1748 : i32 to index
        %get3A_1750 = tpu.vector_load %arg12[%get3A_1749] {strides = array<i32>} : memref<16384xf32, #tpu.memory_space<vmem>>, vector<16xf32>,
        %add3A_1751 = arith.constant 192 : i32
        %add3A_1752 = arith.addi %mul3A_1702, %add3A_1751 : i32
        %get3A_1753 = arith.index_cast %add3A_1752 : i32 to index
        %get3A_1754 = tpu.vector_load %arg12[%get3A_1753] {strides = array<i32>} : memref<16384xf32, #tpu.memory_space<vmem>>, vector<16xf32>,
        %add3A_1755 = arith.constant 208 : i32
        %add3A_1756 = arith.addi %mul3A_1702, %add3A_1755 : i32
        %get3A_1757 = arith.index_cast %add3A_1756 : i32 to index
        %get3A_1758 = tpu.vector_load %arg12[%get3A_1757] {strides = array<i32>} : memref<16384xf32, #tpu.memory_space<vmem>>, vector<16xf32>,
        %add3A_1759 = arith.constant 224 : i32
        %add3A_1760 = arith.addi %mul3A_1702, %add3A_1759 : i32
        %get3A_1761 = arith.index_cast %add3A_1760 : i32 to index
        %get3A_1762 = tpu.vector_load %arg12[%get3A_1761] {strides = array<i32>} : memref<16384xf32, #tpu.memory_space<vmem>>, vector<16xf32>,
        %add3A_1763 = arith.constant 240 : i32
        %add3A_1764 = arith.addi %mul3A_1702, %add3A_1763 : i32
        %get3A_1765 = arith.index_cast %add3A_1764 : i32 to index
        %get3A_1766 = tpu.vector_load %arg12[%get3A_1765] {strides = array<i32>} : memref<16384xf32, #tpu.memory_space<vmem>>, vector<16xf32>,
        %max3A_1767 = arith.maximumf %get3A_1706, %get3A_1710 : vector<16xf32>
        %max3A_1768 = arith.maximumf %get3A_1714, %get3A_1718 : vector<16xf32>
        %max3A_1769 = arith.maximumf %get3A_1722, %get3A_1726 : vector<16xf32>
        %max3A_1770 = arith.maximumf %get3A_1730, %get3A_1734 : vector<16xf32>
        %max3A_1771 = arith.maximumf %get3A_1738, %get3A_1742 : vector<16xf32>
        %max3A_1772 = arith.maximumf %get3A_1746, %get3A_1750 : vector<16xf32>
        %max3A_1773 = arith.maximumf %get3A_1754, %get3A_1758 : vector<16xf32>
        %max3A_1774 = arith.maximumf %get3A_1762, %get3A_1766 : vector<16xf32>
        %max3A_1775 = arith.maximumf %max3A_1767, %max3A_1768 : vector<16xf32>
        %max3A_1776 = arith.maximumf %max3A_1769, %max3A_1770 : vector<16xf32>
        %max3A_1777 = arith.maximumf %max3A_1771, %max3A_1772 : vector<16xf32>
        %max3A_1778 = arith.maximumf %max3A_1773, %max3A_1774 : vector<16xf32>
        %max3A_1779 = arith.maximumf %max3A_1775, %max3A_1776 : vector<16xf32>
        %max3A_1780 = arith.maximumf %max3A_1777, %max3A_1778 : vector<16xf32>
        %max3A_1781 = arith.maximumf %max3A_1779, %max3A_1780 : vector<16xf32>
        %ge3A_1782 = arith.cmpf oge, %max3A_1781, %select_n3A_1631 : vector<16xf32>
        %reduce_or3A = arith.constant 1.000000e+00 : f32
        %reduce_or3A_1783 = arith.constant 0.000000e+00 : f32
        %reduce_or3A_1784 = vector.broadcast %reduce_or3A : f32 to vector<16xf32>
        %reduce_or3A_1785 = vector.broadcast %reduce_or3A_1783 : f32 to vector<16xf32>
        %reduce_or3A_1786 = arith.select %ge3A_1782, %reduce_or3A_1784, %reduce_or3A_1785 : vector<16xi1>, vector<16xf32>
        %reduce_or3A_1787 = arith.constant true
        %reduce_or3A_1788 = vector.broadcast %reduce_or3A_1787 : i1 to vector<16xi1>
        %reduce_or3A_1789 = tpu.scan <max>, %reduce_or3A_1786 masked %reduce_or3A_1788 : vector<16xf32>, vector<16xi1> -> vector<16xf32>
        %reduce_or3A_1790 = vector.extract %reduce_or3A_1789[15] : f32 from vector<16xf32>
        %reduce_or3A_1791 = arith.constant 0.000000e+00 : f32
        %reduce_or3A_1792 = arith.cmpf ogt, %reduce_or3A_1790, %reduce_or3A_1791 : f32
        %convert_element_type3A = arith.extui %reduce_or3A_1792 : i1 to i32
        %cond3A = arith.constant 0 : i32
        %cond3A_1793 = arith.cmpi ne, %convert_element_type3A, %cond3A : i32
        scf.if %cond3A_1793 {
          %get3A_1795 = arith.constant 0 : index
          %get3A_1796 = tpu.vector_load %arg20[%get3A_1795] {strides = array<i32>} : memref<128xf32, #tpu.memory_space<vmem>>, vector<16xf32>,
          %get3A_1797 = arith.constant 16 : index
          %get3A_1798 = tpu.vector_load %arg20[%get3A_1797] {strides = array<i32>} : memref<128xf32, #tpu.memory_space<vmem>>, vector<16xf32>,
          %get3A_1799 = arith.constant 32 : index
          %get3A_1800 = tpu.vector_load %arg20[%get3A_1799] {strides = array<i32>} : memref<128xf32, #tpu.memory_space<vmem>>, vector<16xf32>,
          %get3A_1801 = arith.constant 48 : index
          %get3A_1802 = tpu.vector_load %arg20[%get3A_1801] {strides = array<i32>} : memref<128xf32, #tpu.memory_space<vmem>>, vector<16xf32>,
          %get3A_1803 = arith.constant 64 : index
          %get3A_1804 = tpu.vector_load %arg20[%get3A_1803] {strides = array<i32>} : memref<128xf32, #tpu.memory_space<vmem>>, vector<16xf32>,
          %get3A_1805 = arith.constant 80 : index
          %get3A_1806 = tpu.vector_load %arg20[%get3A_1805] {strides = array<i32>} : memref<128xf32, #tpu.memory_space<vmem>>, vector<16xf32>,
          %get3A_1807 = arith.constant 96 : index
          %get3A_1808 = tpu.vector_load %arg20[%get3A_1807] {strides = array<i32>} : memref<128xf32, #tpu.memory_space<vmem>>, vector<16xf32>,
          %get3A_1809 = arith.constant 112 : index
          %get3A_1810 = tpu.vector_load %arg20[%get3A_1809] {strides = array<i32>} : memref<128xf32, #tpu.memory_space<vmem>>, vector<16xf32>,
          %get3A_1811 = arith.constant 0 : index
          %get3A_1812 = tpu.vector_load %arg21[%get3A_1811] {strides = array<i32>} : memref<128xi32, #tpu.memory_space<vmem>>, vector<16xi32>,
          %get3A_1813 = arith.constant 16 : index
          %get3A_1814 = tpu.vector_load %arg21[%get3A_1813] {strides = array<i32>} : memref<128xi32, #tpu.memory_space<vmem>>, vector<16xi32>,
          %get3A_1815 = arith.constant 32 : index
          %get3A_1816 = tpu.vector_load %arg21[%get3A_1815] {strides = array<i32>} : memref<128xi32, #tpu.memory_space<vmem>>, vector<16xi32>,
          %get3A_1817 = arith.constant 48 : index
          %get3A_1818 = tpu.vector_load %arg21[%get3A_1817] {strides = array<i32>} : memref<128xi32, #tpu.memory_space<vmem>>, vector<16xi32>,
          %get3A_1819 = arith.constant 64 : index
          %get3A_1820 = tpu.vector_load %arg21[%get3A_1819] {strides = array<i32>} : memref<128xi32, #tpu.memory_space<vmem>>, vector<16xi32>,
          %get3A_1821 = arith.constant 80 : index
          %get3A_1822 = tpu.vector_load %arg21[%get3A_1821] {strides = array<i32>} : memref<128xi32, #tpu.memory_space<vmem>>, vector<16xi32>,
          %get3A_1823 = arith.constant 96 : index
          %get3A_1824 = tpu.vector_load %arg21[%get3A_1823] {strides = array<i32>} : memref<128xi32, #tpu.memory_space<vmem>>, vector<16xi32>,
          %get3A_1825 = arith.constant 112 : index
          %get3A_1826 = tpu.vector_load %arg21[%get3A_1825] {strides = array<i32>} : memref<128xi32, #tpu.memory_space<vmem>>, vector<16xi32>,
          %broadcast_in_dim3A_1827 = vector.broadcast %mul3A_1702 : i32 to vector<16xi32>
          %add3A_1828 = arith.addi %add3A_1690, %broadcast_in_dim3A_1827 : vector<16xi32>
          %add3A_1829 = arith.addf %get3A_1706, %gather3A_1613 : vector<16xf32>
          %broadcast_in_dim3A_1830 = arith.constant 0 : i32
          %broadcast_in_dim3A_1831 = vector.broadcast %broadcast_in_dim3A_1830 : i32 to vector<16xi32>
          %add3A_1832 = arith.addi %add3A_1828, %broadcast_in_dim3A_1831 : vector<16xi32>
          %gt3A_1833 = arith.cmpf ogt, %add3A_1829, %get3A_1796 : vector<16xf32>
          %select_n3A_1834 = arith.select %gt3A_1833, %add3A_1829, %get3A_1796 : vector<16xi1>, vector<16xf32>
          %select_n3A_1835 = arith.select %gt3A_1833, %add3A_1832, %get3A_1812 : vector<16xi1>, vector<16xi32>
          %select_n3A_1836 = arith.select %gt3A_1833, %get3A_1796, %add3A_1829 : vector<16xi1>, vector<16xf32>
          %select_n3A_1837 = arith.select %gt3A_1833, %get3A_1812, %add3A_1832 : vector<16xi1>, vector<16xi32>
          %gt3A_1838 = arith.cmpf ogt, %select_n3A_1836, %get3A_1798 : vector<16xf32>
          %select_n3A_1839 = arith.select %gt3A_1838, %select_n3A_1836, %get3A_1798 : vector<16xi1>, vector<16xf32>
          %select_n3A_1840 = arith.select %gt3A_1838, %select_n3A_1837, %get3A_1814 : vector<16xi1>, vector<16xi32>
          %select_n3A_1841 = arith.select %gt3A_1838, %get3A_1798, %select_n3A_1836 : vector<16xi1>, vector<16xf32>
          %select_n3A_1842 = arith.select %gt3A_1838, %get3A_1814, %select_n3A_1837 : vector<16xi1>, vector<16xi32>
          %gt3A_1843 = arith.cmpf ogt, %select_n3A_1841, %get3A_1800 : vector<16xf32>
          %select_n3A_1844 = arith.select %gt3A_1843, %select_n3A_1841, %get3A_1800 : vector<16xi1>, vector<16xf32>
          %select_n3A_1845 = arith.select %gt3A_1843, %select_n3A_1842, %get3A_1816 : vector<16xi1>, vector<16xi32>
          %select_n3A_1846 = arith.select %gt3A_1843, %get3A_1800, %select_n3A_1841 : vector<16xi1>, vector<16xf32>
          %select_n3A_1847 = arith.select %gt3A_1843, %get3A_1816, %select_n3A_1842 : vector<16xi1>, vector<16xi32>
          %gt3A_1848 = arith.cmpf ogt, %select_n3A_1846, %get3A_1802 : vector<16xf32>
          %select_n3A_1849 = arith.select %gt3A_1848, %select_n3A_1846, %get3A_1802 : vector<16xi1>, vector<16xf32>
          %select_n3A_1850 = arith.select %gt3A_1848, %select_n3A_1847, %get3A_1818 : vector<16xi1>, vector<16xi32>
          %select_n3A_1851 = arith.select %gt3A_1848, %get3A_1802, %select_n3A_1846 : vector<16xi1>, vector<16xf32>
          %select_n3A_1852 = arith.select %gt3A_1848, %get3A_1818, %select_n3A_1847 : vector<16xi1>, vector<16xi32>
          %gt3A_1853 = arith.cmpf ogt, %select_n3A_1851, %get3A_1804 : vector<16xf32>
          %select_n3A_1854 = arith.select %gt3A_1853, %select_n3A_1851, %get3A_1804 : vector<16xi1>, vector<16xf32>
          %select_n3A_1855 = arith.select %gt3A_1853, %select_n3A_1852, %get3A_1820 : vector<16xi1>, vector<16xi32>
          %select_n3A_1856 = arith.select %gt3A_1853, %get3A_1804, %select_n3A_1851 : vector<16xi1>, vector<16xf32>
          %select_n3A_1857 = arith.select %gt3A_1853, %get3A_1820, %select_n3A_1852 : vector<16xi1>, vector<16xi32>
          %gt3A_1858 = arith.cmpf ogt, %select_n3A_1856, %get3A_1806 : vector<16xf32>
          %select_n3A_1859 = arith.select %gt3A_1858, %select_n3A_1856, %get3A_1806 : vector<16xi1>, vector<16xf32>
          %select_n3A_1860 = arith.select %gt3A_1858, %select_n3A_1857, %get3A_1822 : vector<16xi1>, vector<16xi32>
          %select_n3A_1861 = arith.select %gt3A_1858, %get3A_1806, %select_n3A_1856 : vector<16xi1>, vector<16xf32>
          %select_n3A_1862 = arith.select %gt3A_1858, %get3A_1822, %select_n3A_1857 : vector<16xi1>, vector<16xi32>
          %gt3A_1863 = arith.cmpf ogt, %select_n3A_1861, %get3A_1808 : vector<16xf32>
          %select_n3A_1864 = arith.select %gt3A_1863, %select_n3A_1861, %get3A_1808 : vector<16xi1>, vector<16xf32>
          %select_n3A_1865 = arith.select %gt3A_1863, %select_n3A_1862, %get3A_1824 : vector<16xi1>, vector<16xi32>
          %select_n3A_1866 = arith.select %gt3A_1863, %get3A_1808, %select_n3A_1861 : vector<16xi1>, vector<16xf32>
          %select_n3A_1867 = arith.select %gt3A_1863, %get3A_1824, %select_n3A_1862 : vector<16xi1>, vector<16xi32>
          %gt3A_1868 = arith.cmpf ogt, %select_n3A_1866, %get3A_1810 : vector<16xf32>
          %select_n3A_1869 = arith.select %gt3A_1868, %select_n3A_1866, %get3A_1810 : vector<16xi1>, vector<16xf32>
          %select_n3A_1870 = arith.select %gt3A_1868, %select_n3A_1867, %get3A_1826 : vector<16xi1>, vector<16xi32>
          %select_n3A_1871 = arith.select %gt3A_1868, %get3A_1810, %select_n3A_1866 : vector<16xi1>, vector<16xf32>
          %select_n3A_1872 = arith.select %gt3A_1868, %get3A_1826, %select_n3A_1867 : vector<16xi1>, vector<16xi32>
          %add3A_1873 = arith.addf %get3A_1710, %gather3A_1613 : vector<16xf32>
          %broadcast_in_dim3A_1874 = arith.constant 16 : i32
          %broadcast_in_dim3A_1875 = vector.broadcast %broadcast_in_dim3A_1874 : i32 to vector<16xi32>
          %add3A_1876 = arith.addi %add3A_1828, %broadcast_in_dim3A_1875 : vector<16xi32>
          %gt3A_1877 = arith.cmpf ogt, %add3A_1873, %select_n3A_1834 : vector<16xf32>
          %select_n3A_1878 = arith.select %gt3A_1877, %add3A_1873, %select_n3A_1834 : vector<16xi1>, vector<16xf32>
          %select_n3A_1879 = arith.select %gt3A_1877, %add3A_1876, %select_n3A_1835 : vector<16xi1>, vector<16xi32>
          %select_n3A_1880 = arith.select %gt3A_1877, %select_n3A_1834, %add3A_1873 : vector<16xi1>, vector<16xf32>
          %select_n3A_1881 = arith.select %gt3A_1877, %select_n3A_1835, %add3A_1876 : vector<16xi1>, vector<16xi32>
          %gt3A_1882 = arith.cmpf ogt, %select_n3A_1880, %select_n3A_1839 : vector<16xf32>
          %select_n3A_1883 = arith.select %gt3A_1882, %select_n3A_1880, %select_n3A_1839 : vector<16xi1>, vector<16xf32>
          %select_n3A_1884 = arith.select %gt3A_1882, %select_n3A_1881, %select_n3A_1840 : vector<16xi1>, vector<16xi32>
          %select_n3A_1885 = arith.select %gt3A_1882, %select_n3A_1839, %select_n3A_1880 : vector<16xi1>, vector<16xf32>
          %select_n3A_1886 = arith.select %gt3A_1882, %select_n3A_1840, %select_n3A_1881 : vector<16xi1>, vector<16xi32>
          %gt3A_1887 = arith.cmpf ogt, %select_n3A_1885, %select_n3A_1844 : vector<16xf32>
          %select_n3A_1888 = arith.select %gt3A_1887, %select_n3A_1885, %select_n3A_1844 : vector<16xi1>, vector<16xf32>
          %select_n3A_1889 = arith.select %gt3A_1887, %select_n3A_1886, %select_n3A_1845 : vector<16xi1>, vector<16xi32>
          %select_n3A_1890 = arith.select %gt3A_1887, %select_n3A_1844, %select_n3A_1885 : vector<16xi1>, vector<16xf32>
          %select_n3A_1891 = arith.select %gt3A_1887, %select_n3A_1845, %select_n3A_1886 : vector<16xi1>, vector<16xi32>
          %gt3A_1892 = arith.cmpf ogt, %select_n3A_1890, %select_n3A_1849 : vector<16xf32>
          %select_n3A_1893 = arith.select %gt3A_1892, %select_n3A_1890, %select_n3A_1849 : vector<16xi1>, vector<16xf32>
          %select_n3A_1894 = arith.select %gt3A_1892, %select_n3A_1891, %select_n3A_1850 : vector<16xi1>, vector<16xi32>
          %select_n3A_1895 = arith.select %gt3A_1892, %select_n3A_1849, %select_n3A_1890 : vector<16xi1>, vector<16xf32>
          %select_n3A_1896 = arith.select %gt3A_1892, %select_n3A_1850, %select_n3A_1891 : vector<16xi1>, vector<16xi32>
          %gt3A_1897 = arith.cmpf ogt, %select_n3A_1895, %select_n3A_1854 : vector<16xf32>
          %select_n3A_1898 = arith.select %gt3A_1897, %select_n3A_1895, %select_n3A_1854 : vector<16xi1>, vector<16xf32>
          %select_n3A_1899 = arith.select %gt3A_1897, %select_n3A_1896, %select_n3A_1855 : vector<16xi1>, vector<16xi32>
          %select_n3A_1900 = arith.select %gt3A_1897, %select_n3A_1854, %select_n3A_1895 : vector<16xi1>, vector<16xf32>
          %select_n3A_1901 = arith.select %gt3A_1897, %select_n3A_1855, %select_n3A_1896 : vector<16xi1>, vector<16xi32>
          %gt3A_1902 = arith.cmpf ogt, %select_n3A_1900, %select_n3A_1859 : vector<16xf32>
          %select_n3A_1903 = arith.select %gt3A_1902, %select_n3A_1900, %select_n3A_1859 : vector<16xi1>, vector<16xf32>
          %select_n3A_1904 = arith.select %gt3A_1902, %select_n3A_1901, %select_n3A_1860 : vector<16xi1>, vector<16xi32>
          %select_n3A_1905 = arith.select %gt3A_1902, %select_n3A_1859, %select_n3A_1900 : vector<16xi1>, vector<16xf32>
          %select_n3A_1906 = arith.select %gt3A_1902, %select_n3A_1860, %select_n3A_1901 : vector<16xi1>, vector<16xi32>
          %gt3A_1907 = arith.cmpf ogt, %select_n3A_1905, %select_n3A_1864 : vector<16xf32>
          %select_n3A_1908 = arith.select %gt3A_1907, %select_n3A_1905, %select_n3A_1864 : vector<16xi1>, vector<16xf32>
          %select_n3A_1909 = arith.select %gt3A_1907, %select_n3A_1906, %select_n3A_1865 : vector<16xi1>, vector<16xi32>
          %select_n3A_1910 = arith.select %gt3A_1907, %select_n3A_1864, %select_n3A_1905 : vector<16xi1>, vector<16xf32>
          %select_n3A_1911 = arith.select %gt3A_1907, %select_n3A_1865, %select_n3A_1906 : vector<16xi1>, vector<16xi32>
          %gt3A_1912 = arith.cmpf ogt, %select_n3A_1910, %select_n3A_1869 : vector<16xf32>
          %select_n3A_1913 = arith.select %gt3A_1912, %select_n3A_1910, %select_n3A_1869 : vector<16xi1>, vector<16xf32>
          %select_n3A_1914 = arith.select %gt3A_1912, %select_n3A_1911, %select_n3A_1870 : vector<16xi1>, vector<16xi32>
          %select_n3A_1915 = arith.select %gt3A_1912, %select_n3A_1869, %select_n3A_1910 : vector<16xi1>, vector<16xf32>
          %select_n3A_1916 = arith.select %gt3A_1912, %select_n3A_1870, %select_n3A_1911 : vector<16xi1>, vector<16xi32>
          %add3A_1917 = arith.addf %get3A_1714, %gather3A_1613 : vector<16xf32>
          %broadcast_in_dim3A_1918 = arith.constant 32 : i32
          %broadcast_in_dim3A_1919 = vector.broadcast %broadcast_in_dim3A_1918 : i32 to vector<16xi32>
          %add3A_1920 = arith.addi %add3A_1828, %broadcast_in_dim3A_1919 : vector<16xi32>
          %gt3A_1921 = arith.cmpf ogt, %add3A_1917, %select_n3A_1878 : vector<16xf32>
          %select_n3A_1922 = arith.select %gt3A_1921, %add3A_1917, %select_n3A_1878 : vector<16xi1>, vector<16xf32>
          %select_n3A_1923 = arith.select %gt3A_1921, %add3A_1920, %select_n3A_1879 : vector<16xi1>, vector<16xi32>
          %select_n3A_1924 = arith.select %gt3A_1921, %select_n3A_1878, %add3A_1917 : vector<16xi1>, vector<16xf32>
          %select_n3A_1925 = arith.select %gt3A_1921, %select_n3A_1879, %add3A_1920 : vector<16xi1>, vector<16xi32>
          %gt3A_1926 = arith.cmpf ogt, %select_n3A_1924, %select_n3A_1883 : vector<16xf32>
          %select_n3A_1927 = arith.select %gt3A_1926, %select_n3A_1924, %select_n3A_1883 : vector<16xi1>, vector<16xf32>
          %select_n3A_1928 = arith.select %gt3A_1926, %select_n3A_1925, %select_n3A_1884 : vector<16xi1>, vector<16xi32>
          %select_n3A_1929 = arith.select %gt3A_1926, %select_n3A_1883, %select_n3A_1924 : vector<16xi1>, vector<16xf32>
          %select_n3A_1930 = arith.select %gt3A_1926, %select_n3A_1884, %select_n3A_1925 : vector<16xi1>, vector<16xi32>
          %gt3A_1931 = arith.cmpf ogt, %select_n3A_1929, %select_n3A_1888 : vector<16xf32>
          %select_n3A_1932 = arith.select %gt3A_1931, %select_n3A_1929, %select_n3A_1888 : vector<16xi1>, vector<16xf32>
          %select_n3A_1933 = arith.select %gt3A_1931, %select_n3A_1930, %select_n3A_1889 : vector<16xi1>, vector<16xi32>
          %select_n3A_1934 = arith.select %gt3A_1931, %select_n3A_1888, %select_n3A_1929 : vector<16xi1>, vector<16xf32>
          %select_n3A_1935 = arith.select %gt3A_1931, %select_n3A_1889, %select_n3A_1930 : vector<16xi1>, vector<16xi32>
          %gt3A_1936 = arith.cmpf ogt, %select_n3A_1934, %select_n3A_1893 : vector<16xf32>
          %select_n3A_1937 = arith.select %gt3A_1936, %select_n3A_1934, %select_n3A_1893 : vector<16xi1>, vector<16xf32>
          %select_n3A_1938 = arith.select %gt3A_1936, %select_n3A_1935, %select_n3A_1894 : vector<16xi1>, vector<16xi32>
          %select_n3A_1939 = arith.select %gt3A_1936, %select_n3A_1893, %select_n3A_1934 : vector<16xi1>, vector<16xf32>
          %select_n3A_1940 = arith.select %gt3A_1936, %select_n3A_1894, %select_n3A_1935 : vector<16xi1>, vector<16xi32>
          %gt3A_1941 = arith.cmpf ogt, %select_n3A_1939, %select_n3A_1898 : vector<16xf32>
          %select_n3A_1942 = arith.select %gt3A_1941, %select_n3A_1939, %select_n3A_1898 : vector<16xi1>, vector<16xf32>
          %select_n3A_1943 = arith.select %gt3A_1941, %select_n3A_1940, %select_n3A_1899 : vector<16xi1>, vector<16xi32>
          %select_n3A_1944 = arith.select %gt3A_1941, %select_n3A_1898, %select_n3A_1939 : vector<16xi1>, vector<16xf32>
          %select_n3A_1945 = arith.select %gt3A_1941, %select_n3A_1899, %select_n3A_1940 : vector<16xi1>, vector<16xi32>
          %gt3A_1946 = arith.cmpf ogt, %select_n3A_1944, %select_n3A_1903 : vector<16xf32>
          %select_n3A_1947 = arith.select %gt3A_1946, %select_n3A_1944, %select_n3A_1903 : vector<16xi1>, vector<16xf32>
          %select_n3A_1948 = arith.select %gt3A_1946, %select_n3A_1945, %select_n3A_1904 : vector<16xi1>, vector<16xi32>
          %select_n3A_1949 = arith.select %gt3A_1946, %select_n3A_1903, %select_n3A_1944 : vector<16xi1>, vector<16xf32>
          %select_n3A_1950 = arith.select %gt3A_1946, %select_n3A_1904, %select_n3A_1945 : vector<16xi1>, vector<16xi32>
          %gt3A_1951 = arith.cmpf ogt, %select_n3A_1949, %select_n3A_1908 : vector<16xf32>
          %select_n3A_1952 = arith.select %gt3A_1951, %select_n3A_1949, %select_n3A_1908 : vector<16xi1>, vector<16xf32>
          %select_n3A_1953 = arith.select %gt3A_1951, %select_n3A_1950, %select_n3A_1909 : vector<16xi1>, vector<16xi32>
          %select_n3A_1954 = arith.select %gt3A_1951, %select_n3A_1908, %select_n3A_1949 : vector<16xi1>, vector<16xf32>
          %select_n3A_1955 = arith.select %gt3A_1951, %select_n3A_1909, %select_n3A_1950 : vector<16xi1>, vector<16xi32>
          %gt3A_1956 = arith.cmpf ogt, %select_n3A_1954, %select_n3A_1913 : vector<16xf32>
          %select_n3A_1957 = arith.select %gt3A_1956, %select_n3A_1954, %select_n3A_1913 : vector<16xi1>, vector<16xf32>
          %select_n3A_1958 = arith.select %gt3A_1956, %select_n3A_1955, %select_n3A_1914 : vector<16xi1>, vector<16xi32>
          %select_n3A_1959 = arith.select %gt3A_1956, %select_n3A_1913, %select_n3A_1954 : vector<16xi1>, vector<16xf32>
          %select_n3A_1960 = arith.select %gt3A_1956, %select_n3A_1914, %select_n3A_1955 : vector<16xi1>, vector<16xi32>
          %add3A_1961 = arith.addf %get3A_1718, %gather3A_1613 : vector<16xf32>
          %broadcast_in_dim3A_1962 = arith.constant 48 : i32
          %broadcast_in_dim3A_1963 = vector.broadcast %broadcast_in_dim3A_1962 : i32 to vector<16xi32>
          %add3A_1964 = arith.addi %add3A_1828, %broadcast_in_dim3A_1963 : vector<16xi32>
          %gt3A_1965 = arith.cmpf ogt, %add3A_1961, %select_n3A_1922 : vector<16xf32>
          %select_n3A_1966 = arith.select %gt3A_1965, %add3A_1961, %select_n3A_1922 : vector<16xi1>, vector<16xf32>
          %select_n3A_1967 = arith.select %gt3A_1965, %add3A_1964, %select_n3A_1923 : vector<16xi1>, vector<16xi32>
          %select_n3A_1968 = arith.select %gt3A_1965, %select_n3A_1922, %add3A_1961 : vector<16xi1>, vector<16xf32>
          %select_n3A_1969 = arith.select %gt3A_1965, %select_n3A_1923, %add3A_1964 : vector<16xi1>, vector<16xi32>
          %gt3A_1970 = arith.cmpf ogt, %select_n3A_1968, %select_n3A_1927 : vector<16xf32>
          %select_n3A_1971 = arith.select %gt3A_1970, %select_n3A_1968, %select_n3A_1927 : vector<16xi1>, vector<16xf32>
          %select_n3A_1972 = arith.select %gt3A_1970, %select_n3A_1969, %select_n3A_1928 : vector<16xi1>, vector<16xi32>
          %select_n3A_1973 = arith.select %gt3A_1970, %select_n3A_1927, %select_n3A_1968 : vector<16xi1>, vector<16xf32>
          %select_n3A_1974 = arith.select %gt3A_1970, %select_n3A_1928, %select_n3A_1969 : vector<16xi1>, vector<16xi32>
          %gt3A_1975 = arith.cmpf ogt, %select_n3A_1973, %select_n3A_1932 : vector<16xf32>
          %select_n3A_1976 = arith.select %gt3A_1975, %select_n3A_1973, %select_n3A_1932 : vector<16xi1>, vector<16xf32>
          %select_n3A_1977 = arith.select %gt3A_1975, %select_n3A_1974, %select_n3A_1933 : vector<16xi1>, vector<16xi32>
          %select_n3A_1978 = arith.select %gt3A_1975, %select_n3A_1932, %select_n3A_1973 : vector<16xi1>, vector<16xf32>
          %select_n3A_1979 = arith.select %gt3A_1975, %select_n3A_1933, %select_n3A_1974 : vector<16xi1>, vector<16xi32>
          %gt3A_1980 = arith.cmpf ogt, %select_n3A_1978, %select_n3A_1937 : vector<16xf32>
          %select_n3A_1981 = arith.select %gt3A_1980, %select_n3A_1978, %select_n3A_1937 : vector<16xi1>, vector<16xf32>
          %select_n3A_1982 = arith.select %gt3A_1980, %select_n3A_1979, %select_n3A_1938 : vector<16xi1>, vector<16xi32>
          %select_n3A_1983 = arith.select %gt3A_1980, %select_n3A_1937, %select_n3A_1978 : vector<16xi1>, vector<16xf32>
          %select_n3A_1984 = arith.select %gt3A_1980, %select_n3A_1938, %select_n3A_1979 : vector<16xi1>, vector<16xi32>
          %gt3A_1985 = arith.cmpf ogt, %select_n3A_1983, %select_n3A_1942 : vector<16xf32>
          %select_n3A_1986 = arith.select %gt3A_1985, %select_n3A_1983, %select_n3A_1942 : vector<16xi1>, vector<16xf32>
          %select_n3A_1987 = arith.select %gt3A_1985, %select_n3A_1984, %select_n3A_1943 : vector<16xi1>, vector<16xi32>
          %select_n3A_1988 = arith.select %gt3A_1985, %select_n3A_1942, %select_n3A_1983 : vector<16xi1>, vector<16xf32>
          %select_n3A_1989 = arith.select %gt3A_1985, %select_n3A_1943, %select_n3A_1984 : vector<16xi1>, vector<16xi32>
          %gt3A_1990 = arith.cmpf ogt, %select_n3A_1988, %select_n3A_1947 : vector<16xf32>
          %select_n3A_1991 = arith.select %gt3A_1990, %select_n3A_1988, %select_n3A_1947 : vector<16xi1>, vector<16xf32>
          %select_n3A_1992 = arith.select %gt3A_1990, %select_n3A_1989, %select_n3A_1948 : vector<16xi1>, vector<16xi32>
          %select_n3A_1993 = arith.select %gt3A_1990, %select_n3A_1947, %select_n3A_1988 : vector<16xi1>, vector<16xf32>
          %select_n3A_1994 = arith.select %gt3A_1990, %select_n3A_1948, %select_n3A_1989 : vector<16xi1>, vector<16xi32>
          %gt3A_1995 = arith.cmpf ogt, %select_n3A_1993, %select_n3A_1952 : vector<16xf32>
          %select_n3A_1996 = arith.select %gt3A_1995, %select_n3A_1993, %select_n3A_1952 : vector<16xi1>, vector<16xf32>
          %select_n3A_1997 = arith.select %gt3A_1995, %select_n3A_1994, %select_n3A_1953 : vector<16xi1>, vector<16xi32>
          %select_n3A_1998 = arith.select %gt3A_1995, %select_n3A_1952, %select_n3A_1993 : vector<16xi1>, vector<16xf32>
          %select_n3A_1999 = arith.select %gt3A_1995, %select_n3A_1953, %select_n3A_1994 : vector<16xi1>, vector<16xi32>
          %gt3A_2000 = arith.cmpf ogt, %select_n3A_1998, %select_n3A_1957 : vector<16xf32>
          %select_n3A_2001 = arith.select %gt3A_2000, %select_n3A_1998, %select_n3A_1957 : vector<16xi1>, vector<16xf32>
          %select_n3A_2002 = arith.select %gt3A_2000, %select_n3A_1999, %select_n3A_1958 : vector<16xi1>, vector<16xi32>
          %select_n3A_2003 = arith.select %gt3A_2000, %select_n3A_1957, %select_n3A_1998 : vector<16xi1>, vector<16xf32>
          %select_n3A_2004 = arith.select %gt3A_2000, %select_n3A_1958, %select_n3A_1999 : vector<16xi1>, vector<16xi32>
          %add3A_2005 = arith.addf %get3A_1722, %gather3A_1613 : vector<16xf32>
          %broadcast_in_dim3A_2006 = arith.constant 64 : i32
          %broadcast_in_dim3A_2007 = vector.broadcast %broadcast_in_dim3A_2006 : i32 to vector<16xi32>
          %add3A_2008 = arith.addi %add3A_1828, %broadcast_in_dim3A_2007 : vector<16xi32>
          %gt3A_2009 = arith.cmpf ogt, %add3A_2005, %select_n3A_1966 : vector<16xf32>
          %select_n3A_2010 = arith.select %gt3A_2009, %add3A_2005, %select_n3A_1966 : vector<16xi1>, vector<16xf32>
          %select_n3A_2011 = arith.select %gt3A_2009, %add3A_2008, %select_n3A_1967 : vector<16xi1>, vector<16xi32>
          %select_n3A_2012 = arith.select %gt3A_2009, %select_n3A_1966, %add3A_2005 : vector<16xi1>, vector<16xf32>
          %select_n3A_2013 = arith.select %gt3A_2009, %select_n3A_1967, %add3A_2008 : vector<16xi1>, vector<16xi32>
          %gt3A_2014 = arith.cmpf ogt, %select_n3A_2012, %select_n3A_1971 : vector<16xf32>
          %select_n3A_2015 = arith.select %gt3A_2014, %select_n3A_2012, %select_n3A_1971 : vector<16xi1>, vector<16xf32>
          %select_n3A_2016 = arith.select %gt3A_2014, %select_n3A_2013, %select_n3A_1972 : vector<16xi1>, vector<16xi32>
          %select_n3A_2017 = arith.select %gt3A_2014, %select_n3A_1971, %select_n3A_2012 : vector<16xi1>, vector<16xf32>
          %select_n3A_2018 = arith.select %gt3A_2014, %select_n3A_1972, %select_n3A_2013 : vector<16xi1>, vector<16xi32>
          %gt3A_2019 = arith.cmpf ogt, %select_n3A_2017, %select_n3A_1976 : vector<16xf32>
          %select_n3A_2020 = arith.select %gt3A_2019, %select_n3A_2017, %select_n3A_1976 : vector<16xi1>, vector<16xf32>
          %select_n3A_2021 = arith.select %gt3A_2019, %select_n3A_2018, %select_n3A_1977 : vector<16xi1>, vector<16xi32>
          %select_n3A_2022 = arith.select %gt3A_2019, %select_n3A_1976, %select_n3A_2017 : vector<16xi1>, vector<16xf32>
          %select_n3A_2023 = arith.select %gt3A_2019, %select_n3A_1977, %select_n3A_2018 : vector<16xi1>, vector<16xi32>
          %gt3A_2024 = arith.cmpf ogt, %select_n3A_2022, %select_n3A_1981 : vector<16xf32>
          %select_n3A_2025 = arith.select %gt3A_2024, %select_n3A_2022, %select_n3A_1981 : vector<16xi1>, vector<16xf32>
          %select_n3A_2026 = arith.select %gt3A_2024, %select_n3A_2023, %select_n3A_1982 : vector<16xi1>, vector<16xi32>
          %select_n3A_2027 = arith.select %gt3A_2024, %select_n3A_1981, %select_n3A_2022 : vector<16xi1>, vector<16xf32>
          %select_n3A_2028 = arith.select %gt3A_2024, %select_n3A_1982, %select_n3A_2023 : vector<16xi1>, vector<16xi32>
          %gt3A_2029 = arith.cmpf ogt, %select_n3A_2027, %select_n3A_1986 : vector<16xf32>
          %select_n3A_2030 = arith.select %gt3A_2029, %select_n3A_2027, %select_n3A_1986 : vector<16xi1>, vector<16xf32>
          %select_n3A_2031 = arith.select %gt3A_2029, %select_n3A_2028, %select_n3A_1987 : vector<16xi1>, vector<16xi32>
          %select_n3A_2032 = arith.select %gt3A_2029, %select_n3A_1986, %select_n3A_2027 : vector<16xi1>, vector<16xf32>
          %select_n3A_2033 = arith.select %gt3A_2029, %select_n3A_1987, %select_n3A_2028 : vector<16xi1>, vector<16xi32>
          %gt3A_2034 = arith.cmpf ogt, %select_n3A_2032, %select_n3A_1991 : vector<16xf32>
          %select_n3A_2035 = arith.select %gt3A_2034, %select_n3A_2032, %select_n3A_1991 : vector<16xi1>, vector<16xf32>
          %select_n3A_2036 = arith.select %gt3A_2034, %select_n3A_2033, %select_n3A_1992 : vector<16xi1>, vector<16xi32>
          %select_n3A_2037 = arith.select %gt3A_2034, %select_n3A_1991, %select_n3A_2032 : vector<16xi1>, vector<16xf32>
          %select_n3A_2038 = arith.select %gt3A_2034, %select_n3A_1992, %select_n3A_2033 : vector<16xi1>, vector<16xi32>
          %gt3A_2039 = arith.cmpf ogt, %select_n3A_2037, %select_n3A_1996 : vector<16xf32>
          %select_n3A_2040 = arith.select %gt3A_2039, %select_n3A_2037, %select_n3A_1996 : vector<16xi1>, vector<16xf32>
          %select_n3A_2041 = arith.select %gt3A_2039, %select_n3A_2038, %select_n3A_1997 : vector<16xi1>, vector<16xi32>
          %select_n3A_2042 = arith.select %gt3A_2039, %select_n3A_1996, %select_n3A_2037 : vector<16xi1>, vector<16xf32>
          %select_n3A_2043 = arith.select %gt3A_2039, %select_n3A_1997, %select_n3A_2038 : vector<16xi1>, vector<16xi32>
          %gt3A_2044 = arith.cmpf ogt, %select_n3A_2042, %select_n3A_2001 : vector<16xf32>
          %select_n3A_2045 = arith.select %gt3A_2044, %select_n3A_2042, %select_n3A_2001 : vector<16xi1>, vector<16xf32>
          %select_n3A_2046 = arith.select %gt3A_2044, %select_n3A_2043, %select_n3A_2002 : vector<16xi1>, vector<16xi32>
          %select_n3A_2047 = arith.select %gt3A_2044, %select_n3A_2001, %select_n3A_2042 : vector<16xi1>, vector<16xf32>
          %select_n3A_2048 = arith.select %gt3A_2044, %select_n3A_2002, %select_n3A_2043 : vector<16xi1>, vector<16xi32>
          %add3A_2049 = arith.addf %get3A_1726, %gather3A_1613 : vector<16xf32>
          %broadcast_in_dim3A_2050 = arith.constant 80 : i32
          %broadcast_in_dim3A_2051 = vector.broadcast %broadcast_in_dim3A_2050 : i32 to vector<16xi32>
          %add3A_2052 = arith.addi %add3A_1828, %broadcast_in_dim3A_2051 : vector<16xi32>
          %gt3A_2053 = arith.cmpf ogt, %add3A_2049, %select_n3A_2010 : vector<16xf32>
          %select_n3A_2054 = arith.select %gt3A_2053, %add3A_2049, %select_n3A_2010 : vector<16xi1>, vector<16xf32>
          %select_n3A_2055 = arith.select %gt3A_2053, %add3A_2052, %select_n3A_2011 : vector<16xi1>, vector<16xi32>
          %select_n3A_2056 = arith.select %gt3A_2053, %select_n3A_2010, %add3A_2049 : vector<16xi1>, vector<16xf32>
          %select_n3A_2057 = arith.select %gt3A_2053, %select_n3A_2011, %add3A_2052 : vector<16xi1>, vector<16xi32>
          %gt3A_2058 = arith.cmpf ogt, %select_n3A_2056, %select_n3A_2015 : vector<16xf32>
          %select_n3A_2059 = arith.select %gt3A_2058, %select_n3A_2056, %select_n3A_2015 : vector<16xi1>, vector<16xf32>
          %select_n3A_2060 = arith.select %gt3A_2058, %select_n3A_2057, %select_n3A_2016 : vector<16xi1>, vector<16xi32>
          %select_n3A_2061 = arith.select %gt3A_2058, %select_n3A_2015, %select_n3A_2056 : vector<16xi1>, vector<16xf32>
          %select_n3A_2062 = arith.select %gt3A_2058, %select_n3A_2016, %select_n3A_2057 : vector<16xi1>, vector<16xi32>
          %gt3A_2063 = arith.cmpf ogt, %select_n3A_2061, %select_n3A_2020 : vector<16xf32>
          %select_n3A_2064 = arith.select %gt3A_2063, %select_n3A_2061, %select_n3A_2020 : vector<16xi1>, vector<16xf32>
          %select_n3A_2065 = arith.select %gt3A_2063, %select_n3A_2062, %select_n3A_2021 : vector<16xi1>, vector<16xi32>
          %select_n3A_2066 = arith.select %gt3A_2063, %select_n3A_2020, %select_n3A_2061 : vector<16xi1>, vector<16xf32>
          %select_n3A_2067 = arith.select %gt3A_2063, %select_n3A_2021, %select_n3A_2062 : vector<16xi1>, vector<16xi32>
          %gt3A_2068 = arith.cmpf ogt, %select_n3A_2066, %select_n3A_2025 : vector<16xf32>
          %select_n3A_2069 = arith.select %gt3A_2068, %select_n3A_2066, %select_n3A_2025 : vector<16xi1>, vector<16xf32>
          %select_n3A_2070 = arith.select %gt3A_2068, %select_n3A_2067, %select_n3A_2026 : vector<16xi1>, vector<16xi32>
          %select_n3A_2071 = arith.select %gt3A_2068, %select_n3A_2025, %select_n3A_2066 : vector<16xi1>, vector<16xf32>
          %select_n3A_2072 = arith.select %gt3A_2068, %select_n3A_2026, %select_n3A_2067 : vector<16xi1>, vector<16xi32>
          %gt3A_2073 = arith.cmpf ogt, %select_n3A_2071, %select_n3A_2030 : vector<16xf32>
          %select_n3A_2074 = arith.select %gt3A_2073, %select_n3A_2071, %select_n3A_2030 : vector<16xi1>, vector<16xf32>
          %select_n3A_2075 = arith.select %gt3A_2073, %select_n3A_2072, %select_n3A_2031 : vector<16xi1>, vector<16xi32>
          %select_n3A_2076 = arith.select %gt3A_2073, %select_n3A_2030, %select_n3A_2071 : vector<16xi1>, vector<16xf32>
          %select_n3A_2077 = arith.select %gt3A_2073, %select_n3A_2031, %select_n3A_2072 : vector<16xi1>, vector<16xi32>
          %gt3A_2078 = arith.cmpf ogt, %select_n3A_2076, %select_n3A_2035 : vector<16xf32>
          %select_n3A_2079 = arith.select %gt3A_2078, %select_n3A_2076, %select_n3A_2035 : vector<16xi1>, vector<16xf32>
          %select_n3A_2080 = arith.select %gt3A_2078, %select_n3A_2077, %select_n3A_2036 : vector<16xi1>, vector<16xi32>
          %select_n3A_2081 = arith.select %gt3A_2078, %select_n3A_2035, %select_n3A_2076 : vector<16xi1>, vector<16xf32>
          %select_n3A_2082 = arith.select %gt3A_2078, %select_n3A_2036, %select_n3A_2077 : vector<16xi1>, vector<16xi32>
          %gt3A_2083 = arith.cmpf ogt, %select_n3A_2081, %select_n3A_2040 : vector<16xf32>
          %select_n3A_2084 = arith.select %gt3A_2083, %select_n3A_2081, %select_n3A_2040 : vector<16xi1>, vector<16xf32>
          %select_n3A_2085 = arith.select %gt3A_2083, %select_n3A_2082, %select_n3A_2041 : vector<16xi1>, vector<16xi32>
          %select_n3A_2086 = arith.select %gt3A_2083, %select_n3A_2040, %select_n3A_2081 : vector<16xi1>, vector<16xf32>
          %select_n3A_2087 = arith.select %gt3A_2083, %select_n3A_2041, %select_n3A_2082 : vector<16xi1>, vector<16xi32>
          %gt3A_2088 = arith.cmpf ogt, %select_n3A_2086, %select_n3A_2045 : vector<16xf32>
          %select_n3A_2089 = arith.select %gt3A_2088, %select_n3A_2086, %select_n3A_2045 : vector<16xi1>, vector<16xf32>
          %select_n3A_2090 = arith.select %gt3A_2088, %select_n3A_2087, %select_n3A_2046 : vector<16xi1>, vector<16xi32>
          %select_n3A_2091 = arith.select %gt3A_2088, %select_n3A_2045, %select_n3A_2086 : vector<16xi1>, vector<16xf32>
          %select_n3A_2092 = arith.select %gt3A_2088, %select_n3A_2046, %select_n3A_2087 : vector<16xi1>, vector<16xi32>
          %add3A_2093 = arith.addf %get3A_1730, %gather3A_1613 : vector<16xf32>
          %broadcast_in_dim3A_2094 = arith.constant 96 : i32
          %broadcast_in_dim3A_2095 = vector.broadcast %broadcast_in_dim3A_2094 : i32 to vector<16xi32>
          %add3A_2096 = arith.addi %add3A_1828, %broadcast_in_dim3A_2095 : vector<16xi32>
          %gt3A_2097 = arith.cmpf ogt, %add3A_2093, %select_n3A_2054 : vector<16xf32>
          %select_n3A_2098 = arith.select %gt3A_2097, %add3A_2093, %select_n3A_2054 : vector<16xi1>, vector<16xf32>
          %select_n3A_2099 = arith.select %gt3A_2097, %add3A_2096, %select_n3A_2055 : vector<16xi1>, vector<16xi32>
          %select_n3A_2100 = arith.select %gt3A_2097, %select_n3A_2054, %add3A_2093 : vector<16xi1>, vector<16xf32>
          %select_n3A_2101 = arith.select %gt3A_2097, %select_n3A_2055, %add3A_2096 : vector<16xi1>, vector<16xi32>
          %gt3A_2102 = arith.cmpf ogt, %select_n3A_2100, %select_n3A_2059 : vector<16xf32>
          %select_n3A_2103 = arith.select %gt3A_2102, %select_n3A_2100, %select_n3A_2059 : vector<16xi1>, vector<16xf32>
          %select_n3A_2104 = arith.select %gt3A_2102, %select_n3A_2101, %select_n3A_2060 : vector<16xi1>, vector<16xi32>
          %select_n3A_2105 = arith.select %gt3A_2102, %select_n3A_2059, %select_n3A_2100 : vector<16xi1>, vector<16xf32>
          %select_n3A_2106 = arith.select %gt3A_2102, %select_n3A_2060, %select_n3A_2101 : vector<16xi1>, vector<16xi32>
          %gt3A_2107 = arith.cmpf ogt, %select_n3A_2105, %select_n3A_2064 : vector<16xf32>
          %select_n3A_2108 = arith.select %gt3A_2107, %select_n3A_2105, %select_n3A_2064 : vector<16xi1>, vector<16xf32>
          %select_n3A_2109 = arith.select %gt3A_2107, %select_n3A_2106, %select_n3A_2065 : vector<16xi1>, vector<16xi32>
          %select_n3A_2110 = arith.select %gt3A_2107, %select_n3A_2064, %select_n3A_2105 : vector<16xi1>, vector<16xf32>
          %select_n3A_2111 = arith.select %gt3A_2107, %select_n3A_2065, %select_n3A_2106 : vector<16xi1>, vector<16xi32>
          %gt3A_2112 = arith.cmpf ogt, %select_n3A_2110, %select_n3A_2069 : vector<16xf32>
          %select_n3A_2113 = arith.select %gt3A_2112, %select_n3A_2110, %select_n3A_2069 : vector<16xi1>, vector<16xf32>
          %select_n3A_2114 = arith.select %gt3A_2112, %select_n3A_2111, %select_n3A_2070 : vector<16xi1>, vector<16xi32>
          %select_n3A_2115 = arith.select %gt3A_2112, %select_n3A_2069, %select_n3A_2110 : vector<16xi1>, vector<16xf32>
          %select_n3A_2116 = arith.select %gt3A_2112, %select_n3A_2070, %select_n3A_2111 : vector<16xi1>, vector<16xi32>
          %gt3A_2117 = arith.cmpf ogt, %select_n3A_2115, %select_n3A_2074 : vector<16xf32>
          %select_n3A_2118 = arith.select %gt3A_2117, %select_n3A_2115, %select_n3A_2074 : vector<16xi1>, vector<16xf32>
          %select_n3A_2119 = arith.select %gt3A_2117, %select_n3A_2116, %select_n3A_2075 : vector<16xi1>, vector<16xi32>
          %select_n3A_2120 = arith.select %gt3A_2117, %select_n3A_2074, %select_n3A_2115 : vector<16xi1>, vector<16xf32>
          %select_n3A_2121 = arith.select %gt3A_2117, %select_n3A_2075, %select_n3A_2116 : vector<16xi1>, vector<16xi32>
          %gt3A_2122 = arith.cmpf ogt, %select_n3A_2120, %select_n3A_2079 : vector<16xf32>
          %select_n3A_2123 = arith.select %gt3A_2122, %select_n3A_2120, %select_n3A_2079 : vector<16xi1>, vector<16xf32>
          %select_n3A_2124 = arith.select %gt3A_2122, %select_n3A_2121, %select_n3A_2080 : vector<16xi1>, vector<16xi32>
          %select_n3A_2125 = arith.select %gt3A_2122, %select_n3A_2079, %select_n3A_2120 : vector<16xi1>, vector<16xf32>
          %select_n3A_2126 = arith.select %gt3A_2122, %select_n3A_2080, %select_n3A_2121 : vector<16xi1>, vector<16xi32>
          %gt3A_2127 = arith.cmpf ogt, %select_n3A_2125, %select_n3A_2084 : vector<16xf32>
          %select_n3A_2128 = arith.select %gt3A_2127, %select_n3A_2125, %select_n3A_2084 : vector<16xi1>, vector<16xf32>
          %select_n3A_2129 = arith.select %gt3A_2127, %select_n3A_2126, %select_n3A_2085 : vector<16xi1>, vector<16xi32>
          %select_n3A_2130 = arith.select %gt3A_2127, %select_n3A_2084, %select_n3A_2125 : vector<16xi1>, vector<16xf32>
          %select_n3A_2131 = arith.select %gt3A_2127, %select_n3A_2085, %select_n3A_2126 : vector<16xi1>, vector<16xi32>
          %gt3A_2132 = arith.cmpf ogt, %select_n3A_2130, %select_n3A_2089 : vector<16xf32>
          %select_n3A_2133 = arith.select %gt3A_2132, %select_n3A_2130, %select_n3A_2089 : vector<16xi1>, vector<16xf32>
          %select_n3A_2134 = arith.select %gt3A_2132, %select_n3A_2131, %select_n3A_2090 : vector<16xi1>, vector<16xi32>
          %select_n3A_2135 = arith.select %gt3A_2132, %select_n3A_2089, %select_n3A_2130 : vector<16xi1>, vector<16xf32>
          %select_n3A_2136 = arith.select %gt3A_2132, %select_n3A_2090, %select_n3A_2131 : vector<16xi1>, vector<16xi32>
          %add3A_2137 = arith.addf %get3A_1734, %gather3A_1613 : vector<16xf32>
          %broadcast_in_dim3A_2138 = arith.constant 112 : i32
          %broadcast_in_dim3A_2139 = vector.broadcast %broadcast_in_dim3A_2138 : i32 to vector<16xi32>
          %add3A_2140 = arith.addi %add3A_1828, %broadcast_in_dim3A_2139 : vector<16xi32>
          %gt3A_2141 = arith.cmpf ogt, %add3A_2137, %select_n3A_2098 : vector<16xf32>
          %select_n3A_2142 = arith.select %gt3A_2141, %add3A_2137, %select_n3A_2098 : vector<16xi1>, vector<16xf32>
          %select_n3A_2143 = arith.select %gt3A_2141, %add3A_2140, %select_n3A_2099 : vector<16xi1>, vector<16xi32>
          %select_n3A_2144 = arith.select %gt3A_2141, %select_n3A_2098, %add3A_2137 : vector<16xi1>, vector<16xf32>
          %select_n3A_2145 = arith.select %gt3A_2141, %select_n3A_2099, %add3A_2140 : vector<16xi1>, vector<16xi32>
          %gt3A_2146 = arith.cmpf ogt, %select_n3A_2144, %select_n3A_2103 : vector<16xf32>
          %select_n3A_2147 = arith.select %gt3A_2146, %select_n3A_2144, %select_n3A_2103 : vector<16xi1>, vector<16xf32>
          %select_n3A_2148 = arith.select %gt3A_2146, %select_n3A_2145, %select_n3A_2104 : vector<16xi1>, vector<16xi32>
          %select_n3A_2149 = arith.select %gt3A_2146, %select_n3A_2103, %select_n3A_2144 : vector<16xi1>, vector<16xf32>
          %select_n3A_2150 = arith.select %gt3A_2146, %select_n3A_2104, %select_n3A_2145 : vector<16xi1>, vector<16xi32>
          %gt3A_2151 = arith.cmpf ogt, %select_n3A_2149, %select_n3A_2108 : vector<16xf32>
          %select_n3A_2152 = arith.select %gt3A_2151, %select_n3A_2149, %select_n3A_2108 : vector<16xi1>, vector<16xf32>
          %select_n3A_2153 = arith.select %gt3A_2151, %select_n3A_2150, %select_n3A_2109 : vector<16xi1>, vector<16xi32>
          %select_n3A_2154 = arith.select %gt3A_2151, %select_n3A_2108, %select_n3A_2149 : vector<16xi1>, vector<16xf32>
          %select_n3A_2155 = arith.select %gt3A_2151, %select_n3A_2109, %select_n3A_2150 : vector<16xi1>, vector<16xi32>
          %gt3A_2156 = arith.cmpf ogt, %select_n3A_2154, %select_n3A_2113 : vector<16xf32>
          %select_n3A_2157 = arith.select %gt3A_2156, %select_n3A_2154, %select_n3A_2113 : vector<16xi1>, vector<16xf32>
          %select_n3A_2158 = arith.select %gt3A_2156, %select_n3A_2155, %select_n3A_2114 : vector<16xi1>, vector<16xi32>
          %select_n3A_2159 = arith.select %gt3A_2156, %select_n3A_2113, %select_n3A_2154 : vector<16xi1>, vector<16xf32>
          %select_n3A_2160 = arith.select %gt3A_2156, %select_n3A_2114, %select_n3A_2155 : vector<16xi1>, vector<16xi32>
          %gt3A_2161 = arith.cmpf ogt, %select_n3A_2159, %select_n3A_2118 : vector<16xf32>
          %select_n3A_2162 = arith.select %gt3A_2161, %select_n3A_2159, %select_n3A_2118 : vector<16xi1>, vector<16xf32>
          %select_n3A_2163 = arith.select %gt3A_2161, %select_n3A_2160, %select_n3A_2119 : vector<16xi1>, vector<16xi32>
          %select_n3A_2164 = arith.select %gt3A_2161, %select_n3A_2118, %select_n3A_2159 : vector<16xi1>, vector<16xf32>
          %select_n3A_2165 = arith.select %gt3A_2161, %select_n3A_2119, %select_n3A_2160 : vector<16xi1>, vector<16xi32>
          %gt3A_2166 = arith.cmpf ogt, %select_n3A_2164, %select_n3A_2123 : vector<16xf32>
          %select_n3A_2167 = arith.select %gt3A_2166, %select_n3A_2164, %select_n3A_2123 : vector<16xi1>, vector<16xf32>
          %select_n3A_2168 = arith.select %gt3A_2166, %select_n3A_2165, %select_n3A_2124 : vector<16xi1>, vector<16xi32>
          %select_n3A_2169 = arith.select %gt3A_2166, %select_n3A_2123, %select_n3A_2164 : vector<16xi1>, vector<16xf32>
          %select_n3A_2170 = arith.select %gt3A_2166, %select_n3A_2124, %select_n3A_2165 : vector<16xi1>, vector<16xi32>
          %gt3A_2171 = arith.cmpf ogt, %select_n3A_2169, %select_n3A_2128 : vector<16xf32>
          %select_n3A_2172 = arith.select %gt3A_2171, %select_n3A_2169, %select_n3A_2128 : vector<16xi1>, vector<16xf32>
          %select_n3A_2173 = arith.select %gt3A_2171, %select_n3A_2170, %select_n3A_2129 : vector<16xi1>, vector<16xi32>
          %select_n3A_2174 = arith.select %gt3A_2171, %select_n3A_2128, %select_n3A_2169 : vector<16xi1>, vector<16xf32>
          %select_n3A_2175 = arith.select %gt3A_2171, %select_n3A_2129, %select_n3A_2170 : vector<16xi1>, vector<16xi32>
          %gt3A_2176 = arith.cmpf ogt, %select_n3A_2174, %select_n3A_2133 : vector<16xf32>
          %select_n3A_2177 = arith.select %gt3A_2176, %select_n3A_2174, %select_n3A_2133 : vector<16xi1>, vector<16xf32>
          %select_n3A_2178 = arith.select %gt3A_2176, %select_n3A_2175, %select_n3A_2134 : vector<16xi1>, vector<16xi32>
          %select_n3A_2179 = arith.select %gt3A_2176, %select_n3A_2133, %select_n3A_2174 : vector<16xi1>, vector<16xf32>
          %select_n3A_2180 = arith.select %gt3A_2176, %select_n3A_2134, %select_n3A_2175 : vector<16xi1>, vector<16xi32>
          %add3A_2181 = arith.addf %get3A_1738, %gather3A_1613 : vector<16xf32>
          %broadcast_in_dim3A_2182 = arith.constant 128 : i32
          %broadcast_in_dim3A_2183 = vector.broadcast %broadcast_in_dim3A_2182 : i32 to vector<16xi32>
          %add3A_2184 = arith.addi %add3A_1828, %broadcast_in_dim3A_2183 : vector<16xi32>
          %gt3A_2185 = arith.cmpf ogt, %add3A_2181, %select_n3A_2142 : vector<16xf32>
          %select_n3A_2186 = arith.select %gt3A_2185, %add3A_2181, %select_n3A_2142 : vector<16xi1>, vector<16xf32>
          %select_n3A_2187 = arith.select %gt3A_2185, %add3A_2184, %select_n3A_2143 : vector<16xi1>, vector<16xi32>
          %select_n3A_2188 = arith.select %gt3A_2185, %select_n3A_2142, %add3A_2181 : vector<16xi1>, vector<16xf32>
          %select_n3A_2189 = arith.select %gt3A_2185, %select_n3A_2143, %add3A_2184 : vector<16xi1>, vector<16xi32>
          %gt3A_2190 = arith.cmpf ogt, %select_n3A_2188, %select_n3A_2147 : vector<16xf32>
          %select_n3A_2191 = arith.select %gt3A_2190, %select_n3A_2188, %select_n3A_2147 : vector<16xi1>, vector<16xf32>
          %select_n3A_2192 = arith.select %gt3A_2190, %select_n3A_2189, %select_n3A_2148 : vector<16xi1>, vector<16xi32>
          %select_n3A_2193 = arith.select %gt3A_2190, %select_n3A_2147, %select_n3A_2188 : vector<16xi1>, vector<16xf32>
          %select_n3A_2194 = arith.select %gt3A_2190, %select_n3A_2148, %select_n3A_2189 : vector<16xi1>, vector<16xi32>
          %gt3A_2195 = arith.cmpf ogt, %select_n3A_2193, %select_n3A_2152 : vector<16xf32>
          %select_n3A_2196 = arith.select %gt3A_2195, %select_n3A_2193, %select_n3A_2152 : vector<16xi1>, vector<16xf32>
          %select_n3A_2197 = arith.select %gt3A_2195, %select_n3A_2194, %select_n3A_2153 : vector<16xi1>, vector<16xi32>
          %select_n3A_2198 = arith.select %gt3A_2195, %select_n3A_2152, %select_n3A_2193 : vector<16xi1>, vector<16xf32>
          %select_n3A_2199 = arith.select %gt3A_2195, %select_n3A_2153, %select_n3A_2194 : vector<16xi1>, vector<16xi32>
          %gt3A_2200 = arith.cmpf ogt, %select_n3A_2198, %select_n3A_2157 : vector<16xf32>
          %select_n3A_2201 = arith.select %gt3A_2200, %select_n3A_2198, %select_n3A_2157 : vector<16xi1>, vector<16xf32>
          %select_n3A_2202 = arith.select %gt3A_2200, %select_n3A_2199, %select_n3A_2158 : vector<16xi1>, vector<16xi32>
          %select_n3A_2203 = arith.select %gt3A_2200, %select_n3A_2157, %select_n3A_2198 : vector<16xi1>, vector<16xf32>
          %select_n3A_2204 = arith.select %gt3A_2200, %select_n3A_2158, %select_n3A_2199 : vector<16xi1>, vector<16xi32>
          %gt3A_2205 = arith.cmpf ogt, %select_n3A_2203, %select_n3A_2162 : vector<16xf32>
          %select_n3A_2206 = arith.select %gt3A_2205, %select_n3A_2203, %select_n3A_2162 : vector<16xi1>, vector<16xf32>
          %select_n3A_2207 = arith.select %gt3A_2205, %select_n3A_2204, %select_n3A_2163 : vector<16xi1>, vector<16xi32>
          %select_n3A_2208 = arith.select %gt3A_2205, %select_n3A_2162, %select_n3A_2203 : vector<16xi1>, vector<16xf32>
          %select_n3A_2209 = arith.select %gt3A_2205, %select_n3A_2163, %select_n3A_2204 : vector<16xi1>, vector<16xi32>
          %gt3A_2210 = arith.cmpf ogt, %select_n3A_2208, %select_n3A_2167 : vector<16xf32>
          %select_n3A_2211 = arith.select %gt3A_2210, %select_n3A_2208, %select_n3A_2167 : vector<16xi1>, vector<16xf32>
          %select_n3A_2212 = arith.select %gt3A_2210, %select_n3A_2209, %select_n3A_2168 : vector<16xi1>, vector<16xi32>
          %select_n3A_2213 = arith.select %gt3A_2210, %select_n3A_2167, %select_n3A_2208 : vector<16xi1>, vector<16xf32>
          %select_n3A_2214 = arith.select %gt3A_2210, %select_n3A_2168, %select_n3A_2209 : vector<16xi1>, vector<16xi32>
          %gt3A_2215 = arith.cmpf ogt, %select_n3A_2213, %select_n3A_2172 : vector<16xf32>
          %select_n3A_2216 = arith.select %gt3A_2215, %select_n3A_2213, %select_n3A_2172 : vector<16xi1>, vector<16xf32>
          %select_n3A_2217 = arith.select %gt3A_2215, %select_n3A_2214, %select_n3A_2173 : vector<16xi1>, vector<16xi32>
          %select_n3A_2218 = arith.select %gt3A_2215, %select_n3A_2172, %select_n3A_2213 : vector<16xi1>, vector<16xf32>
          %select_n3A_2219 = arith.select %gt3A_2215, %select_n3A_2173, %select_n3A_2214 : vector<16xi1>, vector<16xi32>
          %gt3A_2220 = arith.cmpf ogt, %select_n3A_2218, %select_n3A_2177 : vector<16xf32>
          %select_n3A_2221 = arith.select %gt3A_2220, %select_n3A_2218, %select_n3A_2177 : vector<16xi1>, vector<16xf32>
          %select_n3A_2222 = arith.select %gt3A_2220, %select_n3A_2219, %select_n3A_2178 : vector<16xi1>, vector<16xi32>
          %select_n3A_2223 = arith.select %gt3A_2220, %select_n3A_2177, %select_n3A_2218 : vector<16xi1>, vector<16xf32>
          %select_n3A_2224 = arith.select %gt3A_2220, %select_n3A_2178, %select_n3A_2219 : vector<16xi1>, vector<16xi32>
          %add3A_2225 = arith.addf %get3A_1742, %gather3A_1613 : vector<16xf32>
          %broadcast_in_dim3A_2226 = arith.constant 144 : i32
          %broadcast_in_dim3A_2227 = vector.broadcast %broadcast_in_dim3A_2226 : i32 to vector<16xi32>
          %add3A_2228 = arith.addi %add3A_1828, %broadcast_in_dim3A_2227 : vector<16xi32>
          %gt3A_2229 = arith.cmpf ogt, %add3A_2225, %select_n3A_2186 : vector<16xf32>
          %select_n3A_2230 = arith.select %gt3A_2229, %add3A_2225, %select_n3A_2186 : vector<16xi1>, vector<16xf32>
          %select_n3A_2231 = arith.select %gt3A_2229, %add3A_2228, %select_n3A_2187 : vector<16xi1>, vector<16xi32>
          %select_n3A_2232 = arith.select %gt3A_2229, %select_n3A_2186, %add3A_2225 : vector<16xi1>, vector<16xf32>
          %select_n3A_2233 = arith.select %gt3A_2229, %select_n3A_2187, %add3A_2228 : vector<16xi1>, vector<16xi32>
          %gt3A_2234 = arith.cmpf ogt, %select_n3A_2232, %select_n3A_2191 : vector<16xf32>
          %select_n3A_2235 = arith.select %gt3A_2234, %select_n3A_2232, %select_n3A_2191 : vector<16xi1>, vector<16xf32>
          %select_n3A_2236 = arith.select %gt3A_2234, %select_n3A_2233, %select_n3A_2192 : vector<16xi1>, vector<16xi32>
          %select_n3A_2237 = arith.select %gt3A_2234, %select_n3A_2191, %select_n3A_2232 : vector<16xi1>, vector<16xf32>
          %select_n3A_2238 = arith.select %gt3A_2234, %select_n3A_2192, %select_n3A_2233 : vector<16xi1>, vector<16xi32>
          %gt3A_2239 = arith.cmpf ogt, %select_n3A_2237, %select_n3A_2196 : vector<16xf32>
          %select_n3A_2240 = arith.select %gt3A_2239, %select_n3A_2237, %select_n3A_2196 : vector<16xi1>, vector<16xf32>
          %select_n3A_2241 = arith.select %gt3A_2239, %select_n3A_2238, %select_n3A_2197 : vector<16xi1>, vector<16xi32>
          %select_n3A_2242 = arith.select %gt3A_2239, %select_n3A_2196, %select_n3A_2237 : vector<16xi1>, vector<16xf32>
          %select_n3A_2243 = arith.select %gt3A_2239, %select_n3A_2197, %select_n3A_2238 : vector<16xi1>, vector<16xi32>
          %gt3A_2244 = arith.cmpf ogt, %select_n3A_2242, %select_n3A_2201 : vector<16xf32>
          %select_n3A_2245 = arith.select %gt3A_2244, %select_n3A_2242, %select_n3A_2201 : vector<16xi1>, vector<16xf32>
          %select_n3A_2246 = arith.select %gt3A_2244, %select_n3A_2243, %select_n3A_2202 : vector<16xi1>, vector<16xi32>
          %select_n3A_2247 = arith.select %gt3A_2244, %select_n3A_2201, %select_n3A_2242 : vector<16xi1>, vector<16xf32>
          %select_n3A_2248 = arith.select %gt3A_2244, %select_n3A_2202, %select_n3A_2243 : vector<16xi1>, vector<16xi32>
          %gt3A_2249 = arith.cmpf ogt, %select_n3A_2247, %select_n3A_2206 : vector<16xf32>
          %select_n3A_2250 = arith.select %gt3A_2249, %select_n3A_2247, %select_n3A_2206 : vector<16xi1>, vector<16xf32>
          %select_n3A_2251 = arith.select %gt3A_2249, %select_n3A_2248, %select_n3A_2207 : vector<16xi1>, vector<16xi32>
          %select_n3A_2252 = arith.select %gt3A_2249, %select_n3A_2206, %select_n3A_2247 : vector<16xi1>, vector<16xf32>
          %select_n3A_2253 = arith.select %gt3A_2249, %select_n3A_2207, %select_n3A_2248 : vector<16xi1>, vector<16xi32>
          %gt3A_2254 = arith.cmpf ogt, %select_n3A_2252, %select_n3A_2211 : vector<16xf32>
          %select_n3A_2255 = arith.select %gt3A_2254, %select_n3A_2252, %select_n3A_2211 : vector<16xi1>, vector<16xf32>
          %select_n3A_2256 = arith.select %gt3A_2254, %select_n3A_2253, %select_n3A_2212 : vector<16xi1>, vector<16xi32>
          %select_n3A_2257 = arith.select %gt3A_2254, %select_n3A_2211, %select_n3A_2252 : vector<16xi1>, vector<16xf32>
          %select_n3A_2258 = arith.select %gt3A_2254, %select_n3A_2212, %select_n3A_2253 : vector<16xi1>, vector<16xi32>
          %gt3A_2259 = arith.cmpf ogt, %select_n3A_2257, %select_n3A_2216 : vector<16xf32>
          %select_n3A_2260 = arith.select %gt3A_2259, %select_n3A_2257, %select_n3A_2216 : vector<16xi1>, vector<16xf32>
          %select_n3A_2261 = arith.select %gt3A_2259, %select_n3A_2258, %select_n3A_2217 : vector<16xi1>, vector<16xi32>
          %select_n3A_2262 = arith.select %gt3A_2259, %select_n3A_2216, %select_n3A_2257 : vector<16xi1>, vector<16xf32>
          %select_n3A_2263 = arith.select %gt3A_2259, %select_n3A_2217, %select_n3A_2258 : vector<16xi1>, vector<16xi32>
          %gt3A_2264 = arith.cmpf ogt, %select_n3A_2262, %select_n3A_2221 : vector<16xf32>
          %select_n3A_2265 = arith.select %gt3A_2264, %select_n3A_2262, %select_n3A_2221 : vector<16xi1>, vector<16xf32>
          %select_n3A_2266 = arith.select %gt3A_2264, %select_n3A_2263, %select_n3A_2222 : vector<16xi1>, vector<16xi32>
          %select_n3A_2267 = arith.select %gt3A_2264, %select_n3A_2221, %select_n3A_2262 : vector<16xi1>, vector<16xf32>
          %select_n3A_2268 = arith.select %gt3A_2264, %select_n3A_2222, %select_n3A_2263 : vector<16xi1>, vector<16xi32>
          %add3A_2269 = arith.addf %get3A_1746, %gather3A_1613 : vector<16xf32>
          %broadcast_in_dim3A_2270 = arith.constant 160 : i32
          %broadcast_in_dim3A_2271 = vector.broadcast %broadcast_in_dim3A_2270 : i32 to vector<16xi32>
          %add3A_2272 = arith.addi %add3A_1828, %broadcast_in_dim3A_2271 : vector<16xi32>
          %gt3A_2273 = arith.cmpf ogt, %add3A_2269, %select_n3A_2230 : vector<16xf32>
          %select_n3A_2274 = arith.select %gt3A_2273, %add3A_2269, %select_n3A_2230 : vector<16xi1>, vector<16xf32>
          %select_n3A_2275 = arith.select %gt3A_2273, %add3A_2272, %select_n3A_2231 : vector<16xi1>, vector<16xi32>
          %select_n3A_2276 = arith.select %gt3A_2273, %select_n3A_2230, %add3A_2269 : vector<16xi1>, vector<16xf32>
          %select_n3A_2277 = arith.select %gt3A_2273, %select_n3A_2231, %add3A_2272 : vector<16xi1>, vector<16xi32>
          %gt3A_2278 = arith.cmpf ogt, %select_n3A_2276, %select_n3A_2235 : vector<16xf32>
          %select_n3A_2279 = arith.select %gt3A_2278, %select_n3A_2276, %select_n3A_2235 : vector<16xi1>, vector<16xf32>
          %select_n3A_2280 = arith.select %gt3A_2278, %select_n3A_2277, %select_n3A_2236 : vector<16xi1>, vector<16xi32>
          %select_n3A_2281 = arith.select %gt3A_2278, %select_n3A_2235, %select_n3A_2276 : vector<16xi1>, vector<16xf32>
          %select_n3A_2282 = arith.select %gt3A_2278, %select_n3A_2236, %select_n3A_2277 : vector<16xi1>, vector<16xi32>
          %gt3A_2283 = arith.cmpf ogt, %select_n3A_2281, %select_n3A_2240 : vector<16xf32>
          %select_n3A_2284 = arith.select %gt3A_2283, %select_n3A_2281, %select_n3A_2240 : vector<16xi1>, vector<16xf32>
          %select_n3A_2285 = arith.select %gt3A_2283, %select_n3A_2282, %select_n3A_2241 : vector<16xi1>, vector<16xi32>
          %select_n3A_2286 = arith.select %gt3A_2283, %select_n3A_2240, %select_n3A_2281 : vector<16xi1>, vector<16xf32>
          %select_n3A_2287 = arith.select %gt3A_2283, %select_n3A_2241, %select_n3A_2282 : vector<16xi1>, vector<16xi32>
          %gt3A_2288 = arith.cmpf ogt, %select_n3A_2286, %select_n3A_2245 : vector<16xf32>
          %select_n3A_2289 = arith.select %gt3A_2288, %select_n3A_2286, %select_n3A_2245 : vector<16xi1>, vector<16xf32>
          %select_n3A_2290 = arith.select %gt3A_2288, %select_n3A_2287, %select_n3A_2246 : vector<16xi1>, vector<16xi32>
          %select_n3A_2291 = arith.select %gt3A_2288, %select_n3A_2245, %select_n3A_2286 : vector<16xi1>, vector<16xf32>
          %select_n3A_2292 = arith.select %gt3A_2288, %select_n3A_2246, %select_n3A_2287 : vector<16xi1>, vector<16xi32>
          %gt3A_2293 = arith.cmpf ogt, %select_n3A_2291, %select_n3A_2250 : vector<16xf32>
          %select_n3A_2294 = arith.select %gt3A_2293, %select_n3A_2291, %select_n3A_2250 : vector<16xi1>, vector<16xf32>
          %select_n3A_2295 = arith.select %gt3A_2293, %select_n3A_2292, %select_n3A_2251 : vector<16xi1>, vector<16xi32>
          %select_n3A_2296 = arith.select %gt3A_2293, %select_n3A_2250, %select_n3A_2291 : vector<16xi1>, vector<16xf32>
          %select_n3A_2297 = arith.select %gt3A_2293, %select_n3A_2251, %select_n3A_2292 : vector<16xi1>, vector<16xi32>
          %gt3A_2298 = arith.cmpf ogt, %select_n3A_2296, %select_n3A_2255 : vector<16xf32>
          %select_n3A_2299 = arith.select %gt3A_2298, %select_n3A_2296, %select_n3A_2255 : vector<16xi1>, vector<16xf32>
          %select_n3A_2300 = arith.select %gt3A_2298, %select_n3A_2297, %select_n3A_2256 : vector<16xi1>, vector<16xi32>
          %select_n3A_2301 = arith.select %gt3A_2298, %select_n3A_2255, %select_n3A_2296 : vector<16xi1>, vector<16xf32>
          %select_n3A_2302 = arith.select %gt3A_2298, %select_n3A_2256, %select_n3A_2297 : vector<16xi1>, vector<16xi32>
          %gt3A_2303 = arith.cmpf ogt, %select_n3A_2301, %select_n3A_2260 : vector<16xf32>
          %select_n3A_2304 = arith.select %gt3A_2303, %select_n3A_2301, %select_n3A_2260 : vector<16xi1>, vector<16xf32>
          %select_n3A_2305 = arith.select %gt3A_2303, %select_n3A_2302, %select_n3A_2261 : vector<16xi1>, vector<16xi32>
          %select_n3A_2306 = arith.select %gt3A_2303, %select_n3A_2260, %select_n3A_2301 : vector<16xi1>, vector<16xf32>
          %select_n3A_2307 = arith.select %gt3A_2303, %select_n3A_2261, %select_n3A_2302 : vector<16xi1>, vector<16xi32>
          %gt3A_2308 = arith.cmpf ogt, %select_n3A_2306, %select_n3A_2265 : vector<16xf32>
          %select_n3A_2309 = arith.select %gt3A_2308, %select_n3A_2306, %select_n3A_2265 : vector<16xi1>, vector<16xf32>
          %select_n3A_2310 = arith.select %gt3A_2308, %select_n3A_2307, %select_n3A_2266 : vector<16xi1>, vector<16xi32>
          %select_n3A_2311 = arith.select %gt3A_2308, %select_n3A_2265, %select_n3A_2306 : vector<16xi1>, vector<16xf32>
          %select_n3A_2312 = arith.select %gt3A_2308, %select_n3A_2266, %select_n3A_2307 : vector<16xi1>, vector<16xi32>
          %add3A_2313 = arith.addf %get3A_1750, %gather3A_1613 : vector<16xf32>
          %broadcast_in_dim3A_2314 = arith.constant 176 : i32
          %broadcast_in_dim3A_2315 = vector.broadcast %broadcast_in_dim3A_2314 : i32 to vector<16xi32>
          %add3A_2316 = arith.addi %add3A_1828, %broadcast_in_dim3A_2315 : vector<16xi32>
          %gt3A_2317 = arith.cmpf ogt, %add3A_2313, %select_n3A_2274 : vector<16xf32>
          %select_n3A_2318 = arith.select %gt3A_2317, %add3A_2313, %select_n3A_2274 : vector<16xi1>, vector<16xf32>
          %select_n3A_2319 = arith.select %gt3A_2317, %add3A_2316, %select_n3A_2275 : vector<16xi1>, vector<16xi32>
          %select_n3A_2320 = arith.select %gt3A_2317, %select_n3A_2274, %add3A_2313 : vector<16xi1>, vector<16xf32>
          %select_n3A_2321 = arith.select %gt3A_2317, %select_n3A_2275, %add3A_2316 : vector<16xi1>, vector<16xi32>
          %gt3A_2322 = arith.cmpf ogt, %select_n3A_2320, %select_n3A_2279 : vector<16xf32>
          %select_n3A_2323 = arith.select %gt3A_2322, %select_n3A_2320, %select_n3A_2279 : vector<16xi1>, vector<16xf32>
          %select_n3A_2324 = arith.select %gt3A_2322, %select_n3A_2321, %select_n3A_2280 : vector<16xi1>, vector<16xi32>
          %select_n3A_2325 = arith.select %gt3A_2322, %select_n3A_2279, %select_n3A_2320 : vector<16xi1>, vector<16xf32>
          %select_n3A_2326 = arith.select %gt3A_2322, %select_n3A_2280, %select_n3A_2321 : vector<16xi1>, vector<16xi32>
          %gt3A_2327 = arith.cmpf ogt, %select_n3A_2325, %select_n3A_2284 : vector<16xf32>
          %select_n3A_2328 = arith.select %gt3A_2327, %select_n3A_2325, %select_n3A_2284 : vector<16xi1>, vector<16xf32>
          %select_n3A_2329 = arith.select %gt3A_2327, %select_n3A_2326, %select_n3A_2285 : vector<16xi1>, vector<16xi32>
          %select_n3A_2330 = arith.select %gt3A_2327, %select_n3A_2284, %select_n3A_2325 : vector<16xi1>, vector<16xf32>
          %select_n3A_2331 = arith.select %gt3A_2327, %select_n3A_2285, %select_n3A_2326 : vector<16xi1>, vector<16xi32>
          %gt3A_2332 = arith.cmpf ogt, %select_n3A_2330, %select_n3A_2289 : vector<16xf32>
          %select_n3A_2333 = arith.select %gt3A_2332, %select_n3A_2330, %select_n3A_2289 : vector<16xi1>, vector<16xf32>
          %select_n3A_2334 = arith.select %gt3A_2332, %select_n3A_2331, %select_n3A_2290 : vector<16xi1>, vector<16xi32>
          %select_n3A_2335 = arith.select %gt3A_2332, %select_n3A_2289, %select_n3A_2330 : vector<16xi1>, vector<16xf32>
          %select_n3A_2336 = arith.select %gt3A_2332, %select_n3A_2290, %select_n3A_2331 : vector<16xi1>, vector<16xi32>
          %gt3A_2337 = arith.cmpf ogt, %select_n3A_2335, %select_n3A_2294 : vector<16xf32>
          %select_n3A_2338 = arith.select %gt3A_2337, %select_n3A_2335, %select_n3A_2294 : vector<16xi1>, vector<16xf32>
          %select_n3A_2339 = arith.select %gt3A_2337, %select_n3A_2336, %select_n3A_2295 : vector<16xi1>, vector<16xi32>
          %select_n3A_2340 = arith.select %gt3A_2337, %select_n3A_2294, %select_n3A_2335 : vector<16xi1>, vector<16xf32>
          %select_n3A_2341 = arith.select %gt3A_2337, %select_n3A_2295, %select_n3A_2336 : vector<16xi1>, vector<16xi32>
          %gt3A_2342 = arith.cmpf ogt, %select_n3A_2340, %select_n3A_2299 : vector<16xf32>
          %select_n3A_2343 = arith.select %gt3A_2342, %select_n3A_2340, %select_n3A_2299 : vector<16xi1>, vector<16xf32>
          %select_n3A_2344 = arith.select %gt3A_2342, %select_n3A_2341, %select_n3A_2300 : vector<16xi1>, vector<16xi32>
          %select_n3A_2345 = arith.select %gt3A_2342, %select_n3A_2299, %select_n3A_2340 : vector<16xi1>, vector<16xf32>
          %select_n3A_2346 = arith.select %gt3A_2342, %select_n3A_2300, %select_n3A_2341 : vector<16xi1>, vector<16xi32>
          %gt3A_2347 = arith.cmpf ogt, %select_n3A_2345, %select_n3A_2304 : vector<16xf32>
          %select_n3A_2348 = arith.select %gt3A_2347, %select_n3A_2345, %select_n3A_2304 : vector<16xi1>, vector<16xf32>
          %select_n3A_2349 = arith.select %gt3A_2347, %select_n3A_2346, %select_n3A_2305 : vector<16xi1>, vector<16xi32>
          %select_n3A_2350 = arith.select %gt3A_2347, %select_n3A_2304, %select_n3A_2345 : vector<16xi1>, vector<16xf32>
          %select_n3A_2351 = arith.select %gt3A_2347, %select_n3A_2305, %select_n3A_2346 : vector<16xi1>, vector<16xi32>
          %gt3A_2352 = arith.cmpf ogt, %select_n3A_2350, %select_n3A_2309 : vector<16xf32>
          %select_n3A_2353 = arith.select %gt3A_2352, %select_n3A_2350, %select_n3A_2309 : vector<16xi1>, vector<16xf32>
          %select_n3A_2354 = arith.select %gt3A_2352, %select_n3A_2351, %select_n3A_2310 : vector<16xi1>, vector<16xi32>
          %select_n3A_2355 = arith.select %gt3A_2352, %select_n3A_2309, %select_n3A_2350 : vector<16xi1>, vector<16xf32>
          %select_n3A_2356 = arith.select %gt3A_2352, %select_n3A_2310, %select_n3A_2351 : vector<16xi1>, vector<16xi32>
          %add3A_2357 = arith.addf %get3A_1754, %gather3A_1613 : vector<16xf32>
          %broadcast_in_dim3A_2358 = arith.constant 192 : i32
          %broadcast_in_dim3A_2359 = vector.broadcast %broadcast_in_dim3A_2358 : i32 to vector<16xi32>
          %add3A_2360 = arith.addi %add3A_1828, %broadcast_in_dim3A_2359 : vector<16xi32>
          %gt3A_2361 = arith.cmpf ogt, %add3A_2357, %select_n3A_2318 : vector<16xf32>
          %select_n3A_2362 = arith.select %gt3A_2361, %add3A_2357, %select_n3A_2318 : vector<16xi1>, vector<16xf32>
          %select_n3A_2363 = arith.select %gt3A_2361, %add3A_2360, %select_n3A_2319 : vector<16xi1>, vector<16xi32>
          %select_n3A_2364 = arith.select %gt3A_2361, %select_n3A_2318, %add3A_2357 : vector<16xi1>, vector<16xf32>
          %select_n3A_2365 = arith.select %gt3A_2361, %select_n3A_2319, %add3A_2360 : vector<16xi1>, vector<16xi32>
          %gt3A_2366 = arith.cmpf ogt, %select_n3A_2364, %select_n3A_2323 : vector<16xf32>
          %select_n3A_2367 = arith.select %gt3A_2366, %select_n3A_2364, %select_n3A_2323 : vector<16xi1>, vector<16xf32>
          %select_n3A_2368 = arith.select %gt3A_2366, %select_n3A_2365, %select_n3A_2324 : vector<16xi1>, vector<16xi32>
          %select_n3A_2369 = arith.select %gt3A_2366, %select_n3A_2323, %select_n3A_2364 : vector<16xi1>, vector<16xf32>
          %select_n3A_2370 = arith.select %gt3A_2366, %select_n3A_2324, %select_n3A_2365 : vector<16xi1>, vector<16xi32>
          %gt3A_2371 = arith.cmpf ogt, %select_n3A_2369, %select_n3A_2328 : vector<16xf32>
          %select_n3A_2372 = arith.select %gt3A_2371, %select_n3A_2369, %select_n3A_2328 : vector<16xi1>, vector<16xf32>
          %select_n3A_2373 = arith.select %gt3A_2371, %select_n3A_2370, %select_n3A_2329 : vector<16xi1>, vector<16xi32>
          %select_n3A_2374 = arith.select %gt3A_2371, %select_n3A_2328, %select_n3A_2369 : vector<16xi1>, vector<16xf32>
          %select_n3A_2375 = arith.select %gt3A_2371, %select_n3A_2329, %select_n3A_2370 : vector<16xi1>, vector<16xi32>
          %gt3A_2376 = arith.cmpf ogt, %select_n3A_2374, %select_n3A_2333 : vector<16xf32>
          %select_n3A_2377 = arith.select %gt3A_2376, %select_n3A_2374, %select_n3A_2333 : vector<16xi1>, vector<16xf32>
          %select_n3A_2378 = arith.select %gt3A_2376, %select_n3A_2375, %select_n3A_2334 : vector<16xi1>, vector<16xi32>
          %select_n3A_2379 = arith.select %gt3A_2376, %select_n3A_2333, %select_n3A_2374 : vector<16xi1>, vector<16xf32>
          %select_n3A_2380 = arith.select %gt3A_2376, %select_n3A_2334, %select_n3A_2375 : vector<16xi1>, vector<16xi32>
          %gt3A_2381 = arith.cmpf ogt, %select_n3A_2379, %select_n3A_2338 : vector<16xf32>
          %select_n3A_2382 = arith.select %gt3A_2381, %select_n3A_2379, %select_n3A_2338 : vector<16xi1>, vector<16xf32>
          %select_n3A_2383 = arith.select %gt3A_2381, %select_n3A_2380, %select_n3A_2339 : vector<16xi1>, vector<16xi32>
          %select_n3A_2384 = arith.select %gt3A_2381, %select_n3A_2338, %select_n3A_2379 : vector<16xi1>, vector<16xf32>
          %select_n3A_2385 = arith.select %gt3A_2381, %select_n3A_2339, %select_n3A_2380 : vector<16xi1>, vector<16xi32>
          %gt3A_2386 = arith.cmpf ogt, %select_n3A_2384, %select_n3A_2343 : vector<16xf32>
          %select_n3A_2387 = arith.select %gt3A_2386, %select_n3A_2384, %select_n3A_2343 : vector<16xi1>, vector<16xf32>
          %select_n3A_2388 = arith.select %gt3A_2386, %select_n3A_2385, %select_n3A_2344 : vector<16xi1>, vector<16xi32>
          %select_n3A_2389 = arith.select %gt3A_2386, %select_n3A_2343, %select_n3A_2384 : vector<16xi1>, vector<16xf32>
          %select_n3A_2390 = arith.select %gt3A_2386, %select_n3A_2344, %select_n3A_2385 : vector<16xi1>, vector<16xi32>
          %gt3A_2391 = arith.cmpf ogt, %select_n3A_2389, %select_n3A_2348 : vector<16xf32>
          %select_n3A_2392 = arith.select %gt3A_2391, %select_n3A_2389, %select_n3A_2348 : vector<16xi1>, vector<16xf32>
          %select_n3A_2393 = arith.select %gt3A_2391, %select_n3A_2390, %select_n3A_2349 : vector<16xi1>, vector<16xi32>
          %select_n3A_2394 = arith.select %gt3A_2391, %select_n3A_2348, %select_n3A_2389 : vector<16xi1>, vector<16xf32>
          %select_n3A_2395 = arith.select %gt3A_2391, %select_n3A_2349, %select_n3A_2390 : vector<16xi1>, vector<16xi32>
          %gt3A_2396 = arith.cmpf ogt, %select_n3A_2394, %select_n3A_2353 : vector<16xf32>
          %select_n3A_2397 = arith.select %gt3A_2396, %select_n3A_2394, %select_n3A_2353 : vector<16xi1>, vector<16xf32>
          %select_n3A_2398 = arith.select %gt3A_2396, %select_n3A_2395, %select_n3A_2354 : vector<16xi1>, vector<16xi32>
          %select_n3A_2399 = arith.select %gt3A_2396, %select_n3A_2353, %select_n3A_2394 : vector<16xi1>, vector<16xf32>
          %select_n3A_2400 = arith.select %gt3A_2396, %select_n3A_2354, %select_n3A_2395 : vector<16xi1>, vector<16xi32>
          %add3A_2401 = arith.addf %get3A_1758, %gather3A_1613 : vector<16xf32>
          %broadcast_in_dim3A_2402 = arith.constant 208 : i32
          %broadcast_in_dim3A_2403 = vector.broadcast %broadcast_in_dim3A_2402 : i32 to vector<16xi32>
          %add3A_2404 = arith.addi %add3A_1828, %broadcast_in_dim3A_2403 : vector<16xi32>
          %gt3A_2405 = arith.cmpf ogt, %add3A_2401, %select_n3A_2362 : vector<16xf32>
          %select_n3A_2406 = arith.select %gt3A_2405, %add3A_2401, %select_n3A_2362 : vector<16xi1>, vector<16xf32>
          %select_n3A_2407 = arith.select %gt3A_2405, %add3A_2404, %select_n3A_2363 : vector<16xi1>, vector<16xi32>
          %select_n3A_2408 = arith.select %gt3A_2405, %select_n3A_2362, %add3A_2401 : vector<16xi1>, vector<16xf32>
          %select_n3A_2409 = arith.select %gt3A_2405, %select_n3A_2363, %add3A_2404 : vector<16xi1>, vector<16xi32>
          %gt3A_2410 = arith.cmpf ogt, %select_n3A_2408, %select_n3A_2367 : vector<16xf32>
          %select_n3A_2411 = arith.select %gt3A_2410, %select_n3A_2408, %select_n3A_2367 : vector<16xi1>, vector<16xf32>
          %select_n3A_2412 = arith.select %gt3A_2410, %select_n3A_2409, %select_n3A_2368 : vector<16xi1>, vector<16xi32>
          %select_n3A_2413 = arith.select %gt3A_2410, %select_n3A_2367, %select_n3A_2408 : vector<16xi1>, vector<16xf32>
          %select_n3A_2414 = arith.select %gt3A_2410, %select_n3A_2368, %select_n3A_2409 : vector<16xi1>, vector<16xi32>
          %gt3A_2415 = arith.cmpf ogt, %select_n3A_2413, %select_n3A_2372 : vector<16xf32>
          %select_n3A_2416 = arith.select %gt3A_2415, %select_n3A_2413, %select_n3A_2372 : vector<16xi1>, vector<16xf32>
          %select_n3A_2417 = arith.select %gt3A_2415, %select_n3A_2414, %select_n3A_2373 : vector<16xi1>, vector<16xi32>
          %select_n3A_2418 = arith.select %gt3A_2415, %select_n3A_2372, %select_n3A_2413 : vector<16xi1>, vector<16xf32>
          %select_n3A_2419 = arith.select %gt3A_2415, %select_n3A_2373, %select_n3A_2414 : vector<16xi1>, vector<16xi32>
          %gt3A_2420 = arith.cmpf ogt, %select_n3A_2418, %select_n3A_2377 : vector<16xf32>
          %select_n3A_2421 = arith.select %gt3A_2420, %select_n3A_2418, %select_n3A_2377 : vector<16xi1>, vector<16xf32>
          %select_n3A_2422 = arith.select %gt3A_2420, %select_n3A_2419, %select_n3A_2378 : vector<16xi1>, vector<16xi32>
          %select_n3A_2423 = arith.select %gt3A_2420, %select_n3A_2377, %select_n3A_2418 : vector<16xi1>, vector<16xf32>
          %select_n3A_2424 = arith.select %gt3A_2420, %select_n3A_2378, %select_n3A_2419 : vector<16xi1>, vector<16xi32>
          %gt3A_2425 = arith.cmpf ogt, %select_n3A_2423, %select_n3A_2382 : vector<16xf32>
          %select_n3A_2426 = arith.select %gt3A_2425, %select_n3A_2423, %select_n3A_2382 : vector<16xi1>, vector<16xf32>
          %select_n3A_2427 = arith.select %gt3A_2425, %select_n3A_2424, %select_n3A_2383 : vector<16xi1>, vector<16xi32>
          %select_n3A_2428 = arith.select %gt3A_2425, %select_n3A_2382, %select_n3A_2423 : vector<16xi1>, vector<16xf32>
          %select_n3A_2429 = arith.select %gt3A_2425, %select_n3A_2383, %select_n3A_2424 : vector<16xi1>, vector<16xi32>
          %gt3A_2430 = arith.cmpf ogt, %select_n3A_2428, %select_n3A_2387 : vector<16xf32>
          %select_n3A_2431 = arith.select %gt3A_2430, %select_n3A_2428, %select_n3A_2387 : vector<16xi1>, vector<16xf32>
          %select_n3A_2432 = arith.select %gt3A_2430, %select_n3A_2429, %select_n3A_2388 : vector<16xi1>, vector<16xi32>
          %select_n3A_2433 = arith.select %gt3A_2430, %select_n3A_2387, %select_n3A_2428 : vector<16xi1>, vector<16xf32>
          %select_n3A_2434 = arith.select %gt3A_2430, %select_n3A_2388, %select_n3A_2429 : vector<16xi1>, vector<16xi32>
          %gt3A_2435 = arith.cmpf ogt, %select_n3A_2433, %select_n3A_2392 : vector<16xf32>
          %select_n3A_2436 = arith.select %gt3A_2435, %select_n3A_2433, %select_n3A_2392 : vector<16xi1>, vector<16xf32>
          %select_n3A_2437 = arith.select %gt3A_2435, %select_n3A_2434, %select_n3A_2393 : vector<16xi1>, vector<16xi32>
          %select_n3A_2438 = arith.select %gt3A_2435, %select_n3A_2392, %select_n3A_2433 : vector<16xi1>, vector<16xf32>
          %select_n3A_2439 = arith.select %gt3A_2435, %select_n3A_2393, %select_n3A_2434 : vector<16xi1>, vector<16xi32>
          %gt3A_2440 = arith.cmpf ogt, %select_n3A_2438, %select_n3A_2397 : vector<16xf32>
          %select_n3A_2441 = arith.select %gt3A_2440, %select_n3A_2438, %select_n3A_2397 : vector<16xi1>, vector<16xf32>
          %select_n3A_2442 = arith.select %gt3A_2440, %select_n3A_2439, %select_n3A_2398 : vector<16xi1>, vector<16xi32>
          %select_n3A_2443 = arith.select %gt3A_2440, %select_n3A_2397, %select_n3A_2438 : vector<16xi1>, vector<16xf32>
          %select_n3A_2444 = arith.select %gt3A_2440, %select_n3A_2398, %select_n3A_2439 : vector<16xi1>, vector<16xi32>
          %add3A_2445 = arith.addf %get3A_1762, %gather3A_1613 : vector<16xf32>
          %broadcast_in_dim3A_2446 = arith.constant 224 : i32
          %broadcast_in_dim3A_2447 = vector.broadcast %broadcast_in_dim3A_2446 : i32 to vector<16xi32>
          %add3A_2448 = arith.addi %add3A_1828, %broadcast_in_dim3A_2447 : vector<16xi32>
          %gt3A_2449 = arith.cmpf ogt, %add3A_2445, %select_n3A_2406 : vector<16xf32>
          %select_n3A_2450 = arith.select %gt3A_2449, %add3A_2445, %select_n3A_2406 : vector<16xi1>, vector<16xf32>
          %select_n3A_2451 = arith.select %gt3A_2449, %add3A_2448, %select_n3A_2407 : vector<16xi1>, vector<16xi32>
          %select_n3A_2452 = arith.select %gt3A_2449, %select_n3A_2406, %add3A_2445 : vector<16xi1>, vector<16xf32>
          %select_n3A_2453 = arith.select %gt3A_2449, %select_n3A_2407, %add3A_2448 : vector<16xi1>, vector<16xi32>
          %gt3A_2454 = arith.cmpf ogt, %select_n3A_2452, %select_n3A_2411 : vector<16xf32>
          %select_n3A_2455 = arith.select %gt3A_2454, %select_n3A_2452, %select_n3A_2411 : vector<16xi1>, vector<16xf32>
          %select_n3A_2456 = arith.select %gt3A_2454, %select_n3A_2453, %select_n3A_2412 : vector<16xi1>, vector<16xi32>
          %select_n3A_2457 = arith.select %gt3A_2454, %select_n3A_2411, %select_n3A_2452 : vector<16xi1>, vector<16xf32>
          %select_n3A_2458 = arith.select %gt3A_2454, %select_n3A_2412, %select_n3A_2453 : vector<16xi1>, vector<16xi32>
          %gt3A_2459 = arith.cmpf ogt, %select_n3A_2457, %select_n3A_2416 : vector<16xf32>
          %select_n3A_2460 = arith.select %gt3A_2459, %select_n3A_2457, %select_n3A_2416 : vector<16xi1>, vector<16xf32>
          %select_n3A_2461 = arith.select %gt3A_2459, %select_n3A_2458, %select_n3A_2417 : vector<16xi1>, vector<16xi32>
          %select_n3A_2462 = arith.select %gt3A_2459, %select_n3A_2416, %select_n3A_2457 : vector<16xi1>, vector<16xf32>
          %select_n3A_2463 = arith.select %gt3A_2459, %select_n3A_2417, %select_n3A_2458 : vector<16xi1>, vector<16xi32>
          %gt3A_2464 = arith.cmpf ogt, %select_n3A_2462, %select_n3A_2421 : vector<16xf32>
          %select_n3A_2465 = arith.select %gt3A_2464, %select_n3A_2462, %select_n3A_2421 : vector<16xi1>, vector<16xf32>
          %select_n3A_2466 = arith.select %gt3A_2464, %select_n3A_2463, %select_n3A_2422 : vector<16xi1>, vector<16xi32>
          %select_n3A_2467 = arith.select %gt3A_2464, %select_n3A_2421, %select_n3A_2462 : vector<16xi1>, vector<16xf32>
          %select_n3A_2468 = arith.select %gt3A_2464, %select_n3A_2422, %select_n3A_2463 : vector<16xi1>, vector<16xi32>
          %gt3A_2469 = arith.cmpf ogt, %select_n3A_2467, %select_n3A_2426 : vector<16xf32>
          %select_n3A_2470 = arith.select %gt3A_2469, %select_n3A_2467, %select_n3A_2426 : vector<16xi1>, vector<16xf32>
          %select_n3A_2471 = arith.select %gt3A_2469, %select_n3A_2468, %select_n3A_2427 : vector<16xi1>, vector<16xi32>
          %select_n3A_2472 = arith.select %gt3A_2469, %select_n3A_2426, %select_n3A_2467 : vector<16xi1>, vector<16xf32>
          %select_n3A_2473 = arith.select %gt3A_2469, %select_n3A_2427, %select_n3A_2468 : vector<16xi1>, vector<16xi32>
          %gt3A_2474 = arith.cmpf ogt, %select_n3A_2472, %select_n3A_2431 : vector<16xf32>
          %select_n3A_2475 = arith.select %gt3A_2474, %select_n3A_2472, %select_n3A_2431 : vector<16xi1>, vector<16xf32>
          %select_n3A_2476 = arith.select %gt3A_2474, %select_n3A_2473, %select_n3A_2432 : vector<16xi1>, vector<16xi32>
          %select_n3A_2477 = arith.select %gt3A_2474, %select_n3A_2431, %select_n3A_2472 : vector<16xi1>, vector<16xf32>
          %select_n3A_2478 = arith.select %gt3A_2474, %select_n3A_2432, %select_n3A_2473 : vector<16xi1>, vector<16xi32>
          %gt3A_2479 = arith.cmpf ogt, %select_n3A_2477, %select_n3A_2436 : vector<16xf32>
          %select_n3A_2480 = arith.select %gt3A_2479, %select_n3A_2477, %select_n3A_2436 : vector<16xi1>, vector<16xf32>
          %select_n3A_2481 = arith.select %gt3A_2479, %select_n3A_2478, %select_n3A_2437 : vector<16xi1>, vector<16xi32>
          %select_n3A_2482 = arith.select %gt3A_2479, %select_n3A_2436, %select_n3A_2477 : vector<16xi1>, vector<16xf32>
          %select_n3A_2483 = arith.select %gt3A_2479, %select_n3A_2437, %select_n3A_2478 : vector<16xi1>, vector<16xi32>
          %gt3A_2484 = arith.cmpf ogt, %select_n3A_2482, %select_n3A_2441 : vector<16xf32>
          %select_n3A_2485 = arith.select %gt3A_2484, %select_n3A_2482, %select_n3A_2441 : vector<16xi1>, vector<16xf32>
          %select_n3A_2486 = arith.select %gt3A_2484, %select_n3A_2483, %select_n3A_2442 : vector<16xi1>, vector<16xi32>
          %select_n3A_2487 = arith.select %gt3A_2484, %select_n3A_2441, %select_n3A_2482 : vector<16xi1>, vector<16xf32>
          %select_n3A_2488 = arith.select %gt3A_2484, %select_n3A_2442, %select_n3A_2483 : vector<16xi1>, vector<16xi32>
          %add3A_2489 = arith.addf %get3A_1766, %gather3A_1613 : vector<16xf32>
          %broadcast_in_dim3A_2490 = arith.constant 240 : i32
          %broadcast_in_dim3A_2491 = vector.broadcast %broadcast_in_dim3A_2490 : i32 to vector<16xi32>
          %add3A_2492 = arith.addi %add3A_1828, %broadcast_in_dim3A_2491 : vector<16xi32>
          %gt3A_2493 = arith.cmpf ogt, %add3A_2489, %select_n3A_2450 : vector<16xf32>
          %select_n3A_2494 = arith.select %gt3A_2493, %add3A_2489, %select_n3A_2450 : vector<16xi1>, vector<16xf32>
          %select_n3A_2495 = arith.select %gt3A_2493, %add3A_2492, %select_n3A_2451 : vector<16xi1>, vector<16xi32>
          %select_n3A_2496 = arith.select %gt3A_2493, %select_n3A_2450, %add3A_2489 : vector<16xi1>, vector<16xf32>
          %select_n3A_2497 = arith.select %gt3A_2493, %select_n3A_2451, %add3A_2492 : vector<16xi1>, vector<16xi32>
          %gt3A_2498 = arith.cmpf ogt, %select_n3A_2496, %select_n3A_2455 : vector<16xf32>
          %select_n3A_2499 = arith.select %gt3A_2498, %select_n3A_2496, %select_n3A_2455 : vector<16xi1>, vector<16xf32>
          %select_n3A_2500 = arith.select %gt3A_2498, %select_n3A_2497, %select_n3A_2456 : vector<16xi1>, vector<16xi32>
          %select_n3A_2501 = arith.select %gt3A_2498, %select_n3A_2455, %select_n3A_2496 : vector<16xi1>, vector<16xf32>
          %select_n3A_2502 = arith.select %gt3A_2498, %select_n3A_2456, %select_n3A_2497 : vector<16xi1>, vector<16xi32>
          %gt3A_2503 = arith.cmpf ogt, %select_n3A_2501, %select_n3A_2460 : vector<16xf32>
          %select_n3A_2504 = arith.select %gt3A_2503, %select_n3A_2501, %select_n3A_2460 : vector<16xi1>, vector<16xf32>
          %select_n3A_2505 = arith.select %gt3A_2503, %select_n3A_2502, %select_n3A_2461 : vector<16xi1>, vector<16xi32>
          %select_n3A_2506 = arith.select %gt3A_2503, %select_n3A_2460, %select_n3A_2501 : vector<16xi1>, vector<16xf32>
          %select_n3A_2507 = arith.select %gt3A_2503, %select_n3A_2461, %select_n3A_2502 : vector<16xi1>, vector<16xi32>
          %gt3A_2508 = arith.cmpf ogt, %select_n3A_2506, %select_n3A_2465 : vector<16xf32>
          %select_n3A_2509 = arith.select %gt3A_2508, %select_n3A_2506, %select_n3A_2465 : vector<16xi1>, vector<16xf32>
          %select_n3A_2510 = arith.select %gt3A_2508, %select_n3A_2507, %select_n3A_2466 : vector<16xi1>, vector<16xi32>
          %select_n3A_2511 = arith.select %gt3A_2508, %select_n3A_2465, %select_n3A_2506 : vector<16xi1>, vector<16xf32>
          %select_n3A_2512 = arith.select %gt3A_2508, %select_n3A_2466, %select_n3A_2507 : vector<16xi1>, vector<16xi32>
          %gt3A_2513 = arith.cmpf ogt, %select_n3A_2511, %select_n3A_2470 : vector<16xf32>
          %select_n3A_2514 = arith.select %gt3A_2513, %select_n3A_2511, %select_n3A_2470 : vector<16xi1>, vector<16xf32>
          %select_n3A_2515 = arith.select %gt3A_2513, %select_n3A_2512, %select_n3A_2471 : vector<16xi1>, vector<16xi32>
          %select_n3A_2516 = arith.select %gt3A_2513, %select_n3A_2470, %select_n3A_2511 : vector<16xi1>, vector<16xf32>
          %select_n3A_2517 = arith.select %gt3A_2513, %select_n3A_2471, %select_n3A_2512 : vector<16xi1>, vector<16xi32>
          %gt3A_2518 = arith.cmpf ogt, %select_n3A_2516, %select_n3A_2475 : vector<16xf32>
          %select_n3A_2519 = arith.select %gt3A_2518, %select_n3A_2516, %select_n3A_2475 : vector<16xi1>, vector<16xf32>
          %select_n3A_2520 = arith.select %gt3A_2518, %select_n3A_2517, %select_n3A_2476 : vector<16xi1>, vector<16xi32>
          %select_n3A_2521 = arith.select %gt3A_2518, %select_n3A_2475, %select_n3A_2516 : vector<16xi1>, vector<16xf32>
          %select_n3A_2522 = arith.select %gt3A_2518, %select_n3A_2476, %select_n3A_2517 : vector<16xi1>, vector<16xi32>
          %gt3A_2523 = arith.cmpf ogt, %select_n3A_2521, %select_n3A_2480 : vector<16xf32>
          %select_n3A_2524 = arith.select %gt3A_2523, %select_n3A_2521, %select_n3A_2480 : vector<16xi1>, vector<16xf32>
          %select_n3A_2525 = arith.select %gt3A_2523, %select_n3A_2522, %select_n3A_2481 : vector<16xi1>, vector<16xi32>
          %select_n3A_2526 = arith.select %gt3A_2523, %select_n3A_2480, %select_n3A_2521 : vector<16xi1>, vector<16xf32>
          %select_n3A_2527 = arith.select %gt3A_2523, %select_n3A_2481, %select_n3A_2522 : vector<16xi1>, vector<16xi32>
          %gt3A_2528 = arith.cmpf ogt, %select_n3A_2526, %select_n3A_2485 : vector<16xf32>
          %select_n3A_2529 = arith.select %gt3A_2528, %select_n3A_2526, %select_n3A_2485 : vector<16xi1>, vector<16xf32>
          %select_n3A_2530 = arith.select %gt3A_2528, %select_n3A_2527, %select_n3A_2486 : vector<16xi1>, vector<16xi32>
          %select_n3A_2531 = arith.select %gt3A_2528, %select_n3A_2485, %select_n3A_2526 : vector<16xi1>, vector<16xf32>
          %select_n3A_2532 = arith.select %gt3A_2528, %select_n3A_2486, %select_n3A_2527 : vector<16xi1>, vector<16xi32>
          %swap3A_2533 = arith.constant 0 : index
          %swap3A_2534 = tpu.vector_load %arg20[%swap3A_2533] {strides = array<i32>} : memref<128xf32, #tpu.memory_space<vmem>>, vector<16xf32>,
          tpu.vector_store %arg20[%swap3A_2533], %select_n3A_2494 {strides = array<i32>} : memref<128xf32, #tpu.memory_space<vmem>>, vector<16xf32>,
          %swap3A_2535 = arith.constant 0 : index
          %swap3A_2536 = tpu.vector_load %arg21[%swap3A_2535] {strides = array<i32>} : memref<128xi32, #tpu.memory_space<vmem>>, vector<16xi32>,
          tpu.vector_store %arg21[%swap3A_2535], %select_n3A_2495 {strides = array<i32>} : memref<128xi32, #tpu.memory_space<vmem>>, vector<16xi32>,
          %swap3A_2537 = arith.constant 16 : index
          %swap3A_2538 = tpu.vector_load %arg20[%swap3A_2537] {strides = array<i32>} : memref<128xf32, #tpu.memory_space<vmem>>, vector<16xf32>,
          tpu.vector_store %arg20[%swap3A_2537], %select_n3A_2499 {strides = array<i32>} : memref<128xf32, #tpu.memory_space<vmem>>, vector<16xf32>,
          %swap3A_2539 = arith.constant 16 : index
          %swap3A_2540 = tpu.vector_load %arg21[%swap3A_2539] {strides = array<i32>} : memref<128xi32, #tpu.memory_space<vmem>>, vector<16xi32>,
          tpu.vector_store %arg21[%swap3A_2539], %select_n3A_2500 {strides = array<i32>} : memref<128xi32, #tpu.memory_space<vmem>>, vector<16xi32>,
          %swap3A_2541 = arith.constant 32 : index
          %swap3A_2542 = tpu.vector_load %arg20[%swap3A_2541] {strides = array<i32>} : memref<128xf32, #tpu.memory_space<vmem>>, vector<16xf32>,
          tpu.vector_store %arg20[%swap3A_2541], %select_n3A_2504 {strides = array<i32>} : memref<128xf32, #tpu.memory_space<vmem>>, vector<16xf32>,
          %swap3A_2543 = arith.constant 32 : index
          %swap3A_2544 = tpu.vector_load %arg21[%swap3A_2543] {strides = array<i32>} : memref<128xi32, #tpu.memory_space<vmem>>, vector<16xi32>,
          tpu.vector_store %arg21[%swap3A_2543], %select_n3A_2505 {strides = array<i32>} : memref<128xi32, #tpu.memory_space<vmem>>, vector<16xi32>,
          %swap3A_2545 = arith.constant 48 : index
          %swap3A_2546 = tpu.vector_load %arg20[%swap3A_2545] {strides = array<i32>} : memref<128xf32, #tpu.memory_space<vmem>>, vector<16xf32>,
          tpu.vector_store %arg20[%swap3A_2545], %select_n3A_2509 {strides = array<i32>} : memref<128xf32, #tpu.memory_space<vmem>>, vector<16xf32>,
          %swap3A_2547 = arith.constant 48 : index
          %swap3A_2548 = tpu.vector_load %arg21[%swap3A_2547] {strides = array<i32>} : memref<128xi32, #tpu.memory_space<vmem>>, vector<16xi32>,
          tpu.vector_store %arg21[%swap3A_2547], %select_n3A_2510 {strides = array<i32>} : memref<128xi32, #tpu.memory_space<vmem>>, vector<16xi32>,
          %swap3A_2549 = arith.constant 64 : index
          %swap3A_2550 = tpu.vector_load %arg20[%swap3A_2549] {strides = array<i32>} : memref<128xf32, #tpu.memory_space<vmem>>, vector<16xf32>,
          tpu.vector_store %arg20[%swap3A_2549], %select_n3A_2514 {strides = array<i32>} : memref<128xf32, #tpu.memory_space<vmem>>, vector<16xf32>,
          %swap3A_2551 = arith.constant 64 : index
          %swap3A_2552 = tpu.vector_load %arg21[%swap3A_2551] {strides = array<i32>} : memref<128xi32, #tpu.memory_space<vmem>>, vector<16xi32>,
          tpu.vector_store %arg21[%swap3A_2551], %select_n3A_2515 {strides = array<i32>} : memref<128xi32, #tpu.memory_space<vmem>>, vector<16xi32>,
          %swap3A_2553 = arith.constant 80 : index
          %swap3A_2554 = tpu.vector_load %arg20[%swap3A_2553] {strides = array<i32>} : memref<128xf32, #tpu.memory_space<vmem>>, vector<16xf32>,
          tpu.vector_store %arg20[%swap3A_2553], %select_n3A_2519 {strides = array<i32>} : memref<128xf32, #tpu.memory_space<vmem>>, vector<16xf32>,
          %swap3A_2555 = arith.constant 80 : index
          %swap3A_2556 = tpu.vector_load %arg21[%swap3A_2555] {strides = array<i32>} : memref<128xi32, #tpu.memory_space<vmem>>, vector<16xi32>,
          tpu.vector_store %arg21[%swap3A_2555], %select_n3A_2520 {strides = array<i32>} : memref<128xi32, #tpu.memory_space<vmem>>, vector<16xi32>,
          %swap3A_2557 = arith.constant 96 : index
          %swap3A_2558 = tpu.vector_load %arg20[%swap3A_2557] {strides = array<i32>} : memref<128xf32, #tpu.memory_space<vmem>>, vector<16xf32>,
          tpu.vector_store %arg20[%swap3A_2557], %select_n3A_2524 {strides = array<i32>} : memref<128xf32, #tpu.memory_space<vmem>>, vector<16xf32>,
          %swap3A_2559 = arith.constant 96 : index
          %swap3A_2560 = tpu.vector_load %arg21[%swap3A_2559] {strides = array<i32>} : memref<128xi32, #tpu.memory_space<vmem>>, vector<16xi32>,
          tpu.vector_store %arg21[%swap3A_2559], %select_n3A_2525 {strides = array<i32>} : memref<128xi32, #tpu.memory_space<vmem>>, vector<16xi32>,
          %swap3A_2561 = arith.constant 112 : index
          %swap3A_2562 = tpu.vector_load %arg20[%swap3A_2561] {strides = array<i32>} : memref<128xf32, #tpu.memory_space<vmem>>, vector<16xf32>,
          tpu.vector_store %arg20[%swap3A_2561], %select_n3A_2529 {strides = array<i32>} : memref<128xf32, #tpu.memory_space<vmem>>, vector<16xf32>,
          %swap3A_2563 = arith.constant 112 : index
          %swap3A_2564 = tpu.vector_load %arg21[%swap3A_2563] {strides = array<i32>} : memref<128xi32, #tpu.memory_space<vmem>>, vector<16xi32>,
          tpu.vector_store %arg21[%swap3A_2563], %select_n3A_2530 {strides = array<i32>} : memref<128xi32, #tpu.memory_space<vmem>>, vector<16xi32>,
        } else {
        }
        %scan3A_1794 = arith.constant 0 : i32
        scf.yield %scan3A_1794 : i32
      }
      %scan3A_1697 = arith.constant 64 : i32
      %scan3A_1698 = arith.constant 0 : i32
      scf.yield %scan3A_1698 : i32
    }
    %scan3A_672 = arith.constant 8 : i32
    %dma_wait3A_673 = arith.constant 0 : i32
    %dma_wait3A_674 = tpu.memref_slice %arg2[%dma_wait3A_673] : memref<8388608xf32, #tpu.memory_space<hbm>> -> memref<16384xf32, #tpu.memory_space<hbm>>
    %dma_wait3A_675 = arith.constant 0 : i32
    %dma_wait3A_676 = tpu.memref_slice %arg2[%dma_wait3A_675] : memref<8388608xf32, #tpu.memory_space<hbm>> -> memref<16384xf32, #tpu.memory_space<hbm>>
    tpu.wait_dma2 semaphore(%arg22 : memref<!tpu.dma_semaphore, #tpu.memory_space<semaphore_mem>>) src(%dma_wait3A_676 : memref<16384xf32, #tpu.memory_space<hbm>>) dst(%arg11 : memref<16384xf32, #tpu.memory_space<vmem>>)
    %get3A_677 = arith.constant 0 : index
    %get3A_678 = tpu.vector_load %arg20[%get3A_677] {strides = array<i32>} : memref<128xf32, #tpu.memory_space<vmem>>, vector<16xf32>,
    %get3A_679 = arith.constant 16 : index
    %get3A_680 = tpu.vector_load %arg20[%get3A_679] {strides = array<i32>} : memref<128xf32, #tpu.memory_space<vmem>>, vector<16xf32>,
    %get3A_681 = arith.constant 32 : index
    %get3A_682 = tpu.vector_load %arg20[%get3A_681] {strides = array<i32>} : memref<128xf32, #tpu.memory_space<vmem>>, vector<16xf32>,
    %get3A_683 = arith.constant 48 : index
    %get3A_684 = tpu.vector_load %arg20[%get3A_683] {strides = array<i32>} : memref<128xf32, #tpu.memory_space<vmem>>, vector<16xf32>,
    %get3A_685 = arith.constant 64 : index
    %get3A_686 = tpu.vector_load %arg20[%get3A_685] {strides = array<i32>} : memref<128xf32, #tpu.memory_space<vmem>>, vector<16xf32>,
    %get3A_687 = arith.constant 80 : index
    %get3A_688 = tpu.vector_load %arg20[%get3A_687] {strides = array<i32>} : memref<128xf32, #tpu.memory_space<vmem>>, vector<16xf32>,
    %get3A_689 = arith.constant 96 : index
    %get3A_690 = tpu.vector_load %arg20[%get3A_689] {strides = array<i32>} : memref<128xf32, #tpu.memory_space<vmem>>, vector<16xf32>,
    %get3A_691 = arith.constant 112 : index
    %get3A_692 = tpu.vector_load %arg20[%get3A_691] {strides = array<i32>} : memref<128xf32, #tpu.memory_space<vmem>>, vector<16xf32>,
    %get3A_693 = arith.constant 0 : index
    %get3A_694 = tpu.vector_load %arg21[%get3A_693] {strides = array<i32>} : memref<128xi32, #tpu.memory_space<vmem>>, vector<16xi32>,
    %get3A_695 = arith.constant 16 : index
    %get3A_696 = tpu.vector_load %arg21[%get3A_695] {strides = array<i32>} : memref<128xi32, #tpu.memory_space<vmem>>, vector<16xi32>,
    %get3A_697 = arith.constant 32 : index
    %get3A_698 = tpu.vector_load %arg21[%get3A_697] {strides = array<i32>} : memref<128xi32, #tpu.memory_space<vmem>>, vector<16xi32>,
    %get3A_699 = arith.constant 48 : index
    %get3A_700 = tpu.vector_load %arg21[%get3A_699] {strides = array<i32>} : memref<128xi32, #tpu.memory_space<vmem>>, vector<16xi32>,
    %get3A_701 = arith.constant 64 : index
    %get3A_702 = tpu.vector_load %arg21[%get3A_701] {strides = array<i32>} : memref<128xi32, #tpu.memory_space<vmem>>, vector<16xi32>,
    %get3A_703 = arith.constant 80 : index
    %get3A_704 = tpu.vector_load %arg21[%get3A_703] {strides = array<i32>} : memref<128xi32, #tpu.memory_space<vmem>>, vector<16xi32>,
    %get3A_705 = arith.constant 96 : index
    %get3A_706 = tpu.vector_load %arg21[%get3A_705] {strides = array<i32>} : memref<128xi32, #tpu.memory_space<vmem>>, vector<16xi32>,
    %get3A_707 = arith.constant 112 : index
    %get3A_708 = tpu.vector_load %arg21[%get3A_707] {strides = array<i32>} : memref<128xi32, #tpu.memory_space<vmem>>, vector<16xi32>,
    %broadcast_in_dim3A_709 = arith.constant 0.000000e+00 : f32
    %broadcast_in_dim3A_710 = vector.broadcast %broadcast_in_dim3A_709 : f32 to vector<16xf32>
    %broadcast_in_dim3A_711 = arith.constant 0 : i32
    %broadcast_in_dim3A_712 = vector.broadcast %broadcast_in_dim3A_711 : i32 to vector<16xi32>
    %max3A_713 = arith.maximumf %get3A_678, %get3A_680 : vector<16xf32>
    %max3A_714 = arith.maximumf %get3A_682, %get3A_684 : vector<16xf32>
    %max3A_715 = arith.maximumf %max3A_713, %max3A_714 : vector<16xf32>
    %max3A_716 = arith.maximumf %get3A_686, %get3A_688 : vector<16xf32>
    %max3A_717 = arith.maximumf %get3A_690, %get3A_692 : vector<16xf32>
    %max3A_718 = arith.maximumf %max3A_716, %max3A_717 : vector<16xf32>
    %max3A_719 = arith.maximumf %max3A_715, %max3A_718 : vector<16xf32>
    %reduce_max3A_720 = arith.constant true
    %reduce_max3A_721 = vector.broadcast %reduce_max3A_720 : i1 to vector<16xi1>
    %reduce_max3A_722 = tpu.scan <max>, %max3A_719 masked %reduce_max3A_721 : vector<16xf32>, vector<16xi1> -> vector<16xf32>
    %reduce_max3A_723 = vector.extract %reduce_max3A_722[15] : f32 from vector<16xf32>
    %broadcast_in_dim3A_724 = vector.broadcast %reduce_max3A_723 : f32 to vector<16xf32>
    %eq3A_725 = arith.cmpf oeq, %get3A_678, %broadcast_in_dim3A_724 : vector<16xf32>
    %eq3A_726 = arith.cmpf oeq, %get3A_680, %broadcast_in_dim3A_724 : vector<16xf32>
    %eq3A_727 = arith.cmpf oeq, %get3A_682, %broadcast_in_dim3A_724 : vector<16xf32>
    %eq3A_728 = arith.cmpf oeq, %get3A_684, %broadcast_in_dim3A_724 : vector<16xf32>
    %eq3A_729 = arith.cmpf oeq, %get3A_686, %broadcast_in_dim3A_724 : vector<16xf32>
    %eq3A_730 = arith.cmpf oeq, %get3A_688, %broadcast_in_dim3A_724 : vector<16xf32>
    %eq3A_731 = arith.cmpf oeq, %get3A_690, %broadcast_in_dim3A_724 : vector<16xf32>
    %eq3A_732 = arith.cmpf oeq, %get3A_692, %broadcast_in_dim3A_724 : vector<16xf32>
    %jit3A_733 = arith.constant 1073741824 : i32
    %broadcast_in_dim3A_734 = vector.broadcast %jit3A_733 : i32 to vector<16xi32>
    %select_n3A_735 = arith.select %eq3A_725, %get3A_694, %broadcast_in_dim3A_734 : vector<16xi1>, vector<16xi32>
    %jit3A_736 = arith.constant 1073741824 : i32
    %broadcast_in_dim3A_737 = vector.broadcast %jit3A_736 : i32 to vector<16xi32>
    %select_n3A_738 = arith.select %eq3A_726, %get3A_696, %broadcast_in_dim3A_737 : vector<16xi1>, vector<16xi32>
    %jit3A_739 = arith.constant 1073741824 : i32
    %broadcast_in_dim3A_740 = vector.broadcast %jit3A_739 : i32 to vector<16xi32>
    %select_n3A_741 = arith.select %eq3A_727, %get3A_698, %broadcast_in_dim3A_740 : vector<16xi1>, vector<16xi32>
    %jit3A_742 = arith.constant 1073741824 : i32
    %broadcast_in_dim3A_743 = vector.broadcast %jit3A_742 : i32 to vector<16xi32>
    %select_n3A_744 = arith.select %eq3A_728, %get3A_700, %broadcast_in_dim3A_743 : vector<16xi1>, vector<16xi32>
    %jit3A_745 = arith.constant 1073741824 : i32
    %broadcast_in_dim3A_746 = vector.broadcast %jit3A_745 : i32 to vector<16xi32>
    %select_n3A_747 = arith.select %eq3A_729, %get3A_702, %broadcast_in_dim3A_746 : vector<16xi1>, vector<16xi32>
    %jit3A_748 = arith.constant 1073741824 : i32
    %broadcast_in_dim3A_749 = vector.broadcast %jit3A_748 : i32 to vector<16xi32>
    %select_n3A_750 = arith.select %eq3A_730, %get3A_704, %broadcast_in_dim3A_749 : vector<16xi1>, vector<16xi32>
    %jit3A_751 = arith.constant 1073741824 : i32
    %broadcast_in_dim3A_752 = vector.broadcast %jit3A_751 : i32 to vector<16xi32>
    %select_n3A_753 = arith.select %eq3A_731, %get3A_706, %broadcast_in_dim3A_752 : vector<16xi1>, vector<16xi32>
    %jit3A_754 = arith.constant 1073741824 : i32
    %broadcast_in_dim3A_755 = vector.broadcast %jit3A_754 : i32 to vector<16xi32>
    %select_n3A_756 = arith.select %eq3A_732, %get3A_708, %broadcast_in_dim3A_755 : vector<16xi1>, vector<16xi32>
    %min3A = arith.minsi %select_n3A_735, %select_n3A_738 : vector<16xi32>
    %min3A_757 = arith.minsi %select_n3A_741, %select_n3A_744 : vector<16xi32>
    %min3A_758 = arith.minsi %min3A, %min3A_757 : vector<16xi32>
    %min3A_759 = arith.minsi %select_n3A_747, %select_n3A_750 : vector<16xi32>
    %min3A_760 = arith.minsi %select_n3A_753, %select_n3A_756 : vector<16xi32>
    %min3A_761 = arith.minsi %min3A_759, %min3A_760 : vector<16xi32>
    %min3A_762 = arith.minsi %min3A_758, %min3A_761 : vector<16xi32>
    %reduce_min3A = arith.constant true
    %reduce_min3A_763 = vector.broadcast %reduce_min3A : i1 to vector<16xi1>
    %reduce_min3A_764 = arith.constant -2147483648 : i32
    %reduce_min3A_765 = vector.broadcast %reduce_min3A_764 : i32 to vector<16xi32>
    %reduce_min3A_766 = arith.xori %min3A_762, %reduce_min3A_765 : vector<16xi32>
    %reduce_min3A_767 = tpu.scan <min>, %reduce_min3A_766 masked %reduce_min3A_763 : vector<16xi32>, vector<16xi1> -> vector<16xi32>
    %reduce_min3A_768 = arith.xori %reduce_min3A_767, %reduce_min3A_765 : vector<16xi32>
    %reduce_min3A_769 = vector.extract %reduce_min3A_768[15] : i32 from vector<16xi32>
    %broadcast_in_dim3A_770 = vector.broadcast %reduce_min3A_769 : i32 to vector<16xi32>
    %eq3A_771 = arith.constant 0 : i32
    %eq3A_772 = vector.broadcast %eq3A_771 : i32 to vector<16xi32>
    %eq3A_773 = arith.cmpi eq, %iota3A, %eq3A_772 : vector<16xi32>
    %select_n3A_774 = arith.select %eq3A_773, %broadcast_in_dim3A_724, %broadcast_in_dim3A_710 : vector<16xi1>, vector<16xf32>
    %select_n3A_775 = arith.select %eq3A_773, %broadcast_in_dim3A_770, %broadcast_in_dim3A_712 : vector<16xi1>, vector<16xi32>
    %eq3A_776 = arith.cmpi eq, %get3A_694, %broadcast_in_dim3A_770 : vector<16xi32>
    %and3A_777 = arith.andi %eq3A_725, %eq3A_776 : vector<16xi1>
    %jit3A_778 = arith.constant 0xFF800000 : f32
    %broadcast_in_dim3A_779 = vector.broadcast %jit3A_778 : f32 to vector<16xf32>
    %select_n3A_780 = arith.select %and3A_777, %broadcast_in_dim3A_779, %get3A_678 : vector<16xi1>, vector<16xf32>
    %eq3A_781 = arith.cmpi eq, %get3A_696, %broadcast_in_dim3A_770 : vector<16xi32>
    %and3A_782 = arith.andi %eq3A_726, %eq3A_781 : vector<16xi1>
    %jit3A_783 = arith.constant 0xFF800000 : f32
    %broadcast_in_dim3A_784 = vector.broadcast %jit3A_783 : f32 to vector<16xf32>
    %select_n3A_785 = arith.select %and3A_782, %broadcast_in_dim3A_784, %get3A_680 : vector<16xi1>, vector<16xf32>
    %eq3A_786 = arith.cmpi eq, %get3A_698, %broadcast_in_dim3A_770 : vector<16xi32>
    %and3A_787 = arith.andi %eq3A_727, %eq3A_786 : vector<16xi1>
    %jit3A_788 = arith.constant 0xFF800000 : f32
    %broadcast_in_dim3A_789 = vector.broadcast %jit3A_788 : f32 to vector<16xf32>
    %select_n3A_790 = arith.select %and3A_787, %broadcast_in_dim3A_789, %get3A_682 : vector<16xi1>, vector<16xf32>
    %eq3A_791 = arith.cmpi eq, %get3A_700, %broadcast_in_dim3A_770 : vector<16xi32>
    %and3A_792 = arith.andi %eq3A_728, %eq3A_791 : vector<16xi1>
    %jit3A_793 = arith.constant 0xFF800000 : f32
    %broadcast_in_dim3A_794 = vector.broadcast %jit3A_793 : f32 to vector<16xf32>
    %select_n3A_795 = arith.select %and3A_792, %broadcast_in_dim3A_794, %get3A_684 : vector<16xi1>, vector<16xf32>
    %eq3A_796 = arith.cmpi eq, %get3A_702, %broadcast_in_dim3A_770 : vector<16xi32>
    %and3A_797 = arith.andi %eq3A_729, %eq3A_796 : vector<16xi1>
    %jit3A_798 = arith.constant 0xFF800000 : f32
    %broadcast_in_dim3A_799 = vector.broadcast %jit3A_798 : f32 to vector<16xf32>
    %select_n3A_800 = arith.select %and3A_797, %broadcast_in_dim3A_799, %get3A_686 : vector<16xi1>, vector<16xf32>
    %eq3A_801 = arith.cmpi eq, %get3A_704, %broadcast_in_dim3A_770 : vector<16xi32>
    %and3A_802 = arith.andi %eq3A_730, %eq3A_801 : vector<16xi1>
    %jit3A_803 = arith.constant 0xFF800000 : f32
    %broadcast_in_dim3A_804 = vector.broadcast %jit3A_803 : f32 to vector<16xf32>
    %select_n3A_805 = arith.select %and3A_802, %broadcast_in_dim3A_804, %get3A_688 : vector<16xi1>, vector<16xf32>
    %eq3A_806 = arith.cmpi eq, %get3A_706, %broadcast_in_dim3A_770 : vector<16xi32>
    %and3A_807 = arith.andi %eq3A_731, %eq3A_806 : vector<16xi1>
    %jit3A_808 = arith.constant 0xFF800000 : f32
    %broadcast_in_dim3A_809 = vector.broadcast %jit3A_808 : f32 to vector<16xf32>
    %select_n3A_810 = arith.select %and3A_807, %broadcast_in_dim3A_809, %get3A_690 : vector<16xi1>, vector<16xf32>
    %eq3A_811 = arith.cmpi eq, %get3A_708, %broadcast_in_dim3A_770 : vector<16xi32>
    %and3A_812 = arith.andi %eq3A_732, %eq3A_811 : vector<16xi1>
    %jit3A_813 = arith.constant 0xFF800000 : f32
    %broadcast_in_dim3A_814 = vector.broadcast %jit3A_813 : f32 to vector<16xf32>
    %select_n3A_815 = arith.select %and3A_812, %broadcast_in_dim3A_814, %get3A_692 : vector<16xi1>, vector<16xf32>
    %max3A_816 = arith.maximumf %select_n3A_780, %select_n3A_785 : vector<16xf32>
    %max3A_817 = arith.maximumf %select_n3A_790, %select_n3A_795 : vector<16xf32>
    %max3A_818 = arith.maximumf %max3A_816, %max3A_817 : vector<16xf32>
    %max3A_819 = arith.maximumf %select_n3A_800, %select_n3A_805 : vector<16xf32>
    %max3A_820 = arith.maximumf %select_n3A_810, %select_n3A_815 : vector<16xf32>
    %max3A_821 = arith.maximumf %max3A_819, %max3A_820 : vector<16xf32>
    %max3A_822 = arith.maximumf %max3A_818, %max3A_821 : vector<16xf32>
    %reduce_max3A_823 = arith.constant true
    %reduce_max3A_824 = vector.broadcast %reduce_max3A_823 : i1 to vector<16xi1>
    %reduce_max3A_825 = tpu.scan <max>, %max3A_822 masked %reduce_max3A_824 : vector<16xf32>, vector<16xi1> -> vector<16xf32>
    %reduce_max3A_826 = vector.extract %reduce_max3A_825[15] : f32 from vector<16xf32>
    %broadcast_in_dim3A_827 = vector.broadcast %reduce_max3A_826 : f32 to vector<16xf32>
    %eq3A_828 = arith.cmpf oeq, %select_n3A_780, %broadcast_in_dim3A_827 : vector<16xf32>
    %eq3A_829 = arith.cmpf oeq, %select_n3A_785, %broadcast_in_dim3A_827 : vector<16xf32>
    %eq3A_830 = arith.cmpf oeq, %select_n3A_790, %broadcast_in_dim3A_827 : vector<16xf32>
    %eq3A_831 = arith.cmpf oeq, %select_n3A_795, %broadcast_in_dim3A_827 : vector<16xf32>
    %eq3A_832 = arith.cmpf oeq, %select_n3A_800, %broadcast_in_dim3A_827 : vector<16xf32>
    %eq3A_833 = arith.cmpf oeq, %select_n3A_805, %broadcast_in_dim3A_827 : vector<16xf32>
    %eq3A_834 = arith.cmpf oeq, %select_n3A_810, %broadcast_in_dim3A_827 : vector<16xf32>
    %eq3A_835 = arith.cmpf oeq, %select_n3A_815, %broadcast_in_dim3A_827 : vector<16xf32>
    %jit3A_836 = arith.constant 1073741824 : i32
    %broadcast_in_dim3A_837 = vector.broadcast %jit3A_836 : i32 to vector<16xi32>
    %select_n3A_838 = arith.select %eq3A_828, %get3A_694, %broadcast_in_dim3A_837 : vector<16xi1>, vector<16xi32>
    %jit3A_839 = arith.constant 1073741824 : i32
    %broadcast_in_dim3A_840 = vector.broadcast %jit3A_839 : i32 to vector<16xi32>
    %select_n3A_841 = arith.select %eq3A_829, %get3A_696, %broadcast_in_dim3A_840 : vector<16xi1>, vector<16xi32>
    %jit3A_842 = arith.constant 1073741824 : i32
    %broadcast_in_dim3A_843 = vector.broadcast %jit3A_842 : i32 to vector<16xi32>
    %select_n3A_844 = arith.select %eq3A_830, %get3A_698, %broadcast_in_dim3A_843 : vector<16xi1>, vector<16xi32>
    %jit3A_845 = arith.constant 1073741824 : i32
    %broadcast_in_dim3A_846 = vector.broadcast %jit3A_845 : i32 to vector<16xi32>
    %select_n3A_847 = arith.select %eq3A_831, %get3A_700, %broadcast_in_dim3A_846 : vector<16xi1>, vector<16xi32>
    %jit3A_848 = arith.constant 1073741824 : i32
    %broadcast_in_dim3A_849 = vector.broadcast %jit3A_848 : i32 to vector<16xi32>
    %select_n3A_850 = arith.select %eq3A_832, %get3A_702, %broadcast_in_dim3A_849 : vector<16xi1>, vector<16xi32>
    %jit3A_851 = arith.constant 1073741824 : i32
    %broadcast_in_dim3A_852 = vector.broadcast %jit3A_851 : i32 to vector<16xi32>
    %select_n3A_853 = arith.select %eq3A_833, %get3A_704, %broadcast_in_dim3A_852 : vector<16xi1>, vector<16xi32>
    %jit3A_854 = arith.constant 1073741824 : i32
    %broadcast_in_dim3A_855 = vector.broadcast %jit3A_854 : i32 to vector<16xi32>
    %select_n3A_856 = arith.select %eq3A_834, %get3A_706, %broadcast_in_dim3A_855 : vector<16xi1>, vector<16xi32>
    %jit3A_857 = arith.constant 1073741824 : i32
    %broadcast_in_dim3A_858 = vector.broadcast %jit3A_857 : i32 to vector<16xi32>
    %select_n3A_859 = arith.select %eq3A_835, %get3A_708, %broadcast_in_dim3A_858 : vector<16xi1>, vector<16xi32>
    %min3A_860 = arith.minsi %select_n3A_838, %select_n3A_841 : vector<16xi32>
    %min3A_861 = arith.minsi %select_n3A_844, %select_n3A_847 : vector<16xi32>
    %min3A_862 = arith.minsi %min3A_860, %min3A_861 : vector<16xi32>
    %min3A_863 = arith.minsi %select_n3A_850, %select_n3A_853 : vector<16xi32>
    %min3A_864 = arith.minsi %select_n3A_856, %select_n3A_859 : vector<16xi32>
    %min3A_865 = arith.minsi %min3A_863, %min3A_864 : vector<16xi32>
    %min3A_866 = arith.minsi %min3A_862, %min3A_865 : vector<16xi32>
    %reduce_min3A_867 = arith.constant true
    %reduce_min3A_868 = vector.broadcast %reduce_min3A_867 : i1 to vector<16xi1>
    %reduce_min3A_869 = arith.constant -2147483648 : i32
    %reduce_min3A_870 = vector.broadcast %reduce_min3A_869 : i32 to vector<16xi32>
    %reduce_min3A_871 = arith.xori %min3A_866, %reduce_min3A_870 : vector<16xi32>
    %reduce_min3A_872 = tpu.scan <min>, %reduce_min3A_871 masked %reduce_min3A_868 : vector<16xi32>, vector<16xi1> -> vector<16xi32>
    %reduce_min3A_873 = arith.xori %reduce_min3A_872, %reduce_min3A_870 : vector<16xi32>
    %reduce_min3A_874 = vector.extract %reduce_min3A_873[15] : i32 from vector<16xi32>
    %broadcast_in_dim3A_875 = vector.broadcast %reduce_min3A_874 : i32 to vector<16xi32>
    %eq3A_876 = arith.constant 1 : i32
    %eq3A_877 = vector.broadcast %eq3A_876 : i32 to vector<16xi32>
    %eq3A_878 = arith.cmpi eq, %iota3A, %eq3A_877 : vector<16xi32>
    %select_n3A_879 = arith.select %eq3A_878, %broadcast_in_dim3A_827, %select_n3A_774 : vector<16xi1>, vector<16xf32>
    %select_n3A_880 = arith.select %eq3A_878, %broadcast_in_dim3A_875, %select_n3A_775 : vector<16xi1>, vector<16xi32>
    %eq3A_881 = arith.cmpi eq, %get3A_694, %broadcast_in_dim3A_875 : vector<16xi32>
    %and3A_882 = arith.andi %eq3A_828, %eq3A_881 : vector<16xi1>
    %jit3A_883 = arith.constant 0xFF800000 : f32
    %broadcast_in_dim3A_884 = vector.broadcast %jit3A_883 : f32 to vector<16xf32>
    %select_n3A_885 = arith.select %and3A_882, %broadcast_in_dim3A_884, %select_n3A_780 : vector<16xi1>, vector<16xf32>
    %eq3A_886 = arith.cmpi eq, %get3A_696, %broadcast_in_dim3A_875 : vector<16xi32>
    %and3A_887 = arith.andi %eq3A_829, %eq3A_886 : vector<16xi1>
    %jit3A_888 = arith.constant 0xFF800000 : f32
    %broadcast_in_dim3A_889 = vector.broadcast %jit3A_888 : f32 to vector<16xf32>
    %select_n3A_890 = arith.select %and3A_887, %broadcast_in_dim3A_889, %select_n3A_785 : vector<16xi1>, vector<16xf32>
    %eq3A_891 = arith.cmpi eq, %get3A_698, %broadcast_in_dim3A_875 : vector<16xi32>
    %and3A_892 = arith.andi %eq3A_830, %eq3A_891 : vector<16xi1>
    %jit3A_893 = arith.constant 0xFF800000 : f32
    %broadcast_in_dim3A_894 = vector.broadcast %jit3A_893 : f32 to vector<16xf32>
    %select_n3A_895 = arith.select %and3A_892, %broadcast_in_dim3A_894, %select_n3A_790 : vector<16xi1>, vector<16xf32>
    %eq3A_896 = arith.cmpi eq, %get3A_700, %broadcast_in_dim3A_875 : vector<16xi32>
    %and3A_897 = arith.andi %eq3A_831, %eq3A_896 : vector<16xi1>
    %jit3A_898 = arith.constant 0xFF800000 : f32
    %broadcast_in_dim3A_899 = vector.broadcast %jit3A_898 : f32 to vector<16xf32>
    %select_n3A_900 = arith.select %and3A_897, %broadcast_in_dim3A_899, %select_n3A_795 : vector<16xi1>, vector<16xf32>
    %eq3A_901 = arith.cmpi eq, %get3A_702, %broadcast_in_dim3A_875 : vector<16xi32>
    %and3A_902 = arith.andi %eq3A_832, %eq3A_901 : vector<16xi1>
    %jit3A_903 = arith.constant 0xFF800000 : f32
    %broadcast_in_dim3A_904 = vector.broadcast %jit3A_903 : f32 to vector<16xf32>
    %select_n3A_905 = arith.select %and3A_902, %broadcast_in_dim3A_904, %select_n3A_800 : vector<16xi1>, vector<16xf32>
    %eq3A_906 = arith.cmpi eq, %get3A_704, %broadcast_in_dim3A_875 : vector<16xi32>
    %and3A_907 = arith.andi %eq3A_833, %eq3A_906 : vector<16xi1>
    %jit3A_908 = arith.constant 0xFF800000 : f32
    %broadcast_in_dim3A_909 = vector.broadcast %jit3A_908 : f32 to vector<16xf32>
    %select_n3A_910 = arith.select %and3A_907, %broadcast_in_dim3A_909, %select_n3A_805 : vector<16xi1>, vector<16xf32>
    %eq3A_911 = arith.cmpi eq, %get3A_706, %broadcast_in_dim3A_875 : vector<16xi32>
    %and3A_912 = arith.andi %eq3A_834, %eq3A_911 : vector<16xi1>
    %jit3A_913 = arith.constant 0xFF800000 : f32
    %broadcast_in_dim3A_914 = vector.broadcast %jit3A_913 : f32 to vector<16xf32>
    %select_n3A_915 = arith.select %and3A_912, %broadcast_in_dim3A_914, %select_n3A_810 : vector<16xi1>, vector<16xf32>
    %eq3A_916 = arith.cmpi eq, %get3A_708, %broadcast_in_dim3A_875 : vector<16xi32>
    %and3A_917 = arith.andi %eq3A_835, %eq3A_916 : vector<16xi1>
    %jit3A_918 = arith.constant 0xFF800000 : f32
    %broadcast_in_dim3A_919 = vector.broadcast %jit3A_918 : f32 to vector<16xf32>
    %select_n3A_920 = arith.select %and3A_917, %broadcast_in_dim3A_919, %select_n3A_815 : vector<16xi1>, vector<16xf32>
    %max3A_921 = arith.maximumf %select_n3A_885, %select_n3A_890 : vector<16xf32>
    %max3A_922 = arith.maximumf %select_n3A_895, %select_n3A_900 : vector<16xf32>
    %max3A_923 = arith.maximumf %max3A_921, %max3A_922 : vector<16xf32>
    %max3A_924 = arith.maximumf %select_n3A_905, %select_n3A_910 : vector<16xf32>
    %max3A_925 = arith.maximumf %select_n3A_915, %select_n3A_920 : vector<16xf32>
    %max3A_926 = arith.maximumf %max3A_924, %max3A_925 : vector<16xf32>
    %max3A_927 = arith.maximumf %max3A_923, %max3A_926 : vector<16xf32>
    %reduce_max3A_928 = arith.constant true
    %reduce_max3A_929 = vector.broadcast %reduce_max3A_928 : i1 to vector<16xi1>
    %reduce_max3A_930 = tpu.scan <max>, %max3A_927 masked %reduce_max3A_929 : vector<16xf32>, vector<16xi1> -> vector<16xf32>
    %reduce_max3A_931 = vector.extract %reduce_max3A_930[15] : f32 from vector<16xf32>
    %broadcast_in_dim3A_932 = vector.broadcast %reduce_max3A_931 : f32 to vector<16xf32>
    %eq3A_933 = arith.cmpf oeq, %select_n3A_885, %broadcast_in_dim3A_932 : vector<16xf32>
    %eq3A_934 = arith.cmpf oeq, %select_n3A_890, %broadcast_in_dim3A_932 : vector<16xf32>
    %eq3A_935 = arith.cmpf oeq, %select_n3A_895, %broadcast_in_dim3A_932 : vector<16xf32>
    %eq3A_936 = arith.cmpf oeq, %select_n3A_900, %broadcast_in_dim3A_932 : vector<16xf32>
    %eq3A_937 = arith.cmpf oeq, %select_n3A_905, %broadcast_in_dim3A_932 : vector<16xf32>
    %eq3A_938 = arith.cmpf oeq, %select_n3A_910, %broadcast_in_dim3A_932 : vector<16xf32>
    %eq3A_939 = arith.cmpf oeq, %select_n3A_915, %broadcast_in_dim3A_932 : vector<16xf32>
    %eq3A_940 = arith.cmpf oeq, %select_n3A_920, %broadcast_in_dim3A_932 : vector<16xf32>
    %jit3A_941 = arith.constant 1073741824 : i32
    %broadcast_in_dim3A_942 = vector.broadcast %jit3A_941 : i32 to vector<16xi32>
    %select_n3A_943 = arith.select %eq3A_933, %get3A_694, %broadcast_in_dim3A_942 : vector<16xi1>, vector<16xi32>
    %jit3A_944 = arith.constant 1073741824 : i32
    %broadcast_in_dim3A_945 = vector.broadcast %jit3A_944 : i32 to vector<16xi32>
    %select_n3A_946 = arith.select %eq3A_934, %get3A_696, %broadcast_in_dim3A_945 : vector<16xi1>, vector<16xi32>
    %jit3A_947 = arith.constant 1073741824 : i32
    %broadcast_in_dim3A_948 = vector.broadcast %jit3A_947 : i32 to vector<16xi32>
    %select_n3A_949 = arith.select %eq3A_935, %get3A_698, %broadcast_in_dim3A_948 : vector<16xi1>, vector<16xi32>
    %jit3A_950 = arith.constant 1073741824 : i32
    %broadcast_in_dim3A_951 = vector.broadcast %jit3A_950 : i32 to vector<16xi32>
    %select_n3A_952 = arith.select %eq3A_936, %get3A_700, %broadcast_in_dim3A_951 : vector<16xi1>, vector<16xi32>
    %jit3A_953 = arith.constant 1073741824 : i32
    %broadcast_in_dim3A_954 = vector.broadcast %jit3A_953 : i32 to vector<16xi32>
    %select_n3A_955 = arith.select %eq3A_937, %get3A_702, %broadcast_in_dim3A_954 : vector<16xi1>, vector<16xi32>
    %jit3A_956 = arith.constant 1073741824 : i32
    %broadcast_in_dim3A_957 = vector.broadcast %jit3A_956 : i32 to vector<16xi32>
    %select_n3A_958 = arith.select %eq3A_938, %get3A_704, %broadcast_in_dim3A_957 : vector<16xi1>, vector<16xi32>
    %jit3A_959 = arith.constant 1073741824 : i32
    %broadcast_in_dim3A_960 = vector.broadcast %jit3A_959 : i32 to vector<16xi32>
    %select_n3A_961 = arith.select %eq3A_939, %get3A_706, %broadcast_in_dim3A_960 : vector<16xi1>, vector<16xi32>
    %jit3A_962 = arith.constant 1073741824 : i32
    %broadcast_in_dim3A_963 = vector.broadcast %jit3A_962 : i32 to vector<16xi32>
    %select_n3A_964 = arith.select %eq3A_940, %get3A_708, %broadcast_in_dim3A_963 : vector<16xi1>, vector<16xi32>
    %min3A_965 = arith.minsi %select_n3A_943, %select_n3A_946 : vector<16xi32>
    %min3A_966 = arith.minsi %select_n3A_949, %select_n3A_952 : vector<16xi32>
    %min3A_967 = arith.minsi %min3A_965, %min3A_966 : vector<16xi32>
    %min3A_968 = arith.minsi %select_n3A_955, %select_n3A_958 : vector<16xi32>
    %min3A_969 = arith.minsi %select_n3A_961, %select_n3A_964 : vector<16xi32>
    %min3A_970 = arith.minsi %min3A_968, %min3A_969 : vector<16xi32>
    %min3A_971 = arith.minsi %min3A_967, %min3A_970 : vector<16xi32>
    %reduce_min3A_972 = arith.constant true
    %reduce_min3A_973 = vector.broadcast %reduce_min3A_972 : i1 to vector<16xi1>
    %reduce_min3A_974 = arith.constant -2147483648 : i32
    %reduce_min3A_975 = vector.broadcast %reduce_min3A_974 : i32 to vector<16xi32>
    %reduce_min3A_976 = arith.xori %min3A_971, %reduce_min3A_975 : vector<16xi32>
    %reduce_min3A_977 = tpu.scan <min>, %reduce_min3A_976 masked %reduce_min3A_973 : vector<16xi32>, vector<16xi1> -> vector<16xi32>
    %reduce_min3A_978 = arith.xori %reduce_min3A_977, %reduce_min3A_975 : vector<16xi32>
    %reduce_min3A_979 = vector.extract %reduce_min3A_978[15] : i32 from vector<16xi32>
    %broadcast_in_dim3A_980 = vector.broadcast %reduce_min3A_979 : i32 to vector<16xi32>
    %eq3A_981 = arith.constant 2 : i32
    %eq3A_982 = vector.broadcast %eq3A_981 : i32 to vector<16xi32>
    %eq3A_983 = arith.cmpi eq, %iota3A, %eq3A_982 : vector<16xi32>
    %select_n3A_984 = arith.select %eq3A_983, %broadcast_in_dim3A_932, %select_n3A_879 : vector<16xi1>, vector<16xf32>
    %select_n3A_985 = arith.select %eq3A_983, %broadcast_in_dim3A_980, %select_n3A_880 : vector<16xi1>, vector<16xi32>
    %eq3A_986 = arith.cmpi eq, %get3A_694, %broadcast_in_dim3A_980 : vector<16xi32>
    %and3A_987 = arith.andi %eq3A_933, %eq3A_986 : vector<16xi1>
    %jit3A_988 = arith.constant 0xFF800000 : f32
    %broadcast_in_dim3A_989 = vector.broadcast %jit3A_988 : f32 to vector<16xf32>
    %select_n3A_990 = arith.select %and3A_987, %broadcast_in_dim3A_989, %select_n3A_885 : vector<16xi1>, vector<16xf32>
    %eq3A_991 = arith.cmpi eq, %get3A_696, %broadcast_in_dim3A_980 : vector<16xi32>
    %and3A_992 = arith.andi %eq3A_934, %eq3A_991 : vector<16xi1>
    %jit3A_993 = arith.constant 0xFF800000 : f32
    %broadcast_in_dim3A_994 = vector.broadcast %jit3A_993 : f32 to vector<16xf32>
    %select_n3A_995 = arith.select %and3A_992, %broadcast_in_dim3A_994, %select_n3A_890 : vector<16xi1>, vector<16xf32>
    %eq3A_996 = arith.cmpi eq, %get3A_698, %broadcast_in_dim3A_980 : vector<16xi32>
    %and3A_997 = arith.andi %eq3A_935, %eq3A_996 : vector<16xi1>
    %jit3A_998 = arith.constant 0xFF800000 : f32
    %broadcast_in_dim3A_999 = vector.broadcast %jit3A_998 : f32 to vector<16xf32>
    %select_n3A_1000 = arith.select %and3A_997, %broadcast_in_dim3A_999, %select_n3A_895 : vector<16xi1>, vector<16xf32>
    %eq3A_1001 = arith.cmpi eq, %get3A_700, %broadcast_in_dim3A_980 : vector<16xi32>
    %and3A_1002 = arith.andi %eq3A_936, %eq3A_1001 : vector<16xi1>
    %jit3A_1003 = arith.constant 0xFF800000 : f32
    %broadcast_in_dim3A_1004 = vector.broadcast %jit3A_1003 : f32 to vector<16xf32>
    %select_n3A_1005 = arith.select %and3A_1002, %broadcast_in_dim3A_1004, %select_n3A_900 : vector<16xi1>, vector<16xf32>
    %eq3A_1006 = arith.cmpi eq, %get3A_702, %broadcast_in_dim3A_980 : vector<16xi32>
    %and3A_1007 = arith.andi %eq3A_937, %eq3A_1006 : vector<16xi1>
    %jit3A_1008 = arith.constant 0xFF800000 : f32
    %broadcast_in_dim3A_1009 = vector.broadcast %jit3A_1008 : f32 to vector<16xf32>
    %select_n3A_1010 = arith.select %and3A_1007, %broadcast_in_dim3A_1009, %select_n3A_905 : vector<16xi1>, vector<16xf32>
    %eq3A_1011 = arith.cmpi eq, %get3A_704, %broadcast_in_dim3A_980 : vector<16xi32>
    %and3A_1012 = arith.andi %eq3A_938, %eq3A_1011 : vector<16xi1>
    %jit3A_1013 = arith.constant 0xFF800000 : f32
    %broadcast_in_dim3A_1014 = vector.broadcast %jit3A_1013 : f32 to vector<16xf32>
    %select_n3A_1015 = arith.select %and3A_1012, %broadcast_in_dim3A_1014, %select_n3A_910 : vector<16xi1>, vector<16xf32>
    %eq3A_1016 = arith.cmpi eq, %get3A_706, %broadcast_in_dim3A_980 : vector<16xi32>
    %and3A_1017 = arith.andi %eq3A_939, %eq3A_1016 : vector<16xi1>
    %jit3A_1018 = arith.constant 0xFF800000 : f32
    %broadcast_in_dim3A_1019 = vector.broadcast %jit3A_1018 : f32 to vector<16xf32>
    %select_n3A_1020 = arith.select %and3A_1017, %broadcast_in_dim3A_1019, %select_n3A_915 : vector<16xi1>, vector<16xf32>
    %eq3A_1021 = arith.cmpi eq, %get3A_708, %broadcast_in_dim3A_980 : vector<16xi32>
    %and3A_1022 = arith.andi %eq3A_940, %eq3A_1021 : vector<16xi1>
    %jit3A_1023 = arith.constant 0xFF800000 : f32
    %broadcast_in_dim3A_1024 = vector.broadcast %jit3A_1023 : f32 to vector<16xf32>
    %select_n3A_1025 = arith.select %and3A_1022, %broadcast_in_dim3A_1024, %select_n3A_920 : vector<16xi1>, vector<16xf32>
    %max3A_1026 = arith.maximumf %select_n3A_990, %select_n3A_995 : vector<16xf32>
    %max3A_1027 = arith.maximumf %select_n3A_1000, %select_n3A_1005 : vector<16xf32>
    %max3A_1028 = arith.maximumf %max3A_1026, %max3A_1027 : vector<16xf32>
    %max3A_1029 = arith.maximumf %select_n3A_1010, %select_n3A_1015 : vector<16xf32>
    %max3A_1030 = arith.maximumf %select_n3A_1020, %select_n3A_1025 : vector<16xf32>
    %max3A_1031 = arith.maximumf %max3A_1029, %max3A_1030 : vector<16xf32>
    %max3A_1032 = arith.maximumf %max3A_1028, %max3A_1031 : vector<16xf32>
    %reduce_max3A_1033 = arith.constant true
    %reduce_max3A_1034 = vector.broadcast %reduce_max3A_1033 : i1 to vector<16xi1>
    %reduce_max3A_1035 = tpu.scan <max>, %max3A_1032 masked %reduce_max3A_1034 : vector<16xf32>, vector<16xi1> -> vector<16xf32>
    %reduce_max3A_1036 = vector.extract %reduce_max3A_1035[15] : f32 from vector<16xf32>
    %broadcast_in_dim3A_1037 = vector.broadcast %reduce_max3A_1036 : f32 to vector<16xf32>
    %eq3A_1038 = arith.cmpf oeq, %select_n3A_990, %broadcast_in_dim3A_1037 : vector<16xf32>
    %eq3A_1039 = arith.cmpf oeq, %select_n3A_995, %broadcast_in_dim3A_1037 : vector<16xf32>
    %eq3A_1040 = arith.cmpf oeq, %select_n3A_1000, %broadcast_in_dim3A_1037 : vector<16xf32>
    %eq3A_1041 = arith.cmpf oeq, %select_n3A_1005, %broadcast_in_dim3A_1037 : vector<16xf32>
    %eq3A_1042 = arith.cmpf oeq, %select_n3A_1010, %broadcast_in_dim3A_1037 : vector<16xf32>
    %eq3A_1043 = arith.cmpf oeq, %select_n3A_1015, %broadcast_in_dim3A_1037 : vector<16xf32>
    %eq3A_1044 = arith.cmpf oeq, %select_n3A_1020, %broadcast_in_dim3A_1037 : vector<16xf32>
    %eq3A_1045 = arith.cmpf oeq, %select_n3A_1025, %broadcast_in_dim3A_1037 : vector<16xf32>
    %jit3A_1046 = arith.constant 1073741824 : i32
    %broadcast_in_dim3A_1047 = vector.broadcast %jit3A_1046 : i32 to vector<16xi32>
    %select_n3A_1048 = arith.select %eq3A_1038, %get3A_694, %broadcast_in_dim3A_1047 : vector<16xi1>, vector<16xi32>
    %jit3A_1049 = arith.constant 1073741824 : i32
    %broadcast_in_dim3A_1050 = vector.broadcast %jit3A_1049 : i32 to vector<16xi32>
    %select_n3A_1051 = arith.select %eq3A_1039, %get3A_696, %broadcast_in_dim3A_1050 : vector<16xi1>, vector<16xi32>
    %jit3A_1052 = arith.constant 1073741824 : i32
    %broadcast_in_dim3A_1053 = vector.broadcast %jit3A_1052 : i32 to vector<16xi32>
    %select_n3A_1054 = arith.select %eq3A_1040, %get3A_698, %broadcast_in_dim3A_1053 : vector<16xi1>, vector<16xi32>
    %jit3A_1055 = arith.constant 1073741824 : i32
    %broadcast_in_dim3A_1056 = vector.broadcast %jit3A_1055 : i32 to vector<16xi32>
    %select_n3A_1057 = arith.select %eq3A_1041, %get3A_700, %broadcast_in_dim3A_1056 : vector<16xi1>, vector<16xi32>
    %jit3A_1058 = arith.constant 1073741824 : i32
    %broadcast_in_dim3A_1059 = vector.broadcast %jit3A_1058 : i32 to vector<16xi32>
    %select_n3A_1060 = arith.select %eq3A_1042, %get3A_702, %broadcast_in_dim3A_1059 : vector<16xi1>, vector<16xi32>
    %jit3A_1061 = arith.constant 1073741824 : i32
    %broadcast_in_dim3A_1062 = vector.broadcast %jit3A_1061 : i32 to vector<16xi32>
    %select_n3A_1063 = arith.select %eq3A_1043, %get3A_704, %broadcast_in_dim3A_1062 : vector<16xi1>, vector<16xi32>
    %jit3A_1064 = arith.constant 1073741824 : i32
    %broadcast_in_dim3A_1065 = vector.broadcast %jit3A_1064 : i32 to vector<16xi32>
    %select_n3A_1066 = arith.select %eq3A_1044, %get3A_706, %broadcast_in_dim3A_1065 : vector<16xi1>, vector<16xi32>
    %jit3A_1067 = arith.constant 1073741824 : i32
    %broadcast_in_dim3A_1068 = vector.broadcast %jit3A_1067 : i32 to vector<16xi32>
    %select_n3A_1069 = arith.select %eq3A_1045, %get3A_708, %broadcast_in_dim3A_1068 : vector<16xi1>, vector<16xi32>
    %min3A_1070 = arith.minsi %select_n3A_1048, %select_n3A_1051 : vector<16xi32>
    %min3A_1071 = arith.minsi %select_n3A_1054, %select_n3A_1057 : vector<16xi32>
    %min3A_1072 = arith.minsi %min3A_1070, %min3A_1071 : vector<16xi32>
    %min3A_1073 = arith.minsi %select_n3A_1060, %select_n3A_1063 : vector<16xi32>
    %min3A_1074 = arith.minsi %select_n3A_1066, %select_n3A_1069 : vector<16xi32>
    %min3A_1075 = arith.minsi %min3A_1073, %min3A_1074 : vector<16xi32>
    %min3A_1076 = arith.minsi %min3A_1072, %min3A_1075 : vector<16xi32>
    %reduce_min3A_1077 = arith.constant true
    %reduce_min3A_1078 = vector.broadcast %reduce_min3A_1077 : i1 to vector<16xi1>
    %reduce_min3A_1079 = arith.constant -2147483648 : i32
    %reduce_min3A_1080 = vector.broadcast %reduce_min3A_1079 : i32 to vector<16xi32>
    %reduce_min3A_1081 = arith.xori %min3A_1076, %reduce_min3A_1080 : vector<16xi32>
    %reduce_min3A_1082 = tpu.scan <min>, %reduce_min3A_1081 masked %reduce_min3A_1078 : vector<16xi32>, vector<16xi1> -> vector<16xi32>
    %reduce_min3A_1083 = arith.xori %reduce_min3A_1082, %reduce_min3A_1080 : vector<16xi32>
    %reduce_min3A_1084 = vector.extract %reduce_min3A_1083[15] : i32 from vector<16xi32>
    %broadcast_in_dim3A_1085 = vector.broadcast %reduce_min3A_1084 : i32 to vector<16xi32>
    %eq3A_1086 = arith.constant 3 : i32
    %eq3A_1087 = vector.broadcast %eq3A_1086 : i32 to vector<16xi32>
    %eq3A_1088 = arith.cmpi eq, %iota3A, %eq3A_1087 : vector<16xi32>
    %select_n3A_1089 = arith.select %eq3A_1088, %broadcast_in_dim3A_1037, %select_n3A_984 : vector<16xi1>, vector<16xf32>
    %select_n3A_1090 = arith.select %eq3A_1088, %broadcast_in_dim3A_1085, %select_n3A_985 : vector<16xi1>, vector<16xi32>
    %eq3A_1091 = arith.cmpi eq, %get3A_694, %broadcast_in_dim3A_1085 : vector<16xi32>
    %and3A_1092 = arith.andi %eq3A_1038, %eq3A_1091 : vector<16xi1>
    %jit3A_1093 = arith.constant 0xFF800000 : f32
    %broadcast_in_dim3A_1094 = vector.broadcast %jit3A_1093 : f32 to vector<16xf32>
    %select_n3A_1095 = arith.select %and3A_1092, %broadcast_in_dim3A_1094, %select_n3A_990 : vector<16xi1>, vector<16xf32>
    %eq3A_1096 = arith.cmpi eq, %get3A_696, %broadcast_in_dim3A_1085 : vector<16xi32>
    %and3A_1097 = arith.andi %eq3A_1039, %eq3A_1096 : vector<16xi1>
    %jit3A_1098 = arith.constant 0xFF800000 : f32
    %broadcast_in_dim3A_1099 = vector.broadcast %jit3A_1098 : f32 to vector<16xf32>
    %select_n3A_1100 = arith.select %and3A_1097, %broadcast_in_dim3A_1099, %select_n3A_995 : vector<16xi1>, vector<16xf32>
    %eq3A_1101 = arith.cmpi eq, %get3A_698, %broadcast_in_dim3A_1085 : vector<16xi32>
    %and3A_1102 = arith.andi %eq3A_1040, %eq3A_1101 : vector<16xi1>
    %jit3A_1103 = arith.constant 0xFF800000 : f32
    %broadcast_in_dim3A_1104 = vector.broadcast %jit3A_1103 : f32 to vector<16xf32>
    %select_n3A_1105 = arith.select %and3A_1102, %broadcast_in_dim3A_1104, %select_n3A_1000 : vector<16xi1>, vector<16xf32>
    %eq3A_1106 = arith.cmpi eq, %get3A_700, %broadcast_in_dim3A_1085 : vector<16xi32>
    %and3A_1107 = arith.andi %eq3A_1041, %eq3A_1106 : vector<16xi1>
    %jit3A_1108 = arith.constant 0xFF800000 : f32
    %broadcast_in_dim3A_1109 = vector.broadcast %jit3A_1108 : f32 to vector<16xf32>
    %select_n3A_1110 = arith.select %and3A_1107, %broadcast_in_dim3A_1109, %select_n3A_1005 : vector<16xi1>, vector<16xf32>
    %eq3A_1111 = arith.cmpi eq, %get3A_702, %broadcast_in_dim3A_1085 : vector<16xi32>
    %and3A_1112 = arith.andi %eq3A_1042, %eq3A_1111 : vector<16xi1>
    %jit3A_1113 = arith.constant 0xFF800000 : f32
    %broadcast_in_dim3A_1114 = vector.broadcast %jit3A_1113 : f32 to vector<16xf32>
    %select_n3A_1115 = arith.select %and3A_1112, %broadcast_in_dim3A_1114, %select_n3A_1010 : vector<16xi1>, vector<16xf32>
    %eq3A_1116 = arith.cmpi eq, %get3A_704, %broadcast_in_dim3A_1085 : vector<16xi32>
    %and3A_1117 = arith.andi %eq3A_1043, %eq3A_1116 : vector<16xi1>
    %jit3A_1118 = arith.constant 0xFF800000 : f32
    %broadcast_in_dim3A_1119 = vector.broadcast %jit3A_1118 : f32 to vector<16xf32>
    %select_n3A_1120 = arith.select %and3A_1117, %broadcast_in_dim3A_1119, %select_n3A_1015 : vector<16xi1>, vector<16xf32>
    %eq3A_1121 = arith.cmpi eq, %get3A_706, %broadcast_in_dim3A_1085 : vector<16xi32>
    %and3A_1122 = arith.andi %eq3A_1044, %eq3A_1121 : vector<16xi1>
    %jit3A_1123 = arith.constant 0xFF800000 : f32
    %broadcast_in_dim3A_1124 = vector.broadcast %jit3A_1123 : f32 to vector<16xf32>
    %select_n3A_1125 = arith.select %and3A_1122, %broadcast_in_dim3A_1124, %select_n3A_1020 : vector<16xi1>, vector<16xf32>
    %eq3A_1126 = arith.cmpi eq, %get3A_708, %broadcast_in_dim3A_1085 : vector<16xi32>
    %and3A_1127 = arith.andi %eq3A_1045, %eq3A_1126 : vector<16xi1>
    %jit3A_1128 = arith.constant 0xFF800000 : f32
    %broadcast_in_dim3A_1129 = vector.broadcast %jit3A_1128 : f32 to vector<16xf32>
    %select_n3A_1130 = arith.select %and3A_1127, %broadcast_in_dim3A_1129, %select_n3A_1025 : vector<16xi1>, vector<16xf32>
    %max3A_1131 = arith.maximumf %select_n3A_1095, %select_n3A_1100 : vector<16xf32>
    %max3A_1132 = arith.maximumf %select_n3A_1105, %select_n3A_1110 : vector<16xf32>
    %max3A_1133 = arith.maximumf %max3A_1131, %max3A_1132 : vector<16xf32>
    %max3A_1134 = arith.maximumf %select_n3A_1115, %select_n3A_1120 : vector<16xf32>
    %max3A_1135 = arith.maximumf %select_n3A_1125, %select_n3A_1130 : vector<16xf32>
    %max3A_1136 = arith.maximumf %max3A_1134, %max3A_1135 : vector<16xf32>
    %max3A_1137 = arith.maximumf %max3A_1133, %max3A_1136 : vector<16xf32>
    %reduce_max3A_1138 = arith.constant true
    %reduce_max3A_1139 = vector.broadcast %reduce_max3A_1138 : i1 to vector<16xi1>
    %reduce_max3A_1140 = tpu.scan <max>, %max3A_1137 masked %reduce_max3A_1139 : vector<16xf32>, vector<16xi1> -> vector<16xf32>
    %reduce_max3A_1141 = vector.extract %reduce_max3A_1140[15] : f32 from vector<16xf32>
    %broadcast_in_dim3A_1142 = vector.broadcast %reduce_max3A_1141 : f32 to vector<16xf32>
    %eq3A_1143 = arith.cmpf oeq, %select_n3A_1095, %broadcast_in_dim3A_1142 : vector<16xf32>
    %eq3A_1144 = arith.cmpf oeq, %select_n3A_1100, %broadcast_in_dim3A_1142 : vector<16xf32>
    %eq3A_1145 = arith.cmpf oeq, %select_n3A_1105, %broadcast_in_dim3A_1142 : vector<16xf32>
    %eq3A_1146 = arith.cmpf oeq, %select_n3A_1110, %broadcast_in_dim3A_1142 : vector<16xf32>
    %eq3A_1147 = arith.cmpf oeq, %select_n3A_1115, %broadcast_in_dim3A_1142 : vector<16xf32>
    %eq3A_1148 = arith.cmpf oeq, %select_n3A_1120, %broadcast_in_dim3A_1142 : vector<16xf32>
    %eq3A_1149 = arith.cmpf oeq, %select_n3A_1125, %broadcast_in_dim3A_1142 : vector<16xf32>
    %eq3A_1150 = arith.cmpf oeq, %select_n3A_1130, %broadcast_in_dim3A_1142 : vector<16xf32>
    %jit3A_1151 = arith.constant 1073741824 : i32
    %broadcast_in_dim3A_1152 = vector.broadcast %jit3A_1151 : i32 to vector<16xi32>
    %select_n3A_1153 = arith.select %eq3A_1143, %get3A_694, %broadcast_in_dim3A_1152 : vector<16xi1>, vector<16xi32>
    %jit3A_1154 = arith.constant 1073741824 : i32
    %broadcast_in_dim3A_1155 = vector.broadcast %jit3A_1154 : i32 to vector<16xi32>
    %select_n3A_1156 = arith.select %eq3A_1144, %get3A_696, %broadcast_in_dim3A_1155 : vector<16xi1>, vector<16xi32>
    %jit3A_1157 = arith.constant 1073741824 : i32
    %broadcast_in_dim3A_1158 = vector.broadcast %jit3A_1157 : i32 to vector<16xi32>
    %select_n3A_1159 = arith.select %eq3A_1145, %get3A_698, %broadcast_in_dim3A_1158 : vector<16xi1>, vector<16xi32>
    %jit3A_1160 = arith.constant 1073741824 : i32
    %broadcast_in_dim3A_1161 = vector.broadcast %jit3A_1160 : i32 to vector<16xi32>
    %select_n3A_1162 = arith.select %eq3A_1146, %get3A_700, %broadcast_in_dim3A_1161 : vector<16xi1>, vector<16xi32>
    %jit3A_1163 = arith.constant 1073741824 : i32
    %broadcast_in_dim3A_1164 = vector.broadcast %jit3A_1163 : i32 to vector<16xi32>
    %select_n3A_1165 = arith.select %eq3A_1147, %get3A_702, %broadcast_in_dim3A_1164 : vector<16xi1>, vector<16xi32>
    %jit3A_1166 = arith.constant 1073741824 : i32
    %broadcast_in_dim3A_1167 = vector.broadcast %jit3A_1166 : i32 to vector<16xi32>
    %select_n3A_1168 = arith.select %eq3A_1148, %get3A_704, %broadcast_in_dim3A_1167 : vector<16xi1>, vector<16xi32>
    %jit3A_1169 = arith.constant 1073741824 : i32
    %broadcast_in_dim3A_1170 = vector.broadcast %jit3A_1169 : i32 to vector<16xi32>
    %select_n3A_1171 = arith.select %eq3A_1149, %get3A_706, %broadcast_in_dim3A_1170 : vector<16xi1>, vector<16xi32>
    %jit3A_1172 = arith.constant 1073741824 : i32
    %broadcast_in_dim3A_1173 = vector.broadcast %jit3A_1172 : i32 to vector<16xi32>
    %select_n3A_1174 = arith.select %eq3A_1150, %get3A_708, %broadcast_in_dim3A_1173 : vector<16xi1>, vector<16xi32>
    %min3A_1175 = arith.minsi %select_n3A_1153, %select_n3A_1156 : vector<16xi32>
    %min3A_1176 = arith.minsi %select_n3A_1159, %select_n3A_1162 : vector<16xi32>
    %min3A_1177 = arith.minsi %min3A_1175, %min3A_1176 : vector<16xi32>
    %min3A_1178 = arith.minsi %select_n3A_1165, %select_n3A_1168 : vector<16xi32>
    %min3A_1179 = arith.minsi %select_n3A_1171, %select_n3A_1174 : vector<16xi32>
    %min3A_1180 = arith.minsi %min3A_1178, %min3A_1179 : vector<16xi32>
    %min3A_1181 = arith.minsi %min3A_1177, %min3A_1180 : vector<16xi32>
    %reduce_min3A_1182 = arith.constant true
    %reduce_min3A_1183 = vector.broadcast %reduce_min3A_1182 : i1 to vector<16xi1>
    %reduce_min3A_1184 = arith.constant -2147483648 : i32
    %reduce_min3A_1185 = vector.broadcast %reduce_min3A_1184 : i32 to vector<16xi32>
    %reduce_min3A_1186 = arith.xori %min3A_1181, %reduce_min3A_1185 : vector<16xi32>
    %reduce_min3A_1187 = tpu.scan <min>, %reduce_min3A_1186 masked %reduce_min3A_1183 : vector<16xi32>, vector<16xi1> -> vector<16xi32>
    %reduce_min3A_1188 = arith.xori %reduce_min3A_1187, %reduce_min3A_1185 : vector<16xi32>
    %reduce_min3A_1189 = vector.extract %reduce_min3A_1188[15] : i32 from vector<16xi32>
    %broadcast_in_dim3A_1190 = vector.broadcast %reduce_min3A_1189 : i32 to vector<16xi32>
    %eq3A_1191 = arith.constant 4 : i32
    %eq3A_1192 = vector.broadcast %eq3A_1191 : i32 to vector<16xi32>
    %eq3A_1193 = arith.cmpi eq, %iota3A, %eq3A_1192 : vector<16xi32>
    %select_n3A_1194 = arith.select %eq3A_1193, %broadcast_in_dim3A_1142, %select_n3A_1089 : vector<16xi1>, vector<16xf32>
    %select_n3A_1195 = arith.select %eq3A_1193, %broadcast_in_dim3A_1190, %select_n3A_1090 : vector<16xi1>, vector<16xi32>
    %eq3A_1196 = arith.cmpi eq, %get3A_694, %broadcast_in_dim3A_1190 : vector<16xi32>
    %and3A_1197 = arith.andi %eq3A_1143, %eq3A_1196 : vector<16xi1>
    %jit3A_1198 = arith.constant 0xFF800000 : f32
    %broadcast_in_dim3A_1199 = vector.broadcast %jit3A_1198 : f32 to vector<16xf32>
    %select_n3A_1200 = arith.select %and3A_1197, %broadcast_in_dim3A_1199, %select_n3A_1095 : vector<16xi1>, vector<16xf32>
    %eq3A_1201 = arith.cmpi eq, %get3A_696, %broadcast_in_dim3A_1190 : vector<16xi32>
    %and3A_1202 = arith.andi %eq3A_1144, %eq3A_1201 : vector<16xi1>
    %jit3A_1203 = arith.constant 0xFF800000 : f32
    %broadcast_in_dim3A_1204 = vector.broadcast %jit3A_1203 : f32 to vector<16xf32>
    %select_n3A_1205 = arith.select %and3A_1202, %broadcast_in_dim3A_1204, %select_n3A_1100 : vector<16xi1>, vector<16xf32>
    %eq3A_1206 = arith.cmpi eq, %get3A_698, %broadcast_in_dim3A_1190 : vector<16xi32>
    %and3A_1207 = arith.andi %eq3A_1145, %eq3A_1206 : vector<16xi1>
    %jit3A_1208 = arith.constant 0xFF800000 : f32
    %broadcast_in_dim3A_1209 = vector.broadcast %jit3A_1208 : f32 to vector<16xf32>
    %select_n3A_1210 = arith.select %and3A_1207, %broadcast_in_dim3A_1209, %select_n3A_1105 : vector<16xi1>, vector<16xf32>
    %eq3A_1211 = arith.cmpi eq, %get3A_700, %broadcast_in_dim3A_1190 : vector<16xi32>
    %and3A_1212 = arith.andi %eq3A_1146, %eq3A_1211 : vector<16xi1>
    %jit3A_1213 = arith.constant 0xFF800000 : f32
    %broadcast_in_dim3A_1214 = vector.broadcast %jit3A_1213 : f32 to vector<16xf32>
    %select_n3A_1215 = arith.select %and3A_1212, %broadcast_in_dim3A_1214, %select_n3A_1110 : vector<16xi1>, vector<16xf32>
    %eq3A_1216 = arith.cmpi eq, %get3A_702, %broadcast_in_dim3A_1190 : vector<16xi32>
    %and3A_1217 = arith.andi %eq3A_1147, %eq3A_1216 : vector<16xi1>
    %jit3A_1218 = arith.constant 0xFF800000 : f32
    %broadcast_in_dim3A_1219 = vector.broadcast %jit3A_1218 : f32 to vector<16xf32>
    %select_n3A_1220 = arith.select %and3A_1217, %broadcast_in_dim3A_1219, %select_n3A_1115 : vector<16xi1>, vector<16xf32>
    %eq3A_1221 = arith.cmpi eq, %get3A_704, %broadcast_in_dim3A_1190 : vector<16xi32>
    %and3A_1222 = arith.andi %eq3A_1148, %eq3A_1221 : vector<16xi1>
    %jit3A_1223 = arith.constant 0xFF800000 : f32
    %broadcast_in_dim3A_1224 = vector.broadcast %jit3A_1223 : f32 to vector<16xf32>
    %select_n3A_1225 = arith.select %and3A_1222, %broadcast_in_dim3A_1224, %select_n3A_1120 : vector<16xi1>, vector<16xf32>
    %eq3A_1226 = arith.cmpi eq, %get3A_706, %broadcast_in_dim3A_1190 : vector<16xi32>
    %and3A_1227 = arith.andi %eq3A_1149, %eq3A_1226 : vector<16xi1>
    %jit3A_1228 = arith.constant 0xFF800000 : f32
    %broadcast_in_dim3A_1229 = vector.broadcast %jit3A_1228 : f32 to vector<16xf32>
    %select_n3A_1230 = arith.select %and3A_1227, %broadcast_in_dim3A_1229, %select_n3A_1125 : vector<16xi1>, vector<16xf32>
    %eq3A_1231 = arith.cmpi eq, %get3A_708, %broadcast_in_dim3A_1190 : vector<16xi32>
    %and3A_1232 = arith.andi %eq3A_1150, %eq3A_1231 : vector<16xi1>
    %jit3A_1233 = arith.constant 0xFF800000 : f32
    %broadcast_in_dim3A_1234 = vector.broadcast %jit3A_1233 : f32 to vector<16xf32>
    %select_n3A_1235 = arith.select %and3A_1232, %broadcast_in_dim3A_1234, %select_n3A_1130 : vector<16xi1>, vector<16xf32>
    %max3A_1236 = arith.maximumf %select_n3A_1200, %select_n3A_1205 : vector<16xf32>
    %max3A_1237 = arith.maximumf %select_n3A_1210, %select_n3A_1215 : vector<16xf32>
    %max3A_1238 = arith.maximumf %max3A_1236, %max3A_1237 : vector<16xf32>
    %max3A_1239 = arith.maximumf %select_n3A_1220, %select_n3A_1225 : vector<16xf32>
    %max3A_1240 = arith.maximumf %select_n3A_1230, %select_n3A_1235 : vector<16xf32>
    %max3A_1241 = arith.maximumf %max3A_1239, %max3A_1240 : vector<16xf32>
    %max3A_1242 = arith.maximumf %max3A_1238, %max3A_1241 : vector<16xf32>
    %reduce_max3A_1243 = arith.constant true
    %reduce_max3A_1244 = vector.broadcast %reduce_max3A_1243 : i1 to vector<16xi1>
    %reduce_max3A_1245 = tpu.scan <max>, %max3A_1242 masked %reduce_max3A_1244 : vector<16xf32>, vector<16xi1> -> vector<16xf32>
    %reduce_max3A_1246 = vector.extract %reduce_max3A_1245[15] : f32 from vector<16xf32>
    %broadcast_in_dim3A_1247 = vector.broadcast %reduce_max3A_1246 : f32 to vector<16xf32>
    %eq3A_1248 = arith.cmpf oeq, %select_n3A_1200, %broadcast_in_dim3A_1247 : vector<16xf32>
    %eq3A_1249 = arith.cmpf oeq, %select_n3A_1205, %broadcast_in_dim3A_1247 : vector<16xf32>
    %eq3A_1250 = arith.cmpf oeq, %select_n3A_1210, %broadcast_in_dim3A_1247 : vector<16xf32>
    %eq3A_1251 = arith.cmpf oeq, %select_n3A_1215, %broadcast_in_dim3A_1247 : vector<16xf32>
    %eq3A_1252 = arith.cmpf oeq, %select_n3A_1220, %broadcast_in_dim3A_1247 : vector<16xf32>
    %eq3A_1253 = arith.cmpf oeq, %select_n3A_1225, %broadcast_in_dim3A_1247 : vector<16xf32>
    %eq3A_1254 = arith.cmpf oeq, %select_n3A_1230, %broadcast_in_dim3A_1247 : vector<16xf32>
    %eq3A_1255 = arith.cmpf oeq, %select_n3A_1235, %broadcast_in_dim3A_1247 : vector<16xf32>
    %jit3A_1256 = arith.constant 1073741824 : i32
    %broadcast_in_dim3A_1257 = vector.broadcast %jit3A_1256 : i32 to vector<16xi32>
    %select_n3A_1258 = arith.select %eq3A_1248, %get3A_694, %broadcast_in_dim3A_1257 : vector<16xi1>, vector<16xi32>
    %jit3A_1259 = arith.constant 1073741824 : i32
    %broadcast_in_dim3A_1260 = vector.broadcast %jit3A_1259 : i32 to vector<16xi32>
    %select_n3A_1261 = arith.select %eq3A_1249, %get3A_696, %broadcast_in_dim3A_1260 : vector<16xi1>, vector<16xi32>
    %jit3A_1262 = arith.constant 1073741824 : i32
    %broadcast_in_dim3A_1263 = vector.broadcast %jit3A_1262 : i32 to vector<16xi32>
    %select_n3A_1264 = arith.select %eq3A_1250, %get3A_698, %broadcast_in_dim3A_1263 : vector<16xi1>, vector<16xi32>
    %jit3A_1265 = arith.constant 1073741824 : i32
    %broadcast_in_dim3A_1266 = vector.broadcast %jit3A_1265 : i32 to vector<16xi32>
    %select_n3A_1267 = arith.select %eq3A_1251, %get3A_700, %broadcast_in_dim3A_1266 : vector<16xi1>, vector<16xi32>
    %jit3A_1268 = arith.constant 1073741824 : i32
    %broadcast_in_dim3A_1269 = vector.broadcast %jit3A_1268 : i32 to vector<16xi32>
    %select_n3A_1270 = arith.select %eq3A_1252, %get3A_702, %broadcast_in_dim3A_1269 : vector<16xi1>, vector<16xi32>
    %jit3A_1271 = arith.constant 1073741824 : i32
    %broadcast_in_dim3A_1272 = vector.broadcast %jit3A_1271 : i32 to vector<16xi32>
    %select_n3A_1273 = arith.select %eq3A_1253, %get3A_704, %broadcast_in_dim3A_1272 : vector<16xi1>, vector<16xi32>
    %jit3A_1274 = arith.constant 1073741824 : i32
    %broadcast_in_dim3A_1275 = vector.broadcast %jit3A_1274 : i32 to vector<16xi32>
    %select_n3A_1276 = arith.select %eq3A_1254, %get3A_706, %broadcast_in_dim3A_1275 : vector<16xi1>, vector<16xi32>
    %jit3A_1277 = arith.constant 1073741824 : i32
    %broadcast_in_dim3A_1278 = vector.broadcast %jit3A_1277 : i32 to vector<16xi32>
    %select_n3A_1279 = arith.select %eq3A_1255, %get3A_708, %broadcast_in_dim3A_1278 : vector<16xi1>, vector<16xi32>
    %min3A_1280 = arith.minsi %select_n3A_1258, %select_n3A_1261 : vector<16xi32>
    %min3A_1281 = arith.minsi %select_n3A_1264, %select_n3A_1267 : vector<16xi32>
    %min3A_1282 = arith.minsi %min3A_1280, %min3A_1281 : vector<16xi32>
    %min3A_1283 = arith.minsi %select_n3A_1270, %select_n3A_1273 : vector<16xi32>
    %min3A_1284 = arith.minsi %select_n3A_1276, %select_n3A_1279 : vector<16xi32>
    %min3A_1285 = arith.minsi %min3A_1283, %min3A_1284 : vector<16xi32>
    %min3A_1286 = arith.minsi %min3A_1282, %min3A_1285 : vector<16xi32>
    %reduce_min3A_1287 = arith.constant true
    %reduce_min3A_1288 = vector.broadcast %reduce_min3A_1287 : i1 to vector<16xi1>
    %reduce_min3A_1289 = arith.constant -2147483648 : i32
    %reduce_min3A_1290 = vector.broadcast %reduce_min3A_1289 : i32 to vector<16xi32>
    %reduce_min3A_1291 = arith.xori %min3A_1286, %reduce_min3A_1290 : vector<16xi32>
    %reduce_min3A_1292 = tpu.scan <min>, %reduce_min3A_1291 masked %reduce_min3A_1288 : vector<16xi32>, vector<16xi1> -> vector<16xi32>
    %reduce_min3A_1293 = arith.xori %reduce_min3A_1292, %reduce_min3A_1290 : vector<16xi32>
    %reduce_min3A_1294 = vector.extract %reduce_min3A_1293[15] : i32 from vector<16xi32>
    %broadcast_in_dim3A_1295 = vector.broadcast %reduce_min3A_1294 : i32 to vector<16xi32>
    %eq3A_1296 = arith.constant 5 : i32
    %eq3A_1297 = vector.broadcast %eq3A_1296 : i32 to vector<16xi32>
    %eq3A_1298 = arith.cmpi eq, %iota3A, %eq3A_1297 : vector<16xi32>
    %select_n3A_1299 = arith.select %eq3A_1298, %broadcast_in_dim3A_1247, %select_n3A_1194 : vector<16xi1>, vector<16xf32>
    %select_n3A_1300 = arith.select %eq3A_1298, %broadcast_in_dim3A_1295, %select_n3A_1195 : vector<16xi1>, vector<16xi32>
    %eq3A_1301 = arith.cmpi eq, %get3A_694, %broadcast_in_dim3A_1295 : vector<16xi32>
    %and3A_1302 = arith.andi %eq3A_1248, %eq3A_1301 : vector<16xi1>
    %jit3A_1303 = arith.constant 0xFF800000 : f32
    %broadcast_in_dim3A_1304 = vector.broadcast %jit3A_1303 : f32 to vector<16xf32>
    %select_n3A_1305 = arith.select %and3A_1302, %broadcast_in_dim3A_1304, %select_n3A_1200 : vector<16xi1>, vector<16xf32>
    %eq3A_1306 = arith.cmpi eq, %get3A_696, %broadcast_in_dim3A_1295 : vector<16xi32>
    %and3A_1307 = arith.andi %eq3A_1249, %eq3A_1306 : vector<16xi1>
    %jit3A_1308 = arith.constant 0xFF800000 : f32
    %broadcast_in_dim3A_1309 = vector.broadcast %jit3A_1308 : f32 to vector<16xf32>
    %select_n3A_1310 = arith.select %and3A_1307, %broadcast_in_dim3A_1309, %select_n3A_1205 : vector<16xi1>, vector<16xf32>
    %eq3A_1311 = arith.cmpi eq, %get3A_698, %broadcast_in_dim3A_1295 : vector<16xi32>
    %and3A_1312 = arith.andi %eq3A_1250, %eq3A_1311 : vector<16xi1>
    %jit3A_1313 = arith.constant 0xFF800000 : f32
    %broadcast_in_dim3A_1314 = vector.broadcast %jit3A_1313 : f32 to vector<16xf32>
    %select_n3A_1315 = arith.select %and3A_1312, %broadcast_in_dim3A_1314, %select_n3A_1210 : vector<16xi1>, vector<16xf32>
    %eq3A_1316 = arith.cmpi eq, %get3A_700, %broadcast_in_dim3A_1295 : vector<16xi32>
    %and3A_1317 = arith.andi %eq3A_1251, %eq3A_1316 : vector<16xi1>
    %jit3A_1318 = arith.constant 0xFF800000 : f32
    %broadcast_in_dim3A_1319 = vector.broadcast %jit3A_1318 : f32 to vector<16xf32>
    %select_n3A_1320 = arith.select %and3A_1317, %broadcast_in_dim3A_1319, %select_n3A_1215 : vector<16xi1>, vector<16xf32>
    %eq3A_1321 = arith.cmpi eq, %get3A_702, %broadcast_in_dim3A_1295 : vector<16xi32>
    %and3A_1322 = arith.andi %eq3A_1252, %eq3A_1321 : vector<16xi1>
    %jit3A_1323 = arith.constant 0xFF800000 : f32
    %broadcast_in_dim3A_1324 = vector.broadcast %jit3A_1323 : f32 to vector<16xf32>
    %select_n3A_1325 = arith.select %and3A_1322, %broadcast_in_dim3A_1324, %select_n3A_1220 : vector<16xi1>, vector<16xf32>
    %eq3A_1326 = arith.cmpi eq, %get3A_704, %broadcast_in_dim3A_1295 : vector<16xi32>
    %and3A_1327 = arith.andi %eq3A_1253, %eq3A_1326 : vector<16xi1>
    %jit3A_1328 = arith.constant 0xFF800000 : f32
    %broadcast_in_dim3A_1329 = vector.broadcast %jit3A_1328 : f32 to vector<16xf32>
    %select_n3A_1330 = arith.select %and3A_1327, %broadcast_in_dim3A_1329, %select_n3A_1225 : vector<16xi1>, vector<16xf32>
    %eq3A_1331 = arith.cmpi eq, %get3A_706, %broadcast_in_dim3A_1295 : vector<16xi32>
    %and3A_1332 = arith.andi %eq3A_1254, %eq3A_1331 : vector<16xi1>
    %jit3A_1333 = arith.constant 0xFF800000 : f32
    %broadcast_in_dim3A_1334 = vector.broadcast %jit3A_1333 : f32 to vector<16xf32>
    %select_n3A_1335 = arith.select %and3A_1332, %broadcast_in_dim3A_1334, %select_n3A_1230 : vector<16xi1>, vector<16xf32>
    %eq3A_1336 = arith.cmpi eq, %get3A_708, %broadcast_in_dim3A_1295 : vector<16xi32>
    %and3A_1337 = arith.andi %eq3A_1255, %eq3A_1336 : vector<16xi1>
    %jit3A_1338 = arith.constant 0xFF800000 : f32
    %broadcast_in_dim3A_1339 = vector.broadcast %jit3A_1338 : f32 to vector<16xf32>
    %select_n3A_1340 = arith.select %and3A_1337, %broadcast_in_dim3A_1339, %select_n3A_1235 : vector<16xi1>, vector<16xf32>
    %max3A_1341 = arith.maximumf %select_n3A_1305, %select_n3A_1310 : vector<16xf32>
    %max3A_1342 = arith.maximumf %select_n3A_1315, %select_n3A_1320 : vector<16xf32>
    %max3A_1343 = arith.maximumf %max3A_1341, %max3A_1342 : vector<16xf32>
    %max3A_1344 = arith.maximumf %select_n3A_1325, %select_n3A_1330 : vector<16xf32>
    %max3A_1345 = arith.maximumf %select_n3A_1335, %select_n3A_1340 : vector<16xf32>
    %max3A_1346 = arith.maximumf %max3A_1344, %max3A_1345 : vector<16xf32>
    %max3A_1347 = arith.maximumf %max3A_1343, %max3A_1346 : vector<16xf32>
    %reduce_max3A_1348 = arith.constant true
    %reduce_max3A_1349 = vector.broadcast %reduce_max3A_1348 : i1 to vector<16xi1>
    %reduce_max3A_1350 = tpu.scan <max>, %max3A_1347 masked %reduce_max3A_1349 : vector<16xf32>, vector<16xi1> -> vector<16xf32>
    %reduce_max3A_1351 = vector.extract %reduce_max3A_1350[15] : f32 from vector<16xf32>
    %broadcast_in_dim3A_1352 = vector.broadcast %reduce_max3A_1351 : f32 to vector<16xf32>
    %eq3A_1353 = arith.cmpf oeq, %select_n3A_1305, %broadcast_in_dim3A_1352 : vector<16xf32>
    %eq3A_1354 = arith.cmpf oeq, %select_n3A_1310, %broadcast_in_dim3A_1352 : vector<16xf32>
    %eq3A_1355 = arith.cmpf oeq, %select_n3A_1315, %broadcast_in_dim3A_1352 : vector<16xf32>
    %eq3A_1356 = arith.cmpf oeq, %select_n3A_1320, %broadcast_in_dim3A_1352 : vector<16xf32>
    %eq3A_1357 = arith.cmpf oeq, %select_n3A_1325, %broadcast_in_dim3A_1352 : vector<16xf32>
    %eq3A_1358 = arith.cmpf oeq, %select_n3A_1330, %broadcast_in_dim3A_1352 : vector<16xf32>
    %eq3A_1359 = arith.cmpf oeq, %select_n3A_1335, %broadcast_in_dim3A_1352 : vector<16xf32>
    %eq3A_1360 = arith.cmpf oeq, %select_n3A_1340, %broadcast_in_dim3A_1352 : vector<16xf32>
    %jit3A_1361 = arith.constant 1073741824 : i32
    %broadcast_in_dim3A_1362 = vector.broadcast %jit3A_1361 : i32 to vector<16xi32>
    %select_n3A_1363 = arith.select %eq3A_1353, %get3A_694, %broadcast_in_dim3A_1362 : vector<16xi1>, vector<16xi32>
    %jit3A_1364 = arith.constant 1073741824 : i32
    %broadcast_in_dim3A_1365 = vector.broadcast %jit3A_1364 : i32 to vector<16xi32>
    %select_n3A_1366 = arith.select %eq3A_1354, %get3A_696, %broadcast_in_dim3A_1365 : vector<16xi1>, vector<16xi32>
    %jit3A_1367 = arith.constant 1073741824 : i32
    %broadcast_in_dim3A_1368 = vector.broadcast %jit3A_1367 : i32 to vector<16xi32>
    %select_n3A_1369 = arith.select %eq3A_1355, %get3A_698, %broadcast_in_dim3A_1368 : vector<16xi1>, vector<16xi32>
    %jit3A_1370 = arith.constant 1073741824 : i32
    %broadcast_in_dim3A_1371 = vector.broadcast %jit3A_1370 : i32 to vector<16xi32>
    %select_n3A_1372 = arith.select %eq3A_1356, %get3A_700, %broadcast_in_dim3A_1371 : vector<16xi1>, vector<16xi32>
    %jit3A_1373 = arith.constant 1073741824 : i32
    %broadcast_in_dim3A_1374 = vector.broadcast %jit3A_1373 : i32 to vector<16xi32>
    %select_n3A_1375 = arith.select %eq3A_1357, %get3A_702, %broadcast_in_dim3A_1374 : vector<16xi1>, vector<16xi32>
    %jit3A_1376 = arith.constant 1073741824 : i32
    %broadcast_in_dim3A_1377 = vector.broadcast %jit3A_1376 : i32 to vector<16xi32>
    %select_n3A_1378 = arith.select %eq3A_1358, %get3A_704, %broadcast_in_dim3A_1377 : vector<16xi1>, vector<16xi32>
    %jit3A_1379 = arith.constant 1073741824 : i32
    %broadcast_in_dim3A_1380 = vector.broadcast %jit3A_1379 : i32 to vector<16xi32>
    %select_n3A_1381 = arith.select %eq3A_1359, %get3A_706, %broadcast_in_dim3A_1380 : vector<16xi1>, vector<16xi32>
    %jit3A_1382 = arith.constant 1073741824 : i32
    %broadcast_in_dim3A_1383 = vector.broadcast %jit3A_1382 : i32 to vector<16xi32>
    %select_n3A_1384 = arith.select %eq3A_1360, %get3A_708, %broadcast_in_dim3A_1383 : vector<16xi1>, vector<16xi32>
    %min3A_1385 = arith.minsi %select_n3A_1363, %select_n3A_1366 : vector<16xi32>
    %min3A_1386 = arith.minsi %select_n3A_1369, %select_n3A_1372 : vector<16xi32>
    %min3A_1387 = arith.minsi %min3A_1385, %min3A_1386 : vector<16xi32>
    %min3A_1388 = arith.minsi %select_n3A_1375, %select_n3A_1378 : vector<16xi32>
    %min3A_1389 = arith.minsi %select_n3A_1381, %select_n3A_1384 : vector<16xi32>
    %min3A_1390 = arith.minsi %min3A_1388, %min3A_1389 : vector<16xi32>
    %min3A_1391 = arith.minsi %min3A_1387, %min3A_1390 : vector<16xi32>
    %reduce_min3A_1392 = arith.constant true
    %reduce_min3A_1393 = vector.broadcast %reduce_min3A_1392 : i1 to vector<16xi1>
    %reduce_min3A_1394 = arith.constant -2147483648 : i32
    %reduce_min3A_1395 = vector.broadcast %reduce_min3A_1394 : i32 to vector<16xi32>
    %reduce_min3A_1396 = arith.xori %min3A_1391, %reduce_min3A_1395 : vector<16xi32>
    %reduce_min3A_1397 = tpu.scan <min>, %reduce_min3A_1396 masked %reduce_min3A_1393 : vector<16xi32>, vector<16xi1> -> vector<16xi32>
    %reduce_min3A_1398 = arith.xori %reduce_min3A_1397, %reduce_min3A_1395 : vector<16xi32>
    %reduce_min3A_1399 = vector.extract %reduce_min3A_1398[15] : i32 from vector<16xi32>
    %broadcast_in_dim3A_1400 = vector.broadcast %reduce_min3A_1399 : i32 to vector<16xi32>
    %eq3A_1401 = arith.constant 6 : i32
    %eq3A_1402 = vector.broadcast %eq3A_1401 : i32 to vector<16xi32>
    %eq3A_1403 = arith.cmpi eq, %iota3A, %eq3A_1402 : vector<16xi32>
    %select_n3A_1404 = arith.select %eq3A_1403, %broadcast_in_dim3A_1352, %select_n3A_1299 : vector<16xi1>, vector<16xf32>
    %select_n3A_1405 = arith.select %eq3A_1403, %broadcast_in_dim3A_1400, %select_n3A_1300 : vector<16xi1>, vector<16xi32>
    %eq3A_1406 = arith.cmpi eq, %get3A_694, %broadcast_in_dim3A_1400 : vector<16xi32>
    %and3A_1407 = arith.andi %eq3A_1353, %eq3A_1406 : vector<16xi1>
    %jit3A_1408 = arith.constant 0xFF800000 : f32
    %broadcast_in_dim3A_1409 = vector.broadcast %jit3A_1408 : f32 to vector<16xf32>
    %select_n3A_1410 = arith.select %and3A_1407, %broadcast_in_dim3A_1409, %select_n3A_1305 : vector<16xi1>, vector<16xf32>
    %eq3A_1411 = arith.cmpi eq, %get3A_696, %broadcast_in_dim3A_1400 : vector<16xi32>
    %and3A_1412 = arith.andi %eq3A_1354, %eq3A_1411 : vector<16xi1>
    %jit3A_1413 = arith.constant 0xFF800000 : f32
    %broadcast_in_dim3A_1414 = vector.broadcast %jit3A_1413 : f32 to vector<16xf32>
    %select_n3A_1415 = arith.select %and3A_1412, %broadcast_in_dim3A_1414, %select_n3A_1310 : vector<16xi1>, vector<16xf32>
    %eq3A_1416 = arith.cmpi eq, %get3A_698, %broadcast_in_dim3A_1400 : vector<16xi32>
    %and3A_1417 = arith.andi %eq3A_1355, %eq3A_1416 : vector<16xi1>
    %jit3A_1418 = arith.constant 0xFF800000 : f32
    %broadcast_in_dim3A_1419 = vector.broadcast %jit3A_1418 : f32 to vector<16xf32>
    %select_n3A_1420 = arith.select %and3A_1417, %broadcast_in_dim3A_1419, %select_n3A_1315 : vector<16xi1>, vector<16xf32>
    %eq3A_1421 = arith.cmpi eq, %get3A_700, %broadcast_in_dim3A_1400 : vector<16xi32>
    %and3A_1422 = arith.andi %eq3A_1356, %eq3A_1421 : vector<16xi1>
    %jit3A_1423 = arith.constant 0xFF800000 : f32
    %broadcast_in_dim3A_1424 = vector.broadcast %jit3A_1423 : f32 to vector<16xf32>
    %select_n3A_1425 = arith.select %and3A_1422, %broadcast_in_dim3A_1424, %select_n3A_1320 : vector<16xi1>, vector<16xf32>
    %eq3A_1426 = arith.cmpi eq, %get3A_702, %broadcast_in_dim3A_1400 : vector<16xi32>
    %and3A_1427 = arith.andi %eq3A_1357, %eq3A_1426 : vector<16xi1>
    %jit3A_1428 = arith.constant 0xFF800000 : f32
    %broadcast_in_dim3A_1429 = vector.broadcast %jit3A_1428 : f32 to vector<16xf32>
    %select_n3A_1430 = arith.select %and3A_1427, %broadcast_in_dim3A_1429, %select_n3A_1325 : vector<16xi1>, vector<16xf32>
    %eq3A_1431 = arith.cmpi eq, %get3A_704, %broadcast_in_dim3A_1400 : vector<16xi32>
    %and3A_1432 = arith.andi %eq3A_1358, %eq3A_1431 : vector<16xi1>
    %jit3A_1433 = arith.constant 0xFF800000 : f32
    %broadcast_in_dim3A_1434 = vector.broadcast %jit3A_1433 : f32 to vector<16xf32>
    %select_n3A_1435 = arith.select %and3A_1432, %broadcast_in_dim3A_1434, %select_n3A_1330 : vector<16xi1>, vector<16xf32>
    %eq3A_1436 = arith.cmpi eq, %get3A_706, %broadcast_in_dim3A_1400 : vector<16xi32>
    %and3A_1437 = arith.andi %eq3A_1359, %eq3A_1436 : vector<16xi1>
    %jit3A_1438 = arith.constant 0xFF800000 : f32
    %broadcast_in_dim3A_1439 = vector.broadcast %jit3A_1438 : f32 to vector<16xf32>
    %select_n3A_1440 = arith.select %and3A_1437, %broadcast_in_dim3A_1439, %select_n3A_1335 : vector<16xi1>, vector<16xf32>
    %eq3A_1441 = arith.cmpi eq, %get3A_708, %broadcast_in_dim3A_1400 : vector<16xi32>
    %and3A_1442 = arith.andi %eq3A_1360, %eq3A_1441 : vector<16xi1>
    %jit3A_1443 = arith.constant 0xFF800000 : f32
    %broadcast_in_dim3A_1444 = vector.broadcast %jit3A_1443 : f32 to vector<16xf32>
    %select_n3A_1445 = arith.select %and3A_1442, %broadcast_in_dim3A_1444, %select_n3A_1340 : vector<16xi1>, vector<16xf32>
    %max3A_1446 = arith.maximumf %select_n3A_1410, %select_n3A_1415 : vector<16xf32>
    %max3A_1447 = arith.maximumf %select_n3A_1420, %select_n3A_1425 : vector<16xf32>
    %max3A_1448 = arith.maximumf %max3A_1446, %max3A_1447 : vector<16xf32>
    %max3A_1449 = arith.maximumf %select_n3A_1430, %select_n3A_1435 : vector<16xf32>
    %max3A_1450 = arith.maximumf %select_n3A_1440, %select_n3A_1445 : vector<16xf32>
    %max3A_1451 = arith.maximumf %max3A_1449, %max3A_1450 : vector<16xf32>
    %max3A_1452 = arith.maximumf %max3A_1448, %max3A_1451 : vector<16xf32>
    %reduce_max3A_1453 = arith.constant true
    %reduce_max3A_1454 = vector.broadcast %reduce_max3A_1453 : i1 to vector<16xi1>
    %reduce_max3A_1455 = tpu.scan <max>, %max3A_1452 masked %reduce_max3A_1454 : vector<16xf32>, vector<16xi1> -> vector<16xf32>
    %reduce_max3A_1456 = vector.extract %reduce_max3A_1455[15] : f32 from vector<16xf32>
    %broadcast_in_dim3A_1457 = vector.broadcast %reduce_max3A_1456 : f32 to vector<16xf32>
    %eq3A_1458 = arith.cmpf oeq, %select_n3A_1410, %broadcast_in_dim3A_1457 : vector<16xf32>
    %eq3A_1459 = arith.cmpf oeq, %select_n3A_1415, %broadcast_in_dim3A_1457 : vector<16xf32>
    %eq3A_1460 = arith.cmpf oeq, %select_n3A_1420, %broadcast_in_dim3A_1457 : vector<16xf32>
    %eq3A_1461 = arith.cmpf oeq, %select_n3A_1425, %broadcast_in_dim3A_1457 : vector<16xf32>
    %eq3A_1462 = arith.cmpf oeq, %select_n3A_1430, %broadcast_in_dim3A_1457 : vector<16xf32>
    %eq3A_1463 = arith.cmpf oeq, %select_n3A_1435, %broadcast_in_dim3A_1457 : vector<16xf32>
    %eq3A_1464 = arith.cmpf oeq, %select_n3A_1440, %broadcast_in_dim3A_1457 : vector<16xf32>
    %eq3A_1465 = arith.cmpf oeq, %select_n3A_1445, %broadcast_in_dim3A_1457 : vector<16xf32>
    %jit3A_1466 = arith.constant 1073741824 : i32
    %broadcast_in_dim3A_1467 = vector.broadcast %jit3A_1466 : i32 to vector<16xi32>
    %select_n3A_1468 = arith.select %eq3A_1458, %get3A_694, %broadcast_in_dim3A_1467 : vector<16xi1>, vector<16xi32>
    %jit3A_1469 = arith.constant 1073741824 : i32
    %broadcast_in_dim3A_1470 = vector.broadcast %jit3A_1469 : i32 to vector<16xi32>
    %select_n3A_1471 = arith.select %eq3A_1459, %get3A_696, %broadcast_in_dim3A_1470 : vector<16xi1>, vector<16xi32>
    %jit3A_1472 = arith.constant 1073741824 : i32
    %broadcast_in_dim3A_1473 = vector.broadcast %jit3A_1472 : i32 to vector<16xi32>
    %select_n3A_1474 = arith.select %eq3A_1460, %get3A_698, %broadcast_in_dim3A_1473 : vector<16xi1>, vector<16xi32>
    %jit3A_1475 = arith.constant 1073741824 : i32
    %broadcast_in_dim3A_1476 = vector.broadcast %jit3A_1475 : i32 to vector<16xi32>
    %select_n3A_1477 = arith.select %eq3A_1461, %get3A_700, %broadcast_in_dim3A_1476 : vector<16xi1>, vector<16xi32>
    %jit3A_1478 = arith.constant 1073741824 : i32
    %broadcast_in_dim3A_1479 = vector.broadcast %jit3A_1478 : i32 to vector<16xi32>
    %select_n3A_1480 = arith.select %eq3A_1462, %get3A_702, %broadcast_in_dim3A_1479 : vector<16xi1>, vector<16xi32>
    %jit3A_1481 = arith.constant 1073741824 : i32
    %broadcast_in_dim3A_1482 = vector.broadcast %jit3A_1481 : i32 to vector<16xi32>
    %select_n3A_1483 = arith.select %eq3A_1463, %get3A_704, %broadcast_in_dim3A_1482 : vector<16xi1>, vector<16xi32>
    %jit3A_1484 = arith.constant 1073741824 : i32
    %broadcast_in_dim3A_1485 = vector.broadcast %jit3A_1484 : i32 to vector<16xi32>
    %select_n3A_1486 = arith.select %eq3A_1464, %get3A_706, %broadcast_in_dim3A_1485 : vector<16xi1>, vector<16xi32>
    %jit3A_1487 = arith.constant 1073741824 : i32
    %broadcast_in_dim3A_1488 = vector.broadcast %jit3A_1487 : i32 to vector<16xi32>
    %select_n3A_1489 = arith.select %eq3A_1465, %get3A_708, %broadcast_in_dim3A_1488 : vector<16xi1>, vector<16xi32>
    %min3A_1490 = arith.minsi %select_n3A_1468, %select_n3A_1471 : vector<16xi32>
    %min3A_1491 = arith.minsi %select_n3A_1474, %select_n3A_1477 : vector<16xi32>
    %min3A_1492 = arith.minsi %min3A_1490, %min3A_1491 : vector<16xi32>
    %min3A_1493 = arith.minsi %select_n3A_1480, %select_n3A_1483 : vector<16xi32>
    %min3A_1494 = arith.minsi %select_n3A_1486, %select_n3A_1489 : vector<16xi32>
    %min3A_1495 = arith.minsi %min3A_1493, %min3A_1494 : vector<16xi32>
    %min3A_1496 = arith.minsi %min3A_1492, %min3A_1495 : vector<16xi32>
    %reduce_min3A_1497 = arith.constant true
    %reduce_min3A_1498 = vector.broadcast %reduce_min3A_1497 : i1 to vector<16xi1>
    %reduce_min3A_1499 = arith.constant -2147483648 : i32
    %reduce_min3A_1500 = vector.broadcast %reduce_min3A_1499 : i32 to vector<16xi32>
    %reduce_min3A_1501 = arith.xori %min3A_1496, %reduce_min3A_1500 : vector<16xi32>
    %reduce_min3A_1502 = tpu.scan <min>, %reduce_min3A_1501 masked %reduce_min3A_1498 : vector<16xi32>, vector<16xi1> -> vector<16xi32>
    %reduce_min3A_1503 = arith.xori %reduce_min3A_1502, %reduce_min3A_1500 : vector<16xi32>
    %reduce_min3A_1504 = vector.extract %reduce_min3A_1503[15] : i32 from vector<16xi32>
    %broadcast_in_dim3A_1505 = vector.broadcast %reduce_min3A_1504 : i32 to vector<16xi32>
    %eq3A_1506 = arith.constant 7 : i32
    %eq3A_1507 = vector.broadcast %eq3A_1506 : i32 to vector<16xi32>
    %eq3A_1508 = arith.cmpi eq, %iota3A, %eq3A_1507 : vector<16xi32>
    %select_n3A_1509 = arith.select %eq3A_1508, %broadcast_in_dim3A_1457, %select_n3A_1404 : vector<16xi1>, vector<16xf32>
    %select_n3A_1510 = arith.select %eq3A_1508, %broadcast_in_dim3A_1505, %select_n3A_1405 : vector<16xi1>, vector<16xi32>
    %eq3A_1511 = arith.cmpi eq, %get3A_694, %broadcast_in_dim3A_1505 : vector<16xi32>
    %and3A_1512 = arith.andi %eq3A_1458, %eq3A_1511 : vector<16xi1>
    %jit3A_1513 = arith.constant 0xFF800000 : f32
    %broadcast_in_dim3A_1514 = vector.broadcast %jit3A_1513 : f32 to vector<16xf32>
    %select_n3A_1515 = arith.select %and3A_1512, %broadcast_in_dim3A_1514, %select_n3A_1410 : vector<16xi1>, vector<16xf32>
    %eq3A_1516 = arith.cmpi eq, %get3A_696, %broadcast_in_dim3A_1505 : vector<16xi32>
    %and3A_1517 = arith.andi %eq3A_1459, %eq3A_1516 : vector<16xi1>
    %jit3A_1518 = arith.constant 0xFF800000 : f32
    %broadcast_in_dim3A_1519 = vector.broadcast %jit3A_1518 : f32 to vector<16xf32>
    %select_n3A_1520 = arith.select %and3A_1517, %broadcast_in_dim3A_1519, %select_n3A_1415 : vector<16xi1>, vector<16xf32>
    %eq3A_1521 = arith.cmpi eq, %get3A_698, %broadcast_in_dim3A_1505 : vector<16xi32>
    %and3A_1522 = arith.andi %eq3A_1460, %eq3A_1521 : vector<16xi1>
    %jit3A_1523 = arith.constant 0xFF800000 : f32
    %broadcast_in_dim3A_1524 = vector.broadcast %jit3A_1523 : f32 to vector<16xf32>
    %select_n3A_1525 = arith.select %and3A_1522, %broadcast_in_dim3A_1524, %select_n3A_1420 : vector<16xi1>, vector<16xf32>
    %eq3A_1526 = arith.cmpi eq, %get3A_700, %broadcast_in_dim3A_1505 : vector<16xi32>
    %and3A_1527 = arith.andi %eq3A_1461, %eq3A_1526 : vector<16xi1>
    %jit3A_1528 = arith.constant 0xFF800000 : f32
    %broadcast_in_dim3A_1529 = vector.broadcast %jit3A_1528 : f32 to vector<16xf32>
    %select_n3A_1530 = arith.select %and3A_1527, %broadcast_in_dim3A_1529, %select_n3A_1425 : vector<16xi1>, vector<16xf32>
    %eq3A_1531 = arith.cmpi eq, %get3A_702, %broadcast_in_dim3A_1505 : vector<16xi32>
    %and3A_1532 = arith.andi %eq3A_1462, %eq3A_1531 : vector<16xi1>
    %jit3A_1533 = arith.constant 0xFF800000 : f32
    %broadcast_in_dim3A_1534 = vector.broadcast %jit3A_1533 : f32 to vector<16xf32>
    %select_n3A_1535 = arith.select %and3A_1532, %broadcast_in_dim3A_1534, %select_n3A_1430 : vector<16xi1>, vector<16xf32>
    %eq3A_1536 = arith.cmpi eq, %get3A_704, %broadcast_in_dim3A_1505 : vector<16xi32>
    %and3A_1537 = arith.andi %eq3A_1463, %eq3A_1536 : vector<16xi1>
    %jit3A_1538 = arith.constant 0xFF800000 : f32
    %broadcast_in_dim3A_1539 = vector.broadcast %jit3A_1538 : f32 to vector<16xf32>
    %select_n3A_1540 = arith.select %and3A_1537, %broadcast_in_dim3A_1539, %select_n3A_1435 : vector<16xi1>, vector<16xf32>
    %eq3A_1541 = arith.cmpi eq, %get3A_706, %broadcast_in_dim3A_1505 : vector<16xi32>
    %and3A_1542 = arith.andi %eq3A_1464, %eq3A_1541 : vector<16xi1>
    %jit3A_1543 = arith.constant 0xFF800000 : f32
    %broadcast_in_dim3A_1544 = vector.broadcast %jit3A_1543 : f32 to vector<16xf32>
    %select_n3A_1545 = arith.select %and3A_1542, %broadcast_in_dim3A_1544, %select_n3A_1440 : vector<16xi1>, vector<16xf32>
    %eq3A_1546 = arith.cmpi eq, %get3A_708, %broadcast_in_dim3A_1505 : vector<16xi32>
    %and3A_1547 = arith.andi %eq3A_1465, %eq3A_1546 : vector<16xi1>
    %jit3A_1548 = arith.constant 0xFF800000 : f32
    %broadcast_in_dim3A_1549 = vector.broadcast %jit3A_1548 : f32 to vector<16xf32>
    %select_n3A_1550 = arith.select %and3A_1547, %broadcast_in_dim3A_1549, %select_n3A_1445 : vector<16xi1>, vector<16xf32>
    %and3A_1551 = arith.constant 32767 : i32
    %and3A_1552 = vector.broadcast %and3A_1551 : i32 to vector<16xi32>
    %and3A_1553 = arith.andi %select_n3A_1510, %and3A_1552 : vector<16xi32>
    %shift_right_logical3A = arith.constant 15 : i32
    %shift_right_logical3A_1554 = vector.broadcast %shift_right_logical3A : i32 to vector<16xi32>
    %shift_right_logical3A_1555 = arith.shrui %select_n3A_1510, %shift_right_logical3A_1554 : vector<16xi32>
    %broadcast_in_dim3A_1556 = vector.shape_cast %shift_right_logical3A_1555 : vector<16xi32> to vector<16x1xi32>
    %gather3A_1557 = vector.shape_cast %broadcast_in_dim3A_1556 : vector<16x1xi32> to vector<16xi32>
    %gather3A_1558 = tpu.dynamic_gather %get3A_68[%gather3A_1557] in [0] : vector<16xi32>, vector<16xi32> -> vector<16xi32>
    %eq3A_1559 = arith.constant 2 : i32
    %eq3A_1560 = vector.broadcast %eq3A_1559 : i32 to vector<16xi32>
    %eq3A_1561 = arith.cmpi eq, %and3A_1553, %eq3A_1560 : vector<16xi32>
    %jit3A_1562 = arith.constant 1 : i32
    %broadcast_in_dim3A_1563 = vector.broadcast %jit3A_1562 : i32 to vector<16xi32>
    %select_n3A_1564 = arith.select %eq3A_1561, %broadcast_in_dim3A_1563, %gather3A_1558 : vector<16xi1>, vector<16xi32>
    %swap3A_1565 = arith.constant 0 : index
    %swap3A_1566 = tpu.vector_load %arg18[%swap3A_1565] {strides = array<i32>} : memref<16xf32, #tpu.memory_space<vmem>>, vector<16xf32>,
    tpu.vector_store %arg18[%swap3A_1565], %select_n3A_1509 {strides = array<i32>} : memref<16xf32, #tpu.memory_space<vmem>>, vector<16xf32>,
    %mul3A_1567 = arith.constant 8 : i32
    %mul3A_1568 = arith.muli %add3A, %mul3A_1567 : i32
    "tpu.region"() ({
      %run_scoped3A = tpu.sem_alloc : memref<!tpu.dma_semaphore, #tpu.memory_space<semaphore_mem>>
      %dma_start3A_1608 = arith.constant 0 : i32
      %dma_start3A_1609 = tpu.memref_slice %arg18[%dma_start3A_1608] : memref<16xf32, #tpu.memory_space<vmem>> -> memref<8xf32, #tpu.memory_space<vmem>>
      %dma_start3A_1610 = tpu.memref_slice %arg6[%mul3A_1568] : memref<256xf32, #tpu.memory_space<hbm>> -> memref<8xf32, #tpu.memory_space<hbm>>
      %dma_start3A_1611 = tpu.memref_slice %arg6[%mul3A_1568] : memref<256xf32, #tpu.memory_space<hbm>> -> memref<8xf32, #tpu.memory_space<hbm>>
      %dma_start3A_1612 = arith.constant 0 : i32
      %dma_start3A_1613 = tpu.memref_slice %arg18[%dma_start3A_1612] : memref<16xf32, #tpu.memory_space<vmem>> -> memref<8xf32, #tpu.memory_space<vmem>>
      tpu.enqueue_dma source(%dma_start3A_1613 : memref<8xf32, #tpu.memory_space<vmem>>) target(%dma_start3A_1611 : memref<8xf32, #tpu.memory_space<hbm>>) target_semaphore(%run_scoped3A : memref<!tpu.dma_semaphore, #tpu.memory_space<semaphore_mem>>)
      %dma_wait3A_1614 = arith.constant 0 : i32
      %dma_wait3A_1615 = tpu.memref_slice %arg18[%dma_wait3A_1614] : memref<16xf32, #tpu.memory_space<vmem>> -> memref<8xf32, #tpu.memory_space<vmem>>
      %dma_wait3A_1616 = tpu.memref_slice %arg6[%mul3A_1568] : memref<256xf32, #tpu.memory_space<hbm>> -> memref<8xf32, #tpu.memory_space<hbm>>
      %dma_wait3A_1617 = tpu.memref_slice %arg6[%mul3A_1568] : memref<256xf32, #tpu.memory_space<hbm>> -> memref<8xf32, #tpu.memory_space<hbm>>
      %dma_wait3A_1618 = arith.constant 0 : i32
      %dma_wait3A_1619 = tpu.memref_slice %arg18[%dma_wait3A_1618] : memref<16xf32, #tpu.memory_space<vmem>> -> memref<8xf32, #tpu.memory_space<vmem>>
      tpu.wait_dma2 semaphore(%run_scoped3A : memref<!tpu.dma_semaphore, #tpu.memory_space<semaphore_mem>>) src(%dma_wait3A_1619 : memref<8xf32, #tpu.memory_space<vmem>>) dst(%dma_wait3A_1617 : memref<8xf32, #tpu.memory_space<hbm>>)
      tpu.yield
    }) : () -> ()
    %swap3A_1569 = arith.constant 0 : index
    %swap3A_1570 = tpu.vector_load %arg19[%swap3A_1569] {strides = array<i32>} : memref<16xi32, #tpu.memory_space<vmem>>, vector<16xi32>,
    tpu.vector_store %arg19[%swap3A_1569], %and3A_1553 {strides = array<i32>} : memref<16xi32, #tpu.memory_space<vmem>>, vector<16xi32>,
    %mul3A_1571 = arith.constant 8 : i32
    %mul3A_1572 = arith.muli %add3A, %mul3A_1571 : i32
    "tpu.region"() ({
      %run_scoped3A = tpu.sem_alloc : memref<!tpu.dma_semaphore, #tpu.memory_space<semaphore_mem>>
      %dma_start3A_1608 = arith.constant 0 : i32
      %dma_start3A_1609 = tpu.memref_slice %arg19[%dma_start3A_1608] : memref<16xi32, #tpu.memory_space<vmem>> -> memref<8xi32, #tpu.memory_space<vmem>>
      %dma_start3A_1610 = tpu.memref_slice %arg7[%mul3A_1572] : memref<256xi32, #tpu.memory_space<hbm>> -> memref<8xi32, #tpu.memory_space<hbm>>
      %dma_start3A_1611 = tpu.memref_slice %arg7[%mul3A_1572] : memref<256xi32, #tpu.memory_space<hbm>> -> memref<8xi32, #tpu.memory_space<hbm>>
      %dma_start3A_1612 = arith.constant 0 : i32
      %dma_start3A_1613 = tpu.memref_slice %arg19[%dma_start3A_1612] : memref<16xi32, #tpu.memory_space<vmem>> -> memref<8xi32, #tpu.memory_space<vmem>>
      tpu.enqueue_dma source(%dma_start3A_1613 : memref<8xi32, #tpu.memory_space<vmem>>) target(%dma_start3A_1611 : memref<8xi32, #tpu.memory_space<hbm>>) target_semaphore(%run_scoped3A : memref<!tpu.dma_semaphore, #tpu.memory_space<semaphore_mem>>)
      %dma_wait3A_1614 = arith.constant 0 : i32
      %dma_wait3A_1615 = tpu.memref_slice %arg19[%dma_wait3A_1614] : memref<16xi32, #tpu.memory_space<vmem>> -> memref<8xi32, #tpu.memory_space<vmem>>
      %dma_wait3A_1616 = tpu.memref_slice %arg7[%mul3A_1572] : memref<256xi32, #tpu.memory_space<hbm>> -> memref<8xi32, #tpu.memory_space<hbm>>
      %dma_wait3A_1617 = tpu.memref_slice %arg7[%mul3A_1572] : memref<256xi32, #tpu.memory_space<hbm>> -> memref<8xi32, #tpu.memory_space<hbm>>
      %dma_wait3A_1618 = arith.constant 0 : i32
      %dma_wait3A_1619 = tpu.memref_slice %arg19[%dma_wait3A_1618] : memref<16xi32, #tpu.memory_space<vmem>> -> memref<8xi32, #tpu.memory_space<vmem>>
      tpu.wait_dma2 semaphore(%run_scoped3A : memref<!tpu.dma_semaphore, #tpu.memory_space<semaphore_mem>>) src(%dma_wait3A_1619 : memref<8xi32, #tpu.memory_space<vmem>>) dst(%dma_wait3A_1617 : memref<8xi32, #tpu.memory_space<hbm>>)
      tpu.yield
    }) : () -> ()
    %swap3A_1573 = arith.constant 0 : index
    %swap3A_1574 = tpu.vector_load %arg19[%swap3A_1573] {strides = array<i32>} : memref<16xi32, #tpu.memory_space<vmem>>, vector<16xi32>,
    tpu.vector_store %arg19[%swap3A_1573], %select_n3A_1564 {strides = array<i32>} : memref<16xi32, #tpu.memory_space<vmem>>, vector<16xi32>,
    %mul3A_1575 = arith.constant 8 : i32
    %mul3A_1576 = arith.muli %add3A, %mul3A_1575 : i32
    "tpu.region"() ({
      %run_scoped3A = tpu.sem_alloc : memref<!tpu.dma_semaphore, #tpu.memory_space<semaphore_mem>>
      %dma_start3A_1608 = arith.constant 0 : i32
      %dma_start3A_1609 = tpu.memref_slice %arg19[%dma_start3A_1608] : memref<16xi32, #tpu.memory_space<vmem>> -> memref<8xi32, #tpu.memory_space<vmem>>
      %dma_start3A_1610 = tpu.memref_slice %arg9[%mul3A_1576] : memref<256xi32, #tpu.memory_space<hbm>> -> memref<8xi32, #tpu.memory_space<hbm>>
      %dma_start3A_1611 = tpu.memref_slice %arg9[%mul3A_1576] : memref<256xi32, #tpu.memory_space<hbm>> -> memref<8xi32, #tpu.memory_space<hbm>>
      %dma_start3A_1612 = arith.constant 0 : i32
      %dma_start3A_1613 = tpu.memref_slice %arg19[%dma_start3A_1612] : memref<16xi32, #tpu.memory_space<vmem>> -> memref<8xi32, #tpu.memory_space<vmem>>
      tpu.enqueue_dma source(%dma_start3A_1613 : memref<8xi32, #tpu.memory_space<vmem>>) target(%dma_start3A_1611 : memref<8xi32, #tpu.memory_space<hbm>>) target_semaphore(%run_scoped3A : memref<!tpu.dma_semaphore, #tpu.memory_space<semaphore_mem>>)
      %dma_wait3A_1614 = arith.constant 0 : i32
      %dma_wait3A_1615 = tpu.memref_slice %arg19[%dma_wait3A_1614] : memref<16xi32, #tpu.memory_space<vmem>> -> memref<8xi32, #tpu.memory_space<vmem>>
      %dma_wait3A_1616 = tpu.memref_slice %arg9[%mul3A_1576] : memref<256xi32, #tpu.memory_space<hbm>> -> memref<8xi32, #tpu.memory_space<hbm>>
      %dma_wait3A_1617 = tpu.memref_slice %arg9[%mul3A_1576] : memref<256xi32, #tpu.memory_space<hbm>> -> memref<8xi32, #tpu.memory_space<hbm>>
      %dma_wait3A_1618 = arith.constant 0 : i32
      %dma_wait3A_1619 = tpu.memref_slice %arg19[%dma_wait3A_1618] : memref<16xi32, #tpu.memory_space<vmem>> -> memref<8xi32, #tpu.memory_space<vmem>>
      tpu.wait_dma2 semaphore(%run_scoped3A : memref<!tpu.dma_semaphore, #tpu.memory_space<semaphore_mem>>) src(%dma_wait3A_1619 : memref<8xi32, #tpu.memory_space<vmem>>) dst(%dma_wait3A_1617 : memref<8xi32, #tpu.memory_space<hbm>>)
      tpu.yield
    }) : () -> ()
    %swap3A_1577 = arith.constant 0 : index
    %swap3A_1578 = tpu.vector_load %arg19[%swap3A_1577] {strides = array<i32>} : memref<16xi32, #tpu.memory_space<vmem>>, vector<16xi32>,
    tpu.vector_store %arg19[%swap3A_1577], %shift_right_logical3A_1555 {strides = array<i32>} : memref<16xi32, #tpu.memory_space<vmem>>, vector<16xi32>,
    %mul3A_1579 = arith.constant 8 : i32
    %mul3A_1580 = arith.muli %add3A, %mul3A_1579 : i32
    "tpu.region"() ({
      %run_scoped3A = tpu.sem_alloc : memref<!tpu.dma_semaphore, #tpu.memory_space<semaphore_mem>>
      %dma_start3A_1608 = arith.constant 0 : i32
      %dma_start3A_1609 = tpu.memref_slice %arg19[%dma_start3A_1608] : memref<16xi32, #tpu.memory_space<vmem>> -> memref<8xi32, #tpu.memory_space<vmem>>
      %dma_start3A_1610 = tpu.memref_slice %arg8[%mul3A_1580] : memref<256xi32, #tpu.memory_space<hbm>> -> memref<8xi32, #tpu.memory_space<hbm>>
      %dma_start3A_1611 = tpu.memref_slice %arg8[%mul3A_1580] : memref<256xi32, #tpu.memory_space<hbm>> -> memref<8xi32, #tpu.memory_space<hbm>>
      %dma_start3A_1612 = arith.constant 0 : i32
      %dma_start3A_1613 = tpu.memref_slice %arg19[%dma_start3A_1612] : memref<16xi32, #tpu.memory_space<vmem>> -> memref<8xi32, #tpu.memory_space<vmem>>
      tpu.enqueue_dma source(%dma_start3A_1613 : memref<8xi32, #tpu.memory_space<vmem>>) target(%dma_start3A_1611 : memref<8xi32, #tpu.memory_space<hbm>>) target_semaphore(%run_scoped3A : memref<!tpu.dma_semaphore, #tpu.memory_space<semaphore_mem>>)
      %dma_wait3A_1614 = arith.constant 0 : i32
      %dma_wait3A_1615 = tpu.memref_slice %arg19[%dma_wait3A_1614] : memref<16xi32, #tpu.memory_space<vmem>> -> memref<8xi32, #tpu.memory_space<vmem>>
      %dma_wait3A_1616 = tpu.memref_slice %arg8[%mul3A_1580] : memref<256xi32, #tpu.memory_space<hbm>> -> memref<8xi32, #tpu.memory_space<hbm>>
      %dma_wait3A_1617 = tpu.memref_slice %arg8[%mul3A_1580] : memref<256xi32, #tpu.memory_space<hbm>> -> memref<8xi32, #tpu.memory_space<hbm>>
      %dma_wait3A_1618 = arith.constant 0 : i32
      %dma_wait3A_1619 = tpu.memref_slice %arg19[%dma_wait3A_1618] : memref<16xi32, #tpu.memory_space<vmem>> -> memref<8xi32, #tpu.memory_space<vmem>>
      tpu.wait_dma2 semaphore(%run_scoped3A : memref<!tpu.dma_semaphore, #tpu.memory_space<semaphore_mem>>) src(%dma_wait3A_1619 : memref<8xi32, #tpu.memory_space<vmem>>) dst(%dma_wait3A_1617 : memref<8xi32, #tpu.memory_space<hbm>>)
      tpu.yield
    }) : () -> ()
    %and3A_1581 = arith.constant 7 : i32
    %and3A_1582 = vector.broadcast %and3A_1581 : i32 to vector<16xi32>
    %and3A_1583 = arith.andi %iota3A, %and3A_1582 : vector<16xi32>
    %broadcast_in_dim3A_1584 = vector.shape_cast %and3A_1583 : vector<16xi32> to vector<16x1xi32>
    %gather3A_1585 = vector.shape_cast %broadcast_in_dim3A_1584 : vector<16x1xi32> to vector<16xi32>
    %gather3A_1586 = tpu.dynamic_gather %shift_right_logical3A_1555[%gather3A_1585] in [0] : vector<16xi32>, vector<16xi32> -> vector<16xi32>
    %ge3A = arith.constant 8 : i32
    %ge3A_1587 = vector.broadcast %ge3A : i32 to vector<16xi32>
    %ge3A_1588 = arith.cmpi sge, %iota3A, %ge3A_1587 : vector<16xi32>
    %jit3A_1589 = arith.constant 8 : i32
    %jit3A_1590 = arith.constant 0 : i32
    %broadcast_in_dim3A_1591 = vector.broadcast %jit3A_1589 : i32 to vector<16xi32>
    %broadcast_in_dim3A_1592 = vector.broadcast %jit3A_1590 : i32 to vector<16xi32>
    %select_n3A_1593 = arith.select %ge3A_1588, %broadcast_in_dim3A_1591, %broadcast_in_dim3A_1592 : vector<16xi1>, vector<16xi32>
    %add3A_1594 = arith.addi %gather3A_1586, %select_n3A_1593 : vector<16xi32>
    %scan3A_1595 = arith.constant 0 : i32
    %scan3A_1596 = arith.constant 0 : i32
    %scan3A_1597 = arith.constant 64 : i32
    %scan3A_1598 = arith.addi %scan3A_1596, %scan3A_1597 : i32
    %scan3A_1599 = arith.constant 1 : i32
    %scan3A_1600 = scf.for %scan3A_1608 = %scan3A_1596 to %scan3A_1598 step %scan3A_1599 iter_args(%scan3A_1609 = %scan3A_1595) -> (i32)  : i32 {
      %mul3A_1610 = arith.constant 16 : i32
      %mul3A_1611 = arith.muli %scan3A_1608, %mul3A_1610 : i32
      %get3A_1612 = arith.index_cast %mul3A_1611 : i32 to index
      %get3A_1613 = tpu.vector_load %arg16[%get3A_1612] {strides = array<i32>} : memref<1024xi32, #tpu.memory_space<vmem>>, vector<16xi32>,
      %broadcast_in_dim3A_1614 = vector.shape_cast %add3A_1594 : vector<16xi32> to vector<16x1xi32>
      %gather3A_1615 = vector.shape_cast %broadcast_in_dim3A_1614 : vector<16x1xi32> to vector<16xi32>
      %gather3A_1616 = tpu.dynamic_gather %get3A_1613[%gather3A_1615] in [0] : vector<16xi32>, vector<16xi32> -> vector<16xi32>
      %mul3A_1617 = arith.constant 16 : i32
      %mul3A_1618 = arith.muli %scan3A_1608, %mul3A_1617 : i32
      %swap3A_1619 = arith.index_cast %mul3A_1618 : i32 to index
      %swap3A_1620 = tpu.vector_load %arg17[%swap3A_1619] {strides = array<i32>} : memref<1040xi32, #tpu.memory_space<vmem>>, vector<16xi32>,
      tpu.vector_store %arg17[%swap3A_1619], %gather3A_1616 {strides = array<i32>} : memref<1040xi32, #tpu.memory_space<vmem>>, vector<16xi32>,
      %scan3A_1621 = arith.constant 0 : i32
      scf.yield %scan3A_1621 : i32
    }
    %scan3A_1601 = arith.constant 64 : i32
    %swap3A_1602 = arith.constant 1024 : index
    %swap3A_1603 = tpu.vector_load %arg17[%swap3A_1602] {strides = array<i32>} : memref<1040xi32, #tpu.memory_space<vmem>>, vector<16xi32>,
    tpu.vector_store %arg17[%swap3A_1602], %and3A_1553 {strides = array<i32>} : memref<1040xi32, #tpu.memory_space<vmem>>, vector<16xi32>,
    %mul3A_1604 = arith.constant 129 : i32
    %mul3A_1605 = arith.muli %add3A, %mul3A_1604 : i32
    %mul3A_1606 = arith.constant 8 : i32
    %mul3A_1607 = arith.muli %mul3A_1605, %mul3A_1606 : i32
    "tpu.region"() ({
      %run_scoped3A = tpu.sem_alloc : memref<!tpu.dma_semaphore, #tpu.memory_space<semaphore_mem>>
      %dma_start3A_1608 = arith.constant 0 : i32
      %dma_start3A_1609 = tpu.memref_slice %arg17[%dma_start3A_1608] : memref<1040xi32, #tpu.memory_space<vmem>> -> memref<1032xi32, #tpu.memory_space<vmem>>
      %dma_start3A_1610 = tpu.memref_slice %arg10[%mul3A_1607] : memref<33024xi32, #tpu.memory_space<hbm>> -> memref<1032xi32, #tpu.memory_space<hbm>>
      %dma_start3A_1611 = tpu.memref_slice %arg10[%mul3A_1607] : memref<33024xi32, #tpu.memory_space<hbm>> -> memref<1032xi32, #tpu.memory_space<hbm>>
      %dma_start3A_1612 = arith.constant 0 : i32
      %dma_start3A_1613 = tpu.memref_slice %arg17[%dma_start3A_1612] : memref<1040xi32, #tpu.memory_space<vmem>> -> memref<1032xi32, #tpu.memory_space<vmem>>
      tpu.enqueue_dma source(%dma_start3A_1613 : memref<1032xi32, #tpu.memory_space<vmem>>) target(%dma_start3A_1611 : memref<1032xi32, #tpu.memory_space<hbm>>) target_semaphore(%run_scoped3A : memref<!tpu.dma_semaphore, #tpu.memory_space<semaphore_mem>>)
      %dma_wait3A_1614 = arith.constant 0 : i32
      %dma_wait3A_1615 = tpu.memref_slice %arg17[%dma_wait3A_1614] : memref<1040xi32, #tpu.memory_space<vmem>> -> memref<1032xi32, #tpu.memory_space<vmem>>
      %dma_wait3A_1616 = tpu.memref_slice %arg10[%mul3A_1607] : memref<33024xi32, #tpu.memory_space<hbm>> -> memref<1032xi32, #tpu.memory_space<hbm>>
      %dma_wait3A_1617 = tpu.memref_slice %arg10[%mul3A_1607] : memref<33024xi32, #tpu.memory_space<hbm>> -> memref<1032xi32, #tpu.memory_space<hbm>>
      %dma_wait3A_1618 = arith.constant 0 : i32
      %dma_wait3A_1619 = tpu.memref_slice %arg17[%dma_wait3A_1618] : memref<1040xi32, #tpu.memory_space<vmem>> -> memref<1032xi32, #tpu.memory_space<vmem>>
      tpu.wait_dma2 semaphore(%run_scoped3A : memref<!tpu.dma_semaphore, #tpu.memory_space<semaphore_mem>>) src(%dma_wait3A_1619 : memref<1032xi32, #tpu.memory_space<vmem>>) dst(%dma_wait3A_1617 : memref<1032xi32, #tpu.memory_space<hbm>>)
      tpu.yield
    }) : () -> ()
    return
  }
}

</mosaic_0001>

<sc_bundles>
// kernel: kernel.3.cloned.1.call-start
scs
__scs_entry_jumppad:
0x0: {  	(pc) =	sbr.rel $0x88, $3  }
0x1: {  	(tag) =	ssettag $0x0;
	lr =	simm.s32 $0x1  }
0x2: {  	[smem:$0x3F9D] =	sst lr;
	_ =	strace $0xD0000000  }
0x3: {  	_ = 	snop  }
0x4: {  	_ = 	snop  }
0x5: {  	_ = 	snop  }
0x6: {  	_ = 	snop  }
0x7: {  	_ = 	snop  }
__scs_overlays_trampoline_lowered:
0x8: {  	[smem:$0x3FAC] =	sst s0  }
0x9: {  	[smem:$0x3FAD] =	sst s1  }
0xa: {  	[smem:$0x3FAE] =	sst s2  }
0xb: {  	[smem:$0x3FAF] =	sst s3  }
0xc: {  	[smem:$0x3FB0] =	sst s4  }
0xd: {  	[smem:$0x3FB1] =	sst s5  }
0xe: {  	[smem:$0x3FB2] =	sst s6  }
0xf: {  	[smem:$0x3FB3] =	sst s7  }
0x10: {  	[smem:$0x3FB4] =	sst s8  }
0x11: {  	[smem:$0x3FB5] =	sst s9;
	s0 =	simm.s32 @!p0 $0x0  }
0x12: {  	s1 =	sld [smem:$0x3F9B];
	s0 =	simm.s32 @p0 $0x1  }
0x13: {  	[smem:$0x3FB6] =	sst s0;
	s0 =	simm.s32 @!p1 $0x0  }
0x14: {  	s2 =	sld [smem:$0x3F9A];
	s0 =	simm.s32 @p1 $0x1  }
0x15: {  	[smem:$0x3FB7] =	sst s0;
	s0 =	simm.s32 @!p2 $0x0  }
0x16: {  	s3 =	sld [smem:$0x3FDB];
	s0 =	simm.s32 @p2 $0x1  }
0x17: {  	s4 =	simm.s32 $0x1BF5;
	[smem:$0x3FB9] =	sst s0  }
0x18: {  	s0 =	sld [smem:$0x3F9C];
	_ =	swait.ge [sflag:s4], $0x0  }
0x19: {  	s7 =	sld [smem:$0x3F9D]  }
0x1a: {  	s8 =	sadd.s32 $0xFFFFE003, lr  }
0x1b: {  	s9 =	sadd.s32 $0xFFFFFEF7, lr;
	s5 =	simm.s32 $0xFFFFFFFF;
	p2 =	slt.u32 s8, $0xFFFFF086  }
0x1c: {  	p1 =	slt.u32 s9, $0xF7A;
	s5 =	simm.s32 @!p2 $0x0  }
0x1d: {  	s5 =	simm.s32 @p1 $0x1;
	p0 =	seq.s32 s7, s2  }
0x1e: {  	s7 =	smul.u32 @!p0 $0xF7A, s2;
	p2 =	seq.s32 @!p0 s5, $0x0  }
0x1f: {  	s9 =	smul.u32 $0xF7A, s1;
	s8 =	simm.s32 @!p0 $0x1BF5;
	p2 =	por !p2, p0  }
0x20: {  	[sflag:s8] =	ssyncset.s32 @!p0 $0xFFFFF086;
	s6 =	sadd.s32 @!p0 s3, s7;
	s7 =	simm.s32 @!p0 $0x108  }
0x21: {  	s3 =	sadd.s32 s3, s9;
	s6 =	sadd.s32 @!p0 $0x88, s6;
	s7 =	simm.s32 @p2 $0x1082  }
0x22: {  	[simem:s7], [sflag:s8] =	dma.local @!p0 [hbm:s6], $0xF7A  }
0x23: {  	s9 =	sor.u32 $0xD0000000, s2;
	s6 =	simm.s32 $0x108;
	_ =	swait.ge @!p0 [sflag:s8], $0x0  }
0x24: {  	s3 =	sadd.s32 $0x88, s3;
	s6 =	simm.s32 @!p1 $0x1082;
	[sflag:s4] =	ssyncset.s32 $0xFFFFF086  }
0x25: {  	[simem:s6], [sflag:s4] =	dma.local [hbm:s3], $0xF7A  }
0x26: {  	[smem:$0x3F9D] =	sst s1;
	(tag) =	ssettag s2;
	_ =	strace s9  }
0x27: {  	s1 =	sld [smem:$0x3FAD]  }
0x28: {  	s2 =	sld [smem:$0x3FAE]  }
0x29: {  	s4 =	sld [smem:$0x3FB0]  }
0x2a: {  	p0 =	seq.s32 s5, $0x0;
	s5 =	sld [smem:$0x3FB1]  }
0x2b: {  	s6 =	sld [smem:$0x3FB2]  }
0x2c: {  	s7 =	sld [smem:$0x3FB3]  }
0x2d: {  	s3 =	simm.s32 $0x108;
	s8 =	sld [smem:$0x3FB4]  }
0x2e: {  	s3 =	simm.s32 @!p0 $0x1082;
	s9 =	sld [smem:$0x3FB5]  }
0x2f: {  	lr =	sadd.s32 s0, s3;
	s0 =	sld [smem:$0x3FAC]  }
0x30: {  	s3 =	sld [smem:$0x3FAF]  }
0x31: {  	[smem:$0x3FB8] =	sst s10  }
0x32: {  	s10 =	sld [smem:$0x3FB6];
	_ =	sdelay $0x3  }
0x33: {  	p0 =	seq.s32 s10, $0x1;
	s10 =	sld [smem:$0x3FB8];
	_ =	sdelay $0x3  }
0x34: {  	[smem:$0x3FB8] =	sst s10  }
0x35: {  	s10 =	sld [smem:$0x3FB7];
	_ =	sdelay $0x3  }
0x36: {  	p1 =	seq.s32 s10, $0x1;
	s10 =	sld [smem:$0x3FB8];
	_ =	sdelay $0x3  }
0x37: {  	[smem:$0x3FB8] =	sst s10  }
0x38: {  	s10 =	sld [smem:$0x3FB9]  }
0x39: {  	_ = 	snop;
	(pc) =	sbr.ind lr, $3  }
0x3a: {  	_ = 	snop  }
0x3b: {  	_ = 	snop  }
0x3c: {  	p2 =	seq.s32 s10, $0x1;
	s10 =	sld [smem:$0x3FB8]  }
0x3d: {  	_ =	shalt  }
0x3e: {  	_ =	shalt  }
0x3f: {  	_ =	shalt  }
0x40: {  	_ =	shalt  }
0x41: {  	_ =	shalt  }
0x42: {  	_ =	shalt  }
0x43: {  	_ =	shalt  }
0x44: {  	_ =	shalt  }
0x45: {  	_ =	shalt  }
0x46: {  	_ =	shalt  }
0x47: {  	_ =	shalt  }
0x48: {  	_ =	shalt  }
0x49: {  	_ =	shalt  }
0x4a: {  	_ =	shalt  }
0x4b: {  	_ =	shalt  }
0x4c: {  	_ =	shalt  }
0x4d: {  	_ =	shalt  }
0x4e: {  	_ =	shalt  }
0x4f: {  	_ =	shalt  }
0x50: {  	_ =	shalt  }
0x51: {  	_ =	shalt  }
0x52: {  	_ =	shalt  }
0x53: {  	_ =	shalt  }
0x54: {  	_ =	shalt  }
0x55: {  	_ =	shalt  }
0x56: {  	_ =	shalt  }
0x57: {  	_ =	shalt  }
0x58: {  	_ =	shalt  }
0x59: {  	_ =	shalt  }
0x5a: {  	_ =	shalt  }
0x5b: {  	_ =	shalt  }
0x5c: {  	_ =	shalt  }
0x5d: {  	_ =	shalt  }
0x5e: {  	_ =	shalt  }
0x5f: {  	_ =	shalt  }
0x60: {  	_ =	shalt  }
0x61: {  	_ =	shalt  }
0x62: {  	_ =	shalt  }
0x63: {  	_ =	shalt  }
0x64: {  	_ =	shalt  }
0x65: {  	_ =	shalt  }
0x66: {  	_ =	shalt  }
0x67: {  	_ =	shalt  }
0x68: {  	_ =	shalt  }
0x69: {  	_ =	shalt  }
0x6a: {  	_ =	shalt  }
0x6b: {  	_ =	shalt  }
0x6c: {  	_ =	shalt  }
0x6d: {  	_ =	shalt  }
0x6e: {  	_ =	shalt  }
0x6f: {  	_ =	shalt  }
0x70: {  	_ =	shalt  }
0x71: {  	_ =	shalt  }
0x72: {  	_ =	shalt  }
0x73: {  	_ =	shalt  }
0x74: {  	_ =	shalt  }
0x75: {  	_ =	shalt  }
0x76: {  	_ =	shalt  }
0x77: {  	_ =	shalt  }
0x78: {  	_ =	shalt  }
0x79: {  	_ =	shalt  }
0x7a: {  	_ =	shalt  }
0x7b: {  	_ =	shalt  }
0x7c: {  	_ =	shalt  }
0x7d: {  	_ =	shalt  }
0x7e: {  	_ =	shalt  }
0x7f: {  	_ =	shalt  }
0x80: {  	_ =	shalt  }
0x81: {  	_ =	shalt  }
0x82: {  	_ =	shalt  }
0x83: {  	_ =	shalt  }
0x84: {  	_ =	shalt  }
0x85: {  	_ =	shalt  }
0x86: {  	_ =	shalt  }
0x87: {  	_ =	shalt  }
.Lfunc_end0:
.L_simem_size_0:
called_computation_lowered:
.L_overlay_start_0:
0x88: {  	s2 =	sld [smem:$0x3FD9]  }
0x89: {  	s3 =	sld [smem:$0x3FFE];
	_ =	sdelay $0x1  }
0x8a: {  	s1 =	srdreg.scid  }
0x8b: {  	s0 =	sand.u32 $0x1, s1  }
0x8c: {  	s14 =	sshll.u32 s0, $0xA;
	s2 =	sadd.s32 s3, s2  }
0x8d: {  	s2 =	sadd.s32 s2, s14  }
0x8e: {  	[smem:$0x3FC4] =	sst s2  }
0x8f: {  	_ = 	snop  }
0x90: {  	s2 =	sld [smem:$0x3FD0];
	_ =	sdelay $0x2  }
0x91: {  	s4 =	simm.s32 $0xA;
	s5 =	simm.s32 $0x10;
	s15 =	sld [smem:$0x3FC9]  }
0x92: {  	[smem:s5], [sflag:s4] =	dma.local [hbm:s2], $0x1  }
0x93: {  	_ =	swait.eq [sflag:s4], $0x1  }
0x94: {  	s16 =	sld [smem:$0x10]  }
0x95: {  	s17 =	sld [smem:$0x11]  }
0x96: {  	s6 =	sld [smem:$0x12];
	[sflag:s4] =	ssyncset.done $0x0  }
0x97: {  	s7 =	sld [smem:$0x13];
	[sflag:s4] =	ssyncadd.s32 $0xFFFFFFFF  }
0x98: {  	s18 =	sld [smem:$0x14];
	(tm) =	ssettm $0x1  }
0x99: {  	s8 =	sld [smem:$0x3FFB];
	_ =	sdelay $0x3  }
0x9a: {  	_ =	strace s8  }
0x9b: {  	s8 =	sld [smem:$0x3FFC];
	_ =	sdelay $0x3  }
0x9c: {  	_ =	strace s8  }
0x9d: {  	s8 =	sld [smem:$0x3FFD];
	_ =	sdelay $0x3  }
0x9e: {  	_ =	strace s8  }
0x9f: {  	_ =	strace $0x8FFFFFFF  }
0xa0: {  	s19 =	sld [smem:$0x3FDB];
	_ =	sdelay $0x1  }
0xa1: {  	s9 =	simm.s32 $_scs_section_size  }
0xa2: {  	s10 =	simm.s32 $_size__tile_overlayer_lowered;
	s11 =	simm.s32 $_tile_overlayer_lowered  }
0xa3: {  	s22 =	simm.s32 $0x1BFF;
	s21 =	sshll.u32 s11, $0x1;
	s8 =	sadd.s32 s9, s19  }
0xa4: {  	s12 =	simm.s32 $0x0;
	s20 =	sshll.u32 s10, $0x1;
	s10 =	sadd.s32 s21, s8  }
0xa5: {  	[timem:s12], [sflag:s22] =	dma.local [hbm:s10], s20  }
0xa6: {  	_ =	swait.ge [sflag:s22], s20  }
0xa7: {  	s9 =	ssub.s32 $0x0, s20;
	[sflag:s22] =	ssyncset.done $0x0  }
0xa8: {  	[sflag:s22] =	ssyncadd.s32 s9;
	_ =	sdelay $0x1  }
0xa9: {  	s23 =	simm.s32 $0x1B8B  }
0xaa: {  	_ =	swait.ge [sflag:s23], $0x1  }
0xab: {  	[sflag:s23] =	ssyncset.done $0x0  }
0xac: {  	s25 =	simm.s32 $0x1B8E;
	s24 =	sld [smem:$0x3FFE];
	[sflag:s23] =	ssyncadd.s32 $0xFFFFFFFF  }
0xad: {  	s26 =	simm.s32 $execute0_lowered;
	[smem:$0x3FD2] =	sst s25  }
0xae: {  	s10 =	sshll.u32 s26, $0x1;
	_ =	strace $0x80000046;
	[dreg:$0x1] =	wrdreg $0xFFFFFFFF  }
0xaf: {  	s28 =	simm.s32 $_size_execute0_lowered;
	s8 =	sadd.s32 s8, s10;
	[dreg:$0x0] =	wrdreg $0x0  }
0xb0: {  	s10 =	sshll.u32 s28, $0x1;
	[dreg:$0x2] =	wrdreg s8  }
0xb1: {  	[dreg:$0x3] =	wrdreg s10  }
0xb2: {  	[dreg:$0x4] =	wrdreg $0xC0  }
0xb3: {  	_ =	task [dreg:s12], $0x5FFFF  }
0xb4: {  	[dreg:$0x1] =	wrdreg $0xFFFFFFFF  }
0xb5: {  	[dreg:$0x0] =	wrdreg $0x60  }
0xb6: {  	[dreg:$0x2] =	wrdreg s15  }
0xb7: {  	[dreg:$0x3] =	wrdreg s7  }
0xb8: {  	[dreg:$0x4] =	wrdreg s18  }
0xb9: {  	[dreg:$0x5] =	wrdreg s24  }
0xba: {  	[dreg:$0x6] =	wrdreg s17  }
0xbb: {  	[dreg:$0x7] =	wrdreg s16  }
0xbc: {  	[dreg:$0x8] =	wrdreg s6  }
0xbd: {  	[dreg:$0x9] =	wrdreg $0x9  }
0xbe: {  	_ =	task.clear_ibuf [dreg:s12], $0xAFFFF;
	_ =	strace $0x90000046  }
0xbf: {  	s29 =	simm.s32 $0x9;
	_ =	strace $0x80000048  }
0xc0: {  	_ =	swait.ge [sflag:s29], $0x1  }
0xc1: {  	[sflag:s29] =	ssyncadd.s32 $0xFFFFFFFF  }
0xc2: {  	_ =	strace $0x90000048  }
0xc3: {  	_ =	sfence  }
0xc4: {  	s30 =	sld [smem:$0x0];
	_ =	sdelay $0x2  }
0xc5: {  	s31 =	sshll.u32 s1, $0xD;
	s1 =	sshrl.u32 s1, $0x2  }
0xc6: {  	s3 =	sand.u32 $0x4000, s31;
	s1 =	sadd.s32 s1, s30  }
0xc7: {  	s0 =	sor.u32 s3, s0;
	s1 =	sshll.u32 s1, $0x11  }
0xc8: {  	s0 =	sor.u32 s1, s0  }
0xc9: {  	s0 =	sadd.s32 $0x8F2B, s0  }
0xca: {  	[sflag:s0] =	ssyncadd.remote.s32 $0x1  }
0xcb: {  	_ =	sfence.sel $0xFFFF  }
0xcc: {  	[dreg:$0x0] =	wrdreg $0xFFFFFFFF;
	(pc) =	sbr.abs _section_cstart, $3  }
0xcd: {  	[dreg:$0x1] =	wrdreg $0xFFFFFFFF  }
0xce: {  	_ =	task.clear_ibuf [dreg:s12], $0x2FFFF;
	_ =	strace $0x9FFFFFFF  }
0xcf: {  	(tm) =	ssettm $0x7FFFFFFF  }
tec
execute0_lowered:
.L_overlay_start_1:
0x0: {  	(tag) =	ssettag $0x1  }
0x1: {  	s0 =	rddreg [dreg:$0x0]  }
0x2: {  	s1 =	rddreg [dreg:$0x1]  }
0x3: {  	s2 =	rddreg [dreg:$0x2]  }
0x4: {  	s4 =	rddreg [dreg:$0x3]  }
0x5: {  	s10 =	rddreg [dreg:$0x4]  }
0x6: {  	s11 =	rddreg [dreg:$0x5]  }
0x7: {  	s14 =	rddreg [dreg:$0x6]  }
0x8: {  	s5 =	srdreg.scid;
	s6 =	stileid.u32  }
0x9: {  	s3 =	simm.s32 $0x0;
	s18 =	simm.s32 $0x8180;
	s19 =	simm.s32 $0x4000  }
0xa: {  	v0 =	vimm.f32 $0.0e+00;
	v1 =	vimm.s32 $0x0;
	s20 =	simm.s32 $0x1;
	s21 =	simm.s32 $0x2;
	s22 =	simm.s32 $0x3  }
0xb: {  	vm0 =	vmmov $0x1;
	v2 =	vimm.s32 $0x1;
	v3 =	vimm.s32 $0x2;
	s23 =	simm.s32 $0x8A00;
	s24 =	simm.s32 $0x4;
	s25 =	simm.s32 $0x8A80  }
0xc: {  	vm1 =	vcmask $0x300;
	v4 =	vimm.s32 $0x3;
	v5 =	vimm.s32 $0x4;
	s26 =	simm.s32 $0x8580;
	s5 =	sand.u32 $0x1, s5;
	s6 =	sshll.u32 s6, $0x1  }
0xd: {  	vm3 =	vmmov $0xff;
	s28 =	simm.s32 $0x0;
	[smem:$0x7FF] =	sst s3;
	v6 =	vsel vm1, $0x2, v1;
	vm1 =	vcmask $0x704;
	s12 =	sor.u32 s5, s6  }
0xe: {  	v11 =	vlaneseq.u32;
	_ =	strace $0x80000047;
	s5 =	ssub.s32 $0x2, s5;
	v7 =	vsel vm1, $0x8002, v6;
	vm1 =	vcmask $0xB08;
	s6 =	sshll.u32 s12, $0x7  }
0xf: {  	vm7 =	vcmask $0xF20;
	s13 =	sadd.s32 s12, s4;
	s29 =	sshrl.u32 s5, $0x1;
	s30 =	sshll.u32 s12, $0xF;
	v8 =	vsel vm1, $0x10002, v7;
	vm1 =	vcmask $0xF0C  }
0x10: {  	vm8 =	vcmask $0x1320;
	s7 =	sadd.s32 s2, s12;
	s31 =	smul.u32 $0x81, s12;
	s10 =	sadd.s32 s10, s12;
	v9 =	vsel vm1, $0x18002, v8;
	vm1 =	vcmask $0x1310  }
0x11: {  	vm9 =	vcmask $0x1720;
	s11 =	sadd.s32 s11, s12;
	s8 =	sadd.s32 s6, s4;
	s15 =	ssub.s32 s5, s29;
	v10 =	vsel vm1, $0x20002, v9;
	vm1 =	vcmask $0x1714  }
0x12: {  	v6 =	vimm.s32 $0x5;
	s4 =	sshll.u32 s12, $0x12;
	s5 =	sadd.s32 s0, s30;
	s6 =	sadd.s32 s1, s12;
	v10 =	vsel vm1, $0x28002, v10;
	vm1 =	vcmask $0x1B18  }
0x13: {  	v7 =	vimm.s32 $0x6;
	s12 =	sadd.s32 $0x2400, s13;
	s13 =	sadd.s32 $0x2200, s13;
	s8 =	sadd.s32 $0x1200, s8;
	v10 =	vsel vm1, $0x30002, v10;
	vm1 =	vcmask $0x1F1C  }
0x14: {  	v8 =	vimm.s32 $0x7;
	s9 =	sor.u32 $0x10000, s4;
	s14 =	sadd.s32 s14, s31;
	s15 =	smax.u32 s15, $0x1;
	v9 =	vimm.f32 $-Inf;
	v10 =	vsel vm1, $0x38002, v10  }
.LBB2_1:
0x15: {  	[tilespmem:$0x8000] =	vst v0  }
0x16: {  	[tilespmem:$0x8080] =	vst v1  }
0x17: {  	[tilespmem:s3], [sflag:$0x1] =	stream.linear.gather [hbm4b:s5+s3], $0x2000, $0x38;
	[tilespmem:$0x8C00] =	vst v63  }
0x18: {  	s1 =	simm.s32 $0x8000  }
0x19: {  	[tilespmem:s1], [sflag:$0x3] =	stream.linear.gather [hbm4b:s6+s3], $0x8, $0x38;
	[tilespmem:$0x8C00] =	vst v63  }
0x1a: {  	s31 =	simm.s32 $0x8080  }
0x1b: {  	[tilespmem:s31], [sflag:$0x3] =	stream.linear.gather [hbm4b:s7+s3], $0x8, $0x38;
	[tilespmem:$0x8C00] =	vst v63  }
0x1c: {  	s1 =	simm.s32 $0x0  }
0x1d: {  	[tilespmem:s18], [sflag:$0x3] =	stream.linear.gather [hbm4b:s8+s3], $0x400, $0x38;
	[tilespmem:$0x8C00] =	vst v63  }
.LBB2_2:
0x1e: {  	s2 =	sshllo.u32 s1, $0x1  }
0x1f: {  	s16 =	sshll.u32 s2, $0xF  }
0x20: {  	s16 =	sadd.s32 s4, s16  }
0x21: {  	s16 =	sshrl.u32 s16, $0x3  }
0x22: {  	s17 =	simm.s32 $0x0;
	s16 =	sadd.s32 s0, s16  }
0x23: {  	[tilespmem:s19], [sflag:$0x2] =	stream.linear.gather [hbm4b:s16+s17], $0x2000, $0x38;
	[tilespmem:$0x8C00] =	vst v63  }
0x24: {  	_ =	swait.ge [sflag:s20], $0x2000  }
0x25: {  	[sflag:s20] =	ssyncset.done $0x0  }
0x26: {  	s30 =	simm.s32 $0x0;
	[sflag:s20] =	ssyncadd.s32 $0xFFFFE000  }
0x27: {  	v12 =	vld [tilespmem:s30+$0xF0]  }
0x28: {  	v13 =	vld [tilespmem:s30+$0x0]  }
0x29: {  	v15 =	vld [tilespmem:s30+$0x10]  }
0x2a: {  	v16 =	vld [tilespmem:s30+$0x20]  }
0x2b: {  	v17 =	vld [tilespmem:s30+$0x30]  }
0x2c: {  	v18 =	vld [tilespmem:s30+$0x40]  }
0x2d: {  	v19 =	vld [tilespmem:s30+$0x50]  }
0x2e: {  	v20 =	vld [tilespmem:s30+$0x60]  }
0x2f: {  	v21 =	vld [tilespmem:s30+$0x70]  }
0x30: {  	v22 =	vld [tilespmem:s30+$0x80]  }
0x31: {  	v23 =	vimm.f32 $-Inf;
	v24 =	vld [tilespmem:s30+$0x90]  }
0x32: {  	v27 =	vimm.f32 $-Inf;
	v25 =	vimm.f32 $-Inf;
	v26 =	vimm.f32 $-Inf;
	v28 =	vld [tilespmem:s30+$0xA0]  }
0x33: {  	v29 =	vld [tilespmem:s30+$0xB0];
	v14 =	vmax.f32 v23, v12;
	v12 =	vmax.f32 v23, v13;
	v13 =	vmax.f32 v23, v15  }
0x34: {  	v30 =	vld [tilespmem:s30+$0xC0];
	v15 =	vmax.f32 v23, v16;
	v16 =	vmax.f32 v23, v17;
	v17 =	vmax.f32 v23, v18  }
0x35: {  	v31 =	vld [tilespmem:s30+$0xD0];
	v18 =	vmax.f32 v23, v19;
	v19 =	vmax.f32 v23, v20;
	v20 =	vmax.f32 v23, v21  }
0x36: {  	s29 =	simm.s32 $0x800;
	s16 =	sshll.u32 s1, $0x1;
	s17 =	simm.s32 $0x100;
	v32 =	vld [tilespmem:s30+$0xE0];
	v21 =	vmax.f32 v23, v22;
	v22 =	vmax.f32 v23, v24;
	v24 =	vimm.f32 $-Inf  }
.LBB2_3:
0x37: {  	p0 =	sne.s32 s29, $0x7C00;
	v33 =	vld [tilespmem:s17+$0xF0];
	v23 =	vmax.f32 v23, v28  }
0x38: {  	v28 =	vld [tilespmem:s17+$0x0];
	v24 =	vmax.f32 v24, v29  }
0x39: {  	v29 =	vld [tilespmem:s17+$0x10];
	v27 =	vmax.f32 v27, v30  }
0x3a: {  	v30 =	vld [tilespmem:s17+$0x20];
	v25 =	vmax.f32 v25, v31  }
0x3b: {  	v31 =	vld [tilespmem:s17+$0x30];
	v26 =	vmax.f32 v26, v32  }
0x3c: {  	v32 =	vld [tilespmem:s17+$0x40];
	v14 =	vmax.f32 v14, v33  }
0x3d: {  	v12 =	vmax.f32 v12, v28;
	v28 =	vld [tilespmem:s17+$0x50]  }
0x3e: {  	v13 =	vmax.f32 v13, v29;
	v29 =	vld [tilespmem:s17+$0x60]  }
0x3f: {  	v15 =	vmax.f32 v15, v30;
	v30 =	vld [tilespmem:s17+$0x70]  }
0x40: {  	v16 =	vmax.f32 v16, v31;
	v31 =	vld [tilespmem:s17+$0x80]  }
0x41: {  	v17 =	vmax.f32 v17, v32;
	v32 =	vld [tilespmem:s17+$0x90]  }
.Ltmp0:
0x42: {  	v18 =	vmax.f32 v18, v28;
	v28 =	vld [tilespmem:s17+$0xA0];
	(pc) =	sbr.rel @p0 .LBB2_3-.Ltmp0, $4  }
0x43: {  	v19 =	vmax.f32 v19, v29;
	v29 =	vld [tilespmem:s17+$0xB0]  }
0x44: {  	v20 =	vmax.f32 v20, v30;
	v30 =	vld [tilespmem:s17+$0xC0]  }
0x45: {  	v21 =	vmax.f32 v21, v31;
	v31 =	vld [tilespmem:s17+$0xD0]  }
0x46: {  	v22 =	vmax.f32 v22, v32;
	v32 =	vld [tilespmem:s17+$0xE0];
	s17 =	sshra.s32 s29, $0x2;
	s29 =	sadd.s32 $0x400, s29  }
0x47: {  	v33 =	vld [tilespmem:s17+$0xF0]  }
0x48: {  	v34 =	vld [tilespmem:s17+$0x0]  }
0x49: {  	v35 =	vld [tilespmem:s17+$0x10]  }
0x4a: {  	v36 =	vld [tilespmem:s17+$0x20]  }
0x4b: {  	v37 =	vld [tilespmem:s17+$0x30]  }
0x4c: {  	v38 =	vld [tilespmem:s17+$0x40]  }
0x4d: {  	v39 =	vld [tilespmem:s17+$0x50]  }
0x4e: {  	v40 =	vld [tilespmem:s17+$0x60]  }
0x4f: {  	v41 =	vld [tilespmem:s17+$0x70]  }
0x50: {  	v42 =	vld [tilespmem:s17+$0x80]  }
0x51: {  	v43 =	vld [tilespmem:s17+$0x90]  }
0x52: {  	v44 =	vld [tilespmem:s17+$0xA0]  }
0x53: {  	v45 =	vld [tilespmem:s17+$0xB0]  }
0x54: {  	v46 =	vld [tilespmem:s17+$0xC0]  }
0x55: {  	v23 =	vmax.f32 v23, v28;
	v28 =	vld [tilespmem:s17+$0xD0];
	v24 =	vmax.f32 v24, v29;
	v27 =	vmax.f32 v27, v30  }
0x56: {  	v29 =	vld [tilespmem:s17+$0xE0];
	v25 =	vmax.f32 v25, v31;
	v26 =	vmax.f32 v26, v32;
	v14 =	vmax.f32 v14, v33  }
0x57: {  	v12 =	vmax.f32 v12, v34;
	v13 =	vmax.f32 v13, v35;
	v15 =	vmax.f32 v15, v36  }
0x58: {  	v16 =	vmax.f32 v16, v37;
	v17 =	vmax.f32 v17, v38;
	v18 =	vmax.f32 v18, v39  }
0x59: {  	v19 =	vmax.f32 v19, v40;
	v20 =	vmax.f32 v20, v41;
	v21 =	vmax.f32 v21, v42  }
0x5a: {  	v22 =	vmax.f32 v22, v43;
	v23 =	vmax.f32 v23, v44;
	v24 =	vmax.f32 v24, v45  }
0x5b: {  	v27 =	vmax.f32 v27, v46;
	v25 =	vmax.f32 v25, v28;
	v26 =	vmax.f32 v26, v29  }
0x5c: {  	v12 =	vmax.f32 v12, v13;
	v13 =	vmax.f32 v15, v16;
	v15 =	vmax.f32 v17, v18  }
0x5d: {  	v16 =	vmax.f32 v19, v20;
	v17 =	vmax.f32 v21, v22;
	v18 =	vmax.f32 v23, v24  }
0x5e: {  	s16 =	smin.u32 s16, $0x5;
	v19 =	vmax.f32 v27, v25;
	v14 =	vmax.f32 v26, v14;
	v12 =	vmax.f32 v12, v13  }
0x5f: {  	s16 =	sshll.u32 s16, $0xF;
	v13 =	vmax.f32 v15, v16;
	v15 =	vmax.f32 v17, v18;
	v14 =	vmax.f32 v19, v14  }
0x60: {  	s30 =	sshll.u32 s1, $0x5;
	s16 =	sadd.s32 s16, s9;
	v12 =	vmax.f32 v12, v13;
	v13 =	vmax.f32 v15, v14  }
0x61: {  	s17 =	sand.u32 $0x3FFFFFE0, s30;
	s16 =	sshrl.u32 s16, $0x3;
	v12 =	vmax.f32 v12, v13  }
0x62: {  	s31 =	simm.s32 $0x0;
	s16 =	sadd.s32 s0, s16;
	[tilespmem:s17+$0x8100] =	vst v12  }
0x63: {  	[tilespmem:s31], [sflag:$0x1] =	stream.linear.gather [hbm4b:s16+s31], $0x2000, $0x38;
	[tilespmem:$0x8C00] =	vst v63  }
0x64: {  	_ =	swait.ge [sflag:s21], $0x2000  }
0x65: {  	[sflag:s21] =	ssyncset.done $0x0  }
0x66: {  	s29 =	simm.s32 $0x0;
	[sflag:s21] =	ssyncadd.s32 $0xFFFFE000  }
0x67: {  	v12 =	vld [tilespmem:s29+$0x40F0]  }
0x68: {  	v13 =	vld [tilespmem:s29+$0x4000]  }
0x69: {  	v15 =	vld [tilespmem:s29+$0x4010]  }
0x6a: {  	v16 =	vld [tilespmem:s29+$0x4020]  }
0x6b: {  	v17 =	vld [tilespmem:s29+$0x4030]  }
0x6c: {  	v18 =	vld [tilespmem:s29+$0x4040]  }
0x6d: {  	v19 =	vld [tilespmem:s29+$0x4050]  }
0x6e: {  	v20 =	vld [tilespmem:s29+$0x4060]  }
0x6f: {  	v21 =	vld [tilespmem:s29+$0x4070]  }
0x70: {  	v22 =	vld [tilespmem:s29+$0x4080]  }
0x71: {  	v23 =	vimm.f32 $-Inf;
	v24 =	vld [tilespmem:s29+$0x4090]  }
0x72: {  	v27 =	vimm.f32 $-Inf;
	v25 =	vimm.f32 $-Inf;
	v26 =	vimm.f32 $-Inf;
	v28 =	vld [tilespmem:s29+$0x40A0]  }
0x73: {  	v29 =	vld [tilespmem:s29+$0x40B0];
	v14 =	vmax.f32 v23, v12;
	v12 =	vmax.f32 v23, v13;
	v13 =	vmax.f32 v23, v15  }
0x74: {  	v30 =	vld [tilespmem:s29+$0x40C0];
	v15 =	vmax.f32 v23, v16;
	v16 =	vmax.f32 v23, v17;
	v17 =	vmax.f32 v23, v18  }
0x75: {  	v31 =	vld [tilespmem:s29+$0x40D0];
	v18 =	vmax.f32 v23, v19;
	v19 =	vmax.f32 v23, v20;
	v20 =	vmax.f32 v23, v21  }
0x76: {  	s17 =	simm.s32 $0x800;
	s16 =	simm.s32 $0x100;
	v32 =	vld [tilespmem:s29+$0x40E0];
	v21 =	vmax.f32 v23, v22;
	v22 =	vmax.f32 v23, v24;
	v24 =	vimm.f32 $-Inf  }
.LBB2_5:
0x77: {  	p0 =	sne.s32 s17, $0x7C00;
	v33 =	vld [tilespmem:s16+$0x40F0];
	v23 =	vmax.f32 v23, v28  }
0x78: {  	v28 =	vld [tilespmem:s16+$0x4000];
	v24 =	vmax.f32 v24, v29  }
0x79: {  	v29 =	vld [tilespmem:s16+$0x4010];
	v27 =	vmax.f32 v27, v30  }
0x7a: {  	v30 =	vld [tilespmem:s16+$0x4020];
	v25 =	vmax.f32 v25, v31  }
0x7b: {  	v31 =	vld [tilespmem:s16+$0x4030];
	v26 =	vmax.f32 v26, v32  }
0x7c: {  	v32 =	vld [tilespmem:s16+$0x4040];
	v14 =	vmax.f32 v14, v33  }
0x7d: {  	v12 =	vmax.f32 v12, v28;
	v28 =	vld [tilespmem:s16+$0x4050]  }
0x7e: {  	v13 =	vmax.f32 v13, v29;
	v29 =	vld [tilespmem:s16+$0x4060]  }
0x7f: {  	v15 =	vmax.f32 v15, v30;
	v30 =	vld [tilespmem:s16+$0x4070]  }
0x80: {  	v16 =	vmax.f32 v16, v31;
	v31 =	vld [tilespmem:s16+$0x4080]  }
0x81: {  	v17 =	vmax.f32 v17, v32;
	v32 =	vld [tilespmem:s16+$0x4090]  }
.Ltmp1:
0x82: {  	v18 =	vmax.f32 v18, v28;
	v28 =	vld [tilespmem:s16+$0x40A0];
	(pc) =	sbr.rel @p0 .LBB2_5-.Ltmp1, $4  }
0x83: {  	v19 =	vmax.f32 v19, v29;
	v29 =	vld [tilespmem:s16+$0x40B0]  }
0x84: {  	v20 =	vmax.f32 v20, v30;
	v30 =	vld [tilespmem:s16+$0x40C0]  }
0x85: {  	v21 =	vmax.f32 v21, v31;
	v31 =	vld [tilespmem:s16+$0x40D0]  }
0x86: {  	v22 =	vmax.f32 v22, v32;
	v32 =	vld [tilespmem:s16+$0x40E0];
	s16 =	sshra.s32 s17, $0x2;
	s17 =	sadd.s32 $0x400, s17  }
0x87: {  	v33 =	vld [tilespmem:s16+$0x40F0]  }
0x88: {  	v34 =	vld [tilespmem:s16+$0x4000]  }
0x89: {  	v35 =	vld [tilespmem:s16+$0x4010]  }
0x8a: {  	v36 =	vld [tilespmem:s16+$0x4020]  }
0x8b: {  	v37 =	vld [tilespmem:s16+$0x4030]  }
0x8c: {  	v38 =	vld [tilespmem:s16+$0x4040]  }
0x8d: {  	v39 =	vld [tilespmem:s16+$0x4050]  }
0x8e: {  	v40 =	vld [tilespmem:s16+$0x4060]  }
0x8f: {  	v41 =	vld [tilespmem:s16+$0x4070]  }
0x90: {  	v42 =	vld [tilespmem:s16+$0x4080]  }
0x91: {  	v43 =	vld [tilespmem:s16+$0x4090]  }
0x92: {  	v44 =	vld [tilespmem:s16+$0x40A0]  }
0x93: {  	v45 =	vld [tilespmem:s16+$0x40B0]  }
0x94: {  	v46 =	vld [tilespmem:s16+$0x40C0]  }
0x95: {  	v23 =	vmax.f32 v23, v28;
	v53 =	vld [tilespmem:s16+$0x40D0];
	v24 =	vmax.f32 v24, v29;
	v27 =	vmax.f32 v27, v30  }
0x96: {  	v54 =	vld [tilespmem:s16+$0x40E0];
	v25 =	vmax.f32 v25, v31;
	v26 =	vmax.f32 v26, v32;
	v14 =	vmax.f32 v14, v33  }
0x97: {  	v12 =	vmax.f32 v12, v34;
	v13 =	vmax.f32 v13, v35;
	v15 =	vmax.f32 v15, v36  }
0x98: {  	v16 =	vmax.f32 v16, v37;
	v17 =	vmax.f32 v17, v38;
	v18 =	vmax.f32 v18, v39  }
0x99: {  	v19 =	vmax.f32 v19, v40;
	v20 =	vmax.f32 v20, v41;
	v21 =	vmax.f32 v21, v42  }
0x9a: {  	v22 =	vmax.f32 v22, v43;
	v23 =	vmax.f32 v23, v44;
	v24 =	vmax.f32 v24, v45  }
0x9b: {  	v27 =	vmax.f32 v27, v46;
	v25 =	vmax.f32 v25, v53;
	v26 =	vmax.f32 v26, v54  }
0x9c: {  	s1 =	sadd.s32 $0x1, s1;
	v12 =	vmax.f32 v12, v13;
	v55 =	vmax.f32 v15, v16;
	v56 =	vmax.f32 v17, v18  }
0x9d: {  	p0 =	sne.s32 s1, $0x4;
	v57 =	vmax.f32 v19, v20;
	v58 =	vmax.f32 v21, v22;
	v59 =	vmax.f32 v23, v24  }
.Ltmp2:
0x9e: {  	v60 =	vmax.f32 v27, v25;
	v14 =	vmax.f32 v26, v14;
	v12 =	vmax.f32 v12, v55;
	(pc) =	sbr.rel @p0 .LBB2_2-.Ltmp2, $4  }
0x9f: {  	v61 =	vmax.f32 v56, v57;
	v62 =	vmax.f32 v58, v59;
	v14 =	vmax.f32 v60, v14  }
0xa0: {  	s2 =	sshll.u32 s2, $0x4;
	v12 =	vmax.f32 v12, v61;
	v63 =	vmax.f32 v62, v14  }
0xa1: {  	s2 =	sand.u32 $0x3FFFFFF0, s2;
	v12 =	vmax.f32 v12, v63  }
0xa2: {  	[tilespmem:s2+$0x8100] =	vst v12  }
0xa3: {  	_ =	swait.ge [sflag:s20], $0x2000  }
0xa4: {  	[sflag:s20] =	ssyncset.done $0x0  }
0xa5: {  	s29 =	simm.s32 $0x0;
	[sflag:s20] =	ssyncadd.s32 $0xFFFFE000  }
0xa6: {  	[tilespmem:s29], [sflag:$0x1] =	stream.linear.gather [hbm4b:s5+s29], $0x4000, $0x38;
	[tilespmem:$0x8C00] =	vst v63  }
0xa7: {  	_ =	swait.ge [sflag:s22], $0x8  }
0xa8: {  	[sflag:s22] =	ssyncset.done $0x0  }
0xa9: {  	[sflag:s22] =	ssyncadd.s32 $0xFFFFFFF8  }
0xaa: {  	_ =	swait.ge [sflag:s22], $0x8  }
0xab: {  	[sflag:s22] =	ssyncset.done $0x0  }
0xac: {  	[sflag:s22] =	ssyncadd.s32 $0xFFFFFFF8  }
0xad: {  	_ =	swait.ge [sflag:s22], $0x400  }
0xae: {  	[sflag:s22] =	ssyncset.done $0x0  }
0xaf: {  	[sflag:s22] =	ssyncadd.s32 $0xFFFFFC00  }
0xb0: {  	v13 =	vld [tilespmem:$0x8000]  }
0xb1: {  	v12 =	vld [tilespmem:$0x8080];
	_ =	sdelay $0x4  }
0xb2: {  	v15 =	vperm.xlane v13, v1;
	v17 =	vperm.xlane v12, v1  }
0xb3: {  	v14 =	vld [tilespmem:$0x8100];
	v19 =	vperm.xlane v12, v2;
	v21 =	vperm.xlane v13, v4  }
0xb4: {  	v16 =	vld [tilespmem:$0x8110];
	v22 =	vperm.xlane v12, v4;
	v52 =	vperm.xlane v13, v5  }
0xb5: {  	v18 =	vld [tilespmem:$0x8120];
	v53 =	vperm.xlane v12, v5;
	v55 =	vperm.xlane v13, v6  }
0xb6: {  	v20 =	vld [tilespmem:$0x8130];
	v24 =	vperm.xlane v12, v6;
	v57 =	vperm.xlane v13, v7  }
0xb7: {  	v23 =	vld [tilespmem:$0x8140];
	v58 =	vperm.xlane v12, v7;
	vm1 =	vgt.s32 v17, $0x0;
	v17 =	vperm.xlane v13, v2  }
0xb8: {  	v54 =	vld [tilespmem:$0x8160];
	v26 =	vperm.xlane v13, v8;
	v14 =	vadd.f32 v14, v15;
	v15 =	vnsel vm0, $0xFF800000, v15  }
0xb9: {  	v25 =	vld [tilespmem:$0x8170];
	v49 =	vnsel vm0, $0xFF800000, v17;
	v16 =	vadd.f32 v16, v17;
	v17 =	vperm.xlane v12, v3  }
0xba: {  	v59 =	vperm.xlane v12, v8;
	v14 =	vsel vm1, v15, v14;
	vm1 =	vgt.s32 v19, $0x0  }
0xbb: {  	v15 =	vperm.xlane v13, v3;
	v16 =	vsel vm1, v49, v16;
	vm1 =	vgt.s32 v17, $0x0;
	v17 =	vld [tilespmem:$0x8150]  }
0xbc: {  	v50 =	vadd.f32 v20, v21;
	v51 =	vnsel vm0, $0xFF800000, v21;
	v56 =	vnsel vm0, $0xFF800000, v52  }
0xbd: {  	v20 =	vadd.f32 v23, v52;
	vm4 =	vgt.s32 v24, $0x0;
	v18 =	vadd.f32 v18, v15  }
0xbe: {  	v60 =	vadd.f32 v54, v57;
	v61 =	vadd.f32 v25, v26;
	v15 =	vnsel vm0, $0xFF800000, v15  }
0xbf: {  	v23 =	vnsel vm0, $0xFF800000, v57;
	v15 =	vsel vm1, v15, v18;
	vm1 =	vgt.s32 v22, $0x0  }
0xc0: {  	v18 =	vsel vm1, v51, v50;
	vm1 =	vgt.s32 v53, $0x0;
	v17 =	vadd.f32 v17, v55  }
0xc1: {  	v62 =	vnsel vm0, $0xFF800000, v26;
	v19 =	vnsel vm0, $0xFF800000, v55;
	v20 =	vsel vm1, v56, v20  }
0xc2: {  	vm1 =	vgt.s32 v58, $0x0;
	v17 =	vsel vm4, v19, v17;
	vm4 =	vgt.s32 v59, $0x0  }
0xc3: {  	v63 =	vmax.f32 v14, v16;
	v21 =	vsel vm1, v23, v60;
	v19 =	vsel vm4, v62, v61  }
0xc4: {  	v28 =	vmax.f32 v15, v18;
	v29 =	vmax.f32 v20, v17;
	v30 =	vmax.f32 v21, v19  }
0xc5: {  	v22 =	vmax.f32 v63, v28;
	v31 =	vmax.f32 v29, v30  }
0xc6: {  	v22 =	vmax.f32 v22, v31  }
0xc7: {  	(xrf0) =	vmax.scan.msk.f32 $0xffff, v22;
	_ =	sdelay $0x5  }
0xc8: {  	v22, _, _ =	vpop (xrf0)  }
0xc9: {  	v22 =	vbroadcast v22, $0xF;
	_ =	sdelay $0x1  }
0xca: {  	vm1 =	veq.f32 v14, v22;
	vm4 =	veq.f32 v16, v22  }
0xcb: {  	v14 =	vsel vm1, $0xFF800000, v14;
	v16 =	vsel vm4, $0xFF800000, v16;
	vm1 =	veq.f32 v15, v22  }
0xcc: {  	vm4 =	veq.f32 v20, v22;
	v15 =	vsel vm1, $0xFF800000, v15;
	vm1 =	veq.f32 v18, v22  }
0xcd: {  	v20 =	vsel vm4, $0xFF800000, v20;
	v18 =	vsel vm1, $0xFF800000, v18;
	vm1 =	veq.f32 v17, v22  }
0xce: {  	vm4 =	veq.f32 v19, v22;
	v17 =	vsel vm1, $0xFF800000, v17;
	vm1 =	veq.f32 v21, v22  }
0xcf: {  	v32 =	vmax.f32 v14, v16;
	v19 =	vsel vm4, $0xFF800000, v19;
	v21 =	vsel vm1, $0xFF800000, v21  }
0xd0: {  	v33 =	vmax.f32 v15, v18;
	v34 =	vmax.f32 v20, v17;
	v35 =	vmax.f32 v21, v19  }
0xd1: {  	v22 =	vmax.f32 v32, v33;
	v36 =	vmax.f32 v34, v35  }
0xd2: {  	v22 =	vmax.f32 v22, v36  }
0xd3: {  	(xrf0) =	vmax.scan.msk.f32 $0xffff, v22;
	_ =	sdelay $0x5  }
0xd4: {  	v22, _, _ =	vpop (xrf0)  }
0xd5: {  	v22 =	vbroadcast v22, $0xF;
	_ =	sdelay $0x1  }
0xd6: {  	vm1 =	veq.f32 v14, v22;
	vm4 =	veq.f32 v16, v22  }
0xd7: {  	v14 =	vsel vm1, $0xFF800000, v14;
	v16 =	vsel vm4, $0xFF800000, v16;
	vm1 =	veq.f32 v15, v22  }
0xd8: {  	vm4 =	veq.f32 v20, v22;
	v15 =	vsel vm1, $0xFF800000, v15;
	vm1 =	veq.f32 v18, v22  }
0xd9: {  	v20 =	vsel vm4, $0xFF800000, v20;
	v18 =	vsel vm1, $0xFF800000, v18;
	vm1 =	veq.f32 v17, v22  }
0xda: {  	vm4 =	veq.f32 v19, v22;
	v17 =	vsel vm1, $0xFF800000, v17;
	vm1 =	veq.f32 v21, v22  }
0xdb: {  	v37 =	vmax.f32 v14, v16;
	v19 =	vsel vm4, $0xFF800000, v19;
	v21 =	vsel vm1, $0xFF800000, v21  }
0xdc: {  	v38 =	vmax.f32 v15, v18;
	v39 =	vmax.f32 v20, v17;
	v40 =	vmax.f32 v21, v19  }
0xdd: {  	v22 =	vmax.f32 v37, v38;
	v41 =	vmax.f32 v39, v40  }
0xde: {  	v22 =	vmax.f32 v22, v41  }
0xdf: {  	(xrf0) =	vmax.scan.msk.f32 $0xffff, v22;
	_ =	sdelay $0x5  }
0xe0: {  	v22, _, _ =	vpop (xrf0)  }
0xe1: {  	v22 =	vbroadcast v22, $0xF;
	_ =	sdelay $0x1  }
0xe2: {  	vm1 =	veq.f32 v14, v22;
	vm4 =	veq.f32 v16, v22  }
0xe3: {  	v14 =	vsel vm1, $0xFF800000, v14;
	v16 =	vsel vm4, $0xFF800000, v16;
	vm1 =	veq.f32 v15, v22  }
0xe4: {  	vm4 =	veq.f32 v20, v22;
	v15 =	vsel vm1, $0xFF800000, v15;
	vm1 =	veq.f32 v18, v22  }
0xe5: {  	v20 =	vsel vm4, $0xFF800000, v20;
	v18 =	vsel vm1, $0xFF800000, v18;
	vm1 =	veq.f32 v17, v22  }
0xe6: {  	vm4 =	veq.f32 v19, v22;
	v17 =	vsel vm1, $0xFF800000, v17;
	vm1 =	veq.f32 v21, v22  }
0xe7: {  	v42 =	vmax.f32 v14, v16;
	v19 =	vsel vm4, $0xFF800000, v19;
	v21 =	vsel vm1, $0xFF800000, v21  }
0xe8: {  	v43 =	vmax.f32 v15, v18;
	v44 =	vmax.f32 v20, v17;
	v45 =	vmax.f32 v21, v19  }
0xe9: {  	v22 =	vmax.f32 v42, v43;
	v46 =	vmax.f32 v44, v45  }
0xea: {  	v22 =	vmax.f32 v22, v46  }
0xeb: {  	(xrf0) =	vmax.scan.msk.f32 $0xffff, v22;
	_ =	sdelay $0x5  }
0xec: {  	v22, _, _ =	vpop (xrf0)  }
0xed: {  	v22 =	vbroadcast v22, $0xF;
	_ =	sdelay $0x1  }
0xee: {  	vm1 =	veq.f32 v14, v22;
	vm4 =	veq.f32 v16, v22  }
0xef: {  	v14 =	vsel vm1, $0xFF800000, v14;
	v16 =	vsel vm4, $0xFF800000, v16;
	vm1 =	veq.f32 v15, v22  }
0xf0: {  	vm4 =	veq.f32 v20, v22;
	v15 =	vsel vm1, $0xFF800000, v15;
	vm1 =	veq.f32 v18, v22  }
0xf1: {  	v20 =	vsel vm4, $0xFF800000, v20;
	v18 =	vsel vm1, $0xFF800000, v18;
	vm1 =	veq.f32 v17, v22  }
0xf2: {  	vm4 =	veq.f32 v19, v22;
	v17 =	vsel vm1, $0xFF800000, v17;
	vm1 =	veq.f32 v21, v22  }
0xf3: {  	v47 =	vmax.f32 v14, v16;
	v19 =	vsel vm4, $0xFF800000, v19;
	v21 =	vsel vm1, $0xFF800000, v21  }
0xf4: {  	v48 =	vmax.f32 v15, v18;
	v49 =	vmax.f32 v20, v17;
	v50 =	vmax.f32 v21, v19  }
0xf5: {  	v22 =	vmax.f32 v47, v48;
	v51 =	vmax.f32 v49, v50  }
0xf6: {  	v22 =	vmax.f32 v22, v51  }
0xf7: {  	(xrf0) =	vmax.scan.msk.f32 $0xffff, v22;
	_ =	sdelay $0x5  }
0xf8: {  	v22, _, _ =	vpop (xrf0)  }
0xf9: {  	v22 =	vbroadcast v22, $0xF;
	_ =	sdelay $0x1  }
0xfa: {  	vm1 =	veq.f32 v14, v22;
	vm4 =	veq.f32 v16, v22  }
0xfb: {  	v14 =	vsel vm1, $0xFF800000, v14;
	v16 =	vsel vm4, $0xFF800000, v16;
	vm1 =	veq.f32 v15, v22  }
0xfc: {  	vm4 =	veq.f32 v20, v22;
	v15 =	vsel vm1, $0xFF800000, v15;
	vm1 =	veq.f32 v18, v22  }
0xfd: {  	v20 =	vsel vm4, $0xFF800000, v20;
	v18 =	vsel vm1, $0xFF800000, v18;
	vm1 =	veq.f32 v17, v22  }
0xfe: {  	vm4 =	veq.f32 v19, v22;
	v17 =	vsel vm1, $0xFF800000, v17;
	vm1 =	veq.f32 v21, v22  }
0xff: {  	v52 =	vmax.f32 v14, v16;
	v19 =	vsel vm4, $0xFF800000, v19;
	v21 =	vsel vm1, $0xFF800000, v21  }
0x100: {  	v53 =	vmax.f32 v15, v18;
	v54 =	vmax.f32 v20, v17;
	v55 =	vmax.f32 v21, v19  }
0x101: {  	v22 =	vmax.f32 v52, v53;
	v56 =	vmax.f32 v54, v55  }
0x102: {  	v22 =	vmax.f32 v22, v56  }
0x103: {  	(xrf0) =	vmax.scan.msk.f32 $0xffff, v22;
	_ =	sdelay $0x5  }
0x104: {  	v22, _, _ =	vpop (xrf0)  }
0x105: {  	v22 =	vbroadcast v22, $0xF;
	_ =	sdelay $0x1  }
0x106: {  	vm1 =	veq.f32 v14, v22;
	vm4 =	veq.f32 v16, v22  }
0x107: {  	v14 =	vsel vm1, $0xFF800000, v14;
	v16 =	vsel vm4, $0xFF800000, v16;
	vm1 =	veq.f32 v15, v22  }
0x108: {  	vm4 =	veq.f32 v20, v22;
	v15 =	vsel vm1, $0xFF800000, v15;
	vm1 =	veq.f32 v18, v22  }
0x109: {  	v20 =	vsel vm4, $0xFF800000, v20;
	v18 =	vsel vm1, $0xFF800000, v18;
	vm1 =	veq.f32 v17, v22  }
0x10a: {  	vm4 =	veq.f32 v19, v22;
	v17 =	vsel vm1, $0xFF800000, v17;
	vm1 =	veq.f32 v21, v22  }
0x10b: {  	v57 =	vmax.f32 v14, v16;
	v19 =	vsel vm4, $0xFF800000, v19;
	v21 =	vsel vm1, $0xFF800000, v21  }
0x10c: {  	v58 =	vmax.f32 v15, v18;
	v59 =	vmax.f32 v20, v17;
	v60 =	vmax.f32 v21, v19  }
0x10d: {  	v22 =	vmax.f32 v57, v58;
	v61 =	vmax.f32 v59, v60  }
0x10e: {  	v22 =	vmax.f32 v22, v61  }
0x10f: {  	(xrf0) =	vmax.scan.msk.f32 $0xffff, v22;
	_ =	sdelay $0x5  }
0x110: {  	v22, _, _ =	vpop (xrf0)  }
0x111: {  	vm10 =	vgt.s32 v12, $0x0;
	v22 =	vbroadcast v22, $0xF  }
0x112: {  	vm10 =	vmand vm10, vm3  }
0x113: {  	v62 =	vnsel vm10, $0xFF800000, v13;
	vm1 =	veq.f32 v14, v22;
	vm4 =	veq.f32 v16, v22  }
0x114: {  	vm11 =	veq.f32 v15, v22;
	vm10 =	veq.f32 v19, v22;
	vm12 =	veq.f32 v21, v22  }
0x115: {  	v16 =	vsel vm4, $0xFF800000, v16;
	vm4 =	veq.f32 v18, v22;
	v19 =	vsel vm10, $0xFF800000, v19  }
0x116: {  	[tilespmem:$0x8B80] =	vst v10;
	v18 =	vsel vm4, $0xFF800000, v18;
	vm4 =	veq.f32 v17, v22;
	v14 =	vmax.f32 v14, v16  }
0x117: {  	[tilespmem:$0x8B10] =	vst v9;
	v63 =	vmax.f32 v21, v19;
	v17 =	vsel vm4, $0xFF800000, v17;
	vm4 =	veq.f32 v20, v22  }
0x118: {  	[tilespmem:$0x8B90] =	vst v1;
	v14 =	vsel vm1, v16, v14;
	v15 =	vmax.f32 v15, v18;
	v16 =	vmax.f32 v20, v17  }
0x119: {  	[tilespmem:$0x8B20] =	vst v9;
	v15 =	vsel vm11, v18, v15;
	v16 =	vsel vm4, v17, v16;
	v17 =	vsel vm12, v19, v63  }
0x11a: {  	[tilespmem:$0x8BA0] =	vst v1;
	v14 =	vmax.f32 v14, v15;
	v15 =	vmax.f32 v16, v17  }
0x11b: {  	[tilespmem:$0x8B30] =	vst v9;
	v14 =	vmax.f32 v14, v15  }
0x11c: {  	[tilespmem:$0x8BB0] =	vst v1;
	(xrf0) =	vmax.scan.msk.f32 $0xffff, v14  }
0x11d: {  	[tilespmem:$0x8B40] =	vst v9  }
0x11e: {  	[tilespmem:$0x8BC0] =	vst v1  }
0x11f: {  	[tilespmem:$0x8B50] =	vst v9  }
0x120: {  	[tilespmem:$0x8BD0] =	vst v1  }
.Ltmp3:
0x121: {  	[tilespmem:$0x8B60] =	vst v9;
	(pc) =	sbr.rel .LBB2_8-.Ltmp3, $4  }
0x122: {  	[tilespmem:$0x8BE0] =	vst v1;
	v14, _, _ =	vpop (xrf0)  }
0x123: {  	[tilespmem:$0x8B70] =	vst v9;
	v14 =	vbroadcast v14, $0xF  }
0x124: {  	[tilespmem:$0x8BF0] =	vst v1  }
0x125: {  	s30 =	simm.s32 $0x0;
	[tilespmem:$0x8B00] =	vst v62;
	v15 =	vand.u32 $0x7FFFFFFF, v14  }
.LBB2_16:
0x126: {  	s30 =	sadd.s32 $0x1, s30  }
0x127: {  	p0 =	sne.s32 s30, $0x8  }
.Ltmp4:
0x128: {  	_ = 	snop;
	(pc) =	sbr.rel @!p0 .LBB2_17-.Ltmp4, $1  }
0x129: {  	_ =	sdelay $0x3  }
.LBB2_8:
0x12a: {  	v17 =	vmov s30  }
0x12b: {  	v16 =	vperm.xlane v13, v17;
	_ =	sdelay $0x1  }
0x12c: {  	v18 =	vand.u32 $0x7FFFFFFF, v16  }
0x12d: {  	s31 =	sshll.u32 s30, $0xF;
	v18 =	vadd.f32 v18, v15  }
0x12e: {  	s1 =	sor.u32 s31, s4  }
0x12f: {  	s1 =	sshrl.u32 s1, $0x3;
	v18 =	vadd.f32 $1.000000000e+00, v18  }
0x130: {  	s1 =	sadd.s32 s1, s0  }
.Ltmp5:
0x131: {  	v19 =	vsub.f32 v14, v16;
	s1 =	sadd.s32 $0x800, s1;
	v18 =	vmul.f32 $-9.999999740e-06, v18;
	(pc) =	sbr.rel .LBB2_9-.Ltmp5, $4  }
0x132: {  	v17 =	vperm.xlane v12, v17;
	[tilespmem:s19], [sflag:$0x2] =	stream.linear.gather [hbm4b:s1+s29], $0x4000, $0x38;
	[tilespmem:$0x8C00] =	vst v63  }
0x133: {  	_ =	swait.ge [sflag:s20], $0x4000;
	v18 =	vadd.f32 v18, v19  }
0x134: {  	vm1 =	vgt.s32 v17, $0x0;
	[sflag:s20] =	ssyncset.done $0x0  }
0x135: {  	s2 =	simm.s32 $0x0;
	s1 =	simm.s32 $0x80;
	[sflag:s20] =	ssyncadd.s32 $0xFFFFC000;
	v17 =	vsel vm1, $0x7F800000, v18  }
.LBB2_11:
0x136: {  	s2 =	sadd.s32 $0x100, s2  }
0x137: {  	p0 =	sne.s32 s2, $0x4000  }
.Ltmp6:
0x138: {  	_ = 	snop;
	(pc) =	sbr.rel @!p0 .LBB2_12-.Ltmp6, $2  }
0x139: {  	_ =	sdelay $0x2  }
0x13a: {  	s1 =	sadd.s32 $0x100, s1  }
.LBB2_9:
0x13b: {  	v33 =	vld [tilespmem:s1+$0xFFFFFF80]  }
0x13c: {  	v32 =	vld [tilespmem:s1+$0xFFFFFF90]  }
0x13d: {  	v31 =	vld [tilespmem:s1+$0xFFFFFFA0]  }
0x13e: {  	v30 =	vld [tilespmem:s1+$0xFFFFFFB0]  }
0x13f: {  	v29 =	vld [tilespmem:s1+$0xFFFFFFC0]  }
0x140: {  	v28 =	vld [tilespmem:s1+$0xFFFFFFD0]  }
0x141: {  	v27 =	vld [tilespmem:s1+$0xFFFFFFE0]  }
0x142: {  	v26 =	vld [tilespmem:s1+$0xFFFFFFF0]  }
0x143: {  	v25 =	vld [tilespmem:s1+$0x0]  }
0x144: {  	v24 =	vld [tilespmem:s1+$0x10]  }
0x145: {  	v23 =	vld [tilespmem:s1+$0x20]  }
0x146: {  	v22 =	vld [tilespmem:s1+$0x30]  }
0x147: {  	v21 =	vld [tilespmem:s1+$0x40]  }
0x148: {  	v20 =	vld [tilespmem:s1+$0x50]  }
0x149: {  	v19 =	vld [tilespmem:s1+$0x60]  }
0x14a: {  	v18 =	vld [tilespmem:s1+$0x70];
	_ =	sdelay $0x2  }
0x14b: {  	v34 =	vmax.f32 v33, v32;
	v35 =	vmax.f32 v31, v30;
	v36 =	vmax.f32 v29, v28  }
0x14c: {  	v37 =	vmax.f32 v27, v26;
	v38 =	vmax.f32 v25, v24;
	v39 =	vmax.f32 v23, v22  }
0x14d: {  	v40 =	vmax.f32 v21, v20;
	v41 =	vmax.f32 v19, v18;
	v34 =	vmax.f32 v34, v35  }
0x14e: {  	v60 =	vmax.f32 v36, v37;
	v61 =	vmax.f32 v38, v39;
	v62 =	vmax.f32 v40, v41  }
0x14f: {  	v34 =	vmax.f32 v34, v60;
	v63 =	vmax.f32 v61, v62  }
0x150: {  	v34 =	vmax.f32 v34, v63  }
0x151: {  	vm1 =	vge.f32 v34, v17  }
0x152: {  	v34 =	vsel vm1, $0x3F800000, v0  }
0x153: {  	(xrf0) =	vmax.scan.msk.f32 $0xffff, v34;
	_ =	sdelay $0x5  }
0x154: {  	v34, _, _ =	vpop (xrf0)  }
0x155: {  	(v2sf) =	vpush v34, $0xF;
	_ =	sdelay $0xe  }
0x156: {  	s16 =	spop (v2sf)  }
0x157: {  	p0 =	sgt.f32 s16, $0.0e+00  }
.Ltmp7:
0x158: {  	_ = 	snop;
	(pc) =	sbr.rel @!p0 .LBB2_11-.Ltmp7, $1  }
0x159: {  	_ =	sdelay $0x3  }
0x15a: {  	v34 =	vld [tilespmem:$0x8B00]  }
0x15b: {  	v33 =	vadd.f32 v33, v16;
	v32 =	vadd.f32 v32, v16  }
0x15c: {  	v35 =	vld [tilespmem:$0x8B10];
	v31 =	vadd.f32 v31, v16;
	v30 =	vadd.f32 v30, v16  }
0x15d: {  	v36 =	vld [tilespmem:$0x8B20];
	v29 =	vadd.f32 v29, v16;
	v28 =	vadd.f32 v28, v16  }
0x15e: {  	v37 =	vld [tilespmem:$0x8B30];
	v58 =	vor.u32 $0x10, v11;
	v27 =	vadd.f32 v27, v16;
	v26 =	vadd.f32 v26, v16  }
0x15f: {  	v38 =	vld [tilespmem:$0x8B80];
	v25 =	vadd.f32 v25, v16;
	v24 =	vadd.f32 v24, v16;
	vm1 =	vgt.f32 v33, v34  }
0x160: {  	v40 =	vld [tilespmem:$0x8B90];
	v23 =	vadd.f32 v23, v16;
	v22 =	vadd.f32 v22, v16;
	v41 =	vsel vm1, v34, v33  }
0x161: {  	v39 =	vld [tilespmem:$0x8B40];
	v21 =	vadd.f32 v21, v16;
	v20 =	vadd.f32 v20, v16;
	vm4 =	vgt.f32 v41, v35  }
0x162: {  	v42 =	vld [tilespmem:$0x8BA0];
	s16 =	sor.u32 s31, s2;
	v19 =	vadd.f32 v19, v16;
	v18 =	vadd.f32 v18, v16;
	v45 =	vsel vm4, v35, v41  }
0x163: {  	v43 =	vld [tilespmem:$0x8B50];
	v44 =	vor.u32 s16, v11;
	v33 =	vsel vm1, v33, v34;
	vm10 =	vgt.f32 v45, v36  }
0x164: {  	v46 =	vld [tilespmem:$0x8BB0];
	v34 =	vsel vm1, v44, v38;
	v38 =	vsel vm1, v38, v44;
	v59 =	vsel vm10, v36, v45  }
0x165: {  	v47 =	vld [tilespmem:$0x8BC0];
	v35 =	vsel vm4, v41, v35;
	v48 =	vsel vm4, v38, v40;
	vm1 =	vgt.f32 v59, v37  }
0x166: {  	v60 =	vld [tilespmem:$0x8B60];
	v38 =	vsel vm4, v40, v38;
	v36 =	vsel vm10, v45, v36;
	v49 =	vsel vm1, v37, v59  }
0x167: {  	v61 =	vld [tilespmem:$0x8BD0];
	v45 =	vsel vm10, v38, v42;
	v38 =	vsel vm10, v42, v38;
	vm4 =	vgt.f32 v49, v39  }
0x168: {  	v50 =	vld [tilespmem:$0x8B70];
	vm10 =	vgt.f32 v32, v33;
	v37 =	vsel vm1, v59, v37;
	v63 =	vsel vm4, v39, v49  }
0x169: {  	v62 =	vld [tilespmem:$0x8BE0];
	v42 =	vsel vm1, v38, v46;
	v38 =	vsel vm1, v46, v38;
	vm1 =	vgt.f32 v63, v43  }
0x16a: {  	v51 =	vld [tilespmem:$0x8BF0];
	v39 =	vsel vm4, v49, v39;
	v54 =	vsel vm1, v63, v43;
	v43 =	vsel vm1, v43, v63  }
0x16b: {  	v49 =	vsel vm4, v38, v47;
	v38 =	vsel vm4, v47, v38;
	vm4 =	vgt.f32 v43, v60  }
0x16c: {  	v57 =	vsel vm10, v33, v32;
	v56 =	vsel vm4, v43, v60;
	v43 =	vsel vm4, v60, v43  }
0x16d: {  	v55 =	vsel vm1, v38, v61;
	v38 =	vsel vm1, v61, v38;
	vm1 =	vgt.f32 v43, v50  }
0x16e: {  	v44 =	vsel vm4, v38, v62;
	v38 =	vsel vm4, v62, v38;
	v41 =	vsel vm1, v43, v50  }
0x16f: {  	v38 =	vsel vm1, v38, v51;
	vm1 =	vgt.f32 v57, v35;
	v50 =	vor.u32 s16, v58  }
0x170: {  	v32 =	vsel vm10, v32, v33;
	v59 =	vsel vm1, v35, v57;
	v60 =	vsel vm10, v50, v34  }
0x171: {  	v34 =	vsel vm10, v34, v50;
	v35 =	vsel vm1, v57, v35;
	vm4 =	vgt.f32 v59, v36  }
0x172: {  	v57 =	vor.u32 $0x20, v11;
	v43 =	vsel vm1, v34, v48;
	v61 =	vsel vm4, v36, v59  }
0x173: {  	v34 =	vsel vm1, v48, v34;
	v33 =	vsel vm4, v59, v36;
	vm1 =	vgt.f32 v61, v37  }
0x174: {  	v36 =	vsel vm4, v34, v45;
	v34 =	vsel vm4, v45, v34;
	v62 =	vsel vm1, v37, v61  }
0x175: {  	v37 =	vsel vm1, v61, v37;
	v48 =	vsel vm1, v34, v42;
	vm4 =	vgt.f32 v62, v39  }
0x176: {  	v34 =	vsel vm1, v42, v34;
	v42 =	vsel vm4, v62, v39;
	v39 =	vsel vm4, v39, v62  }
0x177: {  	v63 =	vsel vm4, v34, v49;
	v34 =	vsel vm4, v49, v34;
	vm1 =	vgt.f32 v39, v54  }
0x178: {  	vm4 =	vgt.f32 v31, v32;
	v52 =	vsel vm1, v39, v54;
	v39 =	vsel vm1, v54, v39  }
0x179: {  	v53 =	vsel vm1, v34, v55;
	v34 =	vsel vm1, v55, v34;
	vm1 =	vgt.f32 v39, v56  }
0x17a: {  	v54 =	vsel vm1, v39, v56;
	v39 =	vsel vm1, v56, v39;
	v55 =	vsel vm1, v34, v44  }
0x17b: {  	v56 =	vsel vm4, v32, v31;
	v34 =	vsel vm1, v44, v34;
	vm10 =	vgt.f32 v39, v41  }
0x17c: {  	v31 =	vsel vm4, v31, v32;
	vm1 =	vgt.f32 v56, v35;
	v39 =	vsel vm10, v39, v41  }
0x17d: {  	v34 =	vsel vm10, v34, v38;
	v58 =	vsel vm1, v35, v56;
	v38 =	vor.u32 s16, v57  }
0x17e: {  	vm10 =	vgt.f32 v58, v33;
	v59 =	vsel vm4, v38, v60;
	v38 =	vsel vm4, v60, v38  }
0x17f: {  	v35 =	vsel vm1, v56, v35;
	v60 =	vsel vm10, v33, v58;
	v50 =	vsel vm1, v38, v43  }
0x180: {  	v38 =	vsel vm1, v43, v38;
	v33 =	vsel vm10, v58, v33;
	vm4 =	vgt.f32 v60, v37  }
0x181: {  	v43 =	vsel vm10, v38, v36;
	v36 =	vsel vm10, v36, v38;
	v61 =	vsel vm4, v37, v60  }
0x182: {  	v37 =	vsel vm4, v60, v37;
	v38 =	vsel vm4, v36, v48;
	vm1 =	vgt.f32 v61, v42  }
0x183: {  	v36 =	vsel vm4, v48, v36;
	v62 =	vsel vm1, v42, v61;
	v41 =	vsel vm1, v61, v42  }
0x184: {  	v42 =	vsel vm1, v36, v63;
	v36 =	vsel vm1, v63, v36;
	vm4 =	vgt.f32 v62, v52  }
0x185: {  	v63 =	vsel vm4, v52, v62;
	v44 =	vsel vm4, v62, v52;
	v52 =	vsel vm4, v36, v53  }
0x186: {  	v36 =	vsel vm4, v53, v36;
	vm4 =	vgt.f32 v30, v31;
	vm1 =	vgt.f32 v63, v54  }
0x187: {  	v47 =	vsel vm1, v63, v54;
	v53 =	vsel vm1, v36, v55;
	v45 =	vsel vm1, v54, v63  }
0x188: {  	v36 =	vsel vm1, v55, v36;
	v54 =	vsel vm4, v31, v30;
	v55 =	vor.u32 $0x30, v11  }
0x189: {  	v30 =	vsel vm4, v30, v31;
	vm1 =	vgt.f32 v45, v39;
	vm10 =	vgt.f32 v54, v35  }
0x18a: {  	v56 =	vor.u32 s16, v55;
	v39 =	vsel vm1, v45, v39;
	v57 =	vsel vm10, v35, v54  }
0x18b: {  	v34 =	vsel vm1, v36, v34;
	v58 =	vsel vm4, v56, v59;
	vm1 =	vgt.f32 v57, v33  }
0x18c: {  	v32 =	vsel vm4, v59, v56;
	v35 =	vsel vm10, v54, v35;
	v59 =	vsel vm1, v33, v57  }
0x18d: {  	v54 =	vor.u32 $0x40, v11;
	v60 =	vsel vm10, v32, v50;
	vm4 =	vgt.f32 v59, v37  }
0x18e: {  	v32 =	vsel vm10, v50, v32;
	v33 =	vsel vm1, v57, v33;
	v61 =	vsel vm4, v37, v59  }
0x18f: {  	v45 =	vsel vm1, v32, v43;
	v32 =	vsel vm1, v43, v32;
	vm1 =	vgt.f32 v61, v41  }
0x190: {  	vm10 =	vgt.f32 v29, v30;
	v36 =	vsel vm4, v59, v37;
	v62 =	vsel vm1, v41, v61  }
0x191: {  	v37 =	vsel vm4, v32, v38;
	v32 =	vsel vm4, v38, v32;
	vm4 =	vgt.f32 v62, v44  }
0x192: {  	v41 =	vsel vm1, v61, v41;
	v63 =	vsel vm1, v32, v42;
	v38 =	vsel vm4, v44, v62  }
0x193: {  	v32 =	vsel vm1, v42, v32;
	v42 =	vsel vm4, v62, v44;
	vm1 =	vgt.f32 v38, v47  }
0x194: {  	v44 =	vsel vm4, v32, v52;
	v32 =	vsel vm4, v52, v32;
	v52 =	vsel vm1, v38, v47  }
0x195: {  	v38 =	vsel vm1, v47, v38;
	v47 =	vsel vm1, v32, v53;
	v32 =	vsel vm1, v53, v32  }
0x196: {  	v53 =	vsel vm10, v30, v29;
	v29 =	vsel vm10, v29, v30;
	vm4 =	vgt.f32 v38, v39  }
0x197: {  	vm1 =	vgt.f32 v53, v35;
	v38 =	vsel vm4, v38, v39;
	v32 =	vsel vm4, v32, v34  }
0x198: {  	v34 =	vor.u32 s16, v54;
	v55 =	vsel vm1, v35, v53;
	v57 =	vsel vm1, v53, v35  }
0x199: {  	v53 =	vor.u32 $0x50, v11;
	v31 =	vsel vm10, v58, v34;
	vm4 =	vgt.f32 v55, v33  }
0x19a: {  	v56 =	vsel vm10, v34, v58;
	v58 =	vsel vm1, v31, v60;
	v59 =	vsel vm4, v33, v55  }
0x19b: {  	v31 =	vsel vm1, v60, v31;
	v30 =	vsel vm4, v55, v33;
	vm1 =	vgt.f32 v59, v36  }
0x19c: {  	v60 =	vsel vm4, v31, v45;
	v31 =	vsel vm4, v45, v31;
	v61 =	vsel vm1, v36, v59  }
0x19d: {  	v36 =	vsel vm1, v59, v36;
	v39 =	vsel vm1, v31, v37;
	vm4 =	vgt.f32 v61, v41  }
0x19e: {  	v31 =	vsel vm1, v37, v31;
	v37 =	vsel vm4, v61, v41;
	v40 =	vsel vm4, v41, v61  }
0x19f: {  	v62 =	vsel vm4, v31, v63;
	v31 =	vsel vm4, v63, v31;
	vm1 =	vgt.f32 v40, v42  }
0x1a0: {  	vm4 =	vgt.f32 v28, v29;
	v63 =	vsel vm1, v40, v42;
	v40 =	vsel vm1, v42, v40  }
0x1a1: {  	v49 =	vsel vm1, v31, v44;
	v31 =	vsel vm1, v44, v31;
	vm1 =	vgt.f32 v40, v52  }
0x1a2: {  	v50 =	vsel vm1, v40, v52;
	v40 =	vsel vm1, v52, v40;
	v51 =	vsel vm1, v31, v47  }
0x1a3: {  	v52 =	vsel vm4, v29, v28;
	v31 =	vsel vm1, v47, v31;
	vm10 =	vgt.f32 v40, v38  }
0x1a4: {  	v28 =	vsel vm4, v28, v29;
	vm1 =	vgt.f32 v52, v57;
	v38 =	vsel vm10, v40, v38  }
0x1a5: {  	v31 =	vsel vm10, v31, v32;
	v54 =	vsel vm1, v57, v52;
	v32 =	vor.u32 s16, v53  }
0x1a6: {  	vm10 =	vgt.f32 v54, v30;
	v55 =	vsel vm4, v32, v56;
	v32 =	vsel vm4, v56, v32  }
0x1a7: {  	v34 =	vsel vm1, v52, v57;
	v56 =	vsel vm10, v30, v54;
	v57 =	vsel vm1, v32, v58  }
0x1a8: {  	v32 =	vsel vm1, v58, v32;
	v30 =	vsel vm10, v54, v30;
	vm4 =	vgt.f32 v56, v36  }
0x1a9: {  	v40 =	vsel vm10, v32, v60;
	v32 =	vsel vm10, v60, v32;
	v58 =	vsel vm4, v36, v56  }
0x1aa: {  	v59 =	vsel vm4, v56, v36;
	v60 =	vsel vm4, v32, v39;
	vm1 =	vgt.f32 v58, v37  }
0x1ab: {  	v32 =	vsel vm4, v39, v32;
	v61 =	vsel vm1, v37, v58;
	v35 =	vsel vm1, v58, v37  }
0x1ac: {  	v37 =	vsel vm1, v32, v62;
	v32 =	vsel vm1, v62, v32;
	vm4 =	vgt.f32 v61, v63  }
0x1ad: {  	v62 =	vsel vm4, v63, v61;
	v41 =	vsel vm4, v61, v63;
	v63 =	vsel vm4, v32, v49  }
0x1ae: {  	v32 =	vsel vm4, v49, v32;
	vm4 =	vgt.f32 v27, v28;
	vm1 =	vgt.f32 v62, v50  }
0x1af: {  	v49 =	vsel vm4, v28, v27;
	v27 =	vsel vm4, v27, v28;
	v48 =	vsel vm1, v62, v50  }
0x1b0: {  	v47 =	vsel vm1, v32, v51;
	v39 =	vsel vm1, v50, v62;
	v32 =	vsel vm1, v51, v32  }
0x1b1: {  	v50 =	vor.u32 $0x60, v11;
	vm10 =	vgt.f32 v49, v34;
	vm1 =	vgt.f32 v39, v38  }
0x1b2: {  	v51 =	vor.u32 s16, v50;
	v52 =	vsel vm10, v34, v49;
	v54 =	vsel vm10, v49, v34  }
0x1b3: {  	v50 =	vor.u32 $0x70, v11;
	v38 =	vsel vm1, v39, v38;
	v31 =	vsel vm1, v32, v31  }
0x1b4: {  	v53 =	vsel vm4, v51, v55;
	vm1 =	vgt.f32 v52, v30;
	v29 =	vsel vm4, v55, v51  }
0x1b5: {  	v55 =	vsel vm1, v30, v52;
	v56 =	vsel vm10, v29, v57;
	v29 =	vsel vm10, v57, v29  }
0x1b6: {  	v30 =	vsel vm1, v52, v30;
	vm10 =	vgt.f32 v26, v27;
	vm4 =	vgt.f32 v55, v59  }
0x1b7: {  	v57 =	vsel vm1, v29, v40;
	v29 =	vsel vm1, v40, v29;
	v58 =	vsel vm4, v59, v55  }
0x1b8: {  	v49 =	vsel vm10, v27, v26;
	v33 =	vsel vm4, v55, v59;
	vm1 =	vgt.f32 v58, v35  }
0x1b9: {  	v59 =	vsel vm4, v29, v60;
	v29 =	vsel vm4, v60, v29;
	v60 =	vsel vm1, v35, v58  }
0x1ba: {  	v26 =	vsel vm10, v26, v27;
	v35 =	vsel vm1, v58, v35;
	vm4 =	vgt.f32 v60, v41  }
0x1bb: {  	v61 =	vsel vm1, v29, v37;
	v29 =	vsel vm1, v37, v29;
	v36 =	vsel vm4, v41, v60  }
0x1bc: {  	v62 =	vsel vm4, v60, v41;
	v41 =	vsel vm4, v29, v63;
	vm1 =	vgt.f32 v36, v48  }
0x1bd: {  	v29 =	vsel vm4, v63, v29;
	v63 =	vsel vm1, v36, v48;
	v36 =	vsel vm1, v48, v36  }
0x1be: {  	v48 =	vsel vm1, v29, v47;
	v29 =	vsel vm1, v47, v29;
	vm1 =	vgt.f32 v49, v54  }
0x1bf: {  	v47 =	vor.u32 $0x80, v11;
	vm4 =	vgt.f32 v36, v38;
	v51 =	vsel vm1, v54, v49  }
0x1c0: {  	v36 =	vsel vm4, v36, v38;
	v29 =	vsel vm4, v29, v31;
	v31 =	vor.u32 s16, v50  }
0x1c1: {  	vm4 =	vgt.f32 v51, v30;
	v52 =	vsel vm10, v31, v53;
	v28 =	vsel vm10, v53, v31  }
0x1c2: {  	v53 =	vsel vm1, v49, v54;
	v55 =	vsel vm4, v30, v51;
	v27 =	vsel vm4, v51, v30  }
0x1c3: {  	v54 =	vsel vm1, v28, v56;
	v28 =	vsel vm1, v56, v28;
	vm1 =	vgt.f32 v55, v33  }
0x1c4: {  	v56 =	vsel vm4, v28, v57;
	v28 =	vsel vm4, v57, v28;
	v57 =	vsel vm1, v33, v55  }
0x1c5: {  	v33 =	vsel vm1, v55, v33;
	v58 =	vsel vm1, v28, v59;
	vm4 =	vgt.f32 v57, v35  }
0x1c6: {  	v28 =	vsel vm1, v59, v28;
	v59 =	vsel vm4, v57, v35;
	v35 =	vsel vm4, v35, v57  }
0x1c7: {  	v60 =	vsel vm4, v28, v61;
	v28 =	vsel vm4, v61, v28;
	vm1 =	vgt.f32 v35, v62  }
0x1c8: {  	vm4 =	vgt.f32 v25, v26;
	v61 =	vsel vm1, v35, v62;
	v35 =	vsel vm1, v62, v35  }
0x1c9: {  	v62 =	vsel vm1, v28, v41;
	v28 =	vsel vm1, v41, v28;
	vm1 =	vgt.f32 v35, v63  }
0x1ca: {  	v41 =	vsel vm1, v35, v63;
	v35 =	vsel vm1, v63, v35;
	v43 =	vsel vm1, v28, v48  }
0x1cb: {  	v63 =	vsel vm4, v26, v25;
	v28 =	vsel vm1, v48, v28;
	vm10 =	vgt.f32 v35, v36  }
0x1cc: {  	v25 =	vsel vm4, v25, v26;
	vm1 =	vgt.f32 v63, v53;
	v35 =	vsel vm10, v35, v36  }
0x1cd: {  	v28 =	vsel vm10, v28, v29;
	v48 =	vsel vm1, v53, v63;
	v29 =	vor.u32 s16, v47  }
0x1ce: {  	vm10 =	vgt.f32 v48, v27;
	v49 =	vsel vm4, v29, v52;
	v29 =	vsel vm4, v52, v29  }
0x1cf: {  	v31 =	vsel vm1, v63, v53;
	v50 =	vsel vm10, v27, v48;
	v51 =	vsel vm1, v29, v54  }
0x1d0: {  	v29 =	vsel vm1, v54, v29;
	v27 =	vsel vm10, v48, v27;
	vm4 =	vgt.f32 v50, v33  }
0x1d1: {  	v53 =	vsel vm10, v29, v56;
	v29 =	vsel vm10, v56, v29;
	v52 =	vsel vm4, v33, v50  }
0x1d2: {  	v54 =	vsel vm4, v50, v33;
	v55 =	vsel vm4, v29, v58;
	vm1 =	vgt.f32 v52, v59  }
0x1d3: {  	v29 =	vsel vm4, v58, v29;
	v56 =	vsel vm1, v59, v52;
	v32 =	vsel vm1, v52, v59  }
0x1d4: {  	v57 =	vsel vm1, v29, v60;
	v29 =	vsel vm1, v60, v29;
	vm4 =	vgt.f32 v56, v61  }
0x1d5: {  	v58 =	vsel vm4, v61, v56;
	v59 =	vsel vm4, v56, v61;
	v60 =	vsel vm4, v29, v62  }
0x1d6: {  	v29 =	vsel vm4, v62, v29;
	vm4 =	vgt.f32 v24, v25;
	vm1 =	vgt.f32 v58, v41  }
0x1d7: {  	v63 =	vsel vm4, v25, v24;
	v24 =	vsel vm4, v24, v25;
	v61 =	vsel vm1, v58, v41  }
0x1d8: {  	v62 =	vsel vm1, v29, v43;
	v38 =	vsel vm1, v41, v58;
	v29 =	vsel vm1, v43, v29  }
0x1d9: {  	v43 =	vor.u32 $0x90, v11;
	vm10 =	vgt.f32 v63, v31;
	vm1 =	vgt.f32 v38, v35  }
0x1da: {  	v45 =	vor.u32 s16, v43;
	v46 =	vsel vm10, v31, v63;
	v48 =	vsel vm10, v63, v31  }
0x1db: {  	v35 =	vsel vm1, v38, v35;
	v28 =	vsel vm1, v29, v28;
	vm1 =	vgt.f32 v46, v27  }
0x1dc: {  	v47 =	vsel vm4, v45, v49;
	v26 =	vsel vm4, v49, v45;
	v49 =	vsel vm1, v27, v46  }
0x1dd: {  	v50 =	vsel vm10, v26, v51;
	v26 =	vsel vm10, v51, v26;
	vm4 =	vgt.f32 v49, v54  }
0x1de: {  	v27 =	vsel vm1, v46, v27;
	vm10 =	vgt.f32 v23, v24;
	v52 =	vsel vm4, v54, v49  }
0x1df: {  	v51 =	vsel vm1, v26, v53;
	v26 =	vsel vm1, v53, v26;
	vm1 =	vgt.f32 v52, v32  }
0x1e0: {  	v30 =	vsel vm4, v49, v54;
	v53 =	vsel vm4, v26, v55;
	v54 =	vsel vm1, v32, v52  }
0x1e1: {  	v26 =	vsel vm4, v55, v26;
	v32 =	vsel vm1, v52, v32;
	vm4 =	vgt.f32 v54, v59  }
0x1e2: {  	v55 =	vsel vm1, v26, v57;
	v26 =	vsel vm1, v57, v26;
	v56 =	vsel vm4, v54, v59  }
0x1e3: {  	v33 =	vsel vm4, v59, v54;
	v57 =	vsel vm4, v26, v60;
	v26 =	vsel vm4, v60, v26  }
0x1e4: {  	v60 =	vsel vm10, v24, v23;
	v23 =	vsel vm10, v23, v24;
	vm1 =	vgt.f32 v33, v61  }
0x1e5: {  	v58 =	vsel vm1, v33, v61;
	v33 =	vsel vm1, v61, v33;
	v59 =	vsel vm1, v26, v62  }
0x1e6: {  	v26 =	vsel vm1, v62, v26;
	v61 =	vor.u32 $0xA0, v11;
	vm1 =	vgt.f32 v60, v48  }
0x1e7: {  	vm4 =	vgt.f32 v33, v35;
	v62 =	vsel vm1, v48, v60;
	v44 =	vsel vm1, v60, v48  }
0x1e8: {  	v33 =	vsel vm4, v33, v35;
	v26 =	vsel vm4, v26, v28;
	v28 =	vor.u32 s16, v61  }
0x1e9: {  	vm4 =	vgt.f32 v62, v27;
	v63 =	vsel vm10, v28, v47;
	v25 =	vsel vm10, v47, v28  }
0x1ea: {  	v46 =	vsel vm4, v27, v62;
	v45 =	vsel vm1, v25, v50;
	v25 =	vsel vm1, v50, v25  }
0x1eb: {  	v24 =	vsel vm4, v62, v27;
	vm1 =	vgt.f32 v46, v30;
	v47 =	vsel vm4, v25, v51  }
0x1ec: {  	v25 =	vsel vm4, v51, v25;
	v48 =	vsel vm1, v30, v46;
	v30 =	vsel vm1, v46, v30  }
0x1ed: {  	v49 =	vsel vm1, v25, v53;
	vm4 =	vgt.f32 v48, v32;
	v25 =	vsel vm1, v53, v25  }
0x1ee: {  	v50 =	vsel vm4, v48, v32;
	v32 =	vsel vm4, v32, v48;
	v51 =	vsel vm4, v25, v55  }
0x1ef: {  	v25 =	vsel vm4, v55, v25;
	vm4 =	vgt.f32 v22, v23;
	vm1 =	vgt.f32 v32, v56  }
0x1f0: {  	v52 =	vsel vm1, v32, v56;
	v32 =	vsel vm1, v56, v32;
	v53 =	vsel vm1, v25, v57  }
0x1f1: {  	v25 =	vsel vm1, v57, v25;
	v56 =	vsel vm4, v23, v22;
	vm1 =	vgt.f32 v32, v58  }
0x1f2: {  	v57 =	vor.u32 $0xB0, v11;
	v54 =	vsel vm1, v32, v58;
	v32 =	vsel vm1, v58, v32  }
0x1f3: {  	v55 =	vsel vm1, v25, v59;
	v25 =	vsel vm1, v59, v25;
	vm1 =	vgt.f32 v56, v44  }
0x1f4: {  	v22 =	vsel vm4, v22, v23;
	vm10 =	vgt.f32 v32, v33;
	v58 =	vsel vm1, v44, v56  }
0x1f5: {  	v28 =	vsel vm1, v56, v44;
	v25 =	vsel vm10, v25, v26;
	v26 =	vor.u32 s16, v57  }
0x1f6: {  	v32 =	vsel vm10, v32, v33;
	vm10 =	vgt.f32 v58, v24;
	v59 =	vsel vm4, v26, v63  }
0x1f7: {  	v26 =	vsel vm4, v63, v26;
	v60 =	vsel vm10, v24, v58;
	v24 =	vsel vm10, v58, v24  }
0x1f8: {  	v61 =	vsel vm1, v26, v45;
	vm4 =	vgt.f32 v60, v30;
	v26 =	vsel vm1, v45, v26  }
0x1f9: {  	v62 =	vsel vm4, v30, v60;
	v63 =	vsel vm10, v26, v47;
	v26 =	vsel vm10, v47, v26  }
0x1fa: {  	v44 =	vsel vm4, v60, v30;
	vm1 =	vgt.f32 v62, v50;
	v45 =	vsel vm4, v26, v49  }
0x1fb: {  	v26 =	vsel vm4, v49, v26;
	v46 =	vsel vm1, v50, v62;
	v29 =	vsel vm1, v62, v50  }
0x1fc: {  	v47 =	vsel vm1, v26, v51;
	v26 =	vsel vm1, v51, v26;
	vm4 =	vgt.f32 v46, v52  }
0x1fd: {  	v48 =	vsel vm4, v52, v46;
	v36 =	vsel vm4, v46, v52;
	v49 =	vsel vm4, v26, v53  }
0x1fe: {  	v26 =	vsel vm4, v53, v26;
	vm4 =	vgt.f32 v21, v22;
	v53 =	vor.u32 $0xC0, v11  }
0x1ff: {  	vm1 =	vgt.f32 v48, v54;
	v52 =	vsel vm4, v22, v21;
	v21 =	vsel vm4, v21, v22  }
0x200: {  	v50 =	vsel vm1, v48, v54;
	v51 =	vsel vm1, v26, v55;
	v35 =	vsel vm1, v54, v48  }
0x201: {  	v26 =	vsel vm1, v55, v26;
	vm10 =	vgt.f32 v52, v28;
	v54 =	vor.u32 s16, v53  }
0x202: {  	vm1 =	vgt.f32 v35, v32;
	v55 =	vsel vm10, v28, v52;
	v56 =	vsel vm4, v54, v59  }
0x203: {  	v23 =	vsel vm4, v59, v54;
	v57 =	vsel vm10, v52, v28;
	v32 =	vsel vm1, v35, v32  }
0x204: {  	v25 =	vsel vm1, v26, v25;
	vm1 =	vgt.f32 v55, v24;
	v59 =	vsel vm10, v23, v61  }
0x205: {  	v23 =	vsel vm10, v61, v23;
	vm10 =	vgt.f32 v20, v21;
	v58 =	vsel vm1, v24, v55  }
0x206: {  	v24 =	vsel vm1, v55, v24;
	v60 =	vsel vm1, v23, v63;
	vm4 =	vgt.f32 v58, v44  }
0x207: {  	v23 =	vsel vm1, v63, v23;
	v46 =	vsel vm10, v21, v20;
	v61 =	vsel vm4, v44, v58  }
0x208: {  	v20 =	vsel vm10, v20, v21;
	v27 =	vsel vm4, v58, v44;
	vm1 =	vgt.f32 v61, v29  }
0x209: {  	v62 =	vsel vm4, v23, v45;
	v23 =	vsel vm4, v45, v23;
	v63 =	vsel vm1, v29, v61  }
0x20a: {  	v29 =	vsel vm1, v61, v29;
	v41 =	vsel vm1, v23, v47;
	vm4 =	vgt.f32 v63, v36  }
0x20b: {  	v23 =	vsel vm1, v47, v23;
	v47 =	vor.u32 $0xD0, v11;
	v30 =	vsel vm4, v36, v63  }
0x20c: {  	v42 =	vsel vm4, v63, v36;
	v43 =	vsel vm4, v23, v49;
	vm1 =	vgt.f32 v30, v50  }
0x20d: {  	v23 =	vsel vm4, v49, v23;
	v44 =	vsel vm1, v30, v50;
	v30 =	vsel vm1, v50, v30  }
0x20e: {  	v45 =	vsel vm1, v23, v51;
	v23 =	vsel vm1, v51, v23;
	vm1 =	vgt.f32 v46, v57  }
0x20f: {  	vm4 =	vgt.f32 v30, v32;
	v48 =	vsel vm1, v57, v46;
	v50 =	vsel vm1, v46, v57  }
0x210: {  	v30 =	vsel vm4, v30, v32;
	v23 =	vsel vm4, v23, v25;
	v25 =	vor.u32 s16, v47  }
0x211: {  	vm4 =	vgt.f32 v48, v24;
	v49 =	vsel vm10, v25, v56;
	v22 =	vsel vm10, v56, v25  }
0x212: {  	v52 =	vsel vm4, v24, v48;
	v51 =	vsel vm1, v22, v59;
	v22 =	vsel vm1, v59, v22  }
0x213: {  	v21 =	vsel vm4, v48, v24;
	vm1 =	vgt.f32 v52, v27;
	v53 =	vsel vm4, v22, v60  }
0x214: {  	v22 =	vsel vm4, v60, v22;
	v54 =	vsel vm1, v27, v52;
	v27 =	vsel vm1, v52, v27  }
0x215: {  	v60 =	vor.u32 $0xE0, v11;
	v55 =	vsel vm1, v22, v62;
	vm4 =	vgt.f32 v54, v29  }
0x216: {  	v22 =	vsel vm1, v62, v22;
	v56 =	vsel vm4, v54, v29;
	v29 =	vsel vm4, v29, v54  }
0x217: {  	v57 =	vsel vm4, v22, v41;
	v22 =	vsel vm4, v41, v22;
	vm1 =	vgt.f32 v29, v42  }
0x218: {  	vm4 =	vgt.f32 v19, v20;
	v58 =	vsel vm1, v29, v42;
	v29 =	vsel vm1, v42, v29  }
0x219: {  	v59 =	vsel vm1, v22, v43;
	v22 =	vsel vm1, v43, v22;
	vm1 =	vgt.f32 v29, v44  }
0x21a: {  	v61 =	vsel vm4, v20, v19;
	v31 =	vsel vm1, v29, v44;
	v29 =	vsel vm1, v44, v29  }
0x21b: {  	v36 =	vsel vm1, v22, v45;
	v22 =	vsel vm1, v45, v22;
	vm1 =	vgt.f32 v29, v30  }
0x21c: {  	v29 =	vsel vm1, v29, v30;
	v22 =	vsel vm1, v22, v23;
	vm1 =	vgt.f32 v61, v50  }
0x21d: {  	v62 =	vor.u32 s16, v60;
	v19 =	vsel vm4, v19, v20;
	v40 =	vsel vm1, v50, v61  }
0x21e: {  	v63 =	vsel vm4, v62, v49;
	v23 =	vsel vm4, v49, v62;
	vm4 =	vgt.f32 v40, v21  }
0x21f: {  	v41 =	vsel vm1, v23, v51;
	v23 =	vsel vm1, v51, v23;
	v42 =	vsel vm4, v21, v40  }
0x220: {  	v25 =	vsel vm1, v61, v50;
	v43 =	vsel vm4, v23, v53;
	vm1 =	vgt.f32 v42, v27  }
0x221: {  	v23 =	vsel vm4, v53, v23;
	v44 =	vsel vm1, v42, v27;
	v26 =	vsel vm1, v27, v42  }
0x222: {  	v45 =	vsel vm1, v23, v55;
	v23 =	vsel vm1, v55, v23;
	vm1 =	vgt.f32 v26, v56  }
0x223: {  	v48 =	vor.u32 $0xF0, v11;
	v46 =	vsel vm1, v26, v56;
	v26 =	vsel vm1, v56, v26  }
0x224: {  	v47 =	vsel vm1, v23, v57;
	v23 =	vsel vm1, v57, v23;
	vm1 =	vgt.f32 v26, v58  }
0x225: {  	v33 =	vor.u32 s16, v48;
	v28 =	vsel vm1, v26, v58;
	v35 =	vsel vm1, v23, v59  }
0x226: {  	v26 =	vsel vm1, v58, v26;
	v23 =	vsel vm1, v59, v23;
	vm1 =	vgt.f32 v18, v19  }
0x227: {  	v21 =	vsel vm4, v40, v21;
	v49 =	vsel vm1, v18, v19;
	v18 =	vsel vm1, v19, v18  }
0x228: {  	vm11 =	vgt.f32 v26, v31;
	v19 =	vsel vm1, v33, v63;
	vm4 =	vgt.f32 v18, v25;
	[tilespmem:$0x8B00] =	vst v49  }
0x229: {  	v20 =	vsel vm1, v63, v33;
	[tilespmem:$0x8B80] =	vst v19;
	v50 =	vsel vm4, v18, v25;
	v18 =	vsel vm4, v25, v18  }
0x22a: {  	v19 =	vsel vm11, v26, v31;
	v51 =	vsel vm4, v20, v41;
	vm1 =	vgt.f32 v18, v21;
	[tilespmem:$0x8B10] =	vst v50  }
0x22b: {  	v20 =	vsel vm4, v41, v20;
	[tilespmem:$0x8B90] =	vst v51;
	v52 =	vsel vm1, v18, v21;
	v18 =	vsel vm1, v21, v18  }
0x22c: {  	v53 =	vsel vm11, v23, v36;
	v54 =	vsel vm1, v20, v43;
	vm4 =	vgt.f32 v18, v44;
	[tilespmem:$0x8B20] =	vst v52  }
0x22d: {  	v20 =	vsel vm1, v43, v20;
	[tilespmem:$0x8BA0] =	vst v54;
	v55 =	vsel vm4, v18, v44;
	v18 =	vsel vm4, v44, v18  }
0x22e: {  	v56 =	vsel vm11, v31, v26;
	v57 =	vsel vm4, v20, v45;
	vm1 =	vgt.f32 v18, v46;
	[tilespmem:$0x8B30] =	vst v55  }
0x22f: {  	v20 =	vsel vm4, v45, v20;
	[tilespmem:$0x8BB0] =	vst v57;
	v58 =	vsel vm1, v18, v46;
	v18 =	vsel vm1, v46, v18  }
0x230: {  	v59 =	vsel vm1, v20, v47;
	v20 =	vsel vm1, v47, v20;
	vm1 =	vgt.f32 v18, v28;
	[tilespmem:$0x8B40] =	vst v58  }
0x231: {  	vm4 =	vgt.f32 v56, v29;
	[tilespmem:$0x8BC0] =	vst v59;
	v60 =	vsel vm1, v18, v28;
	v18 =	vsel vm1, v28, v18  }
0x232: {  	v61 =	vsel vm1, v20, v35;
	v20 =	vsel vm1, v35, v20;
	vm1 =	vgt.f32 v18, v19;
	[tilespmem:$0x8B50] =	vst v60  }
.Ltmp8:
0x233: {  	v24 =	vsel vm4, v56, v29;
	[tilespmem:$0x8BD0] =	vst v61;
	v62 =	vsel vm1, v18, v19;
	v18 =	vsel vm1, v19, v18;
	(pc) =	sbr.rel .LBB2_11-.Ltmp8, $4  }
0x234: {  	v19 =	vsel vm11, v36, v23;
	v63 =	vsel vm1, v20, v53;
	vm10 =	vgt.f32 v18, v24;
	[tilespmem:$0x8B60] =	vst v62  }
0x235: {  	v20 =	vsel vm1, v53, v20;
	v19 =	vsel vm4, v19, v22;
	[tilespmem:$0x8BE0] =	vst v63;
	v18 =	vsel vm10, v18, v24  }
0x236: {  	v19 =	vsel vm10, v20, v19;
	[tilespmem:$0x8B70] =	vst v18  }
0x237: {  	[tilespmem:$0x8BF0] =	vst v19  }
.LBB2_12:
0x238: {  	p0 =	seq.s32 s30, $0x7;
	s1 =	sadd.s32 $0x8000, s31  }
0x239: {  	s1 =	simm.s32 @p0 $0x7  }
0x23a: {  	s1 =	sadd.s32 s4, s1  }
0x23b: {  	s1 =	sshrl.u32 s1, $0x3  }
.Ltmp9:
0x23c: {  	s2 =	sadd.s32 s0, s1;
	s1 =	simm.s32 $0x0;
	(pc) =	sbr.rel .LBB2_13-.Ltmp9, $4  }
0x23d: {  	[tilespmem:s1], [sflag:$0x1] =	stream.linear.gather [hbm4b:s2+s1], $0x4000, $0x38;
	[tilespmem:$0x8C00] =	vst v63  }
0x23e: {  	_ =	swait.ge [sflag:s21], $0x4000  }
0x23f: {  	[sflag:s21] =	ssyncset.done $0x0  }
0x240: {  	s2 =	simm.s32 $0x4080;
	[sflag:s21] =	ssyncadd.s32 $0xFFFFC000  }
.LBB2_15:
0x241: {  	s1 =	sadd.s32 $0x100, s1  }
0x242: {  	p0 =	sne.s32 s1, $0x4000  }
.Ltmp10:
0x243: {  	_ = 	snop;
	(pc) =	sbr.rel @!p0 .LBB2_16-.Ltmp10, $2  }
0x244: {  	_ =	sdelay $0x2  }
0x245: {  	s2 =	sadd.s32 $0x100, s2  }
.LBB2_13:
0x246: {  	v33 =	vld [tilespmem:s2+$0xFFFFFF80]  }
0x247: {  	v32 =	vld [tilespmem:s2+$0xFFFFFF90]  }
0x248: {  	v31 =	vld [tilespmem:s2+$0xFFFFFFA0]  }
0x249: {  	v30 =	vld [tilespmem:s2+$0xFFFFFFB0]  }
0x24a: {  	v29 =	vld [tilespmem:s2+$0xFFFFFFC0]  }
0x24b: {  	v28 =	vld [tilespmem:s2+$0xFFFFFFD0]  }
0x24c: {  	v27 =	vld [tilespmem:s2+$0xFFFFFFE0]  }
0x24d: {  	v26 =	vld [tilespmem:s2+$0xFFFFFFF0]  }
0x24e: {  	v25 =	vld [tilespmem:s2+$0x0]  }
0x24f: {  	v24 =	vld [tilespmem:s2+$0x10]  }
0x250: {  	v23 =	vld [tilespmem:s2+$0x20]  }
0x251: {  	v22 =	vld [tilespmem:s2+$0x30]  }
0x252: {  	v21 =	vld [tilespmem:s2+$0x40]  }
0x253: {  	v20 =	vld [tilespmem:s2+$0x50]  }
0x254: {  	v19 =	vld [tilespmem:s2+$0x60]  }
0x255: {  	v18 =	vld [tilespmem:s2+$0x70];
	_ =	sdelay $0x2  }
0x256: {  	v34 =	vmax.f32 v33, v32;
	v35 =	vmax.f32 v31, v30;
	v36 =	vmax.f32 v29, v28  }
0x257: {  	v37 =	vmax.f32 v27, v26;
	v38 =	vmax.f32 v25, v24;
	v39 =	vmax.f32 v23, v22  }
0x258: {  	v40 =	vmax.f32 v21, v20;
	v41 =	vmax.f32 v19, v18;
	v34 =	vmax.f32 v34, v35  }
0x259: {  	v60 =	vmax.f32 v36, v37;
	v61 =	vmax.f32 v38, v39;
	v62 =	vmax.f32 v40, v41  }
0x25a: {  	v34 =	vmax.f32 v34, v60;
	v63 =	vmax.f32 v61, v62  }
0x25b: {  	v34 =	vmax.f32 v34, v63  }
0x25c: {  	vm1 =	vge.f32 v34, v17  }
0x25d: {  	v34 =	vsel vm1, $0x3F800000, v0  }
0x25e: {  	(xrf0) =	vmax.scan.msk.f32 $0xffff, v34;
	_ =	sdelay $0x5  }
0x25f: {  	v34, _, _ =	vpop (xrf0)  }
0x260: {  	(v2sf) =	vpush v34, $0xF;
	_ =	sdelay $0xe  }
0x261: {  	s16 =	spop (v2sf)  }
0x262: {  	p0 =	sgt.f32 s16, $0.0e+00  }
.Ltmp11:
0x263: {  	_ = 	snop;
	(pc) =	sbr.rel @!p0 .LBB2_15-.Ltmp11, $1  }
0x264: {  	_ =	sdelay $0x3  }
0x265: {  	v34 =	vld [tilespmem:$0x8B00]  }
0x266: {  	v33 =	vadd.f32 v33, v16;
	v32 =	vadd.f32 v32, v16  }
0x267: {  	v35 =	vld [tilespmem:$0x8B10];
	v31 =	vadd.f32 v31, v16;
	v30 =	vadd.f32 v30, v16  }
0x268: {  	v36 =	vld [tilespmem:$0x8B20];
	v43 =	vor.u32 $0x4000, v11;
	v29 =	vadd.f32 v29, v16;
	v28 =	vadd.f32 v28, v16  }
0x269: {  	v37 =	vld [tilespmem:$0x8B30];
	v58 =	vor.u32 $0x4010, v11;
	v27 =	vadd.f32 v27, v16;
	v26 =	vadd.f32 v26, v16  }
0x26a: {  	v38 =	vld [tilespmem:$0x8B80];
	v25 =	vadd.f32 v25, v16;
	v24 =	vadd.f32 v24, v16;
	vm1 =	vgt.f32 v33, v34  }
0x26b: {  	v40 =	vld [tilespmem:$0x8B90];
	v23 =	vadd.f32 v23, v16;
	v22 =	vadd.f32 v22, v16;
	v41 =	vsel vm1, v34, v33  }
0x26c: {  	v39 =	vld [tilespmem:$0x8B40];
	v21 =	vadd.f32 v21, v16;
	v20 =	vadd.f32 v20, v16;
	vm4 =	vgt.f32 v41, v35  }
0x26d: {  	v42 =	vld [tilespmem:$0x8BA0];
	s16 =	sor.u32 s31, s1;
	v19 =	vadd.f32 v19, v16;
	v18 =	vadd.f32 v18, v16;
	v45 =	vsel vm4, v35, v41  }
0x26e: {  	v44 =	vld [tilespmem:$0x8B50];
	v43 =	vor.u32 s16, v43;
	v33 =	vsel vm1, v33, v34;
	vm10 =	vgt.f32 v45, v36  }
0x26f: {  	v46 =	vld [tilespmem:$0x8BB0];
	v34 =	vsel vm1, v43, v38;
	v38 =	vsel vm1, v38, v43;
	v59 =	vsel vm10, v36, v45  }
0x270: {  	v47 =	vld [tilespmem:$0x8BC0];
	v35 =	vsel vm4, v41, v35;
	v48 =	vsel vm4, v38, v40;
	vm1 =	vgt.f32 v59, v37  }
0x271: {  	v60 =	vld [tilespmem:$0x8B60];
	v38 =	vsel vm4, v40, v38;
	v36 =	vsel vm10, v45, v36;
	v49 =	vsel vm1, v37, v59  }
0x272: {  	v61 =	vld [tilespmem:$0x8BD0];
	v45 =	vsel vm10, v38, v42;
	v38 =	vsel vm10, v42, v38;
	vm4 =	vgt.f32 v49, v39  }
0x273: {  	v50 =	vld [tilespmem:$0x8B70];
	vm10 =	vgt.f32 v32, v33;
	v37 =	vsel vm1, v59, v37;
	v63 =	vsel vm4, v39, v49  }
0x274: {  	v62 =	vld [tilespmem:$0x8BE0];
	v42 =	vsel vm1, v38, v46;
	v38 =	vsel vm1, v46, v38;
	vm1 =	vgt.f32 v63, v44  }
0x275: {  	v51 =	vld [tilespmem:$0x8BF0];
	v39 =	vsel vm4, v49, v39;
	v54 =	vsel vm1, v63, v44;
	v44 =	vsel vm1, v44, v63  }
0x276: {  	v49 =	vsel vm4, v38, v47;
	v38 =	vsel vm4, v47, v38;
	vm4 =	vgt.f32 v44, v60  }
0x277: {  	v57 =	vsel vm10, v33, v32;
	v55 =	vsel vm1, v38, v61;
	v43 =	vsel vm4, v60, v44  }
0x278: {  	v38 =	vsel vm1, v61, v38;
	v56 =	vsel vm4, v44, v60;
	vm1 =	vgt.f32 v43, v50  }
0x279: {  	v44 =	vsel vm4, v38, v62;
	v38 =	vsel vm4, v62, v38;
	v41 =	vsel vm1, v43, v50  }
0x27a: {  	v38 =	vsel vm1, v38, v51;
	vm1 =	vgt.f32 v57, v35;
	v50 =	vor.u32 s16, v58  }
0x27b: {  	v32 =	vsel vm10, v32, v33;
	v59 =	vsel vm1, v35, v57;
	v60 =	vsel vm10, v50, v34  }
0x27c: {  	v34 =	vsel vm10, v34, v50;
	v35 =	vsel vm1, v57, v35;
	vm4 =	vgt.f32 v59, v36  }
0x27d: {  	v57 =	vor.u32 $0x4020, v11;
	v43 =	vsel vm1, v34, v48;
	v61 =	vsel vm4, v36, v59  }
0x27e: {  	v34 =	vsel vm1, v48, v34;
	v33 =	vsel vm4, v59, v36;
	vm1 =	vgt.f32 v61, v37  }
0x27f: {  	v36 =	vsel vm4, v34, v45;
	v34 =	vsel vm4, v45, v34;
	v62 =	vsel vm1, v37, v61  }
0x280: {  	v37 =	vsel vm1, v61, v37;
	v48 =	vsel vm1, v34, v42;
	vm4 =	vgt.f32 v62, v39  }
0x281: {  	v34 =	vsel vm1, v42, v34;
	v42 =	vsel vm4, v62, v39;
	v39 =	vsel vm4, v39, v62  }
0x282: {  	v63 =	vsel vm4, v34, v49;
	v34 =	vsel vm4, v49, v34;
	vm1 =	vgt.f32 v39, v54  }
0x283: {  	vm4 =	vgt.f32 v31, v32;
	v52 =	vsel vm1, v39, v54;
	v39 =	vsel vm1, v54, v39  }
0x284: {  	v53 =	vsel vm1, v34, v55;
	v34 =	vsel vm1, v55, v34;
	vm1 =	vgt.f32 v39, v56  }
0x285: {  	v54 =	vsel vm1, v39, v56;
	v39 =	vsel vm1, v56, v39;
	v55 =	vsel vm1, v34, v44  }
0x286: {  	v56 =	vsel vm4, v32, v31;
	v34 =	vsel vm1, v44, v34;
	vm10 =	vgt.f32 v39, v41  }
0x287: {  	v31 =	vsel vm4, v31, v32;
	vm1 =	vgt.f32 v56, v35;
	v39 =	vsel vm10, v39, v41  }
0x288: {  	v34 =	vsel vm10, v34, v38;
	v58 =	vsel vm1, v35, v56;
	v38 =	vor.u32 s16, v57  }
0x289: {  	vm10 =	vgt.f32 v58, v33;
	v59 =	vsel vm4, v38, v60;
	v38 =	vsel vm4, v60, v38  }
0x28a: {  	v35 =	vsel vm1, v56, v35;
	v60 =	vsel vm10, v33, v58;
	v50 =	vsel vm1, v38, v43  }
0x28b: {  	v38 =	vsel vm1, v43, v38;
	v33 =	vsel vm10, v58, v33;
	vm4 =	vgt.f32 v60, v37  }
0x28c: {  	v43 =	vsel vm10, v38, v36;
	v36 =	vsel vm10, v36, v38;
	v61 =	vsel vm4, v37, v60  }
0x28d: {  	v37 =	vsel vm4, v60, v37;
	v38 =	vsel vm4, v36, v48;
	vm1 =	vgt.f32 v61, v42  }
0x28e: {  	v36 =	vsel vm4, v48, v36;
	v62 =	vsel vm1, v42, v61;
	v41 =	vsel vm1, v61, v42  }
0x28f: {  	v42 =	vsel vm1, v36, v63;
	v36 =	vsel vm1, v63, v36;
	vm4 =	vgt.f32 v62, v52  }
0x290: {  	v63 =	vsel vm4, v52, v62;
	v44 =	vsel vm4, v62, v52;
	v52 =	vsel vm4, v36, v53  }
0x291: {  	v36 =	vsel vm4, v53, v36;
	vm4 =	vgt.f32 v30, v31;
	vm1 =	vgt.f32 v63, v54  }
0x292: {  	v47 =	vsel vm1, v63, v54;
	v53 =	vsel vm1, v36, v55;
	v45 =	vsel vm1, v54, v63  }
0x293: {  	v36 =	vsel vm1, v55, v36;
	v54 =	vsel vm4, v31, v30;
	v55 =	vor.u32 $0x4030, v11  }
0x294: {  	v30 =	vsel vm4, v30, v31;
	vm1 =	vgt.f32 v45, v39;
	vm10 =	vgt.f32 v54, v35  }
0x295: {  	v56 =	vor.u32 s16, v55;
	v39 =	vsel vm1, v45, v39;
	v57 =	vsel vm10, v35, v54  }
0x296: {  	v34 =	vsel vm1, v36, v34;
	v58 =	vsel vm4, v56, v59;
	vm1 =	vgt.f32 v57, v33  }
0x297: {  	v32 =	vsel vm4, v59, v56;
	v35 =	vsel vm10, v54, v35;
	v59 =	vsel vm1, v33, v57  }
0x298: {  	v54 =	vor.u32 $0x4040, v11;
	v60 =	vsel vm10, v32, v50;
	vm4 =	vgt.f32 v59, v37  }
0x299: {  	v32 =	vsel vm10, v50, v32;
	v33 =	vsel vm1, v57, v33;
	v61 =	vsel vm4, v37, v59  }
0x29a: {  	v45 =	vsel vm1, v32, v43;
	v32 =	vsel vm1, v43, v32;
	vm1 =	vgt.f32 v61, v41  }
0x29b: {  	vm10 =	vgt.f32 v29, v30;
	v36 =	vsel vm4, v59, v37;
	v62 =	vsel vm1, v41, v61  }
0x29c: {  	v37 =	vsel vm4, v32, v38;
	v32 =	vsel vm4, v38, v32;
	vm4 =	vgt.f32 v62, v44  }
0x29d: {  	v41 =	vsel vm1, v61, v41;
	v63 =	vsel vm1, v32, v42;
	v38 =	vsel vm4, v44, v62  }
0x29e: {  	v32 =	vsel vm1, v42, v32;
	v42 =	vsel vm4, v62, v44;
	vm1 =	vgt.f32 v38, v47  }
0x29f: {  	v44 =	vsel vm4, v32, v52;
	v32 =	vsel vm4, v52, v32;
	v52 =	vsel vm1, v38, v47  }
0x2a0: {  	v38 =	vsel vm1, v47, v38;
	v47 =	vsel vm1, v32, v53;
	v32 =	vsel vm1, v53, v32  }
0x2a1: {  	v53 =	vsel vm10, v30, v29;
	v29 =	vsel vm10, v29, v30;
	vm4 =	vgt.f32 v38, v39  }
0x2a2: {  	vm1 =	vgt.f32 v53, v35;
	v38 =	vsel vm4, v38, v39;
	v32 =	vsel vm4, v32, v34  }
0x2a3: {  	v34 =	vor.u32 s16, v54;
	v55 =	vsel vm1, v35, v53;
	v57 =	vsel vm1, v53, v35  }
0x2a4: {  	v53 =	vor.u32 $0x4050, v11;
	v31 =	vsel vm10, v58, v34;
	vm4 =	vgt.f32 v55, v33  }
0x2a5: {  	v56 =	vsel vm10, v34, v58;
	v58 =	vsel vm1, v31, v60;
	v59 =	vsel vm4, v33, v55  }
0x2a6: {  	v31 =	vsel vm1, v60, v31;
	v30 =	vsel vm4, v55, v33;
	vm1 =	vgt.f32 v59, v36  }
0x2a7: {  	v60 =	vsel vm4, v31, v45;
	v31 =	vsel vm4, v45, v31;
	v61 =	vsel vm1, v36, v59  }
0x2a8: {  	v36 =	vsel vm1, v59, v36;
	v39 =	vsel vm1, v31, v37;
	vm4 =	vgt.f32 v61, v41  }
0x2a9: {  	v31 =	vsel vm1, v37, v31;
	v37 =	vsel vm4, v61, v41;
	v40 =	vsel vm4, v41, v61  }
0x2aa: {  	v62 =	vsel vm4, v31, v63;
	v31 =	vsel vm4, v63, v31;
	vm1 =	vgt.f32 v40, v42  }
0x2ab: {  	vm4 =	vgt.f32 v28, v29;
	v63 =	vsel vm1, v40, v42;
	v40 =	vsel vm1, v42, v40  }
0x2ac: {  	v49 =	vsel vm1, v31, v44;
	v31 =	vsel vm1, v44, v31;
	vm1 =	vgt.f32 v40, v52  }
0x2ad: {  	v50 =	vsel vm1, v40, v52;
	v40 =	vsel vm1, v52, v40;
	v51 =	vsel vm1, v31, v47  }
0x2ae: {  	v52 =	vsel vm4, v29, v28;
	v31 =	vsel vm1, v47, v31;
	vm10 =	vgt.f32 v40, v38  }
0x2af: {  	v28 =	vsel vm4, v28, v29;
	vm1 =	vgt.f32 v52, v57;
	v38 =	vsel vm10, v40, v38  }
0x2b0: {  	v31 =	vsel vm10, v31, v32;
	v54 =	vsel vm1, v57, v52;
	v32 =	vor.u32 s16, v53  }
0x2b1: {  	vm10 =	vgt.f32 v54, v30;
	v55 =	vsel vm4, v32, v56;
	v32 =	vsel vm4, v56, v32  }
0x2b2: {  	v34 =	vsel vm1, v52, v57;
	v56 =	vsel vm10, v30, v54;
	v57 =	vsel vm1, v32, v58  }
0x2b3: {  	v32 =	vsel vm1, v58, v32;
	v30 =	vsel vm10, v54, v30;
	vm4 =	vgt.f32 v56, v36  }
0x2b4: {  	v40 =	vsel vm10, v32, v60;
	v32 =	vsel vm10, v60, v32;
	v58 =	vsel vm4, v36, v56  }
0x2b5: {  	v59 =	vsel vm4, v56, v36;
	v60 =	vsel vm4, v32, v39;
	vm1 =	vgt.f32 v58, v37  }
0x2b6: {  	v32 =	vsel vm4, v39, v32;
	v61 =	vsel vm1, v37, v58;
	v35 =	vsel vm1, v58, v37  }
0x2b7: {  	v37 =	vsel vm1, v32, v62;
	v32 =	vsel vm1, v62, v32;
	vm4 =	vgt.f32 v61, v63  }
0x2b8: {  	v62 =	vsel vm4, v63, v61;
	v41 =	vsel vm4, v61, v63;
	v63 =	vsel vm4, v32, v49  }
0x2b9: {  	v32 =	vsel vm4, v49, v32;
	vm4 =	vgt.f32 v27, v28;
	vm1 =	vgt.f32 v62, v50  }
0x2ba: {  	v49 =	vsel vm4, v28, v27;
	v27 =	vsel vm4, v27, v28;
	v48 =	vsel vm1, v62, v50  }
0x2bb: {  	v47 =	vsel vm1, v32, v51;
	v39 =	vsel vm1, v50, v62;
	v32 =	vsel vm1, v51, v32  }
0x2bc: {  	v50 =	vor.u32 $0x4060, v11;
	vm10 =	vgt.f32 v49, v34;
	vm1 =	vgt.f32 v39, v38  }
0x2bd: {  	v51 =	vor.u32 s16, v50;
	v52 =	vsel vm10, v34, v49;
	v54 =	vsel vm10, v49, v34  }
0x2be: {  	v50 =	vor.u32 $0x4070, v11;
	v38 =	vsel vm1, v39, v38;
	v31 =	vsel vm1, v32, v31  }
0x2bf: {  	v53 =	vsel vm4, v51, v55;
	vm1 =	vgt.f32 v52, v30;
	v29 =	vsel vm4, v55, v51  }
0x2c0: {  	v55 =	vsel vm1, v30, v52;
	v56 =	vsel vm10, v29, v57;
	v29 =	vsel vm10, v57, v29  }
0x2c1: {  	v30 =	vsel vm1, v52, v30;
	vm10 =	vgt.f32 v26, v27;
	vm4 =	vgt.f32 v55, v59  }
0x2c2: {  	v57 =	vsel vm1, v29, v40;
	v29 =	vsel vm1, v40, v29;
	v58 =	vsel vm4, v59, v55  }
0x2c3: {  	v49 =	vsel vm10, v27, v26;
	v33 =	vsel vm4, v55, v59;
	vm1 =	vgt.f32 v58, v35  }
0x2c4: {  	v59 =	vsel vm4, v29, v60;
	v29 =	vsel vm4, v60, v29;
	v60 =	vsel vm1, v35, v58  }
0x2c5: {  	v26 =	vsel vm10, v26, v27;
	v35 =	vsel vm1, v58, v35;
	vm4 =	vgt.f32 v60, v41  }
0x2c6: {  	v61 =	vsel vm1, v29, v37;
	v29 =	vsel vm1, v37, v29;
	v36 =	vsel vm4, v41, v60  }
0x2c7: {  	v62 =	vsel vm4, v60, v41;
	v41 =	vsel vm4, v29, v63;
	vm1 =	vgt.f32 v36, v48  }
0x2c8: {  	v29 =	vsel vm4, v63, v29;
	v63 =	vsel vm1, v36, v48;
	v36 =	vsel vm1, v48, v36  }
0x2c9: {  	v48 =	vsel vm1, v29, v47;
	v29 =	vsel vm1, v47, v29;
	vm1 =	vgt.f32 v49, v54  }
0x2ca: {  	v47 =	vor.u32 $0x4080, v11;
	vm4 =	vgt.f32 v36, v38;
	v51 =	vsel vm1, v54, v49  }
0x2cb: {  	v36 =	vsel vm4, v36, v38;
	v29 =	vsel vm4, v29, v31;
	v31 =	vor.u32 s16, v50  }
0x2cc: {  	vm4 =	vgt.f32 v51, v30;
	v52 =	vsel vm10, v31, v53;
	v28 =	vsel vm10, v53, v31  }
0x2cd: {  	v53 =	vsel vm1, v49, v54;
	v55 =	vsel vm4, v30, v51;
	v27 =	vsel vm4, v51, v30  }
0x2ce: {  	v54 =	vsel vm1, v28, v56;
	v28 =	vsel vm1, v56, v28;
	vm1 =	vgt.f32 v55, v33  }
0x2cf: {  	v56 =	vsel vm4, v28, v57;
	v28 =	vsel vm4, v57, v28;
	v57 =	vsel vm1, v33, v55  }
0x2d0: {  	v33 =	vsel vm1, v55, v33;
	v58 =	vsel vm1, v28, v59;
	vm4 =	vgt.f32 v57, v35  }
0x2d1: {  	v28 =	vsel vm1, v59, v28;
	v59 =	vsel vm4, v57, v35;
	v35 =	vsel vm4, v35, v57  }
0x2d2: {  	v60 =	vsel vm4, v28, v61;
	v28 =	vsel vm4, v61, v28;
	vm1 =	vgt.f32 v35, v62  }
0x2d3: {  	vm4 =	vgt.f32 v25, v26;
	v61 =	vsel vm1, v35, v62;
	v35 =	vsel vm1, v62, v35  }
0x2d4: {  	v62 =	vsel vm1, v28, v41;
	v28 =	vsel vm1, v41, v28;
	vm1 =	vgt.f32 v35, v63  }
0x2d5: {  	v41 =	vsel vm1, v35, v63;
	v35 =	vsel vm1, v63, v35;
	v43 =	vsel vm1, v28, v48  }
0x2d6: {  	v63 =	vsel vm4, v26, v25;
	v28 =	vsel vm1, v48, v28;
	vm10 =	vgt.f32 v35, v36  }
0x2d7: {  	v25 =	vsel vm4, v25, v26;
	vm1 =	vgt.f32 v63, v53;
	v35 =	vsel vm10, v35, v36  }
0x2d8: {  	v28 =	vsel vm10, v28, v29;
	v48 =	vsel vm1, v53, v63;
	v29 =	vor.u32 s16, v47  }
0x2d9: {  	vm10 =	vgt.f32 v48, v27;
	v49 =	vsel vm4, v29, v52;
	v29 =	vsel vm4, v52, v29  }
0x2da: {  	v31 =	vsel vm1, v63, v53;
	v50 =	vsel vm10, v27, v48;
	v51 =	vsel vm1, v29, v54  }
0x2db: {  	v29 =	vsel vm1, v54, v29;
	v27 =	vsel vm10, v48, v27;
	vm4 =	vgt.f32 v50, v33  }
0x2dc: {  	v53 =	vsel vm10, v29, v56;
	v29 =	vsel vm10, v56, v29;
	v52 =	vsel vm4, v33, v50  }
0x2dd: {  	v54 =	vsel vm4, v50, v33;
	v55 =	vsel vm4, v29, v58;
	vm1 =	vgt.f32 v52, v59  }
0x2de: {  	v29 =	vsel vm4, v58, v29;
	v56 =	vsel vm1, v59, v52;
	v32 =	vsel vm1, v52, v59  }
0x2df: {  	v57 =	vsel vm1, v29, v60;
	v29 =	vsel vm1, v60, v29;
	vm4 =	vgt.f32 v56, v61  }
0x2e0: {  	v58 =	vsel vm4, v61, v56;
	v59 =	vsel vm4, v56, v61;
	v60 =	vsel vm4, v29, v62  }
0x2e1: {  	v29 =	vsel vm4, v62, v29;
	vm4 =	vgt.f32 v24, v25;
	vm1 =	vgt.f32 v58, v41  }
0x2e2: {  	v63 =	vsel vm4, v25, v24;
	v24 =	vsel vm4, v24, v25;
	v61 =	vsel vm1, v58, v41  }
0x2e3: {  	v62 =	vsel vm1, v29, v43;
	v38 =	vsel vm1, v41, v58;
	v29 =	vsel vm1, v43, v29  }
0x2e4: {  	v43 =	vor.u32 $0x4090, v11;
	vm10 =	vgt.f32 v63, v31;
	vm1 =	vgt.f32 v38, v35  }
0x2e5: {  	v45 =	vor.u32 s16, v43;
	v46 =	vsel vm10, v31, v63;
	v48 =	vsel vm10, v63, v31  }
0x2e6: {  	v35 =	vsel vm1, v38, v35;
	v28 =	vsel vm1, v29, v28;
	vm1 =	vgt.f32 v46, v27  }
0x2e7: {  	v47 =	vsel vm4, v45, v49;
	v26 =	vsel vm4, v49, v45;
	v49 =	vsel vm1, v27, v46  }
0x2e8: {  	v50 =	vsel vm10, v26, v51;
	v26 =	vsel vm10, v51, v26;
	vm4 =	vgt.f32 v49, v54  }
0x2e9: {  	v27 =	vsel vm1, v46, v27;
	vm10 =	vgt.f32 v23, v24;
	v52 =	vsel vm4, v54, v49  }
0x2ea: {  	v51 =	vsel vm1, v26, v53;
	v26 =	vsel vm1, v53, v26;
	vm1 =	vgt.f32 v52, v32  }
0x2eb: {  	v30 =	vsel vm4, v49, v54;
	v53 =	vsel vm4, v26, v55;
	v54 =	vsel vm1, v32, v52  }
0x2ec: {  	v26 =	vsel vm4, v55, v26;
	v32 =	vsel vm1, v52, v32;
	vm4 =	vgt.f32 v54, v59  }
0x2ed: {  	v55 =	vsel vm1, v26, v57;
	v26 =	vsel vm1, v57, v26;
	v56 =	vsel vm4, v54, v59  }
0x2ee: {  	v33 =	vsel vm4, v59, v54;
	v57 =	vsel vm4, v26, v60;
	v26 =	vsel vm4, v60, v26  }
0x2ef: {  	v60 =	vsel vm10, v24, v23;
	v23 =	vsel vm10, v23, v24;
	vm1 =	vgt.f32 v33, v61  }
0x2f0: {  	v58 =	vsel vm1, v33, v61;
	v33 =	vsel vm1, v61, v33;
	v59 =	vsel vm1, v26, v62  }
0x2f1: {  	v26 =	vsel vm1, v62, v26;
	v61 =	vor.u32 $0x40A0, v11;
	vm1 =	vgt.f32 v60, v48  }
0x2f2: {  	vm4 =	vgt.f32 v33, v35;
	v62 =	vsel vm1, v48, v60;
	v44 =	vsel vm1, v60, v48  }
0x2f3: {  	v33 =	vsel vm4, v33, v35;
	v26 =	vsel vm4, v26, v28;
	v28 =	vor.u32 s16, v61  }
0x2f4: {  	vm4 =	vgt.f32 v62, v27;
	v63 =	vsel vm10, v28, v47;
	v25 =	vsel vm10, v47, v28  }
0x2f5: {  	v46 =	vsel vm4, v27, v62;
	v45 =	vsel vm1, v25, v50;
	v25 =	vsel vm1, v50, v25  }
0x2f6: {  	v24 =	vsel vm4, v62, v27;
	vm1 =	vgt.f32 v46, v30;
	v47 =	vsel vm4, v25, v51  }
0x2f7: {  	v25 =	vsel vm4, v51, v25;
	v48 =	vsel vm1, v30, v46;
	v30 =	vsel vm1, v46, v30  }
0x2f8: {  	v49 =	vsel vm1, v25, v53;
	vm4 =	vgt.f32 v48, v32;
	v25 =	vsel vm1, v53, v25  }
0x2f9: {  	v50 =	vsel vm4, v48, v32;
	v32 =	vsel vm4, v32, v48;
	v51 =	vsel vm4, v25, v55  }
0x2fa: {  	v25 =	vsel vm4, v55, v25;
	vm4 =	vgt.f32 v22, v23;
	vm1 =	vgt.f32 v32, v56  }
0x2fb: {  	v52 =	vsel vm1, v32, v56;
	v32 =	vsel vm1, v56, v32;
	v53 =	vsel vm1, v25, v57  }
0x2fc: {  	v25 =	vsel vm1, v57, v25;
	v56 =	vsel vm4, v23, v22;
	vm1 =	vgt.f32 v32, v58  }
0x2fd: {  	v57 =	vor.u32 $0x40B0, v11;
	v54 =	vsel vm1, v32, v58;
	v32 =	vsel vm1, v58, v32  }
0x2fe: {  	v55 =	vsel vm1, v25, v59;
	v25 =	vsel vm1, v59, v25;
	vm1 =	vgt.f32 v56, v44  }
0x2ff: {  	v22 =	vsel vm4, v22, v23;
	vm10 =	vgt.f32 v32, v33;
	v58 =	vsel vm1, v44, v56  }
0x300: {  	v28 =	vsel vm1, v56, v44;
	v25 =	vsel vm10, v25, v26;
	v26 =	vor.u32 s16, v57  }
0x301: {  	v32 =	vsel vm10, v32, v33;
	vm10 =	vgt.f32 v58, v24;
	v59 =	vsel vm4, v26, v63  }
0x302: {  	v26 =	vsel vm4, v63, v26;
	v60 =	vsel vm10, v24, v58;
	v24 =	vsel vm10, v58, v24  }
0x303: {  	v61 =	vsel vm1, v26, v45;
	vm4 =	vgt.f32 v60, v30;
	v26 =	vsel vm1, v45, v26  }
0x304: {  	v62 =	vsel vm4, v30, v60;
	v63 =	vsel vm10, v26, v47;
	v26 =	vsel vm10, v47, v26  }
0x305: {  	v44 =	vsel vm4, v60, v30;
	vm1 =	vgt.f32 v62, v50;
	v45 =	vsel vm4, v26, v49  }
0x306: {  	v26 =	vsel vm4, v49, v26;
	v46 =	vsel vm1, v50, v62;
	v29 =	vsel vm1, v62, v50  }
0x307: {  	v47 =	vsel vm1, v26, v51;
	v26 =	vsel vm1, v51, v26;
	vm4 =	vgt.f32 v46, v52  }
0x308: {  	v48 =	vsel vm4, v52, v46;
	v36 =	vsel vm4, v46, v52;
	v49 =	vsel vm4, v26, v53  }
0x309: {  	v26 =	vsel vm4, v53, v26;
	vm4 =	vgt.f32 v21, v22;
	v53 =	vor.u32 $0x40C0, v11  }
0x30a: {  	vm1 =	vgt.f32 v48, v54;
	v52 =	vsel vm4, v22, v21;
	v21 =	vsel vm4, v21, v22  }
0x30b: {  	v50 =	vsel vm1, v48, v54;
	v51 =	vsel vm1, v26, v55;
	v35 =	vsel vm1, v54, v48  }
0x30c: {  	v26 =	vsel vm1, v55, v26;
	vm10 =	vgt.f32 v52, v28;
	v54 =	vor.u32 s16, v53  }
0x30d: {  	vm1 =	vgt.f32 v35, v32;
	v55 =	vsel vm10, v28, v52;
	v56 =	vsel vm4, v54, v59  }
0x30e: {  	v23 =	vsel vm4, v59, v54;
	v57 =	vsel vm10, v52, v28;
	v32 =	vsel vm1, v35, v32  }
0x30f: {  	v25 =	vsel vm1, v26, v25;
	vm1 =	vgt.f32 v55, v24;
	v59 =	vsel vm10, v23, v61  }
0x310: {  	v23 =	vsel vm10, v61, v23;
	vm10 =	vgt.f32 v20, v21;
	v58 =	vsel vm1, v24, v55  }
0x311: {  	v24 =	vsel vm1, v55, v24;
	v60 =	vsel vm1, v23, v63;
	vm4 =	vgt.f32 v58, v44  }
0x312: {  	v23 =	vsel vm1, v63, v23;
	v46 =	vsel vm10, v21, v20;
	v61 =	vsel vm4, v44, v58  }
0x313: {  	v20 =	vsel vm10, v20, v21;
	v27 =	vsel vm4, v58, v44;
	vm1 =	vgt.f32 v61, v29  }
0x314: {  	v62 =	vsel vm4, v23, v45;
	v23 =	vsel vm4, v45, v23;
	v63 =	vsel vm1, v29, v61  }
0x315: {  	v29 =	vsel vm1, v61, v29;
	v41 =	vsel vm1, v23, v47;
	vm4 =	vgt.f32 v63, v36  }
0x316: {  	v23 =	vsel vm1, v47, v23;
	v47 =	vor.u32 $0x40D0, v11;
	v30 =	vsel vm4, v36, v63  }
0x317: {  	v42 =	vsel vm4, v63, v36;
	v43 =	vsel vm4, v23, v49;
	vm1 =	vgt.f32 v30, v50  }
0x318: {  	v23 =	vsel vm4, v49, v23;
	v44 =	vsel vm1, v30, v50;
	v30 =	vsel vm1, v50, v30  }
0x319: {  	v45 =	vsel vm1, v23, v51;
	v23 =	vsel vm1, v51, v23;
	vm1 =	vgt.f32 v46, v57  }
0x31a: {  	vm4 =	vgt.f32 v30, v32;
	v48 =	vsel vm1, v57, v46;
	v50 =	vsel vm1, v46, v57  }
0x31b: {  	v30 =	vsel vm4, v30, v32;
	v23 =	vsel vm4, v23, v25;
	v25 =	vor.u32 s16, v47  }
0x31c: {  	vm4 =	vgt.f32 v48, v24;
	v49 =	vsel vm10, v25, v56;
	v22 =	vsel vm10, v56, v25  }
0x31d: {  	v52 =	vsel vm4, v24, v48;
	v51 =	vsel vm1, v22, v59;
	v22 =	vsel vm1, v59, v22  }
0x31e: {  	v21 =	vsel vm4, v48, v24;
	vm1 =	vgt.f32 v52, v27;
	v53 =	vsel vm4, v22, v60  }
0x31f: {  	v22 =	vsel vm4, v60, v22;
	v54 =	vsel vm1, v27, v52;
	v27 =	vsel vm1, v52, v27  }
0x320: {  	v60 =	vor.u32 $0x40E0, v11;
	v55 =	vsel vm1, v22, v62;
	vm4 =	vgt.f32 v54, v29  }
0x321: {  	v22 =	vsel vm1, v62, v22;
	v56 =	vsel vm4, v54, v29;
	v29 =	vsel vm4, v29, v54  }
0x322: {  	v57 =	vsel vm4, v22, v41;
	v22 =	vsel vm4, v41, v22;
	vm1 =	vgt.f32 v29, v42  }
0x323: {  	vm4 =	vgt.f32 v19, v20;
	v58 =	vsel vm1, v29, v42;
	v29 =	vsel vm1, v42, v29  }
0x324: {  	v59 =	vsel vm1, v22, v43;
	v22 =	vsel vm1, v43, v22;
	vm1 =	vgt.f32 v29, v44  }
0x325: {  	v61 =	vsel vm4, v20, v19;
	v31 =	vsel vm1, v29, v44;
	v29 =	vsel vm1, v44, v29  }
0x326: {  	v36 =	vsel vm1, v22, v45;
	v22 =	vsel vm1, v45, v22;
	vm1 =	vgt.f32 v29, v30  }
0x327: {  	v29 =	vsel vm1, v29, v30;
	v22 =	vsel vm1, v22, v23;
	vm1 =	vgt.f32 v61, v50  }
0x328: {  	v62 =	vor.u32 s16, v60;
	v19 =	vsel vm4, v19, v20;
	v40 =	vsel vm1, v50, v61  }
0x329: {  	v63 =	vsel vm4, v62, v49;
	v23 =	vsel vm4, v49, v62;
	vm4 =	vgt.f32 v40, v21  }
0x32a: {  	v41 =	vsel vm1, v23, v51;
	v23 =	vsel vm1, v51, v23;
	v42 =	vsel vm4, v21, v40  }
0x32b: {  	v25 =	vsel vm1, v61, v50;
	v43 =	vsel vm4, v23, v53;
	vm1 =	vgt.f32 v42, v27  }
0x32c: {  	v23 =	vsel vm4, v53, v23;
	v44 =	vsel vm1, v42, v27;
	v26 =	vsel vm1, v27, v42  }
0x32d: {  	v45 =	vsel vm1, v23, v55;
	v23 =	vsel vm1, v55, v23;
	vm1 =	vgt.f32 v26, v56  }
0x32e: {  	v48 =	vor.u32 $0x40F0, v11;
	v46 =	vsel vm1, v26, v56;
	v26 =	vsel vm1, v56, v26  }
0x32f: {  	v47 =	vsel vm1, v23, v57;
	v23 =	vsel vm1, v57, v23;
	vm1 =	vgt.f32 v26, v58  }
0x330: {  	v33 =	vor.u32 s16, v48;
	v28 =	vsel vm1, v26, v58;
	v35 =	vsel vm1, v23, v59  }
0x331: {  	v26 =	vsel vm1, v58, v26;
	v23 =	vsel vm1, v59, v23;
	vm1 =	vgt.f32 v18, v19  }
0x332: {  	v21 =	vsel vm4, v40, v21;
	v49 =	vsel vm1, v18, v19;
	v18 =	vsel vm1, v19, v18  }
0x333: {  	vm11 =	vgt.f32 v26, v31;
	v19 =	vsel vm1, v33, v63;
	vm4 =	vgt.f32 v18, v25;
	[tilespmem:$0x8B00] =	vst v49  }
0x334: {  	v20 =	vsel vm1, v63, v33;
	[tilespmem:$0x8B80] =	vst v19;
	v50 =	vsel vm4, v18, v25;
	v18 =	vsel vm4, v25, v18  }
0x335: {  	v19 =	vsel vm11, v26, v31;
	v51 =	vsel vm4, v20, v41;
	vm1 =	vgt.f32 v18, v21;
	[tilespmem:$0x8B10] =	vst v50  }
0x336: {  	v20 =	vsel vm4, v41, v20;
	[tilespmem:$0x8B90] =	vst v51;
	v52 =	vsel vm1, v18, v21;
	v18 =	vsel vm1, v21, v18  }
0x337: {  	v53 =	vsel vm11, v23, v36;
	v54 =	vsel vm1, v20, v43;
	vm4 =	vgt.f32 v18, v44;
	[tilespmem:$0x8B20] =	vst v52  }
0x338: {  	v20 =	vsel vm1, v43, v20;
	[tilespmem:$0x8BA0] =	vst v54;
	v55 =	vsel vm4, v18, v44;
	v18 =	vsel vm4, v44, v18  }
0x339: {  	v56 =	vsel vm11, v31, v26;
	v57 =	vsel vm4, v20, v45;
	vm1 =	vgt.f32 v18, v46;
	[tilespmem:$0x8B30] =	vst v55  }
0x33a: {  	v20 =	vsel vm4, v45, v20;
	[tilespmem:$0x8BB0] =	vst v57;
	v58 =	vsel vm1, v18, v46;
	v18 =	vsel vm1, v46, v18  }
0x33b: {  	v59 =	vsel vm1, v20, v47;
	v20 =	vsel vm1, v47, v20;
	vm1 =	vgt.f32 v18, v28;
	[tilespmem:$0x8B40] =	vst v58  }
0x33c: {  	vm4 =	vgt.f32 v56, v29;
	[tilespmem:$0x8BC0] =	vst v59;
	v60 =	vsel vm1, v18, v28;
	v18 =	vsel vm1, v28, v18  }
0x33d: {  	v61 =	vsel vm1, v20, v35;
	v20 =	vsel vm1, v35, v20;
	vm1 =	vgt.f32 v18, v19;
	[tilespmem:$0x8B50] =	vst v60  }
.Ltmp12:
0x33e: {  	v24 =	vsel vm4, v56, v29;
	[tilespmem:$0x8BD0] =	vst v61;
	v62 =	vsel vm1, v18, v19;
	v18 =	vsel vm1, v19, v18;
	(pc) =	sbr.rel .LBB2_15-.Ltmp12, $4  }
0x33f: {  	v19 =	vsel vm11, v36, v23;
	v63 =	vsel vm1, v20, v53;
	vm10 =	vgt.f32 v18, v24;
	[tilespmem:$0x8B60] =	vst v62  }
0x340: {  	v20 =	vsel vm1, v53, v20;
	v19 =	vsel vm4, v19, v22;
	[tilespmem:$0x8BE0] =	vst v63;
	v18 =	vsel vm10, v18, v24  }
0x341: {  	v19 =	vsel vm10, v20, v19;
	[tilespmem:$0x8B70] =	vst v18  }
0x342: {  	[tilespmem:$0x8BF0] =	vst v19  }
.LBB2_17:
0x343: {  	_ =	swait.ge [sflag:s20], $0x4000  }
0x344: {  	[sflag:s20] =	ssyncset.done $0x0  }
0x345: {  	[sflag:s20] =	ssyncadd.s32 $0xFFFFC000  }
0x346: {  	v22 =	vld [tilespmem:$0x8B00]  }
0x347: {  	v23 =	vld [tilespmem:$0x8B10]  }
0x348: {  	v24 =	vld [tilespmem:$0x8B20]  }
0x349: {  	v25 =	vld [tilespmem:$0x8B30]  }
0x34a: {  	v26 =	vld [tilespmem:$0x8B40]  }
0x34b: {  	v27 =	vld [tilespmem:$0x8B50]  }
0x34c: {  	v28 =	vld [tilespmem:$0x8B60]  }
0x34d: {  	v29 =	vld [tilespmem:$0x8B70];
	_ =	sdelay $0x3  }
0x34e: {  	v13 =	vmax.f32 v22, v23  }
0x34f: {  	v14 =	vmax.f32 v24, v25;
	v15 =	vmax.f32 v26, v27;
	v16 =	vmax.f32 v28, v29  }
0x350: {  	v13 =	vmax.f32 v13, v14;
	v14 =	vmax.f32 v15, v16  }
0x351: {  	v13 =	vmax.f32 v13, v14  }
0x352: {  	(xrf0) =	vmax.scan.msk.f32 $0xffff, v13;
	_ =	sdelay $0x1  }
0x353: {  	v21 =	vld [tilespmem:$0x8B80]  }
0x354: {  	v20 =	vld [tilespmem:$0x8B90]  }
0x355: {  	v19 =	vld [tilespmem:$0x8BA0]  }
0x356: {  	v18 =	vld [tilespmem:$0x8BB0]  }
0x357: {  	v15 =	vld [tilespmem:$0x8BD0];
	v13, _, _ =	vpop (xrf0)  }
0x358: {  	v16 =	vld [tilespmem:$0x8BE0];
	v13 =	vbroadcast v13, $0xF  }
0x359: {  	v14 =	vld [tilespmem:$0x8BC0]  }
0x35a: {  	v17 =	vld [tilespmem:$0x8BF0];
	vm10 =	veq.f32 v22, v13;
	vm1 =	veq.f32 v23, v13;
	vm4 =	veq.f32 v24, v13  }
0x35b: {  	vm14 =	veq.f32 v25, v13;
	vm15 =	veq.f32 v26, v13;
	vm13 =	veq.f32 v27, v13  }
0x35c: {  	vm11 =	veq.f32 v28, v13;
	vm12 =	veq.f32 v29, v13;
	v30 =	vnsel vm10, $0x40000000, v21  }
0x35d: {  	v31 =	vnsel vm1, $0x40000000, v20;
	v32 =	vnsel vm4, $0x40000000, v19;
	v33 =	vnsel vm14, $0x40000000, v18  }
0x35e: {  	v34 =	vnsel vm15, $0x40000000, v14;
	v35 =	vnsel vm13, $0x40000000, v15;
	v36 =	vnsel vm11, $0x40000000, v16  }
0x35f: {  	v37 =	vnsel vm12, $0x40000000, v17;
	vm2 =	vlt.s32 v30, v31;
	vm5 =	vlt.s32 v34, v35  }
0x360: {  	vm6 =	vlt.s32 v36, v37;
	v30 =	vsel vm2, v30, v31;
	vm2 =	vlt.s32 v32, v33  }
0x361: {  	v44 =	vsel vm5, v34, v35;
	v45 =	vsel vm6, v36, v37;
	v43 =	vsel vm2, v32, v33  }
0x362: {  	vm5 =	vlt.s32 v44, v45;
	vm2 =	vlt.s32 v30, v43  }
0x363: {  	v46 =	vsel vm5, v44, v45;
	v30 =	vsel vm2, v30, v43  }
0x364: {  	vm2 =	vlt.s32 v30, v46  }
0x365: {  	v30 =	vsel vm2, v30, v46  }
0x366: {  	v30 =	vxor.u32 $0x80000000, v30  }
0x367: {  	(xrf0) =	vmin.scan.msk.u32 $0xffff, v30;
	_ =	sdelay $0x5  }
0x368: {  	v30, _, _ =	vpop (xrf0)  }
0x369: {  	(v2sf) =	vpush v30, $0xF;
	_ =	sdelay $0xe  }
0x36a: {  	s1 =	spop (v2sf)  }
0x36b: {  	s1 =	sxor.u32 $0x80000000, s1  }
0x36c: {  	vm2 =	veq.s32 v21, s1;
	vm5 =	veq.s32 v20, s1  }
0x36d: {  	vm2 =	vmand vm10, vm2;
	vm1 =	vmand vm1, vm5  }
0x36e: {  	v47 =	vsel vm2, $0xFF800000, v22;
	v23 =	vsel vm1, $0xFF800000, v23;
	vm1 =	veq.s32 v19, s1  }
0x36f: {  	vm2 =	veq.s32 v18, s1;
	vm1 =	vmand vm4, vm1;
	vm4 =	veq.s32 v14, s1  }
0x370: {  	v24 =	vsel vm1, $0xFF800000, v24;
	vm1 =	vmand vm14, vm2;
	vm2 =	vmand vm15, vm4  }
0x371: {  	vm4 =	veq.s32 v17, s1;
	v25 =	vsel vm1, $0xFF800000, v25;
	vm1 =	veq.s32 v15, s1  }
0x372: {  	v26 =	vsel vm2, $0xFF800000, v26;
	vm2 =	veq.s32 v16, s1;
	vm1 =	vmand vm13, vm1  }
0x373: {  	v27 =	vsel vm1, $0xFF800000, v27;
	vm1 =	vmand vm11, vm2;
	vm2 =	vmand vm12, vm4  }
0x374: {  	v22 =	vmax.f32 v47, v23;
	v28 =	vsel vm1, $0xFF800000, v28;
	v29 =	vsel vm2, $0xFF800000, v29  }
0x375: {  	v48 =	vmax.f32 v24, v25;
	v49 =	vmax.f32 v26, v27;
	v50 =	vmax.f32 v28, v29  }
0x376: {  	v22 =	vmax.f32 v22, v48;
	v51 =	vmax.f32 v49, v50  }
0x377: {  	v22 =	vmax.f32 v22, v51  }
0x378: {  	(xrf0) =	vmax.scan.msk.f32 $0xffff, v22;
	_ =	sdelay $0x5  }
0x379: {  	v22, _, _ =	vpop (xrf0)  }
0x37a: {  	v22 =	vbroadcast v22, $0xF;
	_ =	sdelay $0x1  }
0x37b: {  	vm1 =	veq.f32 v47, v22;
	vm10 =	veq.f32 v23, v22;
	vm4 =	veq.f32 v24, v22  }
0x37c: {  	vm14 =	veq.f32 v25, v22;
	vm15 =	veq.f32 v26, v22;
	vm13 =	veq.f32 v27, v22  }
0x37d: {  	vm11 =	veq.f32 v28, v22;
	vm12 =	veq.f32 v29, v22;
	v52 =	vnsel vm1, $0x40000000, v21  }
0x37e: {  	v53 =	vnsel vm10, $0x40000000, v20;
	v54 =	vnsel vm4, $0x40000000, v19;
	v55 =	vnsel vm14, $0x40000000, v18  }
0x37f: {  	v56 =	vnsel vm15, $0x40000000, v14;
	v57 =	vnsel vm13, $0x40000000, v15;
	v58 =	vnsel vm11, $0x40000000, v16  }
0x380: {  	v38 =	vnsel vm12, $0x40000000, v17;
	vm2 =	vlt.s32 v52, v53;
	vm5 =	vlt.s32 v56, v57  }
0x381: {  	vm6 =	vlt.s32 v58, v38;
	v31 =	vsel vm2, v52, v53;
	vm2 =	vlt.s32 v54, v55  }
0x382: {  	v60 =	vsel vm5, v56, v57;
	v61 =	vsel vm6, v58, v38;
	v59 =	vsel vm2, v54, v55  }
0x383: {  	vm5 =	vlt.s32 v60, v61;
	vm2 =	vlt.s32 v31, v59  }
0x384: {  	v62 =	vsel vm5, v60, v61;
	v31 =	vsel vm2, v31, v59  }
0x385: {  	vm2 =	vlt.s32 v31, v62  }
0x386: {  	v31 =	vsel vm2, v31, v62  }
0x387: {  	v31 =	vxor.u32 $0x80000000, v31  }
0x388: {  	(xrf0) =	vmin.scan.msk.u32 $0xffff, v31;
	_ =	sdelay $0x5  }
0x389: {  	v31, _, _ =	vpop (xrf0)  }
0x38a: {  	(v2sf) =	vpush v31, $0xF;
	_ =	sdelay $0xe  }
0x38b: {  	s2 =	spop (v2sf)  }
0x38c: {  	s2 =	sxor.u32 $0x80000000, s2  }
0x38d: {  	vm2 =	veq.s32 v21, s2;
	vm5 =	veq.s32 v20, s2  }
0x38e: {  	vm1 =	vmand vm1, vm2;
	vm2 =	vmand vm10, vm5  }
0x38f: {  	v30 =	vsel vm1, $0xFF800000, v47;
	v63 =	vsel vm2, $0xFF800000, v23;
	vm1 =	veq.s32 v19, s2  }
0x390: {  	vm2 =	veq.s32 v18, s2;
	vm1 =	vmand vm4, vm1;
	vm4 =	veq.s32 v14, s2  }
0x391: {  	v24 =	vsel vm1, $0xFF800000, v24;
	vm1 =	vmand vm14, vm2;
	vm2 =	vmand vm15, vm4  }
0x392: {  	vm4 =	veq.s32 v17, s2;
	v25 =	vsel vm1, $0xFF800000, v25;
	vm1 =	veq.s32 v15, s2  }
0x393: {  	v26 =	vsel vm2, $0xFF800000, v26;
	vm2 =	veq.s32 v16, s2;
	vm1 =	vmand vm13, vm1  }
0x394: {  	v27 =	vsel vm1, $0xFF800000, v27;
	vm1 =	vmand vm11, vm2;
	vm2 =	vmand vm12, vm4  }
0x395: {  	v23 =	vmax.f32 v30, v63;
	v28 =	vsel vm1, $0xFF800000, v28;
	v29 =	vsel vm2, $0xFF800000, v29  }
0x396: {  	v41 =	vmax.f32 v24, v25;
	v42 =	vmax.f32 v26, v27;
	v43 =	vmax.f32 v28, v29  }
0x397: {  	v23 =	vmax.f32 v23, v41;
	v44 =	vmax.f32 v42, v43  }
0x398: {  	v23 =	vmax.f32 v23, v44  }
0x399: {  	(xrf0) =	vmax.scan.msk.f32 $0xffff, v23;
	_ =	sdelay $0x5  }
0x39a: {  	v23, _, _ =	vpop (xrf0)  }
0x39b: {  	v23 =	vbroadcast v23, $0xF;
	_ =	sdelay $0x1  }
0x39c: {  	vm1 =	veq.f32 v30, v23;
	vm10 =	veq.f32 v63, v23;
	vm4 =	veq.f32 v24, v23  }
0x39d: {  	vm14 =	veq.f32 v25, v23;
	vm15 =	veq.f32 v26, v23;
	vm13 =	veq.f32 v27, v23  }
0x39e: {  	vm11 =	veq.f32 v28, v23;
	vm12 =	veq.f32 v29, v23;
	v45 =	vnsel vm1, $0x40000000, v21  }
0x39f: {  	v46 =	vnsel vm10, $0x40000000, v20;
	v47 =	vnsel vm4, $0x40000000, v19;
	v48 =	vnsel vm14, $0x40000000, v18  }
0x3a0: {  	v49 =	vnsel vm15, $0x40000000, v14;
	v50 =	vnsel vm13, $0x40000000, v15;
	v51 =	vnsel vm11, $0x40000000, v16  }
0x3a1: {  	v39 =	vnsel vm12, $0x40000000, v17;
	vm2 =	vlt.s32 v45, v46;
	vm5 =	vlt.s32 v49, v50  }
0x3a2: {  	vm6 =	vlt.s32 v51, v39;
	v32 =	vsel vm2, v45, v46;
	vm2 =	vlt.s32 v47, v48  }
0x3a3: {  	v53 =	vsel vm5, v49, v50;
	v54 =	vsel vm6, v51, v39;
	v52 =	vsel vm2, v47, v48  }
0x3a4: {  	vm5 =	vlt.s32 v53, v54;
	vm2 =	vlt.s32 v32, v52  }
0x3a5: {  	v55 =	vsel vm5, v53, v54;
	v32 =	vsel vm2, v32, v52  }
0x3a6: {  	vm2 =	vlt.s32 v32, v55  }
0x3a7: {  	v32 =	vsel vm2, v32, v55  }
0x3a8: {  	v32 =	vxor.u32 $0x80000000, v32  }
0x3a9: {  	(xrf0) =	vmin.scan.msk.u32 $0xffff, v32;
	_ =	sdelay $0x5  }
0x3aa: {  	v32, _, _ =	vpop (xrf0)  }
0x3ab: {  	(v2sf) =	vpush v32, $0xF;
	_ =	sdelay $0xe  }
0x3ac: {  	s16 =	spop (v2sf)  }
0x3ad: {  	s16 =	sxor.u32 $0x80000000, s16  }
0x3ae: {  	vm2 =	veq.s32 v21, s16;
	vm5 =	veq.s32 v20, s16  }
0x3af: {  	vm1 =	vmand vm1, vm2;
	vm2 =	vmand vm10, vm5  }
0x3b0: {  	v30 =	vsel vm1, $0xFF800000, v30;
	v31 =	vsel vm2, $0xFF800000, v63;
	vm1 =	veq.s32 v19, s16  }
0x3b1: {  	vm2 =	veq.s32 v18, s16;
	vm1 =	vmand vm4, vm1;
	vm4 =	veq.s32 v14, s16  }
0x3b2: {  	v56 =	vsel vm1, $0xFF800000, v24;
	vm1 =	vmand vm14, vm2;
	vm2 =	vmand vm15, vm4  }
0x3b3: {  	vm4 =	veq.s32 v17, s16;
	v25 =	vsel vm1, $0xFF800000, v25;
	vm1 =	veq.s32 v15, s16  }
0x3b4: {  	v26 =	vsel vm2, $0xFF800000, v26;
	vm2 =	veq.s32 v16, s16;
	vm1 =	vmand vm13, vm1  }
0x3b5: {  	v27 =	vsel vm1, $0xFF800000, v27;
	vm1 =	vmand vm11, vm2;
	vm2 =	vmand vm12, vm4  }
0x3b6: {  	v57 =	vmax.f32 v30, v31;
	v28 =	vsel vm1, $0xFF800000, v28;
	v29 =	vsel vm2, $0xFF800000, v29  }
0x3b7: {  	v58 =	vmax.f32 v56, v25;
	v59 =	vmax.f32 v26, v27;
	v60 =	vmax.f32 v28, v29  }
0x3b8: {  	v24 =	vmax.f32 v57, v58;
	v61 =	vmax.f32 v59, v60  }
0x3b9: {  	v24 =	vmax.f32 v24, v61  }
0x3ba: {  	(xrf0) =	vmax.scan.msk.f32 $0xffff, v24;
	_ =	sdelay $0x5  }
0x3bb: {  	v24, _, _ =	vpop (xrf0)  }
0x3bc: {  	v24 =	vbroadcast v24, $0xF;
	_ =	sdelay $0x1  }
0x3bd: {  	vm1 =	veq.f32 v30, v24;
	vm10 =	veq.f32 v31, v24;
	vm4 =	veq.f32 v56, v24  }
0x3be: {  	vm14 =	veq.f32 v25, v24;
	vm15 =	veq.f32 v26, v24;
	vm13 =	veq.f32 v27, v24  }
0x3bf: {  	vm11 =	veq.f32 v28, v24;
	vm12 =	veq.f32 v29, v24;
	v62 =	vnsel vm1, $0x40000000, v21  }
0x3c0: {  	v63 =	vnsel vm10, $0x40000000, v20;
	v44 =	vnsel vm4, $0x40000000, v19;
	v45 =	vnsel vm14, $0x40000000, v18  }
0x3c1: {  	v46 =	vnsel vm15, $0x40000000, v14;
	v47 =	vnsel vm13, $0x40000000, v15;
	v48 =	vnsel vm11, $0x40000000, v16  }
0x3c2: {  	v40 =	vnsel vm12, $0x40000000, v17;
	vm2 =	vlt.s32 v62, v63;
	vm5 =	vlt.s32 v46, v47  }
0x3c3: {  	vm6 =	vlt.s32 v48, v40;
	v33 =	vsel vm2, v62, v63;
	vm2 =	vlt.s32 v44, v45  }
0x3c4: {  	v50 =	vsel vm5, v46, v47;
	v51 =	vsel vm6, v48, v40;
	v49 =	vsel vm2, v44, v45  }
0x3c5: {  	vm5 =	vlt.s32 v50, v51;
	vm2 =	vlt.s32 v33, v49  }
0x3c6: {  	v52 =	vsel vm5, v50, v51;
	v33 =	vsel vm2, v33, v49  }
0x3c7: {  	vm2 =	vlt.s32 v33, v52  }
0x3c8: {  	v33 =	vsel vm2, v33, v52  }
0x3c9: {  	v33 =	vxor.u32 $0x80000000, v33  }
0x3ca: {  	(xrf0) =	vmin.scan.msk.u32 $0xffff, v33;
	_ =	sdelay $0x5  }
0x3cb: {  	v33, _, _ =	vpop (xrf0)  }
0x3cc: {  	(v2sf) =	vpush v33, $0xF;
	_ =	sdelay $0xe  }
0x3cd: {  	s17 =	spop (v2sf)  }
0x3ce: {  	s29 =	sxor.u32 $0x80000000, s17  }
0x3cf: {  	vm2 =	veq.s32 v21, s29;
	vm5 =	veq.s32 v20, s29  }
0x3d0: {  	vm1 =	vmand vm1, vm2;
	vm2 =	vmand vm10, vm5  }
0x3d1: {  	v30 =	vsel vm1, $0xFF800000, v30;
	v31 =	vsel vm2, $0xFF800000, v31;
	vm1 =	veq.s32 v19, s29  }
0x3d2: {  	vm2 =	veq.s32 v18, s29;
	vm1 =	vmand vm4, vm1;
	vm4 =	veq.s32 v14, s29  }
0x3d3: {  	v32 =	vsel vm1, $0xFF800000, v56;
	vm1 =	vmand vm14, vm2;
	vm2 =	vmand vm15, vm4  }
0x3d4: {  	vm4 =	veq.s32 v17, s29;
	v53 =	vsel vm1, $0xFF800000, v25;
	vm1 =	veq.s32 v15, s29  }
0x3d5: {  	v26 =	vsel vm2, $0xFF800000, v26;
	vm2 =	veq.s32 v16, s29;
	vm1 =	vmand vm13, vm1  }
0x3d6: {  	v27 =	vsel vm1, $0xFF800000, v27;
	vm1 =	vmand vm11, vm2;
	vm2 =	vmand vm12, vm4  }
0x3d7: {  	v54 =	vmax.f32 v30, v31;
	v28 =	vsel vm1, $0xFF800000, v28;
	v29 =	vsel vm2, $0xFF800000, v29  }
0x3d8: {  	v55 =	vmax.f32 v32, v53;
	v56 =	vmax.f32 v26, v27;
	v57 =	vmax.f32 v28, v29  }
0x3d9: {  	v25 =	vmax.f32 v54, v55;
	v58 =	vmax.f32 v56, v57  }
0x3da: {  	v25 =	vmax.f32 v25, v58  }
0x3db: {  	(xrf0) =	vmax.scan.msk.f32 $0xffff, v25;
	_ =	sdelay $0x5  }
0x3dc: {  	v25, _, _ =	vpop (xrf0)  }
0x3dd: {  	v25 =	vbroadcast v25, $0xF;
	_ =	sdelay $0x1  }
0x3de: {  	vm1 =	veq.f32 v30, v25;
	vm10 =	veq.f32 v31, v25;
	vm4 =	veq.f32 v32, v25  }
0x3df: {  	vm14 =	veq.f32 v53, v25;
	vm15 =	veq.f32 v26, v25;
	vm13 =	veq.f32 v27, v25  }
0x3e0: {  	vm11 =	veq.f32 v28, v25;
	vm12 =	veq.f32 v29, v25;
	v59 =	vnsel vm1, $0x40000000, v21  }
0x3e1: {  	v60 =	vnsel vm10, $0x40000000, v20;
	v61 =	vnsel vm4, $0x40000000, v19;
	v62 =	vnsel vm14, $0x40000000, v18  }
0x3e2: {  	v63 =	vnsel vm15, $0x40000000, v14;
	v44 =	vnsel vm13, $0x40000000, v15;
	v45 =	vnsel vm11, $0x40000000, v16  }
0x3e3: {  	v41 =	vnsel vm12, $0x40000000, v17;
	vm2 =	vlt.s32 v59, v60;
	vm5 =	vlt.s32 v63, v44  }
0x3e4: {  	vm6 =	vlt.s32 v45, v41;
	v34 =	vsel vm2, v59, v60;
	vm2 =	vlt.s32 v61, v62  }
0x3e5: {  	v47 =	vsel vm5, v63, v44;
	v48 =	vsel vm6, v45, v41;
	v46 =	vsel vm2, v61, v62  }
0x3e6: {  	vm5 =	vlt.s32 v47, v48;
	vm2 =	vlt.s32 v34, v46  }
0x3e7: {  	v49 =	vsel vm5, v47, v48;
	v34 =	vsel vm2, v34, v46  }
0x3e8: {  	vm2 =	vlt.s32 v34, v49  }
0x3e9: {  	v34 =	vsel vm2, v34, v49  }
0x3ea: {  	v34 =	vxor.u32 $0x80000000, v34  }
0x3eb: {  	(xrf0) =	vmin.scan.msk.u32 $0xffff, v34;
	_ =	sdelay $0x5  }
0x3ec: {  	v34, _, _ =	vpop (xrf0)  }
0x3ed: {  	(v2sf) =	vpush v34, $0xF;
	_ =	sdelay $0xe  }
0x3ee: {  	s30 =	spop (v2sf)  }
0x3ef: {  	s30 =	sxor.u32 $0x80000000, s30  }
0x3f0: {  	vm2 =	veq.s32 v21, s30;
	vm5 =	veq.s32 v20, s30  }
0x3f1: {  	vm1 =	vmand vm1, vm2;
	vm2 =	vmand vm10, vm5  }
0x3f2: {  	v30 =	vsel vm1, $0xFF800000, v30;
	v31 =	vsel vm2, $0xFF800000, v31;
	vm1 =	veq.s32 v19, s30  }
0x3f3: {  	vm2 =	veq.s32 v18, s30;
	vm1 =	vmand vm4, vm1;
	vm4 =	veq.s32 v14, s30  }
0x3f4: {  	v32 =	vsel vm1, $0xFF800000, v32;
	vm1 =	vmand vm14, vm2;
	vm2 =	vmand vm15, vm4  }
0x3f5: {  	vm4 =	veq.s32 v17, s30;
	v33 =	vsel vm1, $0xFF800000, v53;
	vm1 =	veq.s32 v15, s30  }
0x3f6: {  	v50 =	vsel vm2, $0xFF800000, v26;
	vm2 =	veq.s32 v16, s30;
	vm1 =	vmand vm13, vm1  }
0x3f7: {  	v27 =	vsel vm1, $0xFF800000, v27;
	vm1 =	vmand vm11, vm2;
	vm2 =	vmand vm12, vm4  }
0x3f8: {  	v51 =	vmax.f32 v30, v31;
	v28 =	vsel vm1, $0xFF800000, v28;
	v29 =	vsel vm2, $0xFF800000, v29  }
0x3f9: {  	v52 =	vmax.f32 v32, v33;
	v53 =	vmax.f32 v50, v27;
	v54 =	vmax.f32 v28, v29  }
0x3fa: {  	v26 =	vmax.f32 v51, v52;
	v55 =	vmax.f32 v53, v54  }
0x3fb: {  	v26 =	vmax.f32 v26, v55  }
0x3fc: {  	(xrf0) =	vmax.scan.msk.f32 $0xffff, v26;
	_ =	sdelay $0x5  }
0x3fd: {  	v26, _, _ =	vpop (xrf0)  }
0x3fe: {  	v26 =	vbroadcast v26, $0xF;
	_ =	sdelay $0x1  }
0x3ff: {  	vm1 =	veq.f32 v30, v26;
	vm10 =	veq.f32 v31, v26;
	vm4 =	veq.f32 v32, v26  }
0x400: {  	vm14 =	veq.f32 v33, v26;
	vm15 =	veq.f32 v50, v26;
	vm13 =	veq.f32 v27, v26  }
0x401: {  	vm11 =	veq.f32 v28, v26;
	vm12 =	veq.f32 v29, v26;
	v56 =	vnsel vm1, $0x40000000, v21  }
0x402: {  	v57 =	vnsel vm10, $0x40000000, v20;
	v58 =	vnsel vm4, $0x40000000, v19;
	v59 =	vnsel vm14, $0x40000000, v18  }
0x403: {  	v60 =	vnsel vm15, $0x40000000, v14;
	v61 =	vnsel vm13, $0x40000000, v15;
	v62 =	vnsel vm11, $0x40000000, v16  }
0x404: {  	v42 =	vnsel vm12, $0x40000000, v17;
	vm2 =	vlt.s32 v56, v57;
	vm5 =	vlt.s32 v60, v61  }
0x405: {  	vm6 =	vlt.s32 v62, v42;
	v35 =	vsel vm2, v56, v57;
	vm2 =	vlt.s32 v58, v59  }
0x406: {  	v40 =	vsel vm5, v60, v61;
	v42 =	vsel vm6, v62, v42;
	v63 =	vsel vm2, v58, v59  }
0x407: {  	vm5 =	vlt.s32 v40, v42;
	vm2 =	vlt.s32 v35, v63  }
0x408: {  	v43 =	vsel vm5, v40, v42;
	v35 =	vsel vm2, v35, v63  }
0x409: {  	vm2 =	vlt.s32 v35, v43  }
0x40a: {  	v35 =	vsel vm2, v35, v43  }
0x40b: {  	v35 =	vxor.u32 $0x80000000, v35  }
0x40c: {  	(xrf0) =	vmin.scan.msk.u32 $0xffff, v35;
	_ =	sdelay $0x5  }
0x40d: {  	v35, _, _ =	vpop (xrf0)  }
0x40e: {  	(v2sf) =	vpush v35, $0xF;
	_ =	sdelay $0xe  }
0x40f: {  	s31 =	spop (v2sf)  }
0x410: {  	s31 =	sxor.u32 $0x80000000, s31  }
0x411: {  	vm2 =	veq.s32 v21, s31;
	vm5 =	veq.s32 v20, s31  }
0x412: {  	vm1 =	vmand vm1, vm2;
	vm2 =	vmand vm10, vm5  }
0x413: {  	v30 =	vsel vm1, $0xFF800000, v30;
	v31 =	vsel vm2, $0xFF800000, v31;
	vm1 =	veq.s32 v19, s31  }
0x414: {  	vm2 =	veq.s32 v18, s31;
	vm1 =	vmand vm4, vm1;
	vm4 =	veq.s32 v14, s31  }
0x415: {  	v32 =	vsel vm1, $0xFF800000, v32;
	vm1 =	vmand vm14, vm2;
	vm2 =	vmand vm15, vm4  }
0x416: {  	vm4 =	veq.s32 v17, s31;
	v33 =	vsel vm1, $0xFF800000, v33;
	vm1 =	veq.s32 v15, s31  }
0x417: {  	v34 =	vsel vm2, $0xFF800000, v50;
	vm2 =	veq.s32 v16, s31;
	vm1 =	vmand vm13, vm1  }
0x418: {  	v27 =	vsel vm1, $0xFF800000, v27;
	vm1 =	vmand vm11, vm2;
	vm2 =	vmand vm12, vm4  }
0x419: {  	v44 =	vmax.f32 v30, v31;
	v28 =	vsel vm1, $0xFF800000, v28;
	v29 =	vsel vm2, $0xFF800000, v29  }
0x41a: {  	v45 =	vmax.f32 v32, v33;
	v46 =	vmax.f32 v34, v27;
	v47 =	vmax.f32 v28, v29  }
0x41b: {  	v35 =	vmax.f32 v44, v45;
	v48 =	vmax.f32 v46, v47  }
0x41c: {  	v35 =	vmax.f32 v35, v48  }
0x41d: {  	(xrf0) =	vmax.scan.msk.f32 $0xffff, v35;
	_ =	sdelay $0x5  }
0x41e: {  	v35, _, _ =	vpop (xrf0)  }
0x41f: {  	v35 =	vbroadcast v35, $0xF;
	_ =	sdelay $0x1  }
0x420: {  	vm1 =	veq.f32 v30, v35;
	vm10 =	veq.f32 v31, v35;
	vm4 =	veq.f32 v32, v35  }
0x421: {  	vm14 =	veq.f32 v33, v35;
	vm15 =	veq.f32 v34, v35;
	vm13 =	veq.f32 v27, v35  }
0x422: {  	vm11 =	veq.f32 v28, v35;
	vm12 =	veq.f32 v29, v35;
	v49 =	vnsel vm1, $0x40000000, v21  }
0x423: {  	v50 =	vnsel vm10, $0x40000000, v20;
	v51 =	vnsel vm4, $0x40000000, v19;
	v52 =	vnsel vm14, $0x40000000, v18  }
0x424: {  	v53 =	vnsel vm15, $0x40000000, v14;
	v54 =	vnsel vm13, $0x40000000, v15;
	v55 =	vnsel vm11, $0x40000000, v16  }
0x425: {  	v56 =	vnsel vm12, $0x40000000, v17;
	vm2 =	vlt.s32 v49, v50;
	vm5 =	vlt.s32 v53, v54  }
0x426: {  	vm6 =	vlt.s32 v55, v56;
	v36 =	vsel vm2, v49, v50;
	vm2 =	vlt.s32 v51, v52  }
0x427: {  	v57 =	vsel vm5, v53, v54;
	v37 =	vsel vm6, v55, v56;
	v38 =	vsel vm2, v51, v52  }
0x428: {  	vm5 =	vlt.s32 v57, v37;
	vm2 =	vlt.s32 v36, v38  }
0x429: {  	v37 =	vsel vm5, v57, v37;
	v36 =	vsel vm2, v36, v38  }
0x42a: {  	vm2 =	vlt.s32 v36, v37  }
0x42b: {  	v36 =	vsel vm2, v36, v37  }
0x42c: {  	v36 =	vxor.u32 $0x80000000, v36  }
0x42d: {  	(xrf0) =	vmin.scan.msk.u32 $0xffff, v36;
	_ =	sdelay $0x5  }
0x42e: {  	v36, _, _ =	vpop (xrf0)  }
0x42f: {  	(v2sf) =	vpush v36, $0xF;
	_ =	sdelay $0xe  }
0x430: {  	s17 =	spop (v2sf)  }
0x431: {  	s17 =	sxor.u32 $0x80000000, s17  }
0x432: {  	vm2 =	veq.s32 v21, s17;
	vm5 =	veq.s32 v20, s17  }
0x433: {  	vm1 =	vmand vm1, vm2;
	vm2 =	vmand vm10, vm5  }
0x434: {  	v30 =	vsel vm1, $0xFF800000, v30;
	v31 =	vsel vm2, $0xFF800000, v31;
	vm1 =	veq.s32 v19, s17  }
0x435: {  	vm2 =	veq.s32 v18, s17;
	vm1 =	vmand vm4, vm1;
	vm4 =	veq.s32 v14, s17  }
0x436: {  	v32 =	vsel vm1, $0xFF800000, v32;
	vm1 =	vmand vm14, vm2;
	vm2 =	vmand vm15, vm4  }
0x437: {  	vm4 =	veq.s32 v17, s17;
	v33 =	vsel vm1, $0xFF800000, v33;
	vm1 =	veq.s32 v15, s17  }
0x438: {  	v34 =	vsel vm2, $0xFF800000, v34;
	vm2 =	veq.s32 v16, s17;
	vm1 =	vmand vm13, vm1  }
0x439: {  	v27 =	vsel vm1, $0xFF800000, v27;
	vm1 =	vmand vm11, vm2;
	vm2 =	vmand vm12, vm4  }
0x43a: {  	v58 =	vmax.f32 v30, v31;
	v28 =	vsel vm1, $0xFF800000, v28;
	v29 =	vsel vm2, $0xFF800000, v29  }
0x43b: {  	v59 =	vmax.f32 v32, v33;
	v60 =	vmax.f32 v34, v27;
	v61 =	vmax.f32 v28, v29  }
0x43c: {  	v36 =	vmax.f32 v58, v59;
	v62 =	vmax.f32 v60, v61  }
0x43d: {  	v36 =	vmax.f32 v36, v62  }
0x43e: {  	(xrf0) =	vmax.scan.msk.f32 $0xffff, v36;
	_ =	sdelay $0x5  }
0x43f: {  	v36, _, _ =	vpop (xrf0)  }
0x440: {  	v36 =	vbroadcast v36, $0xF;
	_ =	sdelay $0x1  }
0x441: {  	vm1 =	veq.f32 v30, v36;
	vm2 =	veq.f32 v31, v36;
	vm4 =	veq.f32 v32, v36  }
0x442: {  	v21 =	vnsel vm1, $0x40000000, v21;
	vm1 =	veq.f32 v33, v36;
	v20 =	vnsel vm2, $0x40000000, v20  }
0x443: {  	vm2 =	veq.f32 v34, v36;
	v19 =	vnsel vm4, $0x40000000, v19;
	vm4 =	veq.f32 v27, v36  }
0x444: {  	v18 =	vnsel vm1, $0x40000000, v18;
	vm1 =	veq.f32 v28, v36;
	v14 =	vnsel vm2, $0x40000000, v14  }
0x445: {  	vm2 =	veq.f32 v29, v36;
	v15 =	vnsel vm4, $0x40000000, v15;
	vm4 =	vlt.s32 v21, v20  }
0x446: {  	v16 =	vnsel vm1, $0x40000000, v16;
	v17 =	vnsel vm2, $0x40000000, v17;
	v20 =	vsel vm4, v21, v20  }
0x447: {  	vm1 =	vlt.s32 v19, v18;
	vm2 =	vlt.s32 v14, v15;
	vm4 =	vlt.s32 v16, v17  }
0x448: {  	v18 =	vsel vm1, v19, v18;
	v14 =	vsel vm2, v14, v15;
	v15 =	vsel vm4, v16, v17  }
0x449: {  	vm1 =	vlt.s32 v20, v18;
	vm2 =	vlt.s32 v14, v15  }
0x44a: {  	v63 =	vsel vm1, v20, v18;
	v14 =	vsel vm2, v14, v15  }
0x44b: {  	vm1 =	vlt.s32 v63, v14  }
0x44c: {  	v14 =	vsel vm1, v63, v14  }
0x44d: {  	v14 =	vxor.u32 $0x80000000, v14  }
0x44e: {  	(xrf0) =	vmin.scan.msk.u32 $0xffff, v14;
	_ =	sdelay $0x5  }
0x44f: {  	v14, _, _ =	vpop (xrf0)  }
0x450: {  	(v2sf) =	vpush v14, $0xF;
	_ =	sdelay $0x4  }
0x451: {  	v13 =	vnsel vm0, $0x0, v13;
	vm1 =	vcmask $0x320  }
0x452: {  	vm2 =	vcmask $0x720;
	v13 =	vsel vm1, v13, v22  }
0x453: {  	vm4 =	vcmask $0xB20;
	v13 =	vsel vm2, v13, v23  }
0x454: {  	vm1 =	vcmask $0x300;
	v13 =	vsel vm4, v13, v24;
	v14 =	vmov s1  }
0x455: {  	v13 =	vsel vm7, v13, v25;
	v14 =	vnsel vm1, $0x0, v14;
	vm1 =	vcmask $0x704  }
0x456: {  	v13 =	vsel vm8, v13, v26;
	v14 =	vsel vm1, s2, v14  }
0x457: {  	v13 =	vsel vm9, v13, v35;
	vm1 =	vcmask $0x1B20;
	v14 =	vnsel vm2, s16, v14  }
0x458: {  	v13 =	vsel vm1, v13, v36;
	v14 =	vnsel vm4, s29, v14  }
0x459: {  	[tilespmem:$0x8A00] =	vst v13;
	v14 =	vnsel vm7, s30, v14;
	s30 =	simm.s32 $0x0  }
0x45a: {  	[hbm4b:s10+s30] =	stream.linear.scatter [tilespmem:s23], [sflag:$0x4], $0x8, $0x38;
	[tilespmem:$0x8C00] =	vst v63  }
0x45b: {  	v13 =	vnsel vm8, s31, v14;
	s29 =	spop (v2sf)  }
0x45c: {  	vm1 =	veq.s32 v11, $0x7;
	v13 =	vnsel vm9, s17, v13;
	s1 =	sxor.u32 $0x80000000, s29;
	_ =	swait.ge [sflag:s24], $0x8  }
0x45d: {  	v14 =	vsel vm1, s1, v13;
	[sflag:s24] =	ssyncset.done $0x0  }
0x45e: {  	v13 =	vand.u32 $0x7FFF, v14;
	[sflag:s24] =	ssyncadd.s32 $0xFFFFFFF8  }
0x45f: {  	[tilespmem:$0x8A80] =	vst v13  }
0x460: {  	v14 =	vshrl.u32 v14, $0xF;
	[hbm4b:s11+s30] =	stream.linear.scatter [tilespmem:s25], [sflag:$0x4], $0x8, $0x38;
	[tilespmem:$0x8C00] =	vst v63  }
0x461: {  	v12 =	vperm.xlane v12, v14;
	_ =	swait.ge [sflag:s24], $0x8  }
0x462: {  	vm1 =	veq.s32 v13, $0x2;
	[sflag:s24] =	ssyncset.done $0x0  }
0x463: {  	v12 =	vsel vm1, $0x1, v12;
	[sflag:s24] =	ssyncadd.s32 $0xFFFFFFF8  }
0x464: {  	[tilespmem:$0x8A80] =	vst v12  }
0x465: {  	[hbm4b:s12+s30] =	stream.linear.scatter [tilespmem:s25], [sflag:$0x4], $0x8, $0x38;
	[tilespmem:$0x8C00] =	vst v63  }
0x466: {  	_ =	swait.ge [sflag:s24], $0x8  }
0x467: {  	[sflag:s24] =	ssyncset.done $0x0  }
0x468: {  	[sflag:s24] =	ssyncadd.s32 $0xFFFFFFF8  }
0x469: {  	[tilespmem:$0x8A80] =	vst v14  }
0x46a: {  	[hbm4b:s13+s30] =	stream.linear.scatter [tilespmem:s25], [sflag:$0x4], $0x8, $0x38;
	[tilespmem:$0x8C00] =	vst v63  }
0x46b: {  	v15 =	vshrl.u32 v11, $0x3;
	v12 =	vand.u32 $0x7, v11;
	_ =	swait.ge [sflag:s24], $0x8  }
0x46c: {  	v12 =	vperm.xlane v14, v12;
	v14 =	vmul.u32 $0x8, v15;
	[sflag:s24] =	ssyncset.done $0x0  }
0x46d: {  	s1 =	simm.s32 $0x0;
	[sflag:s24] =	ssyncadd.s32 $0xFFFFFFF8  }
0x46e: {  	v12 =	vadd.s32 v14, v12;
	v14 =	vld [tilespmem:s1+$0x8180]  }
0x46f: {  	s2 =	simm.s32 $0x40  }
.LBB2_18:
0x470: {  	p0 =	sne.s32 s2, $0xFC0  }
.Ltmp13:
0x471: {  	_ = 	snop;
	(pc) =	sbr.rel @p0 .LBB2_18-.Ltmp13, $4  }
0x472: {  	_ = 	snop  }
0x473: {  	s16 =	sshra.s32 s2, $0x2;
	s2 =	sadd.s32 $0x40, s2;
	v15 =	vperm.xlane v14, v12  }
0x474: {  	v14 =	vld [tilespmem:s16+$0x8180]  }
0x475: {  	[tilespmem:s1+$0x8580] =	vst v15;
	s1 =	smov.u32 s16  }
0x476: {  	_ =	sdelay $0x2  }
0x477: {  	v12 =	vperm.xlane v14, v12  }
0x478: {  	s28 =	sadd.s32 $0x1, s28  }
0x479: {  	p0 =	sne.s32 s28, s15;
	[tilespmem:s1+$0x8580] =	vst v12  }
.Ltmp14:
0x47a: {  	[tilespmem:$0x8980] =	vst v13;
	(pc) =	sbr.rel @p0 .LBB2_1-.Ltmp14, $4  }
0x47b: {  	[hbm4b:s14+s3] =	stream.linear.scatter [tilespmem:s26], [sflag:$0x4], $0x408, $0x38;
	[tilespmem:$0x8C00] =	vst v63  }
0x47c: {  	_ =	swait.ge [sflag:s24], $0x408  }
0x47d: {  	[sflag:s24] =	ssyncset.done $0x0  }
0x47e: {  	[sflag:s24] =	ssyncadd.s32 $0xFFFFFBF8  }
0x47f: {  	_ =	sfence.sel $0x180000  }
0x480: {  	[bflag:$0x0] =	sbarrier.arrive $0xFFFF  }
0x481: {  	_ =	strace $0x90000047  }
0x482: {  	s0 =	stileid.u32;
	[bflag:$0x2] =	sbarrier.arrive $0xFFFF  }
0x483: {  	p0 =	sne.s32 s0, $0x0;
	s0 =	rddreg [dreg:$0x7]  }
0x484: {  	s0 =	sadd.s32 @!p0 $0x100000, s0  }
0x485: {  	[sflag:s0] =	ssyncadd.tile.s32 @!p0 $0x1;
	_ =	shalt  }
.Lfunc_end2:
_tile_overlayer_lowered:
.L_overlay_start_2:
0x486: {  	(tag) =	ssettag $0x2  }
0x487: {  	s0 =	rddreg [dreg:$0x0];
	s2 =	stileid.u32  }
0x488: {  	s1 =	rddreg [dreg:$0x1];
	p0 =	sne.s32 s2, $0x0  }
0x489: {  	s3 =	rddreg [dreg:$0x2];
	[bflag:$0x3] =	sbarrier.arrive $0xFFFF;
	s2 =	simm.s32 @!p0 $0x1C04  }
0x48a: {  	[timem:s3], [sflag:s2] =	dma.local @!p0 [hbm:s0], s1  }
0x48b: {  	s0 =	simm.s32 @!p0 $0x4  }
0x48c: {  	_ =	swait.ge @!p0 [sflag:s0], s1  }
0x48d: {  	s1 =	ssub.s32 @!p0 $0x0, s1;
	[sflag:s0] =	ssyncset.done @!p0 $0x0  }
0x48e: {  	[sflag:s0] =	ssyncadd.s32 @!p0 s1  }
0x48f: {  	[bflag:$0x3] =	sbarrier.arrive $0xFFFF  }
0x490: {  	_ =	shalt  }

</sc_bundles>
